<compile_context>
chip_gen: v7x
topology: tpu7x:2x2x1
jax: 0.10.2.dev20260603
libtpu: 0.0.44.dev20260713+nightly
codegen_flags: <defaults>
</compile_context>

<pallas_src>
import functools

import jax
import jax.numpy as jnp
import numpy as np
from jax import lax
from jax.experimental import pallas as pl
from jax.experimental.pallas import tpu as pltpu, tpu_sc as plsc

N_NODES = 10000
N_EDGES = 320000
D = 128
BN_EPS = 1e-5

NPAD = 10240
DUMMY = 10000
NC, NS = 2, 16
NW = NC * NS
CH = 128
EPT = 10240
C_CHUNKS = EPT // CH
PH = 2
PC = C_CHUNKS // PH
E_PAD = NW * EPT
STRIPE = NPAD // NS

_PAD2 = np.broadcast_to(
    np.asarray(DUMMY + np.arange(E_PAD - N_EDGES) % (NPAD - DUMMY),
               np.int32), (2, E_PAD - N_EDGES)).copy()

def _sc_degree_body(dst_hbm, zeros1_hbm, ones_hbm, out_hbm, idx_v, ones_v,
                    deg_sh):
    c = lax.axis_index("c")
    s = lax.axis_index("s")
    wid = c * NS + s
    pltpu.sync_copy(zeros1_hbm.at[pl.ds(s * STRIPE, STRIPE)],
                    deg_sh.at[pl.ds(s * STRIPE, STRIPE)])
    pltpu.sync_copy(dst_hbm.at[wid], idx_v)
    pltpu.sync_copy(ones_hbm, ones_v)
    plsc.subcore_barrier()

    def chunk(j, carry):
        pltpu.sync_copy(ones_v.at[j], deg_sh.at[idx_v.at[j]], add=True)
        return carry

    lax.fori_loop(0, C_CHUNKS, chunk, 0)
    plsc.subcore_barrier()
    pltpu.sync_copy(deg_sh.at[pl.ds(s * STRIPE, STRIPE)],
                    out_hbm.at[c, pl.ds(s * STRIPE, STRIPE)])


NBUF = 2


def _sc_scatter_body(hs_hbm, src_hbm, dst_hbm, out_hbm,
                     si_v, di_v, rows_v, acc_sh, gsem):
    c = lax.axis_index("c")
    s = lax.axis_index("s")
    wid = c * NS + s

    @pl.when(c == 0)
    def _():
        pltpu.sync_copy(hs_hbm.at[pl.ds(s * STRIPE, STRIPE)],
                        acc_sh.at[pl.ds(s * STRIPE, STRIPE)])

    @pl.when(c != 0)
    def _():
        zv = jnp.zeros((16,), jnp.float32)

        def zrow(i, carry):
            for k in range(D // 16):
                rows_v[i, pl.ds(k * 16, 16)] = zv
            return carry

        lax.fori_loop(0, NBUF * CH, zrow, 0)
        ring_rows = NBUF * CH
        off = 0
        while off < STRIPE:
            n = min(ring_rows, STRIPE - off)
            pltpu.sync_copy(rows_v.at[pl.ds(0, n)],
                            acc_sh.at[pl.ds(s * STRIPE + off, n)])
            off += n

    plsc.subcore_barrier()

    for p in range(PH):
        pltpu.sync_copy(src_hbm.at[wid, pl.ds(p * PC, PC)], si_v)
        pltpu.sync_copy(dst_hbm.at[wid, pl.ds(p * PC, PC)], di_v)
        for b in range(NBUF):
            pltpu.async_copy(hs_hbm.at[si_v.at[b]],
                             rows_v.at[pl.ds(b * CH, CH)], gsem.at[b])

        def group(g, carry):
            j0 = g * NBUF
            for b in range(NBUF):
                j = j0 + b
                pltpu.make_async_copy(hs_hbm.at[si_v.at[j]],
                                      rows_v.at[pl.ds(b * CH, CH)],
                                      gsem.at[b]).wait()
                pltpu.sync_copy(rows_v.at[pl.ds(b * CH, CH)],
                                acc_sh.at[di_v.at[j]], add=True)
                jn = j + NBUF

                @pl.when(jn < PC)
                def _():
                    pltpu.async_copy(hs_hbm.at[si_v.at[jn]],
                                     rows_v.at[pl.ds(b * CH, CH)],
                                     gsem.at[b])
            return carry

        lax.fori_loop(0, PC // NBUF, group, 0)
    plsc.subcore_barrier()
    pltpu.sync_copy(acc_sh.at[pl.ds(s * STRIPE, STRIPE)],
                    out_hbm.at[c, pl.ds(s * STRIPE, STRIPE)])


@functools.lru_cache(maxsize=1)
def _sc_kernels():
    mesh = plsc.VectorSubcoreMesh(core_axis_name="c", subcore_axis_name="s",
                                  num_cores=NC, num_subcores=NS)
    sc_degree = pl.kernel(
        _sc_degree_body,
        out_type=jax.ShapeDtypeStruct((NC, NPAD), jnp.float32),
        mesh=mesh,
        scratch_types=[
            pltpu.VMEM((C_CHUNKS, CH), jnp.int32),
            pltpu.VMEM((C_CHUNKS, CH), jnp.float32),
            pltpu.VMEM_SHARED((NPAD,), jnp.float32),
        ],
    )
    sc_scatter = pl.kernel(
        _sc_scatter_body,
        out_type=jax.ShapeDtypeStruct((NC, NPAD, D), jnp.float32),
        mesh=mesh,
        scratch_types=[
            pltpu.VMEM((PC, CH), jnp.int32),
            pltpu.VMEM((PC, CH), jnp.int32),
            pltpu.VMEM((NBUF * CH, D), jnp.float32),
            pltpu.VMEM_SHARED((NPAD, D), jnp.float32),
            pltpu.SemaphoreType.DMA((NBUF,)),
        ],
    )
    return sc_degree, sc_scatter


ROWS = 2048
GRID = NPAD // ROWS

_row = pl.BlockSpec((ROWS, D), lambda i: (i, 0))
_wmat = pl.BlockSpec((D, D), lambda i: (0, 0))
_vec = pl.BlockSpec((1, D), lambda i: (0, 0))
_acc = pl.BlockSpec((NC, ROWS, D), lambda i: (0, i, 0))


def _elu(v):
    return jnp.where(v > 0, v, jnp.exp(jnp.minimum(v, 0.0)) - 1.0)


def _tc_mm_body(x_ref, w1_ref, ws_ref, bs_ref, h1_ref, xi_ref):
    xb = x_ref[...]
    h1_ref[...] = jnp.dot(xb, w1_ref[...], preferred_element_type=jnp.float32)
    xi_ref[...] = jnp.dot(xb, ws_ref[...],
                          preferred_element_type=jnp.float32) + bs_ref[...]


_tc_mm = pl.pallas_call(
    _tc_mm_body,
    grid=(GRID,),
    in_specs=[_row, _wmat, _wmat, _vec],
    out_specs=[_row, _row],
    out_shape=[jax.ShapeDtypeStruct((NPAD, D), jnp.float32),
               jax.ShapeDtypeStruct((NPAD, D), jnp.float32)],
)


def _tc_scale_body(h1_ref, deg_ref, hs_ref, dinvb_ref):
    degsum = deg_ref[0] + deg_ref[1] + 1.0
    di = lax.rsqrt(jnp.reshape(degsum, (NPAD, 1)))
    dinv_b = jnp.broadcast_to(di, (NPAD, D))
    dinvb_ref[...] = dinv_b
    hs_ref[...] = h1_ref[...] * dinv_b


_tc_scale = pl.pallas_call(
    _tc_scale_body,
    grid=(1,),
    in_specs=[pl.BlockSpec((NPAD, D), lambda i: (0, 0)),
              pl.BlockSpec((NC, NPAD), lambda i: (0, 0))],
    out_specs=[pl.BlockSpec((NPAD, D), lambda i: (0, 0)),
               pl.BlockSpec((NPAD, D), lambda i: (0, 0))],
    out_shape=[jax.ShapeDtypeStruct((NPAD, D), jnp.float32),
               jax.ShapeDtypeStruct((NPAD, D), jnp.float32)],
)


def _combine(acc_ref, dinv_ref, b_ref, g_ref, be_ref):
    conv = dinv_ref[...] * (acc_ref[0] + acc_ref[1]) + b_ref[...]
    gs = g_ref[...] * lax.rsqrt(jnp.float32(1.0 + BN_EPS))
    return _elu(conv * gs + be_ref[...])


def _tc_mid_body(acc_ref, dinv_ref, b_ref, g_ref, be_ref, skip_ref,
                 w_ref, ws_ref, bs_ref, hsn_ref, sk_ref):
    h = _combine(acc_ref, dinv_ref, b_ref, g_ref, be_ref) + skip_ref[...]
    hsn_ref[...] = dinv_ref[...] * jnp.dot(h, w_ref[...],
                                           preferred_element_type=jnp.float32)
    sk_ref[...] = jnp.dot(h, ws_ref[...],
                          preferred_element_type=jnp.float32) + bs_ref[...]


_tc_mid = pl.pallas_call(
    _tc_mid_body,
    grid=(GRID,),
    in_specs=[_acc, _row, _vec, _vec, _vec, _row, _wmat, _wmat, _vec],
    out_specs=[_row, _row],
    out_shape=[jax.ShapeDtypeStruct((NPAD, D), jnp.float32),
               jax.ShapeDtypeStruct((NPAD, D), jnp.float32)],
)


def _tc_mid2_body(acc_ref, dinv_ref, b_ref, g_ref, be_ref, skip_ref,
                  w_ref, hsn_ref):
    h = _combine(acc_ref, dinv_ref, b_ref, g_ref, be_ref) + skip_ref[...]
    hsn_ref[...] = dinv_ref[...] * jnp.dot(h, w_ref[...],
                                           preferred_element_type=jnp.float32)


_tc_mid2 = pl.pallas_call(
    _tc_mid2_body,
    grid=(GRID,),
    in_specs=[_acc, _row, _vec, _vec, _vec, _row, _wmat],
    out_specs=_row,
    out_shape=jax.ShapeDtypeStruct((NPAD, D), jnp.float32),
)


def _tc_post_body(acc_ref, dinv_ref, b_ref, g_ref, be_ref, out_ref):
    out_ref[...] = _combine(acc_ref, dinv_ref, b_ref, g_ref, be_ref)


_tc_post = pl.pallas_call(
    _tc_post_body,
    grid=(GRID,),
    in_specs=[_acc, _row, _vec, _vec, _vec],
    out_specs=_row,
    out_shape=jax.ShapeDtypeStruct((N_NODES, D), jnp.float32),
)


def kernel(x, edge_index, W1, b1, W2, b2, W3, b3, g1, be1, g2, be2, g3, be3,
           Ws1, bs1, Ws2, bs2):
    ei_p = jnp.concatenate([edge_index.astype(jnp.int32), _PAD2], axis=1)
    src_t = ei_p[0].reshape(NW, C_CHUNKS, CH)
    dst_t = ei_p[1].reshape(NW, C_CHUNKS, CH)
    zeros1 = jnp.zeros((NPAD,), jnp.float32)
    ones_t = jnp.ones((C_CHUNKS, CH), jnp.float32)
    row = lambda v: v.reshape(1, D)
    _sc_degree, _sc_scatter = _sc_kernels()

    deg = _sc_degree(dst_t, zeros1, ones_t)
    h1, x_init = _tc_mm(x, W1, Ws1, row(bs1))
    hs1, dinv_b = _tc_scale(h1, deg)
    acc1 = _sc_scatter(hs1, src_t, dst_t)
    hs2, x_skip = _tc_mid(acc1, dinv_b, row(b1), row(g1), row(be1), x_init,
                          W2, Ws2, row(bs2))
    acc2 = _sc_scatter(hs2, src_t, dst_t)
    hs3 = _tc_mid2(acc2, dinv_b, row(b2), row(g2), row(be2), x_skip, W3)
    acc3 = _sc_scatter(hs3, src_t, dst_t)
    return _tc_post(acc3, dinv_b, row(b3), row(g3), row(be3))

# --- scband reference (transcript-rebuilt; emitter-appended) ---
"""Pipeline reference for scband-gcnwith-skip-43052752175811 (READ-ONLY COPY).

The authoritative reference and input builder live on the scoring server;
editing this copy changes nothing except your own understanding.
"""

import jax, jax.numpy as jnp
import numpy as np

N_NODES = 10000
N_EDGES = 320000
D_IN = 128
D_HID = 128
BN_EPS = 1e-5


def setup_inputs(seed: int = 0) -> dict:
    key = jax.random.key(seed)
    ks = jax.random.split(key, 16)
    x = jax.random.normal(ks[0], (N_NODES, D_IN), dtype=jnp.float32)
    edge_index = jax.random.randint(ks[1], (2, N_EDGES), 0, N_NODES, dtype=jnp.int64) if jax.config.jax_enable_x64 else jax.random.randint(ks[1], (2, N_EDGES), 0, N_NODES).astype(jnp.int32)
    s1 = 1.0 / np.sqrt(D_IN)
    s2 = 1.0 / np.sqrt(D_HID)
    W1 = jax.random.uniform(ks[2], (D_IN, D_HID), jnp.float32, -s1, s1)
    b1 = jnp.zeros((D_HID,), jnp.float32)
    W2 = jax.random.uniform(ks[3], (D_HID, D_HID), jnp.float32, -s2, s2)
    b2 = jnp.zeros((D_HID,), jnp.float32)
    W3 = jax.random.uniform(ks[4], (D_HID, D_HID), jnp.float32, -s2, s2)
    b3 = jnp.zeros((D_HID,), jnp.float32)
    g1 = jnp.ones((D_HID,), jnp.float32); be1 = jnp.zeros((D_HID,), jnp.float32)
    g2 = jnp.ones((D_HID,), jnp.float32); be2 = jnp.zeros((D_HID,), jnp.float32)
    g3 = jnp.ones((D_HID,), jnp.float32); be3 = jnp.zeros((D_HID,), jnp.float32)
    Ws1 = jax.random.uniform(ks[5], (D_IN, D_HID), jnp.float32, -s1, s1)
    bs1 = jax.random.uniform(ks[6], (D_HID,), jnp.float32, -s1, s1)
    Ws2 = jax.random.uniform(ks[7], (D_HID, D_HID), jnp.float32, -s2, s2)
    bs2 = jax.random.uniform(ks[8], (D_HID,), jnp.float32, -s2, s2)
    return {"x": x, "edge_index": edge_index,
            "W1": W1, "b1": b1, "W2": W2, "b2": b2, "W3": W3, "b3": b3,
            "g1": g1, "be1": be1, "g2": g2, "be2": be2, "g3": g3, "be3": be3,
            "Ws1": Ws1, "bs1": bs1, "Ws2": Ws2, "bs2": bs2}


def _gcn_conv(x, edge_index, W, b):
    # PyG-style GCNConv: add self-loops, symmetric normalization, linear then propagate
    N = x.shape[0]
    loop = jnp.arange(N, dtype=edge_index.dtype)
    src = jnp.concatenate([edge_index[0], loop])
    dst = jnp.concatenate([edge_index[1], loop])
    deg = jnp.zeros((N,), jnp.float32).at[dst].add(1.0)
    dinv = jnp.where(deg > 0, 1.0 / jnp.sqrt(deg), 0.0)
    norm = dinv[src] * dinv[dst]
    h = x @ W
    msg = h[src] * norm[:, None]
    out = jnp.zeros((N, W.shape[1]), jnp.float32).at[dst].add(msg)
    return out + b


def _bn_eval(x, gamma, beta):
    # BatchNorm1d in eval mode with default running stats (mean=0, var=1)
    return x * (gamma / jnp.sqrt(1.0 + BN_EPS)) + beta


def reference(x, edge_index, W1, b1, W2, b2, W3, b3, g1, be1, g2, be2, g3, be3, Ws1, bs1, Ws2, bs2):
    # eval-mode forward: dropout is identity
    x_initial = x @ Ws1 + bs1
    h = _gcn_conv(x, edge_index, W1, b1)
    h = _bn_eval(h, g1, be1)
    h = jax.nn.elu(h) + x_initial
    x_skip = h @ Ws2 + bs2
    h2 = _gcn_conv(h, edge_index, W2, b2)
    h2 = _bn_eval(h2, g2, be2)
    h2 = jax.nn.elu(h2) + x_skip
    h3 = _gcn_conv(h2, edge_index, W3, b3)
    h3 = _bn_eval(h3, g3, be3)
    h3 = jax.nn.elu(h3)
    return h3

if __name__ == "__main__":
    import jax
    _d = setup_inputs()
    print(jax.jit(kernel)(*tuple(_d.values())))

</pallas_src>

<mosaic_0001>
#map = affine_map<(d0, d1) -> (0, 0)>
#map1 = affine_map<(d0, d1) -> (0, 0, 0)>
module attributes {stable_mosaic.version = 14 : i64} {
  func.func @_sc_scatter_body(%arg0: i32, %arg1: i32, %arg2: memref<10240x128xf32, #tpu.memory_space<hbm>>, %arg3: memref<32x80x128xi32, #tpu.memory_space<hbm>>, %arg4: memref<32x80x128xi32, #tpu.memory_space<hbm>>, %arg5: memref<2x10240x128xf32, #tpu.memory_space<hbm>>, %arg6: memref<40x128xi32, #tpu.memory_space<vmem>>, %arg7: memref<40x128xi32, #tpu.memory_space<vmem>>, %arg8: memref<256x128xf32, #tpu.memory_space<vmem>>, %arg9: memref<10240x128xf32, #tpu.memory_space<vmem_shared>>, %arg10: memref<2x!tpu.dma_semaphore, #tpu.memory_space<semaphore_mem>>) attributes {dimension_semantics = [#tpu.dimension_semantics<core_parallel>, #tpu.dimension_semantics<subcore_parallel>], iteration_bounds = array<i64: 2, 16>, scalar_prefetch = 0 : i64, scratch_operands = 5 : i64, tpu.core_type = #tpu.core_type<sc_vector_subcore>, window_params = [{transform_indices = #map}, {transform_indices = #map1}, {transform_indices = #map1}, {transform_indices = #map1}]} {
    %mul3A = arith.constant 16 : i32
    %mul3A_0 = arith.muli %arg0, %mul3A : i32
    %add3A = arith.addi %mul3A_0, %arg1 : i32
    %eq3A = arith.constant 0 : i32
    %eq3A_1 = arith.cmpi eq, %arg0, %eq3A : i32
    %convert_element_type3A = arith.extui %eq3A_1 : i1 to i32
    %cond3A = arith.constant 0 : i32
    %cond3A_2 = arith.cmpi ne, %convert_element_type3A, %cond3A : i32
    scf.if %cond3A_2 {
      %mul3A_74 = arith.constant 640 : i32
      %mul3A_75 = arith.muli %arg1, %mul3A_74 : i32
      %mul3A_76 = arith.constant 640 : i32
      %mul3A_77 = arith.muli %arg1, %mul3A_76 : i32
      "tpu.region"() ({
        %run_scoped3A = tpu.sem_alloc : memref<!tpu.dma_semaphore, #tpu.memory_space<semaphore_mem>>
        %dma_start3A_78 = arith.constant 0 : i32
        %dma_start3A_79 = tpu.memref_slice %arg9[%mul3A_77, %dma_start3A_78] : memref<10240x128xf32, #tpu.memory_space<vmem_shared>> -> memref<640x128xf32, #tpu.memory_space<vmem_shared>>
        %dma_start3A_80 = arith.constant 0 : i32
        %dma_start3A_81 = tpu.memref_slice %arg2[%mul3A_75, %dma_start3A_80] : memref<10240x128xf32, #tpu.memory_space<hbm>> -> memref<640x128xf32, #tpu.memory_space<hbm>>
        tpu.enqueue_dma source(%dma_start3A_81 : memref<640x128xf32, #tpu.memory_space<hbm>>) target(%dma_start3A_79 : memref<640x128xf32, #tpu.memory_space<vmem_shared>>) target_semaphore(%run_scoped3A : memref<!tpu.dma_semaphore, #tpu.memory_space<semaphore_mem>>)
        %dma_wait3A = arith.constant 0 : i32
        %dma_wait3A_82 = tpu.memref_slice %arg9[%mul3A_77, %dma_wait3A] : memref<10240x128xf32, #tpu.memory_space<vmem_shared>> -> memref<640x128xf32, #tpu.memory_space<vmem_shared>>
        %dma_wait3A_83 = arith.constant 0 : i32
        %dma_wait3A_84 = tpu.memref_slice %arg2[%mul3A_75, %dma_wait3A_83] : memref<10240x128xf32, #tpu.memory_space<hbm>> -> memref<640x128xf32, #tpu.memory_space<hbm>>
        tpu.wait_dma2 semaphore(%run_scoped3A : memref<!tpu.dma_semaphore, #tpu.memory_space<semaphore_mem>>) src(%dma_wait3A_84 : memref<640x128xf32, #tpu.memory_space<hbm>>) dst(%dma_wait3A_82 : memref<640x128xf32, #tpu.memory_space<vmem_shared>>)
        tpu.yield
      }) : () -> ()
    } else {
    }
    %ne3A = arith.constant 0 : i32
    %ne3A_3 = arith.cmpi ne, %arg0, %ne3A : i32
    %convert_element_type3A_4 = arith.extui %ne3A_3 : i1 to i32
    %cond3A_5 = arith.constant 0 : i32
    %cond3A_6 = arith.cmpi ne, %convert_element_type3A_4, %cond3A_5 : i32
    scf.if %cond3A_6 {
      %broadcast_in_dim3A = arith.constant 0.000000e+00 : f32
      %broadcast_in_dim3A_74 = vector.broadcast %broadcast_in_dim3A : f32 to vector<16xf32>
      %scan3A_75 = arith.constant 0 : i32
      %scan3A_76 = arith.constant 0 : i32
      %scan3A_77 = arith.constant 256 : i32
      %scan3A_78 = arith.addi %scan3A_76, %scan3A_77 : i32
      %scan3A_79 = arith.constant 1 : i32
      scf.for %scan3A_93 = %scan3A_76 to %scan3A_78 step %scan3A_79  : i32 {
        %swap3A = arith.index_cast %scan3A_93 : i32 to index
        %swap3A_94 = arith.constant 0 : index
        %swap3A_95 = tpu.vector_load %arg8[%swap3A, %swap3A_94] {strides = array<i32>} : memref<256x128xf32, #tpu.memory_space<vmem>>, vector<1x16xf32>,
        %swap3A_96 = vector.shape_cast %swap3A_95 : vector<1x16xf32> to vector<16xf32>
        %swap3A_97 = vector.shape_cast %broadcast_in_dim3A_74 : vector<16xf32> to vector<1x16xf32>
        tpu.vector_store %arg8[%swap3A, %swap3A_94], %swap3A_97 {strides = array<i32>} : memref<256x128xf32, #tpu.memory_space<vmem>>, vector<1x16xf32>,
        %swap3A_98 = arith.index_cast %scan3A_93 : i32 to index
        %swap3A_99 = arith.constant 16 : index
        %swap3A_100 = tpu.vector_load %arg8[%swap3A_98, %swap3A_99] {strides = array<i32>} : memref<256x128xf32, #tpu.memory_space<vmem>>, vector<1x16xf32>,
        %swap3A_101 = vector.shape_cast %swap3A_100 : vector<1x16xf32> to vector<16xf32>
        %swap3A_102 = vector.shape_cast %broadcast_in_dim3A_74 : vector<16xf32> to vector<1x16xf32>
        tpu.vector_store %arg8[%swap3A_98, %swap3A_99], %swap3A_102 {strides = array<i32>} : memref<256x128xf32, #tpu.memory_space<vmem>>, vector<1x16xf32>,
        %swap3A_103 = arith.index_cast %scan3A_93 : i32 to index
        %swap3A_104 = arith.constant 32 : index
        %swap3A_105 = tpu.vector_load %arg8[%swap3A_103, %swap3A_104] {strides = array<i32>} : memref<256x128xf32, #tpu.memory_space<vmem>>, vector<1x16xf32>,
        %swap3A_106 = vector.shape_cast %swap3A_105 : vector<1x16xf32> to vector<16xf32>
        %swap3A_107 = vector.shape_cast %broadcast_in_dim3A_74 : vector<16xf32> to vector<1x16xf32>
        tpu.vector_store %arg8[%swap3A_103, %swap3A_104], %swap3A_107 {strides = array<i32>} : memref<256x128xf32, #tpu.memory_space<vmem>>, vector<1x16xf32>,
        %swap3A_108 = arith.index_cast %scan3A_93 : i32 to index
        %swap3A_109 = arith.constant 48 : index
        %swap3A_110 = tpu.vector_load %arg8[%swap3A_108, %swap3A_109] {strides = array<i32>} : memref<256x128xf32, #tpu.memory_space<vmem>>, vector<1x16xf32>,
        %swap3A_111 = vector.shape_cast %swap3A_110 : vector<1x16xf32> to vector<16xf32>
        %swap3A_112 = vector.shape_cast %broadcast_in_dim3A_74 : vector<16xf32> to vector<1x16xf32>
        tpu.vector_store %arg8[%swap3A_108, %swap3A_109], %swap3A_112 {strides = array<i32>} : memref<256x128xf32, #tpu.memory_space<vmem>>, vector<1x16xf32>,
        %swap3A_113 = arith.index_cast %scan3A_93 : i32 to index
        %swap3A_114 = arith.constant 64 : index
        %swap3A_115 = tpu.vector_load %arg8[%swap3A_113, %swap3A_114] {strides = array<i32>} : memref<256x128xf32, #tpu.memory_space<vmem>>, vector<1x16xf32>,
        %swap3A_116 = vector.shape_cast %swap3A_115 : vector<1x16xf32> to vector<16xf32>
        %swap3A_117 = vector.shape_cast %broadcast_in_dim3A_74 : vector<16xf32> to vector<1x16xf32>
        tpu.vector_store %arg8[%swap3A_113, %swap3A_114], %swap3A_117 {strides = array<i32>} : memref<256x128xf32, #tpu.memory_space<vmem>>, vector<1x16xf32>,
        %swap3A_118 = arith.index_cast %scan3A_93 : i32 to index
        %swap3A_119 = arith.constant 80 : index
        %swap3A_120 = tpu.vector_load %arg8[%swap3A_118, %swap3A_119] {strides = array<i32>} : memref<256x128xf32, #tpu.memory_space<vmem>>, vector<1x16xf32>,
        %swap3A_121 = vector.shape_cast %swap3A_120 : vector<1x16xf32> to vector<16xf32>
        %swap3A_122 = vector.shape_cast %broadcast_in_dim3A_74 : vector<16xf32> to vector<1x16xf32>
        tpu.vector_store %arg8[%swap3A_118, %swap3A_119], %swap3A_122 {strides = array<i32>} : memref<256x128xf32, #tpu.memory_space<vmem>>, vector<1x16xf32>,
        %swap3A_123 = arith.index_cast %scan3A_93 : i32 to index
        %swap3A_124 = arith.constant 96 : index
        %swap3A_125 = tpu.vector_load %arg8[%swap3A_123, %swap3A_124] {strides = array<i32>} : memref<256x128xf32, #tpu.memory_space<vmem>>, vector<1x16xf32>,
        %swap3A_126 = vector.shape_cast %swap3A_125 : vector<1x16xf32> to vector<16xf32>
        %swap3A_127 = vector.shape_cast %broadcast_in_dim3A_74 : vector<16xf32> to vector<1x16xf32>
        tpu.vector_store %arg8[%swap3A_123, %swap3A_124], %swap3A_127 {strides = array<i32>} : memref<256x128xf32, #tpu.memory_space<vmem>>, vector<1x16xf32>,
        %swap3A_128 = arith.index_cast %scan3A_93 : i32 to index
        %swap3A_129 = arith.constant 112 : index
        %swap3A_130 = tpu.vector_load %arg8[%swap3A_128, %swap3A_129] {strides = array<i32>} : memref<256x128xf32, #tpu.memory_space<vmem>>, vector<1x16xf32>,
        %swap3A_131 = vector.shape_cast %swap3A_130 : vector<1x16xf32> to vector<16xf32>
        %swap3A_132 = vector.shape_cast %broadcast_in_dim3A_74 : vector<16xf32> to vector<1x16xf32>
        tpu.vector_store %arg8[%swap3A_128, %swap3A_129], %swap3A_132 {strides = array<i32>} : memref<256x128xf32, #tpu.memory_space<vmem>>, vector<1x16xf32>,
      }
      %scan3A_80 = arith.constant 256 : i32
      %mul3A_81 = arith.constant 640 : i32
      %mul3A_82 = arith.muli %arg1, %mul3A_81 : i32
      %add3A_83 = arith.constant 0 : i32
      %add3A_84 = arith.addi %mul3A_82, %add3A_83 : i32
      "tpu.region"() ({
        %run_scoped3A = tpu.sem_alloc : memref<!tpu.dma_semaphore, #tpu.memory_space<semaphore_mem>>
        %dma_start3A_93 = arith.constant 0 : i32
        %dma_start3A_94 = arith.constant 0 : i32
        %dma_start3A_95 = tpu.memref_slice %arg8[%dma_start3A_93, %dma_start3A_94] : memref<256x128xf32, #tpu.memory_space<vmem>> -> memref<256x128xf32, #tpu.memory_space<vmem>>
        %dma_start3A_96 = arith.constant 0 : i32
        %dma_start3A_97 = tpu.memref_slice %arg9[%add3A_84, %dma_start3A_96] : memref<10240x128xf32, #tpu.memory_space<vmem_shared>> -> memref<256x128xf32, #tpu.memory_space<vmem_shared>>
        %dma_start3A_98 = arith.constant 0 : i32
        %dma_start3A_99 = tpu.memref_slice %arg9[%add3A_84, %dma_start3A_98] : memref<10240x128xf32, #tpu.memory_space<vmem_shared>> -> memref<256x128xf32, #tpu.memory_space<vmem_shared>>
        %dma_start3A_100 = arith.constant 0 : i32
        %dma_start3A_101 = arith.constant 0 : i32
        %dma_start3A_102 = tpu.memref_slice %arg8[%dma_start3A_100, %dma_start3A_101] : memref<256x128xf32, #tpu.memory_space<vmem>> -> memref<256x128xf32, #tpu.memory_space<vmem>>
        tpu.enqueue_dma source(%dma_start3A_102 : memref<256x128xf32, #tpu.memory_space<vmem>>) target(%dma_start3A_99 : memref<256x128xf32, #tpu.memory_space<vmem_shared>>) target_semaphore(%run_scoped3A : memref<!tpu.dma_semaphore, #tpu.memory_space<semaphore_mem>>)
        %dma_wait3A = arith.constant 0 : i32
        %dma_wait3A_103 = arith.constant 0 : i32
        %dma_wait3A_104 = tpu.memref_slice %arg8[%dma_wait3A, %dma_wait3A_103] : memref<256x128xf32, #tpu.memory_space<vmem>> -> memref<256x128xf32, #tpu.memory_space<vmem>>
        %dma_wait3A_105 = arith.constant 0 : i32
        %dma_wait3A_106 = tpu.memref_slice %arg9[%add3A_84, %dma_wait3A_105] : memref<10240x128xf32, #tpu.memory_space<vmem_shared>> -> memref<256x128xf32, #tpu.memory_space<vmem_shared>>
        %dma_wait3A_107 = arith.constant 0 : i32
        %dma_wait3A_108 = tpu.memref_slice %arg9[%add3A_84, %dma_wait3A_107] : memref<10240x128xf32, #tpu.memory_space<vmem_shared>> -> memref<256x128xf32, #tpu.memory_space<vmem_shared>>
        %dma_wait3A_109 = arith.constant 0 : i32
        %dma_wait3A_110 = arith.constant 0 : i32
        %dma_wait3A_111 = tpu.memref_slice %arg8[%dma_wait3A_109, %dma_wait3A_110] : memref<256x128xf32, #tpu.memory_space<vmem>> -> memref<256x128xf32, #tpu.memory_space<vmem>>
        tpu.wait_dma2 semaphore(%run_scoped3A : memref<!tpu.dma_semaphore, #tpu.memory_space<semaphore_mem>>) src(%dma_wait3A_111 : memref<256x128xf32, #tpu.memory_space<vmem>>) dst(%dma_wait3A_108 : memref<256x128xf32, #tpu.memory_space<vmem_shared>>)
        tpu.yield
      }) : () -> ()
      %mul3A_85 = arith.constant 640 : i32
      %mul3A_86 = arith.muli %arg1, %mul3A_85 : i32
      %add3A_87 = arith.constant 256 : i32
      %add3A_88 = arith.addi %mul3A_86, %add3A_87 : i32
      "tpu.region"() ({
        %run_scoped3A = tpu.sem_alloc : memref<!tpu.dma_semaphore, #tpu.memory_space<semaphore_mem>>
        %dma_start3A_93 = arith.constant 0 : i32
        %dma_start3A_94 = arith.constant 0 : i32
        %dma_start3A_95 = tpu.memref_slice %arg8[%dma_start3A_93, %dma_start3A_94] : memref<256x128xf32, #tpu.memory_space<vmem>> -> memref<256x128xf32, #tpu.memory_space<vmem>>
        %dma_start3A_96 = arith.constant 0 : i32
        %dma_start3A_97 = tpu.memref_slice %arg9[%add3A_88, %dma_start3A_96] : memref<10240x128xf32, #tpu.memory_space<vmem_shared>> -> memref<256x128xf32, #tpu.memory_space<vmem_shared>>
        %dma_start3A_98 = arith.constant 0 : i32
        %dma_start3A_99 = tpu.memref_slice %arg9[%add3A_88, %dma_start3A_98] : memref<10240x128xf32, #tpu.memory_space<vmem_shared>> -> memref<256x128xf32, #tpu.memory_space<vmem_shared>>
        %dma_start3A_100 = arith.constant 0 : i32
        %dma_start3A_101 = arith.constant 0 : i32
        %dma_start3A_102 = tpu.memref_slice %arg8[%dma_start3A_100, %dma_start3A_101] : memref<256x128xf32, #tpu.memory_space<vmem>> -> memref<256x128xf32, #tpu.memory_space<vmem>>
        tpu.enqueue_dma source(%dma_start3A_102 : memref<256x128xf32, #tpu.memory_space<vmem>>) target(%dma_start3A_99 : memref<256x128xf32, #tpu.memory_space<vmem_shared>>) target_semaphore(%run_scoped3A : memref<!tpu.dma_semaphore, #tpu.memory_space<semaphore_mem>>)
        %dma_wait3A = arith.constant 0 : i32
        %dma_wait3A_103 = arith.constant 0 : i32
        %dma_wait3A_104 = tpu.memref_slice %arg8[%dma_wait3A, %dma_wait3A_103] : memref<256x128xf32, #tpu.memory_space<vmem>> -> memref<256x128xf32, #tpu.memory_space<vmem>>
        %dma_wait3A_105 = arith.constant 0 : i32
        %dma_wait3A_106 = tpu.memref_slice %arg9[%add3A_88, %dma_wait3A_105] : memref<10240x128xf32, #tpu.memory_space<vmem_shared>> -> memref<256x128xf32, #tpu.memory_space<vmem_shared>>
        %dma_wait3A_107 = arith.constant 0 : i32
        %dma_wait3A_108 = tpu.memref_slice %arg9[%add3A_88, %dma_wait3A_107] : memref<10240x128xf32, #tpu.memory_space<vmem_shared>> -> memref<256x128xf32, #tpu.memory_space<vmem_shared>>
        %dma_wait3A_109 = arith.constant 0 : i32
        %dma_wait3A_110 = arith.constant 0 : i32
        %dma_wait3A_111 = tpu.memref_slice %arg8[%dma_wait3A_109, %dma_wait3A_110] : memref<256x128xf32, #tpu.memory_space<vmem>> -> memref<256x128xf32, #tpu.memory_space<vmem>>
        tpu.wait_dma2 semaphore(%run_scoped3A : memref<!tpu.dma_semaphore, #tpu.memory_space<semaphore_mem>>) src(%dma_wait3A_111 : memref<256x128xf32, #tpu.memory_space<vmem>>) dst(%dma_wait3A_108 : memref<256x128xf32, #tpu.memory_space<vmem_shared>>)
        tpu.yield
      }) : () -> ()
      %mul3A_89 = arith.constant 640 : i32
      %mul3A_90 = arith.muli %arg1, %mul3A_89 : i32
      %add3A_91 = arith.constant 512 : i32
      %add3A_92 = arith.addi %mul3A_90, %add3A_91 : i32
      "tpu.region"() ({
        %run_scoped3A = tpu.sem_alloc : memref<!tpu.dma_semaphore, #tpu.memory_space<semaphore_mem>>
        %dma_start3A_93 = arith.constant 0 : i32
        %dma_start3A_94 = arith.constant 0 : i32
        %dma_start3A_95 = tpu.memref_slice %arg8[%dma_start3A_93, %dma_start3A_94] : memref<256x128xf32, #tpu.memory_space<vmem>> -> memref<128x128xf32, #tpu.memory_space<vmem>>
        %dma_start3A_96 = arith.constant 0 : i32
        %dma_start3A_97 = tpu.memref_slice %arg9[%add3A_92, %dma_start3A_96] : memref<10240x128xf32, #tpu.memory_space<vmem_shared>> -> memref<128x128xf32, #tpu.memory_space<vmem_shared>>
        %dma_start3A_98 = arith.constant 0 : i32
        %dma_start3A_99 = tpu.memref_slice %arg9[%add3A_92, %dma_start3A_98] : memref<10240x128xf32, #tpu.memory_space<vmem_shared>> -> memref<128x128xf32, #tpu.memory_space<vmem_shared>>
        %dma_start3A_100 = arith.constant 0 : i32
        %dma_start3A_101 = arith.constant 0 : i32
        %dma_start3A_102 = tpu.memref_slice %arg8[%dma_start3A_100, %dma_start3A_101] : memref<256x128xf32, #tpu.memory_space<vmem>> -> memref<128x128xf32, #tpu.memory_space<vmem>>
        tpu.enqueue_dma source(%dma_start3A_102 : memref<128x128xf32, #tpu.memory_space<vmem>>) target(%dma_start3A_99 : memref<128x128xf32, #tpu.memory_space<vmem_shared>>) target_semaphore(%run_scoped3A : memref<!tpu.dma_semaphore, #tpu.memory_space<semaphore_mem>>)
        %dma_wait3A = arith.constant 0 : i32
        %dma_wait3A_103 = arith.constant 0 : i32
        %dma_wait3A_104 = tpu.memref_slice %arg8[%dma_wait3A, %dma_wait3A_103] : memref<256x128xf32, #tpu.memory_space<vmem>> -> memref<128x128xf32, #tpu.memory_space<vmem>>
        %dma_wait3A_105 = arith.constant 0 : i32
        %dma_wait3A_106 = tpu.memref_slice %arg9[%add3A_92, %dma_wait3A_105] : memref<10240x128xf32, #tpu.memory_space<vmem_shared>> -> memref<128x128xf32, #tpu.memory_space<vmem_shared>>
        %dma_wait3A_107 = arith.constant 0 : i32
        %dma_wait3A_108 = tpu.memref_slice %arg9[%add3A_92, %dma_wait3A_107] : memref<10240x128xf32, #tpu.memory_space<vmem_shared>> -> memref<128x128xf32, #tpu.memory_space<vmem_shared>>
        %dma_wait3A_109 = arith.constant 0 : i32
        %dma_wait3A_110 = arith.constant 0 : i32
        %dma_wait3A_111 = tpu.memref_slice %arg8[%dma_wait3A_109, %dma_wait3A_110] : memref<256x128xf32, #tpu.memory_space<vmem>> -> memref<128x128xf32, #tpu.memory_space<vmem>>
        tpu.wait_dma2 semaphore(%run_scoped3A : memref<!tpu.dma_semaphore, #tpu.memory_space<semaphore_mem>>) src(%dma_wait3A_111 : memref<128x128xf32, #tpu.memory_space<vmem>>) dst(%dma_wait3A_108 : memref<128x128xf32, #tpu.memory_space<vmem_shared>>)
        tpu.yield
      }) : () -> ()
    } else {
    }
    %barrier3A = arith.constant 0 : index
    tpu.barrier barrier_id(%barrier3A)
    "tpu.region"() ({
      %run_scoped3A = tpu.sem_alloc : memref<!tpu.dma_semaphore, #tpu.memory_space<semaphore_mem>>
      %dma_start3A_74 = arith.constant 0 : i32
      %dma_start3A_75 = arith.constant 0 : i32
      %dma_start3A_76 = tpu.memref_slice %arg3[%add3A, %dma_start3A_74, %dma_start3A_75] : memref<32x80x128xi32, #tpu.memory_space<hbm>> -> memref<1x40x128xi32, #tpu.memory_space<hbm>>
      %dma_start3A_77 = tpu.memref_squeeze %dma_start3A_76 : memref<1x40x128xi32, #tpu.memory_space<hbm>> -> memref<40x128xi32, #tpu.memory_space<hbm>>
      %dma_start3A_78 = arith.constant 0 : i32
      %dma_start3A_79 = arith.constant 0 : i32
      %dma_start3A_80 = tpu.memref_slice %arg3[%add3A, %dma_start3A_78, %dma_start3A_79] : memref<32x80x128xi32, #tpu.memory_space<hbm>> -> memref<1x40x128xi32, #tpu.memory_space<hbm>>
      %dma_start3A_81 = tpu.memref_squeeze %dma_start3A_80 : memref<1x40x128xi32, #tpu.memory_space<hbm>> -> memref<40x128xi32, #tpu.memory_space<hbm>>
      tpu.enqueue_dma source(%dma_start3A_81 : memref<40x128xi32, #tpu.memory_space<hbm>>) target(%arg6 : memref<40x128xi32, #tpu.memory_space<vmem>>) target_semaphore(%run_scoped3A : memref<!tpu.dma_semaphore, #tpu.memory_space<semaphore_mem>>)
      %dma_wait3A = arith.constant 0 : i32
      %dma_wait3A_82 = arith.constant 0 : i32
      %dma_wait3A_83 = tpu.memref_slice %arg3[%add3A, %dma_wait3A, %dma_wait3A_82] : memref<32x80x128xi32, #tpu.memory_space<hbm>> -> memref<1x40x128xi32, #tpu.memory_space<hbm>>
      %dma_wait3A_84 = tpu.memref_squeeze %dma_wait3A_83 : memref<1x40x128xi32, #tpu.memory_space<hbm>> -> memref<40x128xi32, #tpu.memory_space<hbm>>
      %dma_wait3A_85 = arith.constant 0 : i32
      %dma_wait3A_86 = arith.constant 0 : i32
      %dma_wait3A_87 = tpu.memref_slice %arg3[%add3A, %dma_wait3A_85, %dma_wait3A_86] : memref<32x80x128xi32, #tpu.memory_space<hbm>> -> memref<1x40x128xi32, #tpu.memory_space<hbm>>
      %dma_wait3A_88 = tpu.memref_squeeze %dma_wait3A_87 : memref<1x40x128xi32, #tpu.memory_space<hbm>> -> memref<40x128xi32, #tpu.memory_space<hbm>>
      tpu.wait_dma2 semaphore(%run_scoped3A : memref<!tpu.dma_semaphore, #tpu.memory_space<semaphore_mem>>) src(%dma_wait3A_88 : memref<40x128xi32, #tpu.memory_space<hbm>>) dst(%arg6 : memref<40x128xi32, #tpu.memory_space<vmem>>)
      tpu.yield
    }) : () -> ()
    "tpu.region"() ({
      %run_scoped3A = tpu.sem_alloc : memref<!tpu.dma_semaphore, #tpu.memory_space<semaphore_mem>>
      %dma_start3A_74 = arith.constant 0 : i32
      %dma_start3A_75 = arith.constant 0 : i32
      %dma_start3A_76 = tpu.memref_slice %arg4[%add3A, %dma_start3A_74, %dma_start3A_75] : memref<32x80x128xi32, #tpu.memory_space<hbm>> -> memref<1x40x128xi32, #tpu.memory_space<hbm>>
      %dma_start3A_77 = tpu.memref_squeeze %dma_start3A_76 : memref<1x40x128xi32, #tpu.memory_space<hbm>> -> memref<40x128xi32, #tpu.memory_space<hbm>>
      %dma_start3A_78 = arith.constant 0 : i32
      %dma_start3A_79 = arith.constant 0 : i32
      %dma_start3A_80 = tpu.memref_slice %arg4[%add3A, %dma_start3A_78, %dma_start3A_79] : memref<32x80x128xi32, #tpu.memory_space<hbm>> -> memref<1x40x128xi32, #tpu.memory_space<hbm>>
      %dma_start3A_81 = tpu.memref_squeeze %dma_start3A_80 : memref<1x40x128xi32, #tpu.memory_space<hbm>> -> memref<40x128xi32, #tpu.memory_space<hbm>>
      tpu.enqueue_dma source(%dma_start3A_81 : memref<40x128xi32, #tpu.memory_space<hbm>>) target(%arg7 : memref<40x128xi32, #tpu.memory_space<vmem>>) target_semaphore(%run_scoped3A : memref<!tpu.dma_semaphore, #tpu.memory_space<semaphore_mem>>)
      %dma_wait3A = arith.constant 0 : i32
      %dma_wait3A_82 = arith.constant 0 : i32
      %dma_wait3A_83 = tpu.memref_slice %arg4[%add3A, %dma_wait3A, %dma_wait3A_82] : memref<32x80x128xi32, #tpu.memory_space<hbm>> -> memref<1x40x128xi32, #tpu.memory_space<hbm>>
      %dma_wait3A_84 = tpu.memref_squeeze %dma_wait3A_83 : memref<1x40x128xi32, #tpu.memory_space<hbm>> -> memref<40x128xi32, #tpu.memory_space<hbm>>
      %dma_wait3A_85 = arith.constant 0 : i32
      %dma_wait3A_86 = arith.constant 0 : i32
      %dma_wait3A_87 = tpu.memref_slice %arg4[%add3A, %dma_wait3A_85, %dma_wait3A_86] : memref<32x80x128xi32, #tpu.memory_space<hbm>> -> memref<1x40x128xi32, #tpu.memory_space<hbm>>
      %dma_wait3A_88 = tpu.memref_squeeze %dma_wait3A_87 : memref<1x40x128xi32, #tpu.memory_space<hbm>> -> memref<40x128xi32, #tpu.memory_space<hbm>>
      tpu.wait_dma2 semaphore(%run_scoped3A : memref<!tpu.dma_semaphore, #tpu.memory_space<semaphore_mem>>) src(%dma_wait3A_88 : memref<40x128xi32, #tpu.memory_space<hbm>>) dst(%arg7 : memref<40x128xi32, #tpu.memory_space<vmem>>)
      tpu.yield
    }) : () -> ()
    %dma_start3A = arith.constant 0 : i32
    %dma_start3A_7 = arith.constant 0 : i32
    %dma_start3A_8 = arith.constant 0 : i32
    %dma_start3A_9 = arith.constant 0 : i32
    %dma_start3A_10 = tpu.memref_slice %arg8[%dma_start3A_8, %dma_start3A_9] : memref<256x128xf32, #tpu.memory_space<vmem>> -> memref<128x128xf32, #tpu.memory_space<vmem>>
    %dma_start3A_11 = arith.constant 0 : i32
    %dma_start3A_12 = tpu.memref_slice %arg6[%dma_start3A, %dma_start3A_11] : memref<40x128xi32, #tpu.memory_space<vmem>> -> memref<1x128xi32, #tpu.memory_space<vmem>>
    %dma_start3A_13 = tpu.memref_squeeze %dma_start3A_12 : memref<1x128xi32, #tpu.memory_space<vmem>> -> memref<128xi32, #tpu.memory_space<vmem>>
    %dma_start3A_14 = arith.constant 0 : i32
    %dma_start3A_15 = arith.constant 0 : i32
    %dma_start3A_16 = tpu.memref_slice %arg2[%dma_start3A_14, %dma_start3A_15] : memref<10240x128xf32, #tpu.memory_space<hbm>> -> memref<10240x128xf32, #tpu.memory_space<hbm>>
    %dma_start3A_17 = tpu.memref_slice %arg10[%dma_start3A_7] : memref<2x!tpu.dma_semaphore, #tpu.memory_space<semaphore_mem>> -> memref<1x!tpu.dma_semaphore, #tpu.memory_space<semaphore_mem>>
    %dma_start3A_18 = tpu.memref_squeeze %dma_start3A_17 : memref<1x!tpu.dma_semaphore, #tpu.memory_space<semaphore_mem>> -> memref<!tpu.dma_semaphore, #tpu.memory_space<semaphore_mem>>
    tpu.enqueue_indirect_dma source(%dma_start3A_16 : memref<10240x128xf32, #tpu.memory_space<hbm>>) target(%dma_start3A_10 : memref<128x128xf32, #tpu.memory_space<vmem>>) offsets(%dma_start3A_13 : memref<128xi32, #tpu.memory_space<vmem>>) semaphore(%dma_start3A_18 : memref<!tpu.dma_semaphore, #tpu.memory_space<semaphore_mem>>)
    %dma_start3A_19 = arith.constant 1 : i32
    %dma_start3A_20 = arith.constant 1 : i32
    %dma_start3A_21 = arith.constant 128 : i32
    %dma_start3A_22 = arith.constant 0 : i32
    %dma_start3A_23 = tpu.memref_slice %arg8[%dma_start3A_21, %dma_start3A_22] : memref<256x128xf32, #tpu.memory_space<vmem>> -> memref<128x128xf32, #tpu.memory_space<vmem>>
    %dma_start3A_24 = arith.constant 0 : i32
    %dma_start3A_25 = tpu.memref_slice %arg6[%dma_start3A_19, %dma_start3A_24] : memref<40x128xi32, #tpu.memory_space<vmem>> -> memref<1x128xi32, #tpu.memory_space<vmem>>
    %dma_start3A_26 = tpu.memref_squeeze %dma_start3A_25 : memref<1x128xi32, #tpu.memory_space<vmem>> -> memref<128xi32, #tpu.memory_space<vmem>>
    %dma_start3A_27 = arith.constant 0 : i32
    %dma_start3A_28 = arith.constant 0 : i32
    %dma_start3A_29 = tpu.memref_slice %arg2[%dma_start3A_27, %dma_start3A_28] : memref<10240x128xf32, #tpu.memory_space<hbm>> -> memref<10240x128xf32, #tpu.memory_space<hbm>>
    %dma_start3A_30 = tpu.memref_slice %arg10[%dma_start3A_20] : memref<2x!tpu.dma_semaphore, #tpu.memory_space<semaphore_mem>> -> memref<1x!tpu.dma_semaphore, #tpu.memory_space<semaphore_mem>>
    %dma_start3A_31 = tpu.memref_squeeze %dma_start3A_30 : memref<1x!tpu.dma_semaphore, #tpu.memory_space<semaphore_mem>> -> memref<!tpu.dma_semaphore, #tpu.memory_space<semaphore_mem>>
    tpu.enqueue_indirect_dma source(%dma_start3A_29 : memref<10240x128xf32, #tpu.memory_space<hbm>>) target(%dma_start3A_23 : memref<128x128xf32, #tpu.memory_space<vmem>>) offsets(%dma_start3A_26 : memref<128xi32, #tpu.memory_space<vmem>>) semaphore(%dma_start3A_31 : memref<!tpu.dma_semaphore, #tpu.memory_space<semaphore_mem>>)
    %scan3A = arith.constant 0 : i32
    %scan3A_32 = arith.constant 0 : i32
    %scan3A_33 = arith.constant 20 : i32
    %scan3A_34 = arith.addi %scan3A_32, %scan3A_33 : i32
    %scan3A_35 = arith.constant 1 : i32
    scf.for %scan3A_74 = %scan3A_32 to %scan3A_34 step %scan3A_35  : i32 {
      %mul3A_75 = arith.constant 2 : i32
      %mul3A_76 = arith.muli %scan3A_74, %mul3A_75 : i32
      %add3A_77 = arith.constant 0 : i32
      %add3A_78 = arith.addi %mul3A_76, %add3A_77 : i32
      %dma_wait3A = arith.constant 0 : i32
      %dma_wait3A_79 = arith.constant 0 : i32
      %dma_wait3A_80 = arith.constant 0 : i32
      %dma_wait3A_81 = tpu.memref_slice %arg8[%dma_wait3A_79, %dma_wait3A_80] : memref<256x128xf32, #tpu.memory_space<vmem>> -> memref<128x128xf32, #tpu.memory_space<vmem>>
      %dma_wait3A_82 = arith.constant 0 : i32
      %dma_wait3A_83 = tpu.memref_slice %arg6[%add3A_78, %dma_wait3A_82] : memref<40x128xi32, #tpu.memory_space<vmem>> -> memref<1x128xi32, #tpu.memory_space<vmem>>
      %dma_wait3A_84 = tpu.memref_squeeze %dma_wait3A_83 : memref<1x128xi32, #tpu.memory_space<vmem>> -> memref<128xi32, #tpu.memory_space<vmem>>
      %dma_wait3A_85 = arith.constant 0 : i32
      %dma_wait3A_86 = arith.constant 0 : i32
      %dma_wait3A_87 = tpu.memref_slice %arg2[%dma_wait3A_85, %dma_wait3A_86] : memref<10240x128xf32, #tpu.memory_space<hbm>> -> memref<10240x128xf32, #tpu.memory_space<hbm>>
      %dma_wait3A_88 = tpu.memref_slice %arg10[%dma_wait3A] : memref<2x!tpu.dma_semaphore, #tpu.memory_space<semaphore_mem>> -> memref<1x!tpu.dma_semaphore, #tpu.memory_space<semaphore_mem>>
      %dma_wait3A_89 = tpu.memref_squeeze %dma_wait3A_88 : memref<1x!tpu.dma_semaphore, #tpu.memory_space<semaphore_mem>> -> memref<!tpu.dma_semaphore, #tpu.memory_space<semaphore_mem>>
      tpu.wait_indirect_dma semaphore(%dma_wait3A_89 : memref<!tpu.dma_semaphore, #tpu.memory_space<semaphore_mem>>) src(%dma_wait3A_87 : memref<10240x128xf32, #tpu.memory_space<hbm>>) dst(%dma_wait3A_81 : memref<128x128xf32, #tpu.memory_space<vmem>>)
      "tpu.region"() ({
        %run_scoped3A = tpu.sem_alloc : memref<!tpu.dma_semaphore, #tpu.memory_space<semaphore_mem>>
        %dma_start3A_117 = arith.constant 0 : i32
        %dma_start3A_118 = arith.constant 0 : i32
        %dma_start3A_119 = tpu.memref_slice %arg8[%dma_start3A_117, %dma_start3A_118] : memref<256x128xf32, #tpu.memory_space<vmem>> -> memref<128x128xf32, #tpu.memory_space<vmem>>
        %dma_start3A_120 = arith.constant 0 : i32
        %dma_start3A_121 = tpu.memref_slice %arg7[%add3A_78, %dma_start3A_120] : memref<40x128xi32, #tpu.memory_space<vmem>> -> memref<1x128xi32, #tpu.memory_space<vmem>>
        %dma_start3A_122 = tpu.memref_squeeze %dma_start3A_121 : memref<1x128xi32, #tpu.memory_space<vmem>> -> memref<128xi32, #tpu.memory_space<vmem>>
        %dma_start3A_123 = arith.constant 0 : i32
        %dma_start3A_124 = arith.constant 0 : i32
        %dma_start3A_125 = tpu.memref_slice %arg9[%dma_start3A_123, %dma_start3A_124] : memref<10240x128xf32, #tpu.memory_space<vmem_shared>> -> memref<10240x128xf32, #tpu.memory_space<vmem_shared>>
        tpu.enqueue_indirect_dma source(%dma_start3A_119 : memref<128x128xf32, #tpu.memory_space<vmem>>) target(%dma_start3A_125 : memref<10240x128xf32, #tpu.memory_space<vmem_shared>>) offsets(%dma_start3A_122 : memref<128xi32, #tpu.memory_space<vmem>>) semaphore(%run_scoped3A : memref<!tpu.dma_semaphore, #tpu.memory_space<semaphore_mem>>) {add = true}
        %dma_wait3A_126 = arith.constant 0 : i32
        %dma_wait3A_127 = arith.constant 0 : i32
        %dma_wait3A_128 = tpu.memref_slice %arg8[%dma_wait3A_126, %dma_wait3A_127] : memref<256x128xf32, #tpu.memory_space<vmem>> -> memref<128x128xf32, #tpu.memory_space<vmem>>
        %dma_wait3A_129 = arith.constant 0 : i32
        %dma_wait3A_130 = tpu.memref_slice %arg7[%add3A_78, %dma_wait3A_129] : memref<40x128xi32, #tpu.memory_space<vmem>> -> memref<1x128xi32, #tpu.memory_space<vmem>>
        %dma_wait3A_131 = tpu.memref_squeeze %dma_wait3A_130 : memref<1x128xi32, #tpu.memory_space<vmem>> -> memref<128xi32, #tpu.memory_space<vmem>>
        %dma_wait3A_132 = arith.constant 0 : i32
        %dma_wait3A_133 = arith.constant 0 : i32
        %dma_wait3A_134 = tpu.memref_slice %arg9[%dma_wait3A_132, %dma_wait3A_133] : memref<10240x128xf32, #tpu.memory_space<vmem_shared>> -> memref<10240x128xf32, #tpu.memory_space<vmem_shared>>
        tpu.wait_indirect_dma semaphore(%run_scoped3A : memref<!tpu.dma_semaphore, #tpu.memory_space<semaphore_mem>>) src(%dma_wait3A_128 : memref<128x128xf32, #tpu.memory_space<vmem>>) dst(%dma_wait3A_134 : memref<10240x128xf32, #tpu.memory_space<vmem_shared>>)
        tpu.yield
      }) : () -> ()
      %add3A_90 = arith.constant 2 : i32
      %add3A_91 = arith.addi %add3A_78, %add3A_90 : i32
      %lt3A = arith.constant 40 : i32
      %lt3A_92 = arith.cmpi slt, %add3A_91, %lt3A : i32
      %convert_element_type3A_93 = arith.extui %lt3A_92 : i1 to i32
      %cond3A_94 = arith.constant 0 : i32
      %cond3A_95 = arith.cmpi ne, %convert_element_type3A_93, %cond3A_94 : i32
      scf.if %cond3A_95 {
        %dma_start3A_117 = arith.constant 0 : i32
        %dma_start3A_118 = arith.constant 0 : i32
        %dma_start3A_119 = arith.constant 0 : i32
        %dma_start3A_120 = tpu.memref_slice %arg8[%dma_start3A_118, %dma_start3A_119] : memref<256x128xf32, #tpu.memory_space<vmem>> -> memref<128x128xf32, #tpu.memory_space<vmem>>
        %dma_start3A_121 = arith.constant 0 : i32
        %dma_start3A_122 = tpu.memref_slice %arg6[%add3A_91, %dma_start3A_121] : memref<40x128xi32, #tpu.memory_space<vmem>> -> memref<1x128xi32, #tpu.memory_space<vmem>>
        %dma_start3A_123 = tpu.memref_squeeze %dma_start3A_122 : memref<1x128xi32, #tpu.memory_space<vmem>> -> memref<128xi32, #tpu.memory_space<vmem>>
        %dma_start3A_124 = arith.constant 0 : i32
        %dma_start3A_125 = arith.constant 0 : i32
        %dma_start3A_126 = tpu.memref_slice %arg2[%dma_start3A_124, %dma_start3A_125] : memref<10240x128xf32, #tpu.memory_space<hbm>> -> memref<10240x128xf32, #tpu.memory_space<hbm>>
        %dma_start3A_127 = tpu.memref_slice %arg10[%dma_start3A_117] : memref<2x!tpu.dma_semaphore, #tpu.memory_space<semaphore_mem>> -> memref<1x!tpu.dma_semaphore, #tpu.memory_space<semaphore_mem>>
        %dma_start3A_128 = tpu.memref_squeeze %dma_start3A_127 : memref<1x!tpu.dma_semaphore, #tpu.memory_space<semaphore_mem>> -> memref<!tpu.dma_semaphore, #tpu.memory_space<semaphore_mem>>
        tpu.enqueue_indirect_dma source(%dma_start3A_126 : memref<10240x128xf32, #tpu.memory_space<hbm>>) target(%dma_start3A_120 : memref<128x128xf32, #tpu.memory_space<vmem>>) offsets(%dma_start3A_123 : memref<128xi32, #tpu.memory_space<vmem>>) semaphore(%dma_start3A_128 : memref<!tpu.dma_semaphore, #tpu.memory_space<semaphore_mem>>)
      } else {
      }
      %add3A_96 = arith.constant 1 : i32
      %add3A_97 = arith.addi %mul3A_76, %add3A_96 : i32
      %dma_wait3A_98 = arith.constant 1 : i32
      %dma_wait3A_99 = arith.constant 128 : i32
      %dma_wait3A_100 = arith.constant 0 : i32
      %dma_wait3A_101 = tpu.memref_slice %arg8[%dma_wait3A_99, %dma_wait3A_100] : memref<256x128xf32, #tpu.memory_space<vmem>> -> memref<128x128xf32, #tpu.memory_space<vmem>>
      %dma_wait3A_102 = arith.constant 0 : i32
      %dma_wait3A_103 = tpu.memref_slice %arg6[%add3A_97, %dma_wait3A_102] : memref<40x128xi32, #tpu.memory_space<vmem>> -> memref<1x128xi32, #tpu.memory_space<vmem>>
      %dma_wait3A_104 = tpu.memref_squeeze %dma_wait3A_103 : memref<1x128xi32, #tpu.memory_space<vmem>> -> memref<128xi32, #tpu.memory_space<vmem>>
      %dma_wait3A_105 = arith.constant 0 : i32
      %dma_wait3A_106 = arith.constant 0 : i32
      %dma_wait3A_107 = tpu.memref_slice %arg2[%dma_wait3A_105, %dma_wait3A_106] : memref<10240x128xf32, #tpu.memory_space<hbm>> -> memref<10240x128xf32, #tpu.memory_space<hbm>>
      %dma_wait3A_108 = tpu.memref_slice %arg10[%dma_wait3A_98] : memref<2x!tpu.dma_semaphore, #tpu.memory_space<semaphore_mem>> -> memref<1x!tpu.dma_semaphore, #tpu.memory_space<semaphore_mem>>
      %dma_wait3A_109 = tpu.memref_squeeze %dma_wait3A_108 : memref<1x!tpu.dma_semaphore, #tpu.memory_space<semaphore_mem>> -> memref<!tpu.dma_semaphore, #tpu.memory_space<semaphore_mem>>
      tpu.wait_indirect_dma semaphore(%dma_wait3A_109 : memref<!tpu.dma_semaphore, #tpu.memory_space<semaphore_mem>>) src(%dma_wait3A_107 : memref<10240x128xf32, #tpu.memory_space<hbm>>) dst(%dma_wait3A_101 : memref<128x128xf32, #tpu.memory_space<vmem>>)
      "tpu.region"() ({
        %run_scoped3A = tpu.sem_alloc : memref<!tpu.dma_semaphore, #tpu.memory_space<semaphore_mem>>
        %dma_start3A_117 = arith.constant 128 : i32
        %dma_start3A_118 = arith.constant 0 : i32
        %dma_start3A_119 = tpu.memref_slice %arg8[%dma_start3A_117, %dma_start3A_118] : memref<256x128xf32, #tpu.memory_space<vmem>> -> memref<128x128xf32, #tpu.memory_space<vmem>>
        %dma_start3A_120 = arith.constant 0 : i32
        %dma_start3A_121 = tpu.memref_slice %arg7[%add3A_97, %dma_start3A_120] : memref<40x128xi32, #tpu.memory_space<vmem>> -> memref<1x128xi32, #tpu.memory_space<vmem>>
        %dma_start3A_122 = tpu.memref_squeeze %dma_start3A_121 : memref<1x128xi32, #tpu.memory_space<vmem>> -> memref<128xi32, #tpu.memory_space<vmem>>
        %dma_start3A_123 = arith.constant 0 : i32
        %dma_start3A_124 = arith.constant 0 : i32
        %dma_start3A_125 = tpu.memref_slice %arg9[%dma_start3A_123, %dma_start3A_124] : memref<10240x128xf32, #tpu.memory_space<vmem_shared>> -> memref<10240x128xf32, #tpu.memory_space<vmem_shared>>
        tpu.enqueue_indirect_dma source(%dma_start3A_119 : memref<128x128xf32, #tpu.memory_space<vmem>>) target(%dma_start3A_125 : memref<10240x128xf32, #tpu.memory_space<vmem_shared>>) offsets(%dma_start3A_122 : memref<128xi32, #tpu.memory_space<vmem>>) semaphore(%run_scoped3A : memref<!tpu.dma_semaphore, #tpu.memory_space<semaphore_mem>>) {add = true}
        %dma_wait3A_126 = arith.constant 128 : i32
        %dma_wait3A_127 = arith.constant 0 : i32
        %dma_wait3A_128 = tpu.memref_slice %arg8[%dma_wait3A_126, %dma_wait3A_127] : memref<256x128xf32, #tpu.memory_space<vmem>> -> memref<128x128xf32, #tpu.memory_space<vmem>>
        %dma_wait3A_129 = arith.constant 0 : i32
        %dma_wait3A_130 = tpu.memref_slice %arg7[%add3A_97, %dma_wait3A_129] : memref<40x128xi32, #tpu.memory_space<vmem>> -> memref<1x128xi32, #tpu.memory_space<vmem>>
        %dma_wait3A_131 = tpu.memref_squeeze %dma_wait3A_130 : memref<1x128xi32, #tpu.memory_space<vmem>> -> memref<128xi32, #tpu.memory_space<vmem>>
        %dma_wait3A_132 = arith.constant 0 : i32
        %dma_wait3A_133 = arith.constant 0 : i32
        %dma_wait3A_134 = tpu.memref_slice %arg9[%dma_wait3A_132, %dma_wait3A_133] : memref<10240x128xf32, #tpu.memory_space<vmem_shared>> -> memref<10240x128xf32, #tpu.memory_space<vmem_shared>>
        tpu.wait_indirect_dma semaphore(%run_scoped3A : memref<!tpu.dma_semaphore, #tpu.memory_space<semaphore_mem>>) src(%dma_wait3A_128 : memref<128x128xf32, #tpu.memory_space<vmem>>) dst(%dma_wait3A_134 : memref<10240x128xf32, #tpu.memory_space<vmem_shared>>)
        tpu.yield
      }) : () -> ()
      %add3A_110 = arith.constant 2 : i32
      %add3A_111 = arith.addi %add3A_97, %add3A_110 : i32
      %lt3A_112 = arith.constant 40 : i32
      %lt3A_113 = arith.cmpi slt, %add3A_111, %lt3A_112 : i32
      %convert_element_type3A_114 = arith.extui %lt3A_113 : i1 to i32
      %cond3A_115 = arith.constant 0 : i32
      %cond3A_116 = arith.cmpi ne, %convert_element_type3A_114, %cond3A_115 : i32
      scf.if %cond3A_116 {
        %dma_start3A_117 = arith.constant 1 : i32
        %dma_start3A_118 = arith.constant 128 : i32
        %dma_start3A_119 = arith.constant 0 : i32
        %dma_start3A_120 = tpu.memref_slice %arg8[%dma_start3A_118, %dma_start3A_119] : memref<256x128xf32, #tpu.memory_space<vmem>> -> memref<128x128xf32, #tpu.memory_space<vmem>>
        %dma_start3A_121 = arith.constant 0 : i32
        %dma_start3A_122 = tpu.memref_slice %arg6[%add3A_111, %dma_start3A_121] : memref<40x128xi32, #tpu.memory_space<vmem>> -> memref<1x128xi32, #tpu.memory_space<vmem>>
        %dma_start3A_123 = tpu.memref_squeeze %dma_start3A_122 : memref<1x128xi32, #tpu.memory_space<vmem>> -> memref<128xi32, #tpu.memory_space<vmem>>
        %dma_start3A_124 = arith.constant 0 : i32
        %dma_start3A_125 = arith.constant 0 : i32
        %dma_start3A_126 = tpu.memref_slice %arg2[%dma_start3A_124, %dma_start3A_125] : memref<10240x128xf32, #tpu.memory_space<hbm>> -> memref<10240x128xf32, #tpu.memory_space<hbm>>
        %dma_start3A_127 = tpu.memref_slice %arg10[%dma_start3A_117] : memref<2x!tpu.dma_semaphore, #tpu.memory_space<semaphore_mem>> -> memref<1x!tpu.dma_semaphore, #tpu.memory_space<semaphore_mem>>
        %dma_start3A_128 = tpu.memref_squeeze %dma_start3A_127 : memref<1x!tpu.dma_semaphore, #tpu.memory_space<semaphore_mem>> -> memref<!tpu.dma_semaphore, #tpu.memory_space<semaphore_mem>>
        tpu.enqueue_indirect_dma source(%dma_start3A_126 : memref<10240x128xf32, #tpu.memory_space<hbm>>) target(%dma_start3A_120 : memref<128x128xf32, #tpu.memory_space<vmem>>) offsets(%dma_start3A_123 : memref<128xi32, #tpu.memory_space<vmem>>) semaphore(%dma_start3A_128 : memref<!tpu.dma_semaphore, #tpu.memory_space<semaphore_mem>>)
      } else {
      }
    }
    %scan3A_36 = arith.constant 20 : i32
    "tpu.region"() ({
      %run_scoped3A = tpu.sem_alloc : memref<!tpu.dma_semaphore, #tpu.memory_space<semaphore_mem>>
      %dma_start3A_74 = arith.constant 40 : i32
      %dma_start3A_75 = arith.constant 0 : i32
      %dma_start3A_76 = tpu.memref_slice %arg3[%add3A, %dma_start3A_74, %dma_start3A_75] : memref<32x80x128xi32, #tpu.memory_space<hbm>> -> memref<1x40x128xi32, #tpu.memory_space<hbm>>
      %dma_start3A_77 = tpu.memref_squeeze %dma_start3A_76 : memref<1x40x128xi32, #tpu.memory_space<hbm>> -> memref<40x128xi32, #tpu.memory_space<hbm>>
      %dma_start3A_78 = arith.constant 40 : i32
      %dma_start3A_79 = arith.constant 0 : i32
      %dma_start3A_80 = tpu.memref_slice %arg3[%add3A, %dma_start3A_78, %dma_start3A_79] : memref<32x80x128xi32, #tpu.memory_space<hbm>> -> memref<1x40x128xi32, #tpu.memory_space<hbm>>
      %dma_start3A_81 = tpu.memref_squeeze %dma_start3A_80 : memref<1x40x128xi32, #tpu.memory_space<hbm>> -> memref<40x128xi32, #tpu.memory_space<hbm>>
      tpu.enqueue_dma source(%dma_start3A_81 : memref<40x128xi32, #tpu.memory_space<hbm>>) target(%arg6 : memref<40x128xi32, #tpu.memory_space<vmem>>) target_semaphore(%run_scoped3A : memref<!tpu.dma_semaphore, #tpu.memory_space<semaphore_mem>>)
      %dma_wait3A = arith.constant 40 : i32
      %dma_wait3A_82 = arith.constant 0 : i32
      %dma_wait3A_83 = tpu.memref_slice %arg3[%add3A, %dma_wait3A, %dma_wait3A_82] : memref<32x80x128xi32, #tpu.memory_space<hbm>> -> memref<1x40x128xi32, #tpu.memory_space<hbm>>
      %dma_wait3A_84 = tpu.memref_squeeze %dma_wait3A_83 : memref<1x40x128xi32, #tpu.memory_space<hbm>> -> memref<40x128xi32, #tpu.memory_space<hbm>>
      %dma_wait3A_85 = arith.constant 40 : i32
      %dma_wait3A_86 = arith.constant 0 : i32
      %dma_wait3A_87 = tpu.memref_slice %arg3[%add3A, %dma_wait3A_85, %dma_wait3A_86] : memref<32x80x128xi32, #tpu.memory_space<hbm>> -> memref<1x40x128xi32, #tpu.memory_space<hbm>>
      %dma_wait3A_88 = tpu.memref_squeeze %dma_wait3A_87 : memref<1x40x128xi32, #tpu.memory_space<hbm>> -> memref<40x128xi32, #tpu.memory_space<hbm>>
      tpu.wait_dma2 semaphore(%run_scoped3A : memref<!tpu.dma_semaphore, #tpu.memory_space<semaphore_mem>>) src(%dma_wait3A_88 : memref<40x128xi32, #tpu.memory_space<hbm>>) dst(%arg6 : memref<40x128xi32, #tpu.memory_space<vmem>>)
      tpu.yield
    }) : () -> ()
    "tpu.region"() ({
      %run_scoped3A = tpu.sem_alloc : memref<!tpu.dma_semaphore, #tpu.memory_space<semaphore_mem>>
      %dma_start3A_74 = arith.constant 40 : i32
      %dma_start3A_75 = arith.constant 0 : i32
      %dma_start3A_76 = tpu.memref_slice %arg4[%add3A, %dma_start3A_74, %dma_start3A_75] : memref<32x80x128xi32, #tpu.memory_space<hbm>> -> memref<1x40x128xi32, #tpu.memory_space<hbm>>
      %dma_start3A_77 = tpu.memref_squeeze %dma_start3A_76 : memref<1x40x128xi32, #tpu.memory_space<hbm>> -> memref<40x128xi32, #tpu.memory_space<hbm>>
      %dma_start3A_78 = arith.constant 40 : i32
      %dma_start3A_79 = arith.constant 0 : i32
      %dma_start3A_80 = tpu.memref_slice %arg4[%add3A, %dma_start3A_78, %dma_start3A_79] : memref<32x80x128xi32, #tpu.memory_space<hbm>> -> memref<1x40x128xi32, #tpu.memory_space<hbm>>
      %dma_start3A_81 = tpu.memref_squeeze %dma_start3A_80 : memref<1x40x128xi32, #tpu.memory_space<hbm>> -> memref<40x128xi32, #tpu.memory_space<hbm>>
      tpu.enqueue_dma source(%dma_start3A_81 : memref<40x128xi32, #tpu.memory_space<hbm>>) target(%arg7 : memref<40x128xi32, #tpu.memory_space<vmem>>) target_semaphore(%run_scoped3A : memref<!tpu.dma_semaphore, #tpu.memory_space<semaphore_mem>>)
      %dma_wait3A = arith.constant 40 : i32
      %dma_wait3A_82 = arith.constant 0 : i32
      %dma_wait3A_83 = tpu.memref_slice %arg4[%add3A, %dma_wait3A, %dma_wait3A_82] : memref<32x80x128xi32, #tpu.memory_space<hbm>> -> memref<1x40x128xi32, #tpu.memory_space<hbm>>
      %dma_wait3A_84 = tpu.memref_squeeze %dma_wait3A_83 : memref<1x40x128xi32, #tpu.memory_space<hbm>> -> memref<40x128xi32, #tpu.memory_space<hbm>>
      %dma_wait3A_85 = arith.constant 40 : i32
      %dma_wait3A_86 = arith.constant 0 : i32
      %dma_wait3A_87 = tpu.memref_slice %arg4[%add3A, %dma_wait3A_85, %dma_wait3A_86] : memref<32x80x128xi32, #tpu.memory_space<hbm>> -> memref<1x40x128xi32, #tpu.memory_space<hbm>>
      %dma_wait3A_88 = tpu.memref_squeeze %dma_wait3A_87 : memref<1x40x128xi32, #tpu.memory_space<hbm>> -> memref<40x128xi32, #tpu.memory_space<hbm>>
      tpu.wait_dma2 semaphore(%run_scoped3A : memref<!tpu.dma_semaphore, #tpu.memory_space<semaphore_mem>>) src(%dma_wait3A_88 : memref<40x128xi32, #tpu.memory_space<hbm>>) dst(%arg7 : memref<40x128xi32, #tpu.memory_space<vmem>>)
      tpu.yield
    }) : () -> ()
    %dma_start3A_37 = arith.constant 0 : i32
    %dma_start3A_38 = arith.constant 0 : i32
    %dma_start3A_39 = arith.constant 0 : i32
    %dma_start3A_40 = arith.constant 0 : i32
    %dma_start3A_41 = tpu.memref_slice %arg8[%dma_start3A_39, %dma_start3A_40] : memref<256x128xf32, #tpu.memory_space<vmem>> -> memref<128x128xf32, #tpu.memory_space<vmem>>
    %dma_start3A_42 = arith.constant 0 : i32
    %dma_start3A_43 = tpu.memref_slice %arg6[%dma_start3A_37, %dma_start3A_42] : memref<40x128xi32, #tpu.memory_space<vmem>> -> memref<1x128xi32, #tpu.memory_space<vmem>>
    %dma_start3A_44 = tpu.memref_squeeze %dma_start3A_43 : memref<1x128xi32, #tpu.memory_space<vmem>> -> memref<128xi32, #tpu.memory_space<vmem>>
    %dma_start3A_45 = arith.constant 0 : i32
    %dma_start3A_46 = arith.constant 0 : i32
    %dma_start3A_47 = tpu.memref_slice %arg2[%dma_start3A_45, %dma_start3A_46] : memref<10240x128xf32, #tpu.memory_space<hbm>> -> memref<10240x128xf32, #tpu.memory_space<hbm>>
    %dma_start3A_48 = tpu.memref_slice %arg10[%dma_start3A_38] : memref<2x!tpu.dma_semaphore, #tpu.memory_space<semaphore_mem>> -> memref<1x!tpu.dma_semaphore, #tpu.memory_space<semaphore_mem>>
    %dma_start3A_49 = tpu.memref_squeeze %dma_start3A_48 : memref<1x!tpu.dma_semaphore, #tpu.memory_space<semaphore_mem>> -> memref<!tpu.dma_semaphore, #tpu.memory_space<semaphore_mem>>
    tpu.enqueue_indirect_dma source(%dma_start3A_47 : memref<10240x128xf32, #tpu.memory_space<hbm>>) target(%dma_start3A_41 : memref<128x128xf32, #tpu.memory_space<vmem>>) offsets(%dma_start3A_44 : memref<128xi32, #tpu.memory_space<vmem>>) semaphore(%dma_start3A_49 : memref<!tpu.dma_semaphore, #tpu.memory_space<semaphore_mem>>)
    %dma_start3A_50 = arith.constant 1 : i32
    %dma_start3A_51 = arith.constant 1 : i32
    %dma_start3A_52 = arith.constant 128 : i32
    %dma_start3A_53 = arith.constant 0 : i32
    %dma_start3A_54 = tpu.memref_slice %arg8[%dma_start3A_52, %dma_start3A_53] : memref<256x128xf32, #tpu.memory_space<vmem>> -> memref<128x128xf32, #tpu.memory_space<vmem>>
    %dma_start3A_55 = arith.constant 0 : i32
    %dma_start3A_56 = tpu.memref_slice %arg6[%dma_start3A_50, %dma_start3A_55] : memref<40x128xi32, #tpu.memory_space<vmem>> -> memref<1x128xi32, #tpu.memory_space<vmem>>
    %dma_start3A_57 = tpu.memref_squeeze %dma_start3A_56 : memref<1x128xi32, #tpu.memory_space<vmem>> -> memref<128xi32, #tpu.memory_space<vmem>>
    %dma_start3A_58 = arith.constant 0 : i32
    %dma_start3A_59 = arith.constant 0 : i32
    %dma_start3A_60 = tpu.memref_slice %arg2[%dma_start3A_58, %dma_start3A_59] : memref<10240x128xf32, #tpu.memory_space<hbm>> -> memref<10240x128xf32, #tpu.memory_space<hbm>>
    %dma_start3A_61 = tpu.memref_slice %arg10[%dma_start3A_51] : memref<2x!tpu.dma_semaphore, #tpu.memory_space<semaphore_mem>> -> memref<1x!tpu.dma_semaphore, #tpu.memory_space<semaphore_mem>>
    %dma_start3A_62 = tpu.memref_squeeze %dma_start3A_61 : memref<1x!tpu.dma_semaphore, #tpu.memory_space<semaphore_mem>> -> memref<!tpu.dma_semaphore, #tpu.memory_space<semaphore_mem>>
    tpu.enqueue_indirect_dma source(%dma_start3A_60 : memref<10240x128xf32, #tpu.memory_space<hbm>>) target(%dma_start3A_54 : memref<128x128xf32, #tpu.memory_space<vmem>>) offsets(%dma_start3A_57 : memref<128xi32, #tpu.memory_space<vmem>>) semaphore(%dma_start3A_62 : memref<!tpu.dma_semaphore, #tpu.memory_space<semaphore_mem>>)
    %scan3A_63 = arith.constant 0 : i32
    %scan3A_64 = arith.constant 0 : i32
    %scan3A_65 = arith.constant 20 : i32
    %scan3A_66 = arith.addi %scan3A_64, %scan3A_65 : i32
    %scan3A_67 = arith.constant 1 : i32
    scf.for %scan3A_74 = %scan3A_64 to %scan3A_66 step %scan3A_67  : i32 {
      %mul3A_75 = arith.constant 2 : i32
      %mul3A_76 = arith.muli %scan3A_74, %mul3A_75 : i32
      %add3A_77 = arith.constant 0 : i32
      %add3A_78 = arith.addi %mul3A_76, %add3A_77 : i32
      %dma_wait3A = arith.constant 0 : i32
      %dma_wait3A_79 = arith.constant 0 : i32
      %dma_wait3A_80 = arith.constant 0 : i32
      %dma_wait3A_81 = tpu.memref_slice %arg8[%dma_wait3A_79, %dma_wait3A_80] : memref<256x128xf32, #tpu.memory_space<vmem>> -> memref<128x128xf32, #tpu.memory_space<vmem>>
      %dma_wait3A_82 = arith.constant 0 : i32
      %dma_wait3A_83 = tpu.memref_slice %arg6[%add3A_78, %dma_wait3A_82] : memref<40x128xi32, #tpu.memory_space<vmem>> -> memref<1x128xi32, #tpu.memory_space<vmem>>
      %dma_wait3A_84 = tpu.memref_squeeze %dma_wait3A_83 : memref<1x128xi32, #tpu.memory_space<vmem>> -> memref<128xi32, #tpu.memory_space<vmem>>
      %dma_wait3A_85 = arith.constant 0 : i32
      %dma_wait3A_86 = arith.constant 0 : i32
      %dma_wait3A_87 = tpu.memref_slice %arg2[%dma_wait3A_85, %dma_wait3A_86] : memref<10240x128xf32, #tpu.memory_space<hbm>> -> memref<10240x128xf32, #tpu.memory_space<hbm>>
      %dma_wait3A_88 = tpu.memref_slice %arg10[%dma_wait3A] : memref<2x!tpu.dma_semaphore, #tpu.memory_space<semaphore_mem>> -> memref<1x!tpu.dma_semaphore, #tpu.memory_space<semaphore_mem>>
      %dma_wait3A_89 = tpu.memref_squeeze %dma_wait3A_88 : memref<1x!tpu.dma_semaphore, #tpu.memory_space<semaphore_mem>> -> memref<!tpu.dma_semaphore, #tpu.memory_space<semaphore_mem>>
      tpu.wait_indirect_dma semaphore(%dma_wait3A_89 : memref<!tpu.dma_semaphore, #tpu.memory_space<semaphore_mem>>) src(%dma_wait3A_87 : memref<10240x128xf32, #tpu.memory_space<hbm>>) dst(%dma_wait3A_81 : memref<128x128xf32, #tpu.memory_space<vmem>>)
      "tpu.region"() ({
        %run_scoped3A = tpu.sem_alloc : memref<!tpu.dma_semaphore, #tpu.memory_space<semaphore_mem>>
        %dma_start3A_117 = arith.constant 0 : i32
        %dma_start3A_118 = arith.constant 0 : i32
        %dma_start3A_119 = tpu.memref_slice %arg8[%dma_start3A_117, %dma_start3A_118] : memref<256x128xf32, #tpu.memory_space<vmem>> -> memref<128x128xf32, #tpu.memory_space<vmem>>
        %dma_start3A_120 = arith.constant 0 : i32
        %dma_start3A_121 = tpu.memref_slice %arg7[%add3A_78, %dma_start3A_120] : memref<40x128xi32, #tpu.memory_space<vmem>> -> memref<1x128xi32, #tpu.memory_space<vmem>>
        %dma_start3A_122 = tpu.memref_squeeze %dma_start3A_121 : memref<1x128xi32, #tpu.memory_space<vmem>> -> memref<128xi32, #tpu.memory_space<vmem>>
        %dma_start3A_123 = arith.constant 0 : i32
        %dma_start3A_124 = arith.constant 0 : i32
        %dma_start3A_125 = tpu.memref_slice %arg9[%dma_start3A_123, %dma_start3A_124] : memref<10240x128xf32, #tpu.memory_space<vmem_shared>> -> memref<10240x128xf32, #tpu.memory_space<vmem_shared>>
        tpu.enqueue_indirect_dma source(%dma_start3A_119 : memref<128x128xf32, #tpu.memory_space<vmem>>) target(%dma_start3A_125 : memref<10240x128xf32, #tpu.memory_space<vmem_shared>>) offsets(%dma_start3A_122 : memref<128xi32, #tpu.memory_space<vmem>>) semaphore(%run_scoped3A : memref<!tpu.dma_semaphore, #tpu.memory_space<semaphore_mem>>) {add = true}
        %dma_wait3A_126 = arith.constant 0 : i32
        %dma_wait3A_127 = arith.constant 0 : i32
        %dma_wait3A_128 = tpu.memref_slice %arg8[%dma_wait3A_126, %dma_wait3A_127] : memref<256x128xf32, #tpu.memory_space<vmem>> -> memref<128x128xf32, #tpu.memory_space<vmem>>
        %dma_wait3A_129 = arith.constant 0 : i32
        %dma_wait3A_130 = tpu.memref_slice %arg7[%add3A_78, %dma_wait3A_129] : memref<40x128xi32, #tpu.memory_space<vmem>> -> memref<1x128xi32, #tpu.memory_space<vmem>>
        %dma_wait3A_131 = tpu.memref_squeeze %dma_wait3A_130 : memref<1x128xi32, #tpu.memory_space<vmem>> -> memref<128xi32, #tpu.memory_space<vmem>>
        %dma_wait3A_132 = arith.constant 0 : i32
        %dma_wait3A_133 = arith.constant 0 : i32
        %dma_wait3A_134 = tpu.memref_slice %arg9[%dma_wait3A_132, %dma_wait3A_133] : memref<10240x128xf32, #tpu.memory_space<vmem_shared>> -> memref<10240x128xf32, #tpu.memory_space<vmem_shared>>
        tpu.wait_indirect_dma semaphore(%run_scoped3A : memref<!tpu.dma_semaphore, #tpu.memory_space<semaphore_mem>>) src(%dma_wait3A_128 : memref<128x128xf32, #tpu.memory_space<vmem>>) dst(%dma_wait3A_134 : memref<10240x128xf32, #tpu.memory_space<vmem_shared>>)
        tpu.yield
      }) : () -> ()
      %add3A_90 = arith.constant 2 : i32
      %add3A_91 = arith.addi %add3A_78, %add3A_90 : i32
      %lt3A = arith.constant 40 : i32
      %lt3A_92 = arith.cmpi slt, %add3A_91, %lt3A : i32
      %convert_element_type3A_93 = arith.extui %lt3A_92 : i1 to i32
      %cond3A_94 = arith.constant 0 : i32
      %cond3A_95 = arith.cmpi ne, %convert_element_type3A_93, %cond3A_94 : i32
      scf.if %cond3A_95 {
        %dma_start3A_117 = arith.constant 0 : i32
        %dma_start3A_118 = arith.constant 0 : i32
        %dma_start3A_119 = arith.constant 0 : i32
        %dma_start3A_120 = tpu.memref_slice %arg8[%dma_start3A_118, %dma_start3A_119] : memref<256x128xf32, #tpu.memory_space<vmem>> -> memref<128x128xf32, #tpu.memory_space<vmem>>
        %dma_start3A_121 = arith.constant 0 : i32
        %dma_start3A_122 = tpu.memref_slice %arg6[%add3A_91, %dma_start3A_121] : memref<40x128xi32, #tpu.memory_space<vmem>> -> memref<1x128xi32, #tpu.memory_space<vmem>>
        %dma_start3A_123 = tpu.memref_squeeze %dma_start3A_122 : memref<1x128xi32, #tpu.memory_space<vmem>> -> memref<128xi32, #tpu.memory_space<vmem>>
        %dma_start3A_124 = arith.constant 0 : i32
        %dma_start3A_125 = arith.constant 0 : i32
        %dma_start3A_126 = tpu.memref_slice %arg2[%dma_start3A_124, %dma_start3A_125] : memref<10240x128xf32, #tpu.memory_space<hbm>> -> memref<10240x128xf32, #tpu.memory_space<hbm>>
        %dma_start3A_127 = tpu.memref_slice %arg10[%dma_start3A_117] : memref<2x!tpu.dma_semaphore, #tpu.memory_space<semaphore_mem>> -> memref<1x!tpu.dma_semaphore, #tpu.memory_space<semaphore_mem>>
        %dma_start3A_128 = tpu.memref_squeeze %dma_start3A_127 : memref<1x!tpu.dma_semaphore, #tpu.memory_space<semaphore_mem>> -> memref<!tpu.dma_semaphore, #tpu.memory_space<semaphore_mem>>
        tpu.enqueue_indirect_dma source(%dma_start3A_126 : memref<10240x128xf32, #tpu.memory_space<hbm>>) target(%dma_start3A_120 : memref<128x128xf32, #tpu.memory_space<vmem>>) offsets(%dma_start3A_123 : memref<128xi32, #tpu.memory_space<vmem>>) semaphore(%dma_start3A_128 : memref<!tpu.dma_semaphore, #tpu.memory_space<semaphore_mem>>)
      } else {
      }
      %add3A_96 = arith.constant 1 : i32
      %add3A_97 = arith.addi %mul3A_76, %add3A_96 : i32
      %dma_wait3A_98 = arith.constant 1 : i32
      %dma_wait3A_99 = arith.constant 128 : i32
      %dma_wait3A_100 = arith.constant 0 : i32
      %dma_wait3A_101 = tpu.memref_slice %arg8[%dma_wait3A_99, %dma_wait3A_100] : memref<256x128xf32, #tpu.memory_space<vmem>> -> memref<128x128xf32, #tpu.memory_space<vmem>>
      %dma_wait3A_102 = arith.constant 0 : i32
      %dma_wait3A_103 = tpu.memref_slice %arg6[%add3A_97, %dma_wait3A_102] : memref<40x128xi32, #tpu.memory_space<vmem>> -> memref<1x128xi32, #tpu.memory_space<vmem>>
      %dma_wait3A_104 = tpu.memref_squeeze %dma_wait3A_103 : memref<1x128xi32, #tpu.memory_space<vmem>> -> memref<128xi32, #tpu.memory_space<vmem>>
      %dma_wait3A_105 = arith.constant 0 : i32
      %dma_wait3A_106 = arith.constant 0 : i32
      %dma_wait3A_107 = tpu.memref_slice %arg2[%dma_wait3A_105, %dma_wait3A_106] : memref<10240x128xf32, #tpu.memory_space<hbm>> -> memref<10240x128xf32, #tpu.memory_space<hbm>>
      %dma_wait3A_108 = tpu.memref_slice %arg10[%dma_wait3A_98] : memref<2x!tpu.dma_semaphore, #tpu.memory_space<semaphore_mem>> -> memref<1x!tpu.dma_semaphore, #tpu.memory_space<semaphore_mem>>
      %dma_wait3A_109 = tpu.memref_squeeze %dma_wait3A_108 : memref<1x!tpu.dma_semaphore, #tpu.memory_space<semaphore_mem>> -> memref<!tpu.dma_semaphore, #tpu.memory_space<semaphore_mem>>
      tpu.wait_indirect_dma semaphore(%dma_wait3A_109 : memref<!tpu.dma_semaphore, #tpu.memory_space<semaphore_mem>>) src(%dma_wait3A_107 : memref<10240x128xf32, #tpu.memory_space<hbm>>) dst(%dma_wait3A_101 : memref<128x128xf32, #tpu.memory_space<vmem>>)
      "tpu.region"() ({
        %run_scoped3A = tpu.sem_alloc : memref<!tpu.dma_semaphore, #tpu.memory_space<semaphore_mem>>
        %dma_start3A_117 = arith.constant 128 : i32
        %dma_start3A_118 = arith.constant 0 : i32
        %dma_start3A_119 = tpu.memref_slice %arg8[%dma_start3A_117, %dma_start3A_118] : memref<256x128xf32, #tpu.memory_space<vmem>> -> memref<128x128xf32, #tpu.memory_space<vmem>>
        %dma_start3A_120 = arith.constant 0 : i32
        %dma_start3A_121 = tpu.memref_slice %arg7[%add3A_97, %dma_start3A_120] : memref<40x128xi32, #tpu.memory_space<vmem>> -> memref<1x128xi32, #tpu.memory_space<vmem>>
        %dma_start3A_122 = tpu.memref_squeeze %dma_start3A_121 : memref<1x128xi32, #tpu.memory_space<vmem>> -> memref<128xi32, #tpu.memory_space<vmem>>
        %dma_start3A_123 = arith.constant 0 : i32
        %dma_start3A_124 = arith.constant 0 : i32
        %dma_start3A_125 = tpu.memref_slice %arg9[%dma_start3A_123, %dma_start3A_124] : memref<10240x128xf32, #tpu.memory_space<vmem_shared>> -> memref<10240x128xf32, #tpu.memory_space<vmem_shared>>
        tpu.enqueue_indirect_dma source(%dma_start3A_119 : memref<128x128xf32, #tpu.memory_space<vmem>>) target(%dma_start3A_125 : memref<10240x128xf32, #tpu.memory_space<vmem_shared>>) offsets(%dma_start3A_122 : memref<128xi32, #tpu.memory_space<vmem>>) semaphore(%run_scoped3A : memref<!tpu.dma_semaphore, #tpu.memory_space<semaphore_mem>>) {add = true}
        %dma_wait3A_126 = arith.constant 128 : i32
        %dma_wait3A_127 = arith.constant 0 : i32
        %dma_wait3A_128 = tpu.memref_slice %arg8[%dma_wait3A_126, %dma_wait3A_127] : memref<256x128xf32, #tpu.memory_space<vmem>> -> memref<128x128xf32, #tpu.memory_space<vmem>>
        %dma_wait3A_129 = arith.constant 0 : i32
        %dma_wait3A_130 = tpu.memref_slice %arg7[%add3A_97, %dma_wait3A_129] : memref<40x128xi32, #tpu.memory_space<vmem>> -> memref<1x128xi32, #tpu.memory_space<vmem>>
        %dma_wait3A_131 = tpu.memref_squeeze %dma_wait3A_130 : memref<1x128xi32, #tpu.memory_space<vmem>> -> memref<128xi32, #tpu.memory_space<vmem>>
        %dma_wait3A_132 = arith.constant 0 : i32
        %dma_wait3A_133 = arith.constant 0 : i32
        %dma_wait3A_134 = tpu.memref_slice %arg9[%dma_wait3A_132, %dma_wait3A_133] : memref<10240x128xf32, #tpu.memory_space<vmem_shared>> -> memref<10240x128xf32, #tpu.memory_space<vmem_shared>>
        tpu.wait_indirect_dma semaphore(%run_scoped3A : memref<!tpu.dma_semaphore, #tpu.memory_space<semaphore_mem>>) src(%dma_wait3A_128 : memref<128x128xf32, #tpu.memory_space<vmem>>) dst(%dma_wait3A_134 : memref<10240x128xf32, #tpu.memory_space<vmem_shared>>)
        tpu.yield
      }) : () -> ()
      %add3A_110 = arith.constant 2 : i32
      %add3A_111 = arith.addi %add3A_97, %add3A_110 : i32
      %lt3A_112 = arith.constant 40 : i32
      %lt3A_113 = arith.cmpi slt, %add3A_111, %lt3A_112 : i32
      %convert_element_type3A_114 = arith.extui %lt3A_113 : i1 to i32
      %cond3A_115 = arith.constant 0 : i32
      %cond3A_116 = arith.cmpi ne, %convert_element_type3A_114, %cond3A_115 : i32
      scf.if %cond3A_116 {
        %dma_start3A_117 = arith.constant 1 : i32
        %dma_start3A_118 = arith.constant 128 : i32
        %dma_start3A_119 = arith.constant 0 : i32
        %dma_start3A_120 = tpu.memref_slice %arg8[%dma_start3A_118, %dma_start3A_119] : memref<256x128xf32, #tpu.memory_space<vmem>> -> memref<128x128xf32, #tpu.memory_space<vmem>>
        %dma_start3A_121 = arith.constant 0 : i32
        %dma_start3A_122 = tpu.memref_slice %arg6[%add3A_111, %dma_start3A_121] : memref<40x128xi32, #tpu.memory_space<vmem>> -> memref<1x128xi32, #tpu.memory_space<vmem>>
        %dma_start3A_123 = tpu.memref_squeeze %dma_start3A_122 : memref<1x128xi32, #tpu.memory_space<vmem>> -> memref<128xi32, #tpu.memory_space<vmem>>
        %dma_start3A_124 = arith.constant 0 : i32
        %dma_start3A_125 = arith.constant 0 : i32
        %dma_start3A_126 = tpu.memref_slice %arg2[%dma_start3A_124, %dma_start3A_125] : memref<10240x128xf32, #tpu.memory_space<hbm>> -> memref<10240x128xf32, #tpu.memory_space<hbm>>
        %dma_start3A_127 = tpu.memref_slice %arg10[%dma_start3A_117] : memref<2x!tpu.dma_semaphore, #tpu.memory_space<semaphore_mem>> -> memref<1x!tpu.dma_semaphore, #tpu.memory_space<semaphore_mem>>
        %dma_start3A_128 = tpu.memref_squeeze %dma_start3A_127 : memref<1x!tpu.dma_semaphore, #tpu.memory_space<semaphore_mem>> -> memref<!tpu.dma_semaphore, #tpu.memory_space<semaphore_mem>>
        tpu.enqueue_indirect_dma source(%dma_start3A_126 : memref<10240x128xf32, #tpu.memory_space<hbm>>) target(%dma_start3A_120 : memref<128x128xf32, #tpu.memory_space<vmem>>) offsets(%dma_start3A_123 : memref<128xi32, #tpu.memory_space<vmem>>) semaphore(%dma_start3A_128 : memref<!tpu.dma_semaphore, #tpu.memory_space<semaphore_mem>>)
      } else {
      }
    }
    %scan3A_68 = arith.constant 20 : i32
    %barrier3A_69 = arith.constant 0 : index
    tpu.barrier barrier_id(%barrier3A_69)
    %mul3A_70 = arith.constant 640 : i32
    %mul3A_71 = arith.muli %arg1, %mul3A_70 : i32
    %mul3A_72 = arith.constant 640 : i32
    %mul3A_73 = arith.muli %arg1, %mul3A_72 : i32
    "tpu.region"() ({
      %run_scoped3A = tpu.sem_alloc : memref<!tpu.dma_semaphore, #tpu.memory_space<semaphore_mem>>
      %dma_start3A_74 = arith.constant 0 : i32
      %dma_start3A_75 = tpu.memref_slice %arg5[%arg0, %mul3A_73, %dma_start3A_74] : memref<2x10240x128xf32, #tpu.memory_space<hbm>> -> memref<1x640x128xf32, #tpu.memory_space<hbm>>
      %dma_start3A_76 = tpu.memref_squeeze %dma_start3A_75 : memref<1x640x128xf32, #tpu.memory_space<hbm>> -> memref<640x128xf32, #tpu.memory_space<hbm>>
      %dma_start3A_77 = arith.constant 0 : i32
      %dma_start3A_78 = tpu.memref_slice %arg9[%mul3A_71, %dma_start3A_77] : memref<10240x128xf32, #tpu.memory_space<vmem_shared>> -> memref<640x128xf32, #tpu.memory_space<vmem_shared>>
      tpu.enqueue_dma source(%dma_start3A_78 : memref<640x128xf32, #tpu.memory_space<vmem_shared>>) target(%dma_start3A_76 : memref<640x128xf32, #tpu.memory_space<hbm>>) target_semaphore(%run_scoped3A : memref<!tpu.dma_semaphore, #tpu.memory_space<semaphore_mem>>)
      %dma_wait3A = arith.constant 0 : i32
      %dma_wait3A_79 = tpu.memref_slice %arg5[%arg0, %mul3A_73, %dma_wait3A] : memref<2x10240x128xf32, #tpu.memory_space<hbm>> -> memref<1x640x128xf32, #tpu.memory_space<hbm>>
      %dma_wait3A_80 = tpu.memref_squeeze %dma_wait3A_79 : memref<1x640x128xf32, #tpu.memory_space<hbm>> -> memref<640x128xf32, #tpu.memory_space<hbm>>
      %dma_wait3A_81 = arith.constant 0 : i32
      %dma_wait3A_82 = tpu.memref_slice %arg9[%mul3A_71, %dma_wait3A_81] : memref<10240x128xf32, #tpu.memory_space<vmem_shared>> -> memref<640x128xf32, #tpu.memory_space<vmem_shared>>
      tpu.wait_dma2 semaphore(%run_scoped3A : memref<!tpu.dma_semaphore, #tpu.memory_space<semaphore_mem>>) src(%dma_wait3A_82 : memref<640x128xf32, #tpu.memory_space<vmem_shared>>) dst(%dma_wait3A_80 : memref<640x128xf32, #tpu.memory_space<hbm>>)
      tpu.yield
    }) : () -> ()
    return
  }
}

#map = affine_map<(d0, d1) -> (0, 0, 0)>
#map1 = affine_map<(d0, d1) -> (0)>
#map2 = affine_map<(d0, d1) -> (0, 0)>
module attributes {stable_mosaic.version = 14 : i64} {
  func.func @_sc_degree_body(%arg0: i32, %arg1: i32, %arg2: memref<32x80x128xi32, #tpu.memory_space<hbm>>, %arg3: memref<10240xf32, #tpu.memory_space<hbm>>, %arg4: memref<80x128xf32, #tpu.memory_space<hbm>>, %arg5: memref<2x10240xf32, #tpu.memory_space<hbm>>, %arg6: memref<80x128xi32, #tpu.memory_space<vmem>>, %arg7: memref<80x128xf32, #tpu.memory_space<vmem>>, %arg8: memref<10240xf32, #tpu.memory_space<vmem_shared>>) attributes {dimension_semantics = [#tpu.dimension_semantics<core_parallel>, #tpu.dimension_semantics<subcore_parallel>], iteration_bounds = array<i64: 2, 16>, scalar_prefetch = 0 : i64, scratch_operands = 3 : i64, tpu.core_type = #tpu.core_type<sc_vector_subcore>, window_params = [{transform_indices = #map}, {transform_indices = #map1}, {transform_indices = #map2}, {transform_indices = #map2}]} {
    %mul3A = arith.constant 16 : i32
    %mul3A_0 = arith.muli %arg0, %mul3A : i32
    %add3A = arith.addi %mul3A_0, %arg1 : i32
    %mul3A_1 = arith.constant 640 : i32
    %mul3A_2 = arith.muli %arg1, %mul3A_1 : i32
    %mul3A_3 = arith.constant 640 : i32
    %mul3A_4 = arith.muli %arg1, %mul3A_3 : i32
    "tpu.region"() ({
      %run_scoped3A = tpu.sem_alloc : memref<!tpu.dma_semaphore, #tpu.memory_space<semaphore_mem>>
      %dma_start3A = tpu.memref_slice %arg8[%mul3A_4] : memref<10240xf32, #tpu.memory_space<vmem_shared>> -> memref<640xf32, #tpu.memory_space<vmem_shared>>
      %dma_start3A_15 = tpu.memref_slice %arg3[%mul3A_2] : memref<10240xf32, #tpu.memory_space<hbm>> -> memref<640xf32, #tpu.memory_space<hbm>>
      tpu.enqueue_dma source(%dma_start3A_15 : memref<640xf32, #tpu.memory_space<hbm>>) target(%dma_start3A : memref<640xf32, #tpu.memory_space<vmem_shared>>) target_semaphore(%run_scoped3A : memref<!tpu.dma_semaphore, #tpu.memory_space<semaphore_mem>>)
      %dma_wait3A = tpu.memref_slice %arg8[%mul3A_4] : memref<10240xf32, #tpu.memory_space<vmem_shared>> -> memref<640xf32, #tpu.memory_space<vmem_shared>>
      %dma_wait3A_16 = tpu.memref_slice %arg3[%mul3A_2] : memref<10240xf32, #tpu.memory_space<hbm>> -> memref<640xf32, #tpu.memory_space<hbm>>
      tpu.wait_dma2 semaphore(%run_scoped3A : memref<!tpu.dma_semaphore, #tpu.memory_space<semaphore_mem>>) src(%dma_wait3A_16 : memref<640xf32, #tpu.memory_space<hbm>>) dst(%dma_wait3A : memref<640xf32, #tpu.memory_space<vmem_shared>>)
      tpu.yield
    }) : () -> ()
    "tpu.region"() ({
      %run_scoped3A = tpu.sem_alloc : memref<!tpu.dma_semaphore, #tpu.memory_space<semaphore_mem>>
      %dma_start3A = arith.constant 0 : i32
      %dma_start3A_15 = arith.constant 0 : i32
      %dma_start3A_16 = tpu.memref_slice %arg2[%add3A, %dma_start3A, %dma_start3A_15] : memref<32x80x128xi32, #tpu.memory_space<hbm>> -> memref<1x80x128xi32, #tpu.memory_space<hbm>>
      %dma_start3A_17 = tpu.memref_squeeze %dma_start3A_16 : memref<1x80x128xi32, #tpu.memory_space<hbm>> -> memref<80x128xi32, #tpu.memory_space<hbm>>
      %dma_start3A_18 = arith.constant 0 : i32
      %dma_start3A_19 = arith.constant 0 : i32
      %dma_start3A_20 = tpu.memref_slice %arg2[%add3A, %dma_start3A_18, %dma_start3A_19] : memref<32x80x128xi32, #tpu.memory_space<hbm>> -> memref<1x80x128xi32, #tpu.memory_space<hbm>>
      %dma_start3A_21 = tpu.memref_squeeze %dma_start3A_20 : memref<1x80x128xi32, #tpu.memory_space<hbm>> -> memref<80x128xi32, #tpu.memory_space<hbm>>
      tpu.enqueue_dma source(%dma_start3A_21 : memref<80x128xi32, #tpu.memory_space<hbm>>) target(%arg6 : memref<80x128xi32, #tpu.memory_space<vmem>>) target_semaphore(%run_scoped3A : memref<!tpu.dma_semaphore, #tpu.memory_space<semaphore_mem>>)
      %dma_wait3A = arith.constant 0 : i32
      %dma_wait3A_22 = arith.constant 0 : i32
      %dma_wait3A_23 = tpu.memref_slice %arg2[%add3A, %dma_wait3A, %dma_wait3A_22] : memref<32x80x128xi32, #tpu.memory_space<hbm>> -> memref<1x80x128xi32, #tpu.memory_space<hbm>>
      %dma_wait3A_24 = tpu.memref_squeeze %dma_wait3A_23 : memref<1x80x128xi32, #tpu.memory_space<hbm>> -> memref<80x128xi32, #tpu.memory_space<hbm>>
      %dma_wait3A_25 = arith.constant 0 : i32
      %dma_wait3A_26 = arith.constant 0 : i32
      %dma_wait3A_27 = tpu.memref_slice %arg2[%add3A, %dma_wait3A_25, %dma_wait3A_26] : memref<32x80x128xi32, #tpu.memory_space<hbm>> -> memref<1x80x128xi32, #tpu.memory_space<hbm>>
      %dma_wait3A_28 = tpu.memref_squeeze %dma_wait3A_27 : memref<1x80x128xi32, #tpu.memory_space<hbm>> -> memref<80x128xi32, #tpu.memory_space<hbm>>
      tpu.wait_dma2 semaphore(%run_scoped3A : memref<!tpu.dma_semaphore, #tpu.memory_space<semaphore_mem>>) src(%dma_wait3A_28 : memref<80x128xi32, #tpu.memory_space<hbm>>) dst(%arg6 : memref<80x128xi32, #tpu.memory_space<vmem>>)
      tpu.yield
    }) : () -> ()
    "tpu.region"() ({
      %run_scoped3A = tpu.sem_alloc : memref<!tpu.dma_semaphore, #tpu.memory_space<semaphore_mem>>
      tpu.enqueue_dma source(%arg4 : memref<80x128xf32, #tpu.memory_space<hbm>>) target(%arg7 : memref<80x128xf32, #tpu.memory_space<vmem>>) target_semaphore(%run_scoped3A : memref<!tpu.dma_semaphore, #tpu.memory_space<semaphore_mem>>)
      tpu.wait_dma2 semaphore(%run_scoped3A : memref<!tpu.dma_semaphore, #tpu.memory_space<semaphore_mem>>) src(%arg4 : memref<80x128xf32, #tpu.memory_space<hbm>>) dst(%arg7 : memref<80x128xf32, #tpu.memory_space<vmem>>)
      tpu.yield
    }) : () -> ()
    %barrier3A = arith.constant 0 : index
    tpu.barrier barrier_id(%barrier3A)
    %scan3A = arith.constant 0 : i32
    %scan3A_5 = arith.constant 0 : i32
    %scan3A_6 = arith.constant 80 : i32
    %scan3A_7 = arith.addi %scan3A_5, %scan3A_6 : i32
    %scan3A_8 = arith.constant 1 : i32
    scf.for %scan3A_15 = %scan3A_5 to %scan3A_7 step %scan3A_8  : i32 {
      "tpu.region"() ({
        %run_scoped3A = tpu.sem_alloc : memref<!tpu.dma_semaphore, #tpu.memory_space<semaphore_mem>>
        %dma_start3A = arith.constant 0 : i32
        %dma_start3A_16 = tpu.memref_slice %arg7[%scan3A_15, %dma_start3A] : memref<80x128xf32, #tpu.memory_space<vmem>> -> memref<1x128xf32, #tpu.memory_space<vmem>>
        %dma_start3A_17 = tpu.memref_squeeze %dma_start3A_16 : memref<1x128xf32, #tpu.memory_space<vmem>> -> memref<128xf32, #tpu.memory_space<vmem>>
        %dma_start3A_18 = arith.constant 0 : i32
        %dma_start3A_19 = tpu.memref_slice %arg6[%scan3A_15, %dma_start3A_18] : memref<80x128xi32, #tpu.memory_space<vmem>> -> memref<1x128xi32, #tpu.memory_space<vmem>>
        %dma_start3A_20 = tpu.memref_squeeze %dma_start3A_19 : memref<1x128xi32, #tpu.memory_space<vmem>> -> memref<128xi32, #tpu.memory_space<vmem>>
        %dma_start3A_21 = arith.constant 0 : i32
        %dma_start3A_22 = tpu.memref_slice %arg8[%dma_start3A_21] : memref<10240xf32, #tpu.memory_space<vmem_shared>> -> memref<10240xf32, #tpu.memory_space<vmem_shared>>
        tpu.enqueue_indirect_dma source(%dma_start3A_17 : memref<128xf32, #tpu.memory_space<vmem>>) target(%dma_start3A_22 : memref<10240xf32, #tpu.memory_space<vmem_shared>>) offsets(%dma_start3A_20 : memref<128xi32, #tpu.memory_space<vmem>>) semaphore(%run_scoped3A : memref<!tpu.dma_semaphore, #tpu.memory_space<semaphore_mem>>) {add = true}
        %dma_wait3A = arith.constant 0 : i32
        %dma_wait3A_23 = tpu.memref_slice %arg7[%scan3A_15, %dma_wait3A] : memref<80x128xf32, #tpu.memory_space<vmem>> -> memref<1x128xf32, #tpu.memory_space<vmem>>
        %dma_wait3A_24 = tpu.memref_squeeze %dma_wait3A_23 : memref<1x128xf32, #tpu.memory_space<vmem>> -> memref<128xf32, #tpu.memory_space<vmem>>
        %dma_wait3A_25 = arith.constant 0 : i32
        %dma_wait3A_26 = tpu.memref_slice %arg6[%scan3A_15, %dma_wait3A_25] : memref<80x128xi32, #tpu.memory_space<vmem>> -> memref<1x128xi32, #tpu.memory_space<vmem>>
        %dma_wait3A_27 = tpu.memref_squeeze %dma_wait3A_26 : memref<1x128xi32, #tpu.memory_space<vmem>> -> memref<128xi32, #tpu.memory_space<vmem>>
        %dma_wait3A_28 = arith.constant 0 : i32
        %dma_wait3A_29 = tpu.memref_slice %arg8[%dma_wait3A_28] : memref<10240xf32, #tpu.memory_space<vmem_shared>> -> memref<10240xf32, #tpu.memory_space<vmem_shared>>
        tpu.wait_indirect_dma semaphore(%run_scoped3A : memref<!tpu.dma_semaphore, #tpu.memory_space<semaphore_mem>>) src(%dma_wait3A_24 : memref<128xf32, #tpu.memory_space<vmem>>) dst(%dma_wait3A_29 : memref<10240xf32, #tpu.memory_space<vmem_shared>>)
        tpu.yield
      }) : () -> ()
    }
    %scan3A_9 = arith.constant 80 : i32
    %barrier3A_10 = arith.constant 0 : index
    tpu.barrier barrier_id(%barrier3A_10)
    %mul3A_11 = arith.constant 640 : i32
    %mul3A_12 = arith.muli %arg1, %mul3A_11 : i32
    %mul3A_13 = arith.constant 640 : i32
    %mul3A_14 = arith.muli %arg1, %mul3A_13 : i32
    "tpu.region"() ({
      %run_scoped3A = tpu.sem_alloc : memref<!tpu.dma_semaphore, #tpu.memory_space<semaphore_mem>>
      %dma_start3A = tpu.memref_slice %arg5[%arg0, %mul3A_14] : memref<2x10240xf32, #tpu.memory_space<hbm>> -> memref<1x640xf32, #tpu.memory_space<hbm>>
      %dma_start3A_15 = tpu.memref_squeeze %dma_start3A : memref<1x640xf32, #tpu.memory_space<hbm>> -> memref<640xf32, #tpu.memory_space<hbm>>
      %dma_start3A_16 = tpu.memref_slice %arg8[%mul3A_12] : memref<10240xf32, #tpu.memory_space<vmem_shared>> -> memref<640xf32, #tpu.memory_space<vmem_shared>>
      tpu.enqueue_dma source(%dma_start3A_16 : memref<640xf32, #tpu.memory_space<vmem_shared>>) target(%dma_start3A_15 : memref<640xf32, #tpu.memory_space<hbm>>) target_semaphore(%run_scoped3A : memref<!tpu.dma_semaphore, #tpu.memory_space<semaphore_mem>>)
      %dma_wait3A = tpu.memref_slice %arg5[%arg0, %mul3A_14] : memref<2x10240xf32, #tpu.memory_space<hbm>> -> memref<1x640xf32, #tpu.memory_space<hbm>>
      %dma_wait3A_17 = tpu.memref_squeeze %dma_wait3A : memref<1x640xf32, #tpu.memory_space<hbm>> -> memref<640xf32, #tpu.memory_space<hbm>>
      %dma_wait3A_18 = tpu.memref_slice %arg8[%mul3A_12] : memref<10240xf32, #tpu.memory_space<vmem_shared>> -> memref<640xf32, #tpu.memory_space<vmem_shared>>
      tpu.wait_dma2 semaphore(%run_scoped3A : memref<!tpu.dma_semaphore, #tpu.memory_space<semaphore_mem>>) src(%dma_wait3A_18 : memref<640xf32, #tpu.memory_space<vmem_shared>>) dst(%dma_wait3A_17 : memref<640xf32, #tpu.memory_space<hbm>>)
      tpu.yield
    }) : () -> ()
    return
  }
}

#map = affine_map<(d0, d1) -> (0, 0)>
#map1 = affine_map<(d0, d1) -> (0, 0, 0)>
module attributes {stable_mosaic.version = 14 : i64} {
  func.func @_sc_scatter_body(%arg0: i32, %arg1: i32, %arg2: memref<10240x128xf32, #tpu.memory_space<hbm>>, %arg3: memref<32x80x128xi32, #tpu.memory_space<hbm>>, %arg4: memref<32x80x128xi32, #tpu.memory_space<hbm>>, %arg5: memref<2x10240x128xf32, #tpu.memory_space<hbm>>, %arg6: memref<40x128xi32, #tpu.memory_space<vmem>>, %arg7: memref<40x128xi32, #tpu.memory_space<vmem>>, %arg8: memref<256x128xf32, #tpu.memory_space<vmem>>, %arg9: memref<10240x128xf32, #tpu.memory_space<vmem_shared>>, %arg10: memref<2x!tpu.dma_semaphore, #tpu.memory_space<semaphore_mem>>) attributes {dimension_semantics = [#tpu.dimension_semantics<core_parallel>, #tpu.dimension_semantics<subcore_parallel>], iteration_bounds = array<i64: 2, 16>, scalar_prefetch = 0 : i64, scratch_operands = 5 : i64, tpu.core_type = #tpu.core_type<sc_vector_subcore>, window_params = [{transform_indices = #map}, {transform_indices = #map1}, {transform_indices = #map1}, {transform_indices = #map1}]} {
    %mul3A = arith.constant 16 : i32
    %mul3A_0 = arith.muli %arg0, %mul3A : i32
    %add3A = arith.addi %mul3A_0, %arg1 : i32
    %eq3A = arith.constant 0 : i32
    %eq3A_1 = arith.cmpi eq, %arg0, %eq3A : i32
    %convert_element_type3A = arith.extui %eq3A_1 : i1 to i32
    %cond3A = arith.constant 0 : i32
    %cond3A_2 = arith.cmpi ne, %convert_element_type3A, %cond3A : i32
    scf.if %cond3A_2 {
      %mul3A_74 = arith.constant 640 : i32
      %mul3A_75 = arith.muli %arg1, %mul3A_74 : i32
      %mul3A_76 = arith.constant 640 : i32
      %mul3A_77 = arith.muli %arg1, %mul3A_76 : i32
      "tpu.region"() ({
        %run_scoped3A = tpu.sem_alloc : memref<!tpu.dma_semaphore, #tpu.memory_space<semaphore_mem>>
        %dma_start3A_78 = arith.constant 0 : i32
        %dma_start3A_79 = tpu.memref_slice %arg9[%mul3A_77, %dma_start3A_78] : memref<10240x128xf32, #tpu.memory_space<vmem_shared>> -> memref<640x128xf32, #tpu.memory_space<vmem_shared>>
        %dma_start3A_80 = arith.constant 0 : i32
        %dma_start3A_81 = tpu.memref_slice %arg2[%mul3A_75, %dma_start3A_80] : memref<10240x128xf32, #tpu.memory_space<hbm>> -> memref<640x128xf32, #tpu.memory_space<hbm>>
        tpu.enqueue_dma source(%dma_start3A_81 : memref<640x128xf32, #tpu.memory_space<hbm>>) target(%dma_start3A_79 : memref<640x128xf32, #tpu.memory_space<vmem_shared>>) target_semaphore(%run_scoped3A : memref<!tpu.dma_semaphore, #tpu.memory_space<semaphore_mem>>)
        %dma_wait3A = arith.constant 0 : i32
        %dma_wait3A_82 = tpu.memref_slice %arg9[%mul3A_77, %dma_wait3A] : memref<10240x128xf32, #tpu.memory_space<vmem_shared>> -> memref<640x128xf32, #tpu.memory_space<vmem_shared>>
        %dma_wait3A_83 = arith.constant 0 : i32
        %dma_wait3A_84 = tpu.memref_slice %arg2[%mul3A_75, %dma_wait3A_83] : memref<10240x128xf32, #tpu.memory_space<hbm>> -> memref<640x128xf32, #tpu.memory_space<hbm>>
        tpu.wait_dma2 semaphore(%run_scoped3A : memref<!tpu.dma_semaphore, #tpu.memory_space<semaphore_mem>>) src(%dma_wait3A_84 : memref<640x128xf32, #tpu.memory_space<hbm>>) dst(%dma_wait3A_82 : memref<640x128xf32, #tpu.memory_space<vmem_shared>>)
        tpu.yield
      }) : () -> ()
    } else {
    }
    %ne3A = arith.constant 0 : i32
    %ne3A_3 = arith.cmpi ne, %arg0, %ne3A : i32
    %convert_element_type3A_4 = arith.extui %ne3A_3 : i1 to i32
    %cond3A_5 = arith.constant 0 : i32
    %cond3A_6 = arith.cmpi ne, %convert_element_type3A_4, %cond3A_5 : i32
    scf.if %cond3A_6 {
      %broadcast_in_dim3A = arith.constant 0.000000e+00 : f32
      %broadcast_in_dim3A_74 = vector.broadcast %broadcast_in_dim3A : f32 to vector<16xf32>
      %scan3A_75 = arith.constant 0 : i32
      %scan3A_76 = arith.constant 0 : i32
      %scan3A_77 = arith.constant 256 : i32
      %scan3A_78 = arith.addi %scan3A_76, %scan3A_77 : i32
      %scan3A_79 = arith.constant 1 : i32
      scf.for %scan3A_93 = %scan3A_76 to %scan3A_78 step %scan3A_79  : i32 {
        %swap3A = arith.index_cast %scan3A_93 : i32 to index
        %swap3A_94 = arith.constant 0 : index
        %swap3A_95 = tpu.vector_load %arg8[%swap3A, %swap3A_94] {strides = array<i32>} : memref<256x128xf32, #tpu.memory_space<vmem>>, vector<1x16xf32>,
        %swap3A_96 = vector.shape_cast %swap3A_95 : vector<1x16xf32> to vector<16xf32>
        %swap3A_97 = vector.shape_cast %broadcast_in_dim3A_74 : vector<16xf32> to vector<1x16xf32>
        tpu.vector_store %arg8[%swap3A, %swap3A_94], %swap3A_97 {strides = array<i32>} : memref<256x128xf32, #tpu.memory_space<vmem>>, vector<1x16xf32>,
        %swap3A_98 = arith.index_cast %scan3A_93 : i32 to index
        %swap3A_99 = arith.constant 16 : index
        %swap3A_100 = tpu.vector_load %arg8[%swap3A_98, %swap3A_99] {strides = array<i32>} : memref<256x128xf32, #tpu.memory_space<vmem>>, vector<1x16xf32>,
        %swap3A_101 = vector.shape_cast %swap3A_100 : vector<1x16xf32> to vector<16xf32>
        %swap3A_102 = vector.shape_cast %broadcast_in_dim3A_74 : vector<16xf32> to vector<1x16xf32>
        tpu.vector_store %arg8[%swap3A_98, %swap3A_99], %swap3A_102 {strides = array<i32>} : memref<256x128xf32, #tpu.memory_space<vmem>>, vector<1x16xf32>,
        %swap3A_103 = arith.index_cast %scan3A_93 : i32 to index
        %swap3A_104 = arith.constant 32 : index
        %swap3A_105 = tpu.vector_load %arg8[%swap3A_103, %swap3A_104] {strides = array<i32>} : memref<256x128xf32, #tpu.memory_space<vmem>>, vector<1x16xf32>,
        %swap3A_106 = vector.shape_cast %swap3A_105 : vector<1x16xf32> to vector<16xf32>
        %swap3A_107 = vector.shape_cast %broadcast_in_dim3A_74 : vector<16xf32> to vector<1x16xf32>
        tpu.vector_store %arg8[%swap3A_103, %swap3A_104], %swap3A_107 {strides = array<i32>} : memref<256x128xf32, #tpu.memory_space<vmem>>, vector<1x16xf32>,
        %swap3A_108 = arith.index_cast %scan3A_93 : i32 to index
        %swap3A_109 = arith.constant 48 : index
        %swap3A_110 = tpu.vector_load %arg8[%swap3A_108, %swap3A_109] {strides = array<i32>} : memref<256x128xf32, #tpu.memory_space<vmem>>, vector<1x16xf32>,
        %swap3A_111 = vector.shape_cast %swap3A_110 : vector<1x16xf32> to vector<16xf32>
        %swap3A_112 = vector.shape_cast %broadcast_in_dim3A_74 : vector<16xf32> to vector<1x16xf32>
        tpu.vector_store %arg8[%swap3A_108, %swap3A_109], %swap3A_112 {strides = array<i32>} : memref<256x128xf32, #tpu.memory_space<vmem>>, vector<1x16xf32>,
        %swap3A_113 = arith.index_cast %scan3A_93 : i32 to index
        %swap3A_114 = arith.constant 64 : index
        %swap3A_115 = tpu.vector_load %arg8[%swap3A_113, %swap3A_114] {strides = array<i32>} : memref<256x128xf32, #tpu.memory_space<vmem>>, vector<1x16xf32>,
        %swap3A_116 = vector.shape_cast %swap3A_115 : vector<1x16xf32> to vector<16xf32>
        %swap3A_117 = vector.shape_cast %broadcast_in_dim3A_74 : vector<16xf32> to vector<1x16xf32>
        tpu.vector_store %arg8[%swap3A_113, %swap3A_114], %swap3A_117 {strides = array<i32>} : memref<256x128xf32, #tpu.memory_space<vmem>>, vector<1x16xf32>,
        %swap3A_118 = arith.index_cast %scan3A_93 : i32 to index
        %swap3A_119 = arith.constant 80 : index
        %swap3A_120 = tpu.vector_load %arg8[%swap3A_118, %swap3A_119] {strides = array<i32>} : memref<256x128xf32, #tpu.memory_space<vmem>>, vector<1x16xf32>,
        %swap3A_121 = vector.shape_cast %swap3A_120 : vector<1x16xf32> to vector<16xf32>
        %swap3A_122 = vector.shape_cast %broadcast_in_dim3A_74 : vector<16xf32> to vector<1x16xf32>
        tpu.vector_store %arg8[%swap3A_118, %swap3A_119], %swap3A_122 {strides = array<i32>} : memref<256x128xf32, #tpu.memory_space<vmem>>, vector<1x16xf32>,
        %swap3A_123 = arith.index_cast %scan3A_93 : i32 to index
        %swap3A_124 = arith.constant 96 : index
        %swap3A_125 = tpu.vector_load %arg8[%swap3A_123, %swap3A_124] {strides = array<i32>} : memref<256x128xf32, #tpu.memory_space<vmem>>, vector<1x16xf32>,
        %swap3A_126 = vector.shape_cast %swap3A_125 : vector<1x16xf32> to vector<16xf32>
        %swap3A_127 = vector.shape_cast %broadcast_in_dim3A_74 : vector<16xf32> to vector<1x16xf32>
        tpu.vector_store %arg8[%swap3A_123, %swap3A_124], %swap3A_127 {strides = array<i32>} : memref<256x128xf32, #tpu.memory_space<vmem>>, vector<1x16xf32>,
        %swap3A_128 = arith.index_cast %scan3A_93 : i32 to index
        %swap3A_129 = arith.constant 112 : index
        %swap3A_130 = tpu.vector_load %arg8[%swap3A_128, %swap3A_129] {strides = array<i32>} : memref<256x128xf32, #tpu.memory_space<vmem>>, vector<1x16xf32>,
        %swap3A_131 = vector.shape_cast %swap3A_130 : vector<1x16xf32> to vector<16xf32>
        %swap3A_132 = vector.shape_cast %broadcast_in_dim3A_74 : vector<16xf32> to vector<1x16xf32>
        tpu.vector_store %arg8[%swap3A_128, %swap3A_129], %swap3A_132 {strides = array<i32>} : memref<256x128xf32, #tpu.memory_space<vmem>>, vector<1x16xf32>,
      }
      %scan3A_80 = arith.constant 256 : i32
      %mul3A_81 = arith.constant 640 : i32
      %mul3A_82 = arith.muli %arg1, %mul3A_81 : i32
      %add3A_83 = arith.constant 0 : i32
      %add3A_84 = arith.addi %mul3A_82, %add3A_83 : i32
      "tpu.region"() ({
        %run_scoped3A = tpu.sem_alloc : memref<!tpu.dma_semaphore, #tpu.memory_space<semaphore_mem>>
        %dma_start3A_93 = arith.constant 0 : i32
        %dma_start3A_94 = arith.constant 0 : i32
        %dma_start3A_95 = tpu.memref_slice %arg8[%dma_start3A_93, %dma_start3A_94] : memref<256x128xf32, #tpu.memory_space<vmem>> -> memref<256x128xf32, #tpu.memory_space<vmem>>
        %dma_start3A_96 = arith.constant 0 : i32
        %dma_start3A_97 = tpu.memref_slice %arg9[%add3A_84, %dma_start3A_96] : memref<10240x128xf32, #tpu.memory_space<vmem_shared>> -> memref<256x128xf32, #tpu.memory_space<vmem_shared>>
        %dma_start3A_98 = arith.constant 0 : i32
        %dma_start3A_99 = tpu.memref_slice %arg9[%add3A_84, %dma_start3A_98] : memref<10240x128xf32, #tpu.memory_space<vmem_shared>> -> memref<256x128xf32, #tpu.memory_space<vmem_shared>>
        %dma_start3A_100 = arith.constant 0 : i32
        %dma_start3A_101 = arith.constant 0 : i32
        %dma_start3A_102 = tpu.memref_slice %arg8[%dma_start3A_100, %dma_start3A_101] : memref<256x128xf32, #tpu.memory_space<vmem>> -> memref<256x128xf32, #tpu.memory_space<vmem>>
        tpu.enqueue_dma source(%dma_start3A_102 : memref<256x128xf32, #tpu.memory_space<vmem>>) target(%dma_start3A_99 : memref<256x128xf32, #tpu.memory_space<vmem_shared>>) target_semaphore(%run_scoped3A : memref<!tpu.dma_semaphore, #tpu.memory_space<semaphore_mem>>)
        %dma_wait3A = arith.constant 0 : i32
        %dma_wait3A_103 = arith.constant 0 : i32
        %dma_wait3A_104 = tpu.memref_slice %arg8[%dma_wait3A, %dma_wait3A_103] : memref<256x128xf32, #tpu.memory_space<vmem>> -> memref<256x128xf32, #tpu.memory_space<vmem>>
        %dma_wait3A_105 = arith.constant 0 : i32
        %dma_wait3A_106 = tpu.memref_slice %arg9[%add3A_84, %dma_wait3A_105] : memref<10240x128xf32, #tpu.memory_space<vmem_shared>> -> memref<256x128xf32, #tpu.memory_space<vmem_shared>>
        %dma_wait3A_107 = arith.constant 0 : i32
        %dma_wait3A_108 = tpu.memref_slice %arg9[%add3A_84, %dma_wait3A_107] : memref<10240x128xf32, #tpu.memory_space<vmem_shared>> -> memref<256x128xf32, #tpu.memory_space<vmem_shared>>
        %dma_wait3A_109 = arith.constant 0 : i32
        %dma_wait3A_110 = arith.constant 0 : i32
        %dma_wait3A_111 = tpu.memref_slice %arg8[%dma_wait3A_109, %dma_wait3A_110] : memref<256x128xf32, #tpu.memory_space<vmem>> -> memref<256x128xf32, #tpu.memory_space<vmem>>
        tpu.wait_dma2 semaphore(%run_scoped3A : memref<!tpu.dma_semaphore, #tpu.memory_space<semaphore_mem>>) src(%dma_wait3A_111 : memref<256x128xf32, #tpu.memory_space<vmem>>) dst(%dma_wait3A_108 : memref<256x128xf32, #tpu.memory_space<vmem_shared>>)
        tpu.yield
      }) : () -> ()
      %mul3A_85 = arith.constant 640 : i32
      %mul3A_86 = arith.muli %arg1, %mul3A_85 : i32
      %add3A_87 = arith.constant 256 : i32
      %add3A_88 = arith.addi %mul3A_86, %add3A_87 : i32
      "tpu.region"() ({
        %run_scoped3A = tpu.sem_alloc : memref<!tpu.dma_semaphore, #tpu.memory_space<semaphore_mem>>
        %dma_start3A_93 = arith.constant 0 : i32
        %dma_start3A_94 = arith.constant 0 : i32
        %dma_start3A_95 = tpu.memref_slice %arg8[%dma_start3A_93, %dma_start3A_94] : memref<256x128xf32, #tpu.memory_space<vmem>> -> memref<256x128xf32, #tpu.memory_space<vmem>>
        %dma_start3A_96 = arith.constant 0 : i32
        %dma_start3A_97 = tpu.memref_slice %arg9[%add3A_88, %dma_start3A_96] : memref<10240x128xf32, #tpu.memory_space<vmem_shared>> -> memref<256x128xf32, #tpu.memory_space<vmem_shared>>
        %dma_start3A_98 = arith.constant 0 : i32
        %dma_start3A_99 = tpu.memref_slice %arg9[%add3A_88, %dma_start3A_98] : memref<10240x128xf32, #tpu.memory_space<vmem_shared>> -> memref<256x128xf32, #tpu.memory_space<vmem_shared>>
        %dma_start3A_100 = arith.constant 0 : i32
        %dma_start3A_101 = arith.constant 0 : i32
        %dma_start3A_102 = tpu.memref_slice %arg8[%dma_start3A_100, %dma_start3A_101] : memref<256x128xf32, #tpu.memory_space<vmem>> -> memref<256x128xf32, #tpu.memory_space<vmem>>
        tpu.enqueue_dma source(%dma_start3A_102 : memref<256x128xf32, #tpu.memory_space<vmem>>) target(%dma_start3A_99 : memref<256x128xf32, #tpu.memory_space<vmem_shared>>) target_semaphore(%run_scoped3A : memref<!tpu.dma_semaphore, #tpu.memory_space<semaphore_mem>>)
        %dma_wait3A = arith.constant 0 : i32
        %dma_wait3A_103 = arith.constant 0 : i32
        %dma_wait3A_104 = tpu.memref_slice %arg8[%dma_wait3A, %dma_wait3A_103] : memref<256x128xf32, #tpu.memory_space<vmem>> -> memref<256x128xf32, #tpu.memory_space<vmem>>
        %dma_wait3A_105 = arith.constant 0 : i32
        %dma_wait3A_106 = tpu.memref_slice %arg9[%add3A_88, %dma_wait3A_105] : memref<10240x128xf32, #tpu.memory_space<vmem_shared>> -> memref<256x128xf32, #tpu.memory_space<vmem_shared>>
        %dma_wait3A_107 = arith.constant 0 : i32
        %dma_wait3A_108 = tpu.memref_slice %arg9[%add3A_88, %dma_wait3A_107] : memref<10240x128xf32, #tpu.memory_space<vmem_shared>> -> memref<256x128xf32, #tpu.memory_space<vmem_shared>>
        %dma_wait3A_109 = arith.constant 0 : i32
        %dma_wait3A_110 = arith.constant 0 : i32
        %dma_wait3A_111 = tpu.memref_slice %arg8[%dma_wait3A_109, %dma_wait3A_110] : memref<256x128xf32, #tpu.memory_space<vmem>> -> memref<256x128xf32, #tpu.memory_space<vmem>>
        tpu.wait_dma2 semaphore(%run_scoped3A : memref<!tpu.dma_semaphore, #tpu.memory_space<semaphore_mem>>) src(%dma_wait3A_111 : memref<256x128xf32, #tpu.memory_space<vmem>>) dst(%dma_wait3A_108 : memref<256x128xf32, #tpu.memory_space<vmem_shared>>)
        tpu.yield
      }) : () -> ()
      %mul3A_89 = arith.constant 640 : i32
      %mul3A_90 = arith.muli %arg1, %mul3A_89 : i32
      %add3A_91 = arith.constant 512 : i32
      %add3A_92 = arith.addi %mul3A_90, %add3A_91 : i32
      "tpu.region"() ({
        %run_scoped3A = tpu.sem_alloc : memref<!tpu.dma_semaphore, #tpu.memory_space<semaphore_mem>>
        %dma_start3A_93 = arith.constant 0 : i32
        %dma_start3A_94 = arith.constant 0 : i32
        %dma_start3A_95 = tpu.memref_slice %arg8[%dma_start3A_93, %dma_start3A_94] : memref<256x128xf32, #tpu.memory_space<vmem>> -> memref<128x128xf32, #tpu.memory_space<vmem>>
        %dma_start3A_96 = arith.constant 0 : i32
        %dma_start3A_97 = tpu.memref_slice %arg9[%add3A_92, %dma_start3A_96] : memref<10240x128xf32, #tpu.memory_space<vmem_shared>> -> memref<128x128xf32, #tpu.memory_space<vmem_shared>>
        %dma_start3A_98 = arith.constant 0 : i32
        %dma_start3A_99 = tpu.memref_slice %arg9[%add3A_92, %dma_start3A_98] : memref<10240x128xf32, #tpu.memory_space<vmem_shared>> -> memref<128x128xf32, #tpu.memory_space<vmem_shared>>
        %dma_start3A_100 = arith.constant 0 : i32
        %dma_start3A_101 = arith.constant 0 : i32
        %dma_start3A_102 = tpu.memref_slice %arg8[%dma_start3A_100, %dma_start3A_101] : memref<256x128xf32, #tpu.memory_space<vmem>> -> memref<128x128xf32, #tpu.memory_space<vmem>>
        tpu.enqueue_dma source(%dma_start3A_102 : memref<128x128xf32, #tpu.memory_space<vmem>>) target(%dma_start3A_99 : memref<128x128xf32, #tpu.memory_space<vmem_shared>>) target_semaphore(%run_scoped3A : memref<!tpu.dma_semaphore, #tpu.memory_space<semaphore_mem>>)
        %dma_wait3A = arith.constant 0 : i32
        %dma_wait3A_103 = arith.constant 0 : i32
        %dma_wait3A_104 = tpu.memref_slice %arg8[%dma_wait3A, %dma_wait3A_103] : memref<256x128xf32, #tpu.memory_space<vmem>> -> memref<128x128xf32, #tpu.memory_space<vmem>>
        %dma_wait3A_105 = arith.constant 0 : i32
        %dma_wait3A_106 = tpu.memref_slice %arg9[%add3A_92, %dma_wait3A_105] : memref<10240x128xf32, #tpu.memory_space<vmem_shared>> -> memref<128x128xf32, #tpu.memory_space<vmem_shared>>
        %dma_wait3A_107 = arith.constant 0 : i32
        %dma_wait3A_108 = tpu.memref_slice %arg9[%add3A_92, %dma_wait3A_107] : memref<10240x128xf32, #tpu.memory_space<vmem_shared>> -> memref<128x128xf32, #tpu.memory_space<vmem_shared>>
        %dma_wait3A_109 = arith.constant 0 : i32
        %dma_wait3A_110 = arith.constant 0 : i32
        %dma_wait3A_111 = tpu.memref_slice %arg8[%dma_wait3A_109, %dma_wait3A_110] : memref<256x128xf32, #tpu.memory_space<vmem>> -> memref<128x128xf32, #tpu.memory_space<vmem>>
        tpu.wait_dma2 semaphore(%run_scoped3A : memref<!tpu.dma_semaphore, #tpu.memory_space<semaphore_mem>>) src(%dma_wait3A_111 : memref<128x128xf32, #tpu.memory_space<vmem>>) dst(%dma_wait3A_108 : memref<128x128xf32, #tpu.memory_space<vmem_shared>>)
        tpu.yield
      }) : () -> ()
    } else {
    }
    %barrier3A = arith.constant 0 : index
    tpu.barrier barrier_id(%barrier3A)
    "tpu.region"() ({
      %run_scoped3A = tpu.sem_alloc : memref<!tpu.dma_semaphore, #tpu.memory_space<semaphore_mem>>
      %dma_start3A_74 = arith.constant 0 : i32
      %dma_start3A_75 = arith.constant 0 : i32
      %dma_start3A_76 = tpu.memref_slice %arg3[%add3A, %dma_start3A_74, %dma_start3A_75] : memref<32x80x128xi32, #tpu.memory_space<hbm>> -> memref<1x40x128xi32, #tpu.memory_space<hbm>>
      %dma_start3A_77 = tpu.memref_squeeze %dma_start3A_76 : memref<1x40x128xi32, #tpu.memory_space<hbm>> -> memref<40x128xi32, #tpu.memory_space<hbm>>
      %dma_start3A_78 = arith.constant 0 : i32
      %dma_start3A_79 = arith.constant 0 : i32
      %dma_start3A_80 = tpu.memref_slice %arg3[%add3A, %dma_start3A_78, %dma_start3A_79] : memref<32x80x128xi32, #tpu.memory_space<hbm>> -> memref<1x40x128xi32, #tpu.memory_space<hbm>>
      %dma_start3A_81 = tpu.memref_squeeze %dma_start3A_80 : memref<1x40x128xi32, #tpu.memory_space<hbm>> -> memref<40x128xi32, #tpu.memory_space<hbm>>
      tpu.enqueue_dma source(%dma_start3A_81 : memref<40x128xi32, #tpu.memory_space<hbm>>) target(%arg6 : memref<40x128xi32, #tpu.memory_space<vmem>>) target_semaphore(%run_scoped3A : memref<!tpu.dma_semaphore, #tpu.memory_space<semaphore_mem>>)
      %dma_wait3A = arith.constant 0 : i32
      %dma_wait3A_82 = arith.constant 0 : i32
      %dma_wait3A_83 = tpu.memref_slice %arg3[%add3A, %dma_wait3A, %dma_wait3A_82] : memref<32x80x128xi32, #tpu.memory_space<hbm>> -> memref<1x40x128xi32, #tpu.memory_space<hbm>>
      %dma_wait3A_84 = tpu.memref_squeeze %dma_wait3A_83 : memref<1x40x128xi32, #tpu.memory_space<hbm>> -> memref<40x128xi32, #tpu.memory_space<hbm>>
      %dma_wait3A_85 = arith.constant 0 : i32
      %dma_wait3A_86 = arith.constant 0 : i32
      %dma_wait3A_87 = tpu.memref_slice %arg3[%add3A, %dma_wait3A_85, %dma_wait3A_86] : memref<32x80x128xi32, #tpu.memory_space<hbm>> -> memref<1x40x128xi32, #tpu.memory_space<hbm>>
      %dma_wait3A_88 = tpu.memref_squeeze %dma_wait3A_87 : memref<1x40x128xi32, #tpu.memory_space<hbm>> -> memref<40x128xi32, #tpu.memory_space<hbm>>
      tpu.wait_dma2 semaphore(%run_scoped3A : memref<!tpu.dma_semaphore, #tpu.memory_space<semaphore_mem>>) src(%dma_wait3A_88 : memref<40x128xi32, #tpu.memory_space<hbm>>) dst(%arg6 : memref<40x128xi32, #tpu.memory_space<vmem>>)
      tpu.yield
    }) : () -> ()
    "tpu.region"() ({
      %run_scoped3A = tpu.sem_alloc : memref<!tpu.dma_semaphore, #tpu.memory_space<semaphore_mem>>
      %dma_start3A_74 = arith.constant 0 : i32
      %dma_start3A_75 = arith.constant 0 : i32
      %dma_start3A_76 = tpu.memref_slice %arg4[%add3A, %dma_start3A_74, %dma_start3A_75] : memref<32x80x128xi32, #tpu.memory_space<hbm>> -> memref<1x40x128xi32, #tpu.memory_space<hbm>>
      %dma_start3A_77 = tpu.memref_squeeze %dma_start3A_76 : memref<1x40x128xi32, #tpu.memory_space<hbm>> -> memref<40x128xi32, #tpu.memory_space<hbm>>
      %dma_start3A_78 = arith.constant 0 : i32
      %dma_start3A_79 = arith.constant 0 : i32
      %dma_start3A_80 = tpu.memref_slice %arg4[%add3A, %dma_start3A_78, %dma_start3A_79] : memref<32x80x128xi32, #tpu.memory_space<hbm>> -> memref<1x40x128xi32, #tpu.memory_space<hbm>>
      %dma_start3A_81 = tpu.memref_squeeze %dma_start3A_80 : memref<1x40x128xi32, #tpu.memory_space<hbm>> -> memref<40x128xi32, #tpu.memory_space<hbm>>
      tpu.enqueue_dma source(%dma_start3A_81 : memref<40x128xi32, #tpu.memory_space<hbm>>) target(%arg7 : memref<40x128xi32, #tpu.memory_space<vmem>>) target_semaphore(%run_scoped3A : memref<!tpu.dma_semaphore, #tpu.memory_space<semaphore_mem>>)
      %dma_wait3A = arith.constant 0 : i32
      %dma_wait3A_82 = arith.constant 0 : i32
      %dma_wait3A_83 = tpu.memref_slice %arg4[%add3A, %dma_wait3A, %dma_wait3A_82] : memref<32x80x128xi32, #tpu.memory_space<hbm>> -> memref<1x40x128xi32, #tpu.memory_space<hbm>>
      %dma_wait3A_84 = tpu.memref_squeeze %dma_wait3A_83 : memref<1x40x128xi32, #tpu.memory_space<hbm>> -> memref<40x128xi32, #tpu.memory_space<hbm>>
      %dma_wait3A_85 = arith.constant 0 : i32
      %dma_wait3A_86 = arith.constant 0 : i32
      %dma_wait3A_87 = tpu.memref_slice %arg4[%add3A, %dma_wait3A_85, %dma_wait3A_86] : memref<32x80x128xi32, #tpu.memory_space<hbm>> -> memref<1x40x128xi32, #tpu.memory_space<hbm>>
      %dma_wait3A_88 = tpu.memref_squeeze %dma_wait3A_87 : memref<1x40x128xi32, #tpu.memory_space<hbm>> -> memref<40x128xi32, #tpu.memory_space<hbm>>
      tpu.wait_dma2 semaphore(%run_scoped3A : memref<!tpu.dma_semaphore, #tpu.memory_space<semaphore_mem>>) src(%dma_wait3A_88 : memref<40x128xi32, #tpu.memory_space<hbm>>) dst(%arg7 : memref<40x128xi32, #tpu.memory_space<vmem>>)
      tpu.yield
    }) : () -> ()
    %dma_start3A = arith.constant 0 : i32
    %dma_start3A_7 = arith.constant 0 : i32
    %dma_start3A_8 = arith.constant 0 : i32
    %dma_start3A_9 = arith.constant 0 : i32
    %dma_start3A_10 = tpu.memref_slice %arg8[%dma_start3A_8, %dma_start3A_9] : memref<256x128xf32, #tpu.memory_space<vmem>> -> memref<128x128xf32, #tpu.memory_space<vmem>>
    %dma_start3A_11 = arith.constant 0 : i32
    %dma_start3A_12 = tpu.memref_slice %arg6[%dma_start3A, %dma_start3A_11] : memref<40x128xi32, #tpu.memory_space<vmem>> -> memref<1x128xi32, #tpu.memory_space<vmem>>
    %dma_start3A_13 = tpu.memref_squeeze %dma_start3A_12 : memref<1x128xi32, #tpu.memory_space<vmem>> -> memref<128xi32, #tpu.memory_space<vmem>>
    %dma_start3A_14 = arith.constant 0 : i32
    %dma_start3A_15 = arith.constant 0 : i32
    %dma_start3A_16 = tpu.memref_slice %arg2[%dma_start3A_14, %dma_start3A_15] : memref<10240x128xf32, #tpu.memory_space<hbm>> -> memref<10240x128xf32, #tpu.memory_space<hbm>>
    %dma_start3A_17 = tpu.memref_slice %arg10[%dma_start3A_7] : memref<2x!tpu.dma_semaphore, #tpu.memory_space<semaphore_mem>> -> memref<1x!tpu.dma_semaphore, #tpu.memory_space<semaphore_mem>>
    %dma_start3A_18 = tpu.memref_squeeze %dma_start3A_17 : memref<1x!tpu.dma_semaphore, #tpu.memory_space<semaphore_mem>> -> memref<!tpu.dma_semaphore, #tpu.memory_space<semaphore_mem>>
    tpu.enqueue_indirect_dma source(%dma_start3A_16 : memref<10240x128xf32, #tpu.memory_space<hbm>>) target(%dma_start3A_10 : memref<128x128xf32, #tpu.memory_space<vmem>>) offsets(%dma_start3A_13 : memref<128xi32, #tpu.memory_space<vmem>>) semaphore(%dma_start3A_18 : memref<!tpu.dma_semaphore, #tpu.memory_space<semaphore_mem>>)
    %dma_start3A_19 = arith.constant 1 : i32
    %dma_start3A_20 = arith.constant 1 : i32
    %dma_start3A_21 = arith.constant 128 : i32
    %dma_start3A_22 = arith.constant 0 : i32
    %dma_start3A_23 = tpu.memref_slice %arg8[%dma_start3A_21, %dma_start3A_22] : memref<256x128xf32, #tpu.memory_space<vmem>> -> memref<128x128xf32, #tpu.memory_space<vmem>>
    %dma_start3A_24 = arith.constant 0 : i32
    %dma_start3A_25 = tpu.memref_slice %arg6[%dma_start3A_19, %dma_start3A_24] : memref<40x128xi32, #tpu.memory_space<vmem>> -> memref<1x128xi32, #tpu.memory_space<vmem>>
    %dma_start3A_26 = tpu.memref_squeeze %dma_start3A_25 : memref<1x128xi32, #tpu.memory_space<vmem>> -> memref<128xi32, #tpu.memory_space<vmem>>
    %dma_start3A_27 = arith.constant 0 : i32
    %dma_start3A_28 = arith.constant 0 : i32
    %dma_start3A_29 = tpu.memref_slice %arg2[%dma_start3A_27, %dma_start3A_28] : memref<10240x128xf32, #tpu.memory_space<hbm>> -> memref<10240x128xf32, #tpu.memory_space<hbm>>
    %dma_start3A_30 = tpu.memref_slice %arg10[%dma_start3A_20] : memref<2x!tpu.dma_semaphore, #tpu.memory_space<semaphore_mem>> -> memref<1x!tpu.dma_semaphore, #tpu.memory_space<semaphore_mem>>
    %dma_start3A_31 = tpu.memref_squeeze %dma_start3A_30 : memref<1x!tpu.dma_semaphore, #tpu.memory_space<semaphore_mem>> -> memref<!tpu.dma_semaphore, #tpu.memory_space<semaphore_mem>>
    tpu.enqueue_indirect_dma source(%dma_start3A_29 : memref<10240x128xf32, #tpu.memory_space<hbm>>) target(%dma_start3A_23 : memref<128x128xf32, #tpu.memory_space<vmem>>) offsets(%dma_start3A_26 : memref<128xi32, #tpu.memory_space<vmem>>) semaphore(%dma_start3A_31 : memref<!tpu.dma_semaphore, #tpu.memory_space<semaphore_mem>>)
    %scan3A = arith.constant 0 : i32
    %scan3A_32 = arith.constant 0 : i32
    %scan3A_33 = arith.constant 20 : i32
    %scan3A_34 = arith.addi %scan3A_32, %scan3A_33 : i32
    %scan3A_35 = arith.constant 1 : i32
    scf.for %scan3A_74 = %scan3A_32 to %scan3A_34 step %scan3A_35  : i32 {
      %mul3A_75 = arith.constant 2 : i32
      %mul3A_76 = arith.muli %scan3A_74, %mul3A_75 : i32
      %add3A_77 = arith.constant 0 : i32
      %add3A_78 = arith.addi %mul3A_76, %add3A_77 : i32
      %dma_wait3A = arith.constant 0 : i32
      %dma_wait3A_79 = arith.constant 0 : i32
      %dma_wait3A_80 = arith.constant 0 : i32
      %dma_wait3A_81 = tpu.memref_slice %arg8[%dma_wait3A_79, %dma_wait3A_80] : memref<256x128xf32, #tpu.memory_space<vmem>> -> memref<128x128xf32, #tpu.memory_space<vmem>>
      %dma_wait3A_82 = arith.constant 0 : i32
      %dma_wait3A_83 = tpu.memref_slice %arg6[%add3A_78, %dma_wait3A_82] : memref<40x128xi32, #tpu.memory_space<vmem>> -> memref<1x128xi32, #tpu.memory_space<vmem>>
      %dma_wait3A_84 = tpu.memref_squeeze %dma_wait3A_83 : memref<1x128xi32, #tpu.memory_space<vmem>> -> memref<128xi32, #tpu.memory_space<vmem>>
      %dma_wait3A_85 = arith.constant 0 : i32
      %dma_wait3A_86 = arith.constant 0 : i32
      %dma_wait3A_87 = tpu.memref_slice %arg2[%dma_wait3A_85, %dma_wait3A_86] : memref<10240x128xf32, #tpu.memory_space<hbm>> -> memref<10240x128xf32, #tpu.memory_space<hbm>>
      %dma_wait3A_88 = tpu.memref_slice %arg10[%dma_wait3A] : memref<2x!tpu.dma_semaphore, #tpu.memory_space<semaphore_mem>> -> memref<1x!tpu.dma_semaphore, #tpu.memory_space<semaphore_mem>>
      %dma_wait3A_89 = tpu.memref_squeeze %dma_wait3A_88 : memref<1x!tpu.dma_semaphore, #tpu.memory_space<semaphore_mem>> -> memref<!tpu.dma_semaphore, #tpu.memory_space<semaphore_mem>>
      tpu.wait_indirect_dma semaphore(%dma_wait3A_89 : memref<!tpu.dma_semaphore, #tpu.memory_space<semaphore_mem>>) src(%dma_wait3A_87 : memref<10240x128xf32, #tpu.memory_space<hbm>>) dst(%dma_wait3A_81 : memref<128x128xf32, #tpu.memory_space<vmem>>)
      "tpu.region"() ({
        %run_scoped3A = tpu.sem_alloc : memref<!tpu.dma_semaphore, #tpu.memory_space<semaphore_mem>>
        %dma_start3A_117 = arith.constant 0 : i32
        %dma_start3A_118 = arith.constant 0 : i32
        %dma_start3A_119 = tpu.memref_slice %arg8[%dma_start3A_117, %dma_start3A_118] : memref<256x128xf32, #tpu.memory_space<vmem>> -> memref<128x128xf32, #tpu.memory_space<vmem>>
        %dma_start3A_120 = arith.constant 0 : i32
        %dma_start3A_121 = tpu.memref_slice %arg7[%add3A_78, %dma_start3A_120] : memref<40x128xi32, #tpu.memory_space<vmem>> -> memref<1x128xi32, #tpu.memory_space<vmem>>
        %dma_start3A_122 = tpu.memref_squeeze %dma_start3A_121 : memref<1x128xi32, #tpu.memory_space<vmem>> -> memref<128xi32, #tpu.memory_space<vmem>>
        %dma_start3A_123 = arith.constant 0 : i32
        %dma_start3A_124 = arith.constant 0 : i32
        %dma_start3A_125 = tpu.memref_slice %arg9[%dma_start3A_123, %dma_start3A_124] : memref<10240x128xf32, #tpu.memory_space<vmem_shared>> -> memref<10240x128xf32, #tpu.memory_space<vmem_shared>>
        tpu.enqueue_indirect_dma source(%dma_start3A_119 : memref<128x128xf32, #tpu.memory_space<vmem>>) target(%dma_start3A_125 : memref<10240x128xf32, #tpu.memory_space<vmem_shared>>) offsets(%dma_start3A_122 : memref<128xi32, #tpu.memory_space<vmem>>) semaphore(%run_scoped3A : memref<!tpu.dma_semaphore, #tpu.memory_space<semaphore_mem>>) {add = true}
        %dma_wait3A_126 = arith.constant 0 : i32
        %dma_wait3A_127 = arith.constant 0 : i32
        %dma_wait3A_128 = tpu.memref_slice %arg8[%dma_wait3A_126, %dma_wait3A_127] : memref<256x128xf32, #tpu.memory_space<vmem>> -> memref<128x128xf32, #tpu.memory_space<vmem>>
        %dma_wait3A_129 = arith.constant 0 : i32
        %dma_wait3A_130 = tpu.memref_slice %arg7[%add3A_78, %dma_wait3A_129] : memref<40x128xi32, #tpu.memory_space<vmem>> -> memref<1x128xi32, #tpu.memory_space<vmem>>
        %dma_wait3A_131 = tpu.memref_squeeze %dma_wait3A_130 : memref<1x128xi32, #tpu.memory_space<vmem>> -> memref<128xi32, #tpu.memory_space<vmem>>
        %dma_wait3A_132 = arith.constant 0 : i32
        %dma_wait3A_133 = arith.constant 0 : i32
        %dma_wait3A_134 = tpu.memref_slice %arg9[%dma_wait3A_132, %dma_wait3A_133] : memref<10240x128xf32, #tpu.memory_space<vmem_shared>> -> memref<10240x128xf32, #tpu.memory_space<vmem_shared>>
        tpu.wait_indirect_dma semaphore(%run_scoped3A : memref<!tpu.dma_semaphore, #tpu.memory_space<semaphore_mem>>) src(%dma_wait3A_128 : memref<128x128xf32, #tpu.memory_space<vmem>>) dst(%dma_wait3A_134 : memref<10240x128xf32, #tpu.memory_space<vmem_shared>>)
        tpu.yield
      }) : () -> ()
      %add3A_90 = arith.constant 2 : i32
      %add3A_91 = arith.addi %add3A_78, %add3A_90 : i32
      %lt3A = arith.constant 40 : i32
      %lt3A_92 = arith.cmpi slt, %add3A_91, %lt3A : i32
      %convert_element_type3A_93 = arith.extui %lt3A_92 : i1 to i32
      %cond3A_94 = arith.constant 0 : i32
      %cond3A_95 = arith.cmpi ne, %convert_element_type3A_93, %cond3A_94 : i32
      scf.if %cond3A_95 {
        %dma_start3A_117 = arith.constant 0 : i32
        %dma_start3A_118 = arith.constant 0 : i32
        %dma_start3A_119 = arith.constant 0 : i32
        %dma_start3A_120 = tpu.memref_slice %arg8[%dma_start3A_118, %dma_start3A_119] : memref<256x128xf32, #tpu.memory_space<vmem>> -> memref<128x128xf32, #tpu.memory_space<vmem>>
        %dma_start3A_121 = arith.constant 0 : i32
        %dma_start3A_122 = tpu.memref_slice %arg6[%add3A_91, %dma_start3A_121] : memref<40x128xi32, #tpu.memory_space<vmem>> -> memref<1x128xi32, #tpu.memory_space<vmem>>
        %dma_start3A_123 = tpu.memref_squeeze %dma_start3A_122 : memref<1x128xi32, #tpu.memory_space<vmem>> -> memref<128xi32, #tpu.memory_space<vmem>>
        %dma_start3A_124 = arith.constant 0 : i32
        %dma_start3A_125 = arith.constant 0 : i32
        %dma_start3A_126 = tpu.memref_slice %arg2[%dma_start3A_124, %dma_start3A_125] : memref<10240x128xf32, #tpu.memory_space<hbm>> -> memref<10240x128xf32, #tpu.memory_space<hbm>>
        %dma_start3A_127 = tpu.memref_slice %arg10[%dma_start3A_117] : memref<2x!tpu.dma_semaphore, #tpu.memory_space<semaphore_mem>> -> memref<1x!tpu.dma_semaphore, #tpu.memory_space<semaphore_mem>>
        %dma_start3A_128 = tpu.memref_squeeze %dma_start3A_127 : memref<1x!tpu.dma_semaphore, #tpu.memory_space<semaphore_mem>> -> memref<!tpu.dma_semaphore, #tpu.memory_space<semaphore_mem>>
        tpu.enqueue_indirect_dma source(%dma_start3A_126 : memref<10240x128xf32, #tpu.memory_space<hbm>>) target(%dma_start3A_120 : memref<128x128xf32, #tpu.memory_space<vmem>>) offsets(%dma_start3A_123 : memref<128xi32, #tpu.memory_space<vmem>>) semaphore(%dma_start3A_128 : memref<!tpu.dma_semaphore, #tpu.memory_space<semaphore_mem>>)
      } else {
      }
      %add3A_96 = arith.constant 1 : i32
      %add3A_97 = arith.addi %mul3A_76, %add3A_96 : i32
      %dma_wait3A_98 = arith.constant 1 : i32
      %dma_wait3A_99 = arith.constant 128 : i32
      %dma_wait3A_100 = arith.constant 0 : i32
      %dma_wait3A_101 = tpu.memref_slice %arg8[%dma_wait3A_99, %dma_wait3A_100] : memref<256x128xf32, #tpu.memory_space<vmem>> -> memref<128x128xf32, #tpu.memory_space<vmem>>
      %dma_wait3A_102 = arith.constant 0 : i32
      %dma_wait3A_103 = tpu.memref_slice %arg6[%add3A_97, %dma_wait3A_102] : memref<40x128xi32, #tpu.memory_space<vmem>> -> memref<1x128xi32, #tpu.memory_space<vmem>>
      %dma_wait3A_104 = tpu.memref_squeeze %dma_wait3A_103 : memref<1x128xi32, #tpu.memory_space<vmem>> -> memref<128xi32, #tpu.memory_space<vmem>>
      %dma_wait3A_105 = arith.constant 0 : i32
      %dma_wait3A_106 = arith.constant 0 : i32
      %dma_wait3A_107 = tpu.memref_slice %arg2[%dma_wait3A_105, %dma_wait3A_106] : memref<10240x128xf32, #tpu.memory_space<hbm>> -> memref<10240x128xf32, #tpu.memory_space<hbm>>
      %dma_wait3A_108 = tpu.memref_slice %arg10[%dma_wait3A_98] : memref<2x!tpu.dma_semaphore, #tpu.memory_space<semaphore_mem>> -> memref<1x!tpu.dma_semaphore, #tpu.memory_space<semaphore_mem>>
      %dma_wait3A_109 = tpu.memref_squeeze %dma_wait3A_108 : memref<1x!tpu.dma_semaphore, #tpu.memory_space<semaphore_mem>> -> memref<!tpu.dma_semaphore, #tpu.memory_space<semaphore_mem>>
      tpu.wait_indirect_dma semaphore(%dma_wait3A_109 : memref<!tpu.dma_semaphore, #tpu.memory_space<semaphore_mem>>) src(%dma_wait3A_107 : memref<10240x128xf32, #tpu.memory_space<hbm>>) dst(%dma_wait3A_101 : memref<128x128xf32, #tpu.memory_space<vmem>>)
      "tpu.region"() ({
        %run_scoped3A = tpu.sem_alloc : memref<!tpu.dma_semaphore, #tpu.memory_space<semaphore_mem>>
        %dma_start3A_117 = arith.constant 128 : i32
        %dma_start3A_118 = arith.constant 0 : i32
        %dma_start3A_119 = tpu.memref_slice %arg8[%dma_start3A_117, %dma_start3A_118] : memref<256x128xf32, #tpu.memory_space<vmem>> -> memref<128x128xf32, #tpu.memory_space<vmem>>
        %dma_start3A_120 = arith.constant 0 : i32
        %dma_start3A_121 = tpu.memref_slice %arg7[%add3A_97, %dma_start3A_120] : memref<40x128xi32, #tpu.memory_space<vmem>> -> memref<1x128xi32, #tpu.memory_space<vmem>>
        %dma_start3A_122 = tpu.memref_squeeze %dma_start3A_121 : memref<1x128xi32, #tpu.memory_space<vmem>> -> memref<128xi32, #tpu.memory_space<vmem>>
        %dma_start3A_123 = arith.constant 0 : i32
        %dma_start3A_124 = arith.constant 0 : i32
        %dma_start3A_125 = tpu.memref_slice %arg9[%dma_start3A_123, %dma_start3A_124] : memref<10240x128xf32, #tpu.memory_space<vmem_shared>> -> memref<10240x128xf32, #tpu.memory_space<vmem_shared>>
        tpu.enqueue_indirect_dma source(%dma_start3A_119 : memref<128x128xf32, #tpu.memory_space<vmem>>) target(%dma_start3A_125 : memref<10240x128xf32, #tpu.memory_space<vmem_shared>>) offsets(%dma_start3A_122 : memref<128xi32, #tpu.memory_space<vmem>>) semaphore(%run_scoped3A : memref<!tpu.dma_semaphore, #tpu.memory_space<semaphore_mem>>) {add = true}
        %dma_wait3A_126 = arith.constant 128 : i32
        %dma_wait3A_127 = arith.constant 0 : i32
        %dma_wait3A_128 = tpu.memref_slice %arg8[%dma_wait3A_126, %dma_wait3A_127] : memref<256x128xf32, #tpu.memory_space<vmem>> -> memref<128x128xf32, #tpu.memory_space<vmem>>
        %dma_wait3A_129 = arith.constant 0 : i32
        %dma_wait3A_130 = tpu.memref_slice %arg7[%add3A_97, %dma_wait3A_129] : memref<40x128xi32, #tpu.memory_space<vmem>> -> memref<1x128xi32, #tpu.memory_space<vmem>>
        %dma_wait3A_131 = tpu.memref_squeeze %dma_wait3A_130 : memref<1x128xi32, #tpu.memory_space<vmem>> -> memref<128xi32, #tpu.memory_space<vmem>>
        %dma_wait3A_132 = arith.constant 0 : i32
        %dma_wait3A_133 = arith.constant 0 : i32
        %dma_wait3A_134 = tpu.memref_slice %arg9[%dma_wait3A_132, %dma_wait3A_133] : memref<10240x128xf32, #tpu.memory_space<vmem_shared>> -> memref<10240x128xf32, #tpu.memory_space<vmem_shared>>
        tpu.wait_indirect_dma semaphore(%run_scoped3A : memref<!tpu.dma_semaphore, #tpu.memory_space<semaphore_mem>>) src(%dma_wait3A_128 : memref<128x128xf32, #tpu.memory_space<vmem>>) dst(%dma_wait3A_134 : memref<10240x128xf32, #tpu.memory_space<vmem_shared>>)
        tpu.yield
      }) : () -> ()
      %add3A_110 = arith.constant 2 : i32
      %add3A_111 = arith.addi %add3A_97, %add3A_110 : i32
      %lt3A_112 = arith.constant 40 : i32
      %lt3A_113 = arith.cmpi slt, %add3A_111, %lt3A_112 : i32
      %convert_element_type3A_114 = arith.extui %lt3A_113 : i1 to i32
      %cond3A_115 = arith.constant 0 : i32
      %cond3A_116 = arith.cmpi ne, %convert_element_type3A_114, %cond3A_115 : i32
      scf.if %cond3A_116 {
        %dma_start3A_117 = arith.constant 1 : i32
        %dma_start3A_118 = arith.constant 128 : i32
        %dma_start3A_119 = arith.constant 0 : i32
        %dma_start3A_120 = tpu.memref_slice %arg8[%dma_start3A_118, %dma_start3A_119] : memref<256x128xf32, #tpu.memory_space<vmem>> -> memref<128x128xf32, #tpu.memory_space<vmem>>
        %dma_start3A_121 = arith.constant 0 : i32
        %dma_start3A_122 = tpu.memref_slice %arg6[%add3A_111, %dma_start3A_121] : memref<40x128xi32, #tpu.memory_space<vmem>> -> memref<1x128xi32, #tpu.memory_space<vmem>>
        %dma_start3A_123 = tpu.memref_squeeze %dma_start3A_122 : memref<1x128xi32, #tpu.memory_space<vmem>> -> memref<128xi32, #tpu.memory_space<vmem>>
        %dma_start3A_124 = arith.constant 0 : i32
        %dma_start3A_125 = arith.constant 0 : i32
        %dma_start3A_126 = tpu.memref_slice %arg2[%dma_start3A_124, %dma_start3A_125] : memref<10240x128xf32, #tpu.memory_space<hbm>> -> memref<10240x128xf32, #tpu.memory_space<hbm>>
        %dma_start3A_127 = tpu.memref_slice %arg10[%dma_start3A_117] : memref<2x!tpu.dma_semaphore, #tpu.memory_space<semaphore_mem>> -> memref<1x!tpu.dma_semaphore, #tpu.memory_space<semaphore_mem>>
        %dma_start3A_128 = tpu.memref_squeeze %dma_start3A_127 : memref<1x!tpu.dma_semaphore, #tpu.memory_space<semaphore_mem>> -> memref<!tpu.dma_semaphore, #tpu.memory_space<semaphore_mem>>
        tpu.enqueue_indirect_dma source(%dma_start3A_126 : memref<10240x128xf32, #tpu.memory_space<hbm>>) target(%dma_start3A_120 : memref<128x128xf32, #tpu.memory_space<vmem>>) offsets(%dma_start3A_123 : memref<128xi32, #tpu.memory_space<vmem>>) semaphore(%dma_start3A_128 : memref<!tpu.dma_semaphore, #tpu.memory_space<semaphore_mem>>)
      } else {
      }
    }
    %scan3A_36 = arith.constant 20 : i32
    "tpu.region"() ({
      %run_scoped3A = tpu.sem_alloc : memref<!tpu.dma_semaphore, #tpu.memory_space<semaphore_mem>>
      %dma_start3A_74 = arith.constant 40 : i32
      %dma_start3A_75 = arith.constant 0 : i32
      %dma_start3A_76 = tpu.memref_slice %arg3[%add3A, %dma_start3A_74, %dma_start3A_75] : memref<32x80x128xi32, #tpu.memory_space<hbm>> -> memref<1x40x128xi32, #tpu.memory_space<hbm>>
      %dma_start3A_77 = tpu.memref_squeeze %dma_start3A_76 : memref<1x40x128xi32, #tpu.memory_space<hbm>> -> memref<40x128xi32, #tpu.memory_space<hbm>>
      %dma_start3A_78 = arith.constant 40 : i32
      %dma_start3A_79 = arith.constant 0 : i32
      %dma_start3A_80 = tpu.memref_slice %arg3[%add3A, %dma_start3A_78, %dma_start3A_79] : memref<32x80x128xi32, #tpu.memory_space<hbm>> -> memref<1x40x128xi32, #tpu.memory_space<hbm>>
      %dma_start3A_81 = tpu.memref_squeeze %dma_start3A_80 : memref<1x40x128xi32, #tpu.memory_space<hbm>> -> memref<40x128xi32, #tpu.memory_space<hbm>>
      tpu.enqueue_dma source(%dma_start3A_81 : memref<40x128xi32, #tpu.memory_space<hbm>>) target(%arg6 : memref<40x128xi32, #tpu.memory_space<vmem>>) target_semaphore(%run_scoped3A : memref<!tpu.dma_semaphore, #tpu.memory_space<semaphore_mem>>)
      %dma_wait3A = arith.constant 40 : i32
      %dma_wait3A_82 = arith.constant 0 : i32
      %dma_wait3A_83 = tpu.memref_slice %arg3[%add3A, %dma_wait3A, %dma_wait3A_82] : memref<32x80x128xi32, #tpu.memory_space<hbm>> -> memref<1x40x128xi32, #tpu.memory_space<hbm>>
      %dma_wait3A_84 = tpu.memref_squeeze %dma_wait3A_83 : memref<1x40x128xi32, #tpu.memory_space<hbm>> -> memref<40x128xi32, #tpu.memory_space<hbm>>
      %dma_wait3A_85 = arith.constant 40 : i32
      %dma_wait3A_86 = arith.constant 0 : i32
      %dma_wait3A_87 = tpu.memref_slice %arg3[%add3A, %dma_wait3A_85, %dma_wait3A_86] : memref<32x80x128xi32, #tpu.memory_space<hbm>> -> memref<1x40x128xi32, #tpu.memory_space<hbm>>
      %dma_wait3A_88 = tpu.memref_squeeze %dma_wait3A_87 : memref<1x40x128xi32, #tpu.memory_space<hbm>> -> memref<40x128xi32, #tpu.memory_space<hbm>>
      tpu.wait_dma2 semaphore(%run_scoped3A : memref<!tpu.dma_semaphore, #tpu.memory_space<semaphore_mem>>) src(%dma_wait3A_88 : memref<40x128xi32, #tpu.memory_space<hbm>>) dst(%arg6 : memref<40x128xi32, #tpu.memory_space<vmem>>)
      tpu.yield
    }) : () -> ()
    "tpu.region"() ({
      %run_scoped3A = tpu.sem_alloc : memref<!tpu.dma_semaphore, #tpu.memory_space<semaphore_mem>>
      %dma_start3A_74 = arith.constant 40 : i32
      %dma_start3A_75 = arith.constant 0 : i32
      %dma_start3A_76 = tpu.memref_slice %arg4[%add3A, %dma_start3A_74, %dma_start3A_75] : memref<32x80x128xi32, #tpu.memory_space<hbm>> -> memref<1x40x128xi32, #tpu.memory_space<hbm>>
      %dma_start3A_77 = tpu.memref_squeeze %dma_start3A_76 : memref<1x40x128xi32, #tpu.memory_space<hbm>> -> memref<40x128xi32, #tpu.memory_space<hbm>>
      %dma_start3A_78 = arith.constant 40 : i32
      %dma_start3A_79 = arith.constant 0 : i32
      %dma_start3A_80 = tpu.memref_slice %arg4[%add3A, %dma_start3A_78, %dma_start3A_79] : memref<32x80x128xi32, #tpu.memory_space<hbm>> -> memref<1x40x128xi32, #tpu.memory_space<hbm>>
      %dma_start3A_81 = tpu.memref_squeeze %dma_start3A_80 : memref<1x40x128xi32, #tpu.memory_space<hbm>> -> memref<40x128xi32, #tpu.memory_space<hbm>>
      tpu.enqueue_dma source(%dma_start3A_81 : memref<40x128xi32, #tpu.memory_space<hbm>>) target(%arg7 : memref<40x128xi32, #tpu.memory_space<vmem>>) target_semaphore(%run_scoped3A : memref<!tpu.dma_semaphore, #tpu.memory_space<semaphore_mem>>)
      %dma_wait3A = arith.constant 40 : i32
      %dma_wait3A_82 = arith.constant 0 : i32
      %dma_wait3A_83 = tpu.memref_slice %arg4[%add3A, %dma_wait3A, %dma_wait3A_82] : memref<32x80x128xi32, #tpu.memory_space<hbm>> -> memref<1x40x128xi32, #tpu.memory_space<hbm>>
      %dma_wait3A_84 = tpu.memref_squeeze %dma_wait3A_83 : memref<1x40x128xi32, #tpu.memory_space<hbm>> -> memref<40x128xi32, #tpu.memory_space<hbm>>
      %dma_wait3A_85 = arith.constant 40 : i32
      %dma_wait3A_86 = arith.constant 0 : i32
      %dma_wait3A_87 = tpu.memref_slice %arg4[%add3A, %dma_wait3A_85, %dma_wait3A_86] : memref<32x80x128xi32, #tpu.memory_space<hbm>> -> memref<1x40x128xi32, #tpu.memory_space<hbm>>
      %dma_wait3A_88 = tpu.memref_squeeze %dma_wait3A_87 : memref<1x40x128xi32, #tpu.memory_space<hbm>> -> memref<40x128xi32, #tpu.memory_space<hbm>>
      tpu.wait_dma2 semaphore(%run_scoped3A : memref<!tpu.dma_semaphore, #tpu.memory_space<semaphore_mem>>) src(%dma_wait3A_88 : memref<40x128xi32, #tpu.memory_space<hbm>>) dst(%arg7 : memref<40x128xi32, #tpu.memory_space<vmem>>)
      tpu.yield
    }) : () -> ()
    %dma_start3A_37 = arith.constant 0 : i32
    %dma_start3A_38 = arith.constant 0 : i32
    %dma_start3A_39 = arith.constant 0 : i32
    %dma_start3A_40 = arith.constant 0 : i32
    %dma_start3A_41 = tpu.memref_slice %arg8[%dma_start3A_39, %dma_start3A_40] : memref<256x128xf32, #tpu.memory_space<vmem>> -> memref<128x128xf32, #tpu.memory_space<vmem>>
    %dma_start3A_42 = arith.constant 0 : i32
    %dma_start3A_43 = tpu.memref_slice %arg6[%dma_start3A_37, %dma_start3A_42] : memref<40x128xi32, #tpu.memory_space<vmem>> -> memref<1x128xi32, #tpu.memory_space<vmem>>
    %dma_start3A_44 = tpu.memref_squeeze %dma_start3A_43 : memref<1x128xi32, #tpu.memory_space<vmem>> -> memref<128xi32, #tpu.memory_space<vmem>>
    %dma_start3A_45 = arith.constant 0 : i32
    %dma_start3A_46 = arith.constant 0 : i32
    %dma_start3A_47 = tpu.memref_slice %arg2[%dma_start3A_45, %dma_start3A_46] : memref<10240x128xf32, #tpu.memory_space<hbm>> -> memref<10240x128xf32, #tpu.memory_space<hbm>>
    %dma_start3A_48 = tpu.memref_slice %arg10[%dma_start3A_38] : memref<2x!tpu.dma_semaphore, #tpu.memory_space<semaphore_mem>> -> memref<1x!tpu.dma_semaphore, #tpu.memory_space<semaphore_mem>>
    %dma_start3A_49 = tpu.memref_squeeze %dma_start3A_48 : memref<1x!tpu.dma_semaphore, #tpu.memory_space<semaphore_mem>> -> memref<!tpu.dma_semaphore, #tpu.memory_space<semaphore_mem>>
    tpu.enqueue_indirect_dma source(%dma_start3A_47 : memref<10240x128xf32, #tpu.memory_space<hbm>>) target(%dma_start3A_41 : memref<128x128xf32, #tpu.memory_space<vmem>>) offsets(%dma_start3A_44 : memref<128xi32, #tpu.memory_space<vmem>>) semaphore(%dma_start3A_49 : memref<!tpu.dma_semaphore, #tpu.memory_space<semaphore_mem>>)
    %dma_start3A_50 = arith.constant 1 : i32
    %dma_start3A_51 = arith.constant 1 : i32
    %dma_start3A_52 = arith.constant 128 : i32
    %dma_start3A_53 = arith.constant 0 : i32
    %dma_start3A_54 = tpu.memref_slice %arg8[%dma_start3A_52, %dma_start3A_53] : memref<256x128xf32, #tpu.memory_space<vmem>> -> memref<128x128xf32, #tpu.memory_space<vmem>>
    %dma_start3A_55 = arith.constant 0 : i32
    %dma_start3A_56 = tpu.memref_slice %arg6[%dma_start3A_50, %dma_start3A_55] : memref<40x128xi32, #tpu.memory_space<vmem>> -> memref<1x128xi32, #tpu.memory_space<vmem>>
    %dma_start3A_57 = tpu.memref_squeeze %dma_start3A_56 : memref<1x128xi32, #tpu.memory_space<vmem>> -> memref<128xi32, #tpu.memory_space<vmem>>
    %dma_start3A_58 = arith.constant 0 : i32
    %dma_start3A_59 = arith.constant 0 : i32
    %dma_start3A_60 = tpu.memref_slice %arg2[%dma_start3A_58, %dma_start3A_59] : memref<10240x128xf32, #tpu.memory_space<hbm>> -> memref<10240x128xf32, #tpu.memory_space<hbm>>
    %dma_start3A_61 = tpu.memref_slice %arg10[%dma_start3A_51] : memref<2x!tpu.dma_semaphore, #tpu.memory_space<semaphore_mem>> -> memref<1x!tpu.dma_semaphore, #tpu.memory_space<semaphore_mem>>
    %dma_start3A_62 = tpu.memref_squeeze %dma_start3A_61 : memref<1x!tpu.dma_semaphore, #tpu.memory_space<semaphore_mem>> -> memref<!tpu.dma_semaphore, #tpu.memory_space<semaphore_mem>>
    tpu.enqueue_indirect_dma source(%dma_start3A_60 : memref<10240x128xf32, #tpu.memory_space<hbm>>) target(%dma_start3A_54 : memref<128x128xf32, #tpu.memory_space<vmem>>) offsets(%dma_start3A_57 : memref<128xi32, #tpu.memory_space<vmem>>) semaphore(%dma_start3A_62 : memref<!tpu.dma_semaphore, #tpu.memory_space<semaphore_mem>>)
    %scan3A_63 = arith.constant 0 : i32
    %scan3A_64 = arith.constant 0 : i32
    %scan3A_65 = arith.constant 20 : i32
    %scan3A_66 = arith.addi %scan3A_64, %scan3A_65 : i32
    %scan3A_67 = arith.constant 1 : i32
    scf.for %scan3A_74 = %scan3A_64 to %scan3A_66 step %scan3A_67  : i32 {
      %mul3A_75 = arith.constant 2 : i32
      %mul3A_76 = arith.muli %scan3A_74, %mul3A_75 : i32
      %add3A_77 = arith.constant 0 : i32
      %add3A_78 = arith.addi %mul3A_76, %add3A_77 : i32
      %dma_wait3A = arith.constant 0 : i32
      %dma_wait3A_79 = arith.constant 0 : i32
      %dma_wait3A_80 = arith.constant 0 : i32
      %dma_wait3A_81 = tpu.memref_slice %arg8[%dma_wait3A_79, %dma_wait3A_80] : memref<256x128xf32, #tpu.memory_space<vmem>> -> memref<128x128xf32, #tpu.memory_space<vmem>>
      %dma_wait3A_82 = arith.constant 0 : i32
      %dma_wait3A_83 = tpu.memref_slice %arg6[%add3A_78, %dma_wait3A_82] : memref<40x128xi32, #tpu.memory_space<vmem>> -> memref<1x128xi32, #tpu.memory_space<vmem>>
      %dma_wait3A_84 = tpu.memref_squeeze %dma_wait3A_83 : memref<1x128xi32, #tpu.memory_space<vmem>> -> memref<128xi32, #tpu.memory_space<vmem>>
      %dma_wait3A_85 = arith.constant 0 : i32
      %dma_wait3A_86 = arith.constant 0 : i32
      %dma_wait3A_87 = tpu.memref_slice %arg2[%dma_wait3A_85, %dma_wait3A_86] : memref<10240x128xf32, #tpu.memory_space<hbm>> -> memref<10240x128xf32, #tpu.memory_space<hbm>>
      %dma_wait3A_88 = tpu.memref_slice %arg10[%dma_wait3A] : memref<2x!tpu.dma_semaphore, #tpu.memory_space<semaphore_mem>> -> memref<1x!tpu.dma_semaphore, #tpu.memory_space<semaphore_mem>>
      %dma_wait3A_89 = tpu.memref_squeeze %dma_wait3A_88 : memref<1x!tpu.dma_semaphore, #tpu.memory_space<semaphore_mem>> -> memref<!tpu.dma_semaphore, #tpu.memory_space<semaphore_mem>>
      tpu.wait_indirect_dma semaphore(%dma_wait3A_89 : memref<!tpu.dma_semaphore, #tpu.memory_space<semaphore_mem>>) src(%dma_wait3A_87 : memref<10240x128xf32, #tpu.memory_space<hbm>>) dst(%dma_wait3A_81 : memref<128x128xf32, #tpu.memory_space<vmem>>)
      "tpu.region"() ({
        %run_scoped3A = tpu.sem_alloc : memref<!tpu.dma_semaphore, #tpu.memory_space<semaphore_mem>>
        %dma_start3A_117 = arith.constant 0 : i32
        %dma_start3A_118 = arith.constant 0 : i32
        %dma_start3A_119 = tpu.memref_slice %arg8[%dma_start3A_117, %dma_start3A_118] : memref<256x128xf32, #tpu.memory_space<vmem>> -> memref<128x128xf32, #tpu.memory_space<vmem>>
        %dma_start3A_120 = arith.constant 0 : i32
        %dma_start3A_121 = tpu.memref_slice %arg7[%add3A_78, %dma_start3A_120] : memref<40x128xi32, #tpu.memory_space<vmem>> -> memref<1x128xi32, #tpu.memory_space<vmem>>
        %dma_start3A_122 = tpu.memref_squeeze %dma_start3A_121 : memref<1x128xi32, #tpu.memory_space<vmem>> -> memref<128xi32, #tpu.memory_space<vmem>>
        %dma_start3A_123 = arith.constant 0 : i32
        %dma_start3A_124 = arith.constant 0 : i32
        %dma_start3A_125 = tpu.memref_slice %arg9[%dma_start3A_123, %dma_start3A_124] : memref<10240x128xf32, #tpu.memory_space<vmem_shared>> -> memref<10240x128xf32, #tpu.memory_space<vmem_shared>>
        tpu.enqueue_indirect_dma source(%dma_start3A_119 : memref<128x128xf32, #tpu.memory_space<vmem>>) target(%dma_start3A_125 : memref<10240x128xf32, #tpu.memory_space<vmem_shared>>) offsets(%dma_start3A_122 : memref<128xi32, #tpu.memory_space<vmem>>) semaphore(%run_scoped3A : memref<!tpu.dma_semaphore, #tpu.memory_space<semaphore_mem>>) {add = true}
        %dma_wait3A_126 = arith.constant 0 : i32
        %dma_wait3A_127 = arith.constant 0 : i32
        %dma_wait3A_128 = tpu.memref_slice %arg8[%dma_wait3A_126, %dma_wait3A_127] : memref<256x128xf32, #tpu.memory_space<vmem>> -> memref<128x128xf32, #tpu.memory_space<vmem>>
        %dma_wait3A_129 = arith.constant 0 : i32
        %dma_wait3A_130 = tpu.memref_slice %arg7[%add3A_78, %dma_wait3A_129] : memref<40x128xi32, #tpu.memory_space<vmem>> -> memref<1x128xi32, #tpu.memory_space<vmem>>
        %dma_wait3A_131 = tpu.memref_squeeze %dma_wait3A_130 : memref<1x128xi32, #tpu.memory_space<vmem>> -> memref<128xi32, #tpu.memory_space<vmem>>
        %dma_wait3A_132 = arith.constant 0 : i32
        %dma_wait3A_133 = arith.constant 0 : i32
        %dma_wait3A_134 = tpu.memref_slice %arg9[%dma_wait3A_132, %dma_wait3A_133] : memref<10240x128xf32, #tpu.memory_space<vmem_shared>> -> memref<10240x128xf32, #tpu.memory_space<vmem_shared>>
        tpu.wait_indirect_dma semaphore(%run_scoped3A : memref<!tpu.dma_semaphore, #tpu.memory_space<semaphore_mem>>) src(%dma_wait3A_128 : memref<128x128xf32, #tpu.memory_space<vmem>>) dst(%dma_wait3A_134 : memref<10240x128xf32, #tpu.memory_space<vmem_shared>>)
        tpu.yield
      }) : () -> ()
      %add3A_90 = arith.constant 2 : i32
      %add3A_91 = arith.addi %add3A_78, %add3A_90 : i32
      %lt3A = arith.constant 40 : i32
      %lt3A_92 = arith.cmpi slt, %add3A_91, %lt3A : i32
      %convert_element_type3A_93 = arith.extui %lt3A_92 : i1 to i32
      %cond3A_94 = arith.constant 0 : i32
      %cond3A_95 = arith.cmpi ne, %convert_element_type3A_93, %cond3A_94 : i32
      scf.if %cond3A_95 {
        %dma_start3A_117 = arith.constant 0 : i32
        %dma_start3A_118 = arith.constant 0 : i32
        %dma_start3A_119 = arith.constant 0 : i32
        %dma_start3A_120 = tpu.memref_slice %arg8[%dma_start3A_118, %dma_start3A_119] : memref<256x128xf32, #tpu.memory_space<vmem>> -> memref<128x128xf32, #tpu.memory_space<vmem>>
        %dma_start3A_121 = arith.constant 0 : i32
        %dma_start3A_122 = tpu.memref_slice %arg6[%add3A_91, %dma_start3A_121] : memref<40x128xi32, #tpu.memory_space<vmem>> -> memref<1x128xi32, #tpu.memory_space<vmem>>
        %dma_start3A_123 = tpu.memref_squeeze %dma_start3A_122 : memref<1x128xi32, #tpu.memory_space<vmem>> -> memref<128xi32, #tpu.memory_space<vmem>>
        %dma_start3A_124 = arith.constant 0 : i32
        %dma_start3A_125 = arith.constant 0 : i32
        %dma_start3A_126 = tpu.memref_slice %arg2[%dma_start3A_124, %dma_start3A_125] : memref<10240x128xf32, #tpu.memory_space<hbm>> -> memref<10240x128xf32, #tpu.memory_space<hbm>>
        %dma_start3A_127 = tpu.memref_slice %arg10[%dma_start3A_117] : memref<2x!tpu.dma_semaphore, #tpu.memory_space<semaphore_mem>> -> memref<1x!tpu.dma_semaphore, #tpu.memory_space<semaphore_mem>>
        %dma_start3A_128 = tpu.memref_squeeze %dma_start3A_127 : memref<1x!tpu.dma_semaphore, #tpu.memory_space<semaphore_mem>> -> memref<!tpu.dma_semaphore, #tpu.memory_space<semaphore_mem>>
        tpu.enqueue_indirect_dma source(%dma_start3A_126 : memref<10240x128xf32, #tpu.memory_space<hbm>>) target(%dma_start3A_120 : memref<128x128xf32, #tpu.memory_space<vmem>>) offsets(%dma_start3A_123 : memref<128xi32, #tpu.memory_space<vmem>>) semaphore(%dma_start3A_128 : memref<!tpu.dma_semaphore, #tpu.memory_space<semaphore_mem>>)
      } else {
      }
      %add3A_96 = arith.constant 1 : i32
      %add3A_97 = arith.addi %mul3A_76, %add3A_96 : i32
      %dma_wait3A_98 = arith.constant 1 : i32
      %dma_wait3A_99 = arith.constant 128 : i32
      %dma_wait3A_100 = arith.constant 0 : i32
      %dma_wait3A_101 = tpu.memref_slice %arg8[%dma_wait3A_99, %dma_wait3A_100] : memref<256x128xf32, #tpu.memory_space<vmem>> -> memref<128x128xf32, #tpu.memory_space<vmem>>
      %dma_wait3A_102 = arith.constant 0 : i32
      %dma_wait3A_103 = tpu.memref_slice %arg6[%add3A_97, %dma_wait3A_102] : memref<40x128xi32, #tpu.memory_space<vmem>> -> memref<1x128xi32, #tpu.memory_space<vmem>>
      %dma_wait3A_104 = tpu.memref_squeeze %dma_wait3A_103 : memref<1x128xi32, #tpu.memory_space<vmem>> -> memref<128xi32, #tpu.memory_space<vmem>>
      %dma_wait3A_105 = arith.constant 0 : i32
      %dma_wait3A_106 = arith.constant 0 : i32
      %dma_wait3A_107 = tpu.memref_slice %arg2[%dma_wait3A_105, %dma_wait3A_106] : memref<10240x128xf32, #tpu.memory_space<hbm>> -> memref<10240x128xf32, #tpu.memory_space<hbm>>
      %dma_wait3A_108 = tpu.memref_slice %arg10[%dma_wait3A_98] : memref<2x!tpu.dma_semaphore, #tpu.memory_space<semaphore_mem>> -> memref<1x!tpu.dma_semaphore, #tpu.memory_space<semaphore_mem>>
      %dma_wait3A_109 = tpu.memref_squeeze %dma_wait3A_108 : memref<1x!tpu.dma_semaphore, #tpu.memory_space<semaphore_mem>> -> memref<!tpu.dma_semaphore, #tpu.memory_space<semaphore_mem>>
      tpu.wait_indirect_dma semaphore(%dma_wait3A_109 : memref<!tpu.dma_semaphore, #tpu.memory_space<semaphore_mem>>) src(%dma_wait3A_107 : memref<10240x128xf32, #tpu.memory_space<hbm>>) dst(%dma_wait3A_101 : memref<128x128xf32, #tpu.memory_space<vmem>>)
      "tpu.region"() ({
        %run_scoped3A = tpu.sem_alloc : memref<!tpu.dma_semaphore, #tpu.memory_space<semaphore_mem>>
        %dma_start3A_117 = arith.constant 128 : i32
        %dma_start3A_118 = arith.constant 0 : i32
        %dma_start3A_119 = tpu.memref_slice %arg8[%dma_start3A_117, %dma_start3A_118] : memref<256x128xf32, #tpu.memory_space<vmem>> -> memref<128x128xf32, #tpu.memory_space<vmem>>
        %dma_start3A_120 = arith.constant 0 : i32
        %dma_start3A_121 = tpu.memref_slice %arg7[%add3A_97, %dma_start3A_120] : memref<40x128xi32, #tpu.memory_space<vmem>> -> memref<1x128xi32, #tpu.memory_space<vmem>>
        %dma_start3A_122 = tpu.memref_squeeze %dma_start3A_121 : memref<1x128xi32, #tpu.memory_space<vmem>> -> memref<128xi32, #tpu.memory_space<vmem>>
        %dma_start3A_123 = arith.constant 0 : i32
        %dma_start3A_124 = arith.constant 0 : i32
        %dma_start3A_125 = tpu.memref_slice %arg9[%dma_start3A_123, %dma_start3A_124] : memref<10240x128xf32, #tpu.memory_space<vmem_shared>> -> memref<10240x128xf32, #tpu.memory_space<vmem_shared>>
        tpu.enqueue_indirect_dma source(%dma_start3A_119 : memref<128x128xf32, #tpu.memory_space<vmem>>) target(%dma_start3A_125 : memref<10240x128xf32, #tpu.memory_space<vmem_shared>>) offsets(%dma_start3A_122 : memref<128xi32, #tpu.memory_space<vmem>>) semaphore(%run_scoped3A : memref<!tpu.dma_semaphore, #tpu.memory_space<semaphore_mem>>) {add = true}
        %dma_wait3A_126 = arith.constant 128 : i32
        %dma_wait3A_127 = arith.constant 0 : i32
        %dma_wait3A_128 = tpu.memref_slice %arg8[%dma_wait3A_126, %dma_wait3A_127] : memref<256x128xf32, #tpu.memory_space<vmem>> -> memref<128x128xf32, #tpu.memory_space<vmem>>
        %dma_wait3A_129 = arith.constant 0 : i32
        %dma_wait3A_130 = tpu.memref_slice %arg7[%add3A_97, %dma_wait3A_129] : memref<40x128xi32, #tpu.memory_space<vmem>> -> memref<1x128xi32, #tpu.memory_space<vmem>>
        %dma_wait3A_131 = tpu.memref_squeeze %dma_wait3A_130 : memref<1x128xi32, #tpu.memory_space<vmem>> -> memref<128xi32, #tpu.memory_space<vmem>>
        %dma_wait3A_132 = arith.constant 0 : i32
        %dma_wait3A_133 = arith.constant 0 : i32
        %dma_wait3A_134 = tpu.memref_slice %arg9[%dma_wait3A_132, %dma_wait3A_133] : memref<10240x128xf32, #tpu.memory_space<vmem_shared>> -> memref<10240x128xf32, #tpu.memory_space<vmem_shared>>
        tpu.wait_indirect_dma semaphore(%run_scoped3A : memref<!tpu.dma_semaphore, #tpu.memory_space<semaphore_mem>>) src(%dma_wait3A_128 : memref<128x128xf32, #tpu.memory_space<vmem>>) dst(%dma_wait3A_134 : memref<10240x128xf32, #tpu.memory_space<vmem_shared>>)
        tpu.yield
      }) : () -> ()
      %add3A_110 = arith.constant 2 : i32
      %add3A_111 = arith.addi %add3A_97, %add3A_110 : i32
      %lt3A_112 = arith.constant 40 : i32
      %lt3A_113 = arith.cmpi slt, %add3A_111, %lt3A_112 : i32
      %convert_element_type3A_114 = arith.extui %lt3A_113 : i1 to i32
      %cond3A_115 = arith.constant 0 : i32
      %cond3A_116 = arith.cmpi ne, %convert_element_type3A_114, %cond3A_115 : i32
      scf.if %cond3A_116 {
        %dma_start3A_117 = arith.constant 1 : i32
        %dma_start3A_118 = arith.constant 128 : i32
        %dma_start3A_119 = arith.constant 0 : i32
        %dma_start3A_120 = tpu.memref_slice %arg8[%dma_start3A_118, %dma_start3A_119] : memref<256x128xf32, #tpu.memory_space<vmem>> -> memref<128x128xf32, #tpu.memory_space<vmem>>
        %dma_start3A_121 = arith.constant 0 : i32
        %dma_start3A_122 = tpu.memref_slice %arg6[%add3A_111, %dma_start3A_121] : memref<40x128xi32, #tpu.memory_space<vmem>> -> memref<1x128xi32, #tpu.memory_space<vmem>>
        %dma_start3A_123 = tpu.memref_squeeze %dma_start3A_122 : memref<1x128xi32, #tpu.memory_space<vmem>> -> memref<128xi32, #tpu.memory_space<vmem>>
        %dma_start3A_124 = arith.constant 0 : i32
        %dma_start3A_125 = arith.constant 0 : i32
        %dma_start3A_126 = tpu.memref_slice %arg2[%dma_start3A_124, %dma_start3A_125] : memref<10240x128xf32, #tpu.memory_space<hbm>> -> memref<10240x128xf32, #tpu.memory_space<hbm>>
        %dma_start3A_127 = tpu.memref_slice %arg10[%dma_start3A_117] : memref<2x!tpu.dma_semaphore, #tpu.memory_space<semaphore_mem>> -> memref<1x!tpu.dma_semaphore, #tpu.memory_space<semaphore_mem>>
        %dma_start3A_128 = tpu.memref_squeeze %dma_start3A_127 : memref<1x!tpu.dma_semaphore, #tpu.memory_space<semaphore_mem>> -> memref<!tpu.dma_semaphore, #tpu.memory_space<semaphore_mem>>
        tpu.enqueue_indirect_dma source(%dma_start3A_126 : memref<10240x128xf32, #tpu.memory_space<hbm>>) target(%dma_start3A_120 : memref<128x128xf32, #tpu.memory_space<vmem>>) offsets(%dma_start3A_123 : memref<128xi32, #tpu.memory_space<vmem>>) semaphore(%dma_start3A_128 : memref<!tpu.dma_semaphore, #tpu.memory_space<semaphore_mem>>)
      } else {
      }
    }
    %scan3A_68 = arith.constant 20 : i32
    %barrier3A_69 = arith.constant 0 : index
    tpu.barrier barrier_id(%barrier3A_69)
    %mul3A_70 = arith.constant 640 : i32
    %mul3A_71 = arith.muli %arg1, %mul3A_70 : i32
    %mul3A_72 = arith.constant 640 : i32
    %mul3A_73 = arith.muli %arg1, %mul3A_72 : i32
    "tpu.region"() ({
      %run_scoped3A = tpu.sem_alloc : memref<!tpu.dma_semaphore, #tpu.memory_space<semaphore_mem>>
      %dma_start3A_74 = arith.constant 0 : i32
      %dma_start3A_75 = tpu.memref_slice %arg5[%arg0, %mul3A_73, %dma_start3A_74] : memref<2x10240x128xf32, #tpu.memory_space<hbm>> -> memref<1x640x128xf32, #tpu.memory_space<hbm>>
      %dma_start3A_76 = tpu.memref_squeeze %dma_start3A_75 : memref<1x640x128xf32, #tpu.memory_space<hbm>> -> memref<640x128xf32, #tpu.memory_space<hbm>>
      %dma_start3A_77 = arith.constant 0 : i32
      %dma_start3A_78 = tpu.memref_slice %arg9[%mul3A_71, %dma_start3A_77] : memref<10240x128xf32, #tpu.memory_space<vmem_shared>> -> memref<640x128xf32, #tpu.memory_space<vmem_shared>>
      tpu.enqueue_dma source(%dma_start3A_78 : memref<640x128xf32, #tpu.memory_space<vmem_shared>>) target(%dma_start3A_76 : memref<640x128xf32, #tpu.memory_space<hbm>>) target_semaphore(%run_scoped3A : memref<!tpu.dma_semaphore, #tpu.memory_space<semaphore_mem>>)
      %dma_wait3A = arith.constant 0 : i32
      %dma_wait3A_79 = tpu.memref_slice %arg5[%arg0, %mul3A_73, %dma_wait3A] : memref<2x10240x128xf32, #tpu.memory_space<hbm>> -> memref<1x640x128xf32, #tpu.memory_space<hbm>>
      %dma_wait3A_80 = tpu.memref_squeeze %dma_wait3A_79 : memref<1x640x128xf32, #tpu.memory_space<hbm>> -> memref<640x128xf32, #tpu.memory_space<hbm>>
      %dma_wait3A_81 = arith.constant 0 : i32
      %dma_wait3A_82 = tpu.memref_slice %arg9[%mul3A_71, %dma_wait3A_81] : memref<10240x128xf32, #tpu.memory_space<vmem_shared>> -> memref<640x128xf32, #tpu.memory_space<vmem_shared>>
      tpu.wait_dma2 semaphore(%run_scoped3A : memref<!tpu.dma_semaphore, #tpu.memory_space<semaphore_mem>>) src(%dma_wait3A_82 : memref<640x128xf32, #tpu.memory_space<vmem_shared>>) dst(%dma_wait3A_80 : memref<640x128xf32, #tpu.memory_space<hbm>>)
      tpu.yield
    }) : () -> ()
    return
  }
}

#map = affine_map<(d0, d1) -> (0, 0)>
#map1 = affine_map<(d0, d1) -> (0, 0, 0)>
module attributes {stable_mosaic.version = 14 : i64} {
  func.func @_sc_scatter_body(%arg0: i32, %arg1: i32, %arg2: memref<10240x128xf32, #tpu.memory_space<hbm>>, %arg3: memref<32x80x128xi32, #tpu.memory_space<hbm>>, %arg4: memref<32x80x128xi32, #tpu.memory_space<hbm>>, %arg5: memref<2x10240x128xf32, #tpu.memory_space<hbm>>, %arg6: memref<40x128xi32, #tpu.memory_space<vmem>>, %arg7: memref<40x128xi32, #tpu.memory_space<vmem>>, %arg8: memref<256x128xf32, #tpu.memory_space<vmem>>, %arg9: memref<10240x128xf32, #tpu.memory_space<vmem_shared>>, %arg10: memref<2x!tpu.dma_semaphore, #tpu.memory_space<semaphore_mem>>) attributes {dimension_semantics = [#tpu.dimension_semantics<core_parallel>, #tpu.dimension_semantics<subcore_parallel>], iteration_bounds = array<i64: 2, 16>, scalar_prefetch = 0 : i64, scratch_operands = 5 : i64, tpu.core_type = #tpu.core_type<sc_vector_subcore>, window_params = [{transform_indices = #map}, {transform_indices = #map1}, {transform_indices = #map1}, {transform_indices = #map1}]} {
    %mul3A = arith.constant 16 : i32
    %mul3A_0 = arith.muli %arg0, %mul3A : i32
    %add3A = arith.addi %mul3A_0, %arg1 : i32
    %eq3A = arith.constant 0 : i32
    %eq3A_1 = arith.cmpi eq, %arg0, %eq3A : i32
    %convert_element_type3A = arith.extui %eq3A_1 : i1 to i32
    %cond3A = arith.constant 0 : i32
    %cond3A_2 = arith.cmpi ne, %convert_element_type3A, %cond3A : i32
    scf.if %cond3A_2 {
      %mul3A_74 = arith.constant 640 : i32
      %mul3A_75 = arith.muli %arg1, %mul3A_74 : i32
      %mul3A_76 = arith.constant 640 : i32
      %mul3A_77 = arith.muli %arg1, %mul3A_76 : i32
      "tpu.region"() ({
        %run_scoped3A = tpu.sem_alloc : memref<!tpu.dma_semaphore, #tpu.memory_space<semaphore_mem>>
        %dma_start3A_78 = arith.constant 0 : i32
        %dma_start3A_79 = tpu.memref_slice %arg9[%mul3A_77, %dma_start3A_78] : memref<10240x128xf32, #tpu.memory_space<vmem_shared>> -> memref<640x128xf32, #tpu.memory_space<vmem_shared>>
        %dma_start3A_80 = arith.constant 0 : i32
        %dma_start3A_81 = tpu.memref_slice %arg2[%mul3A_75, %dma_start3A_80] : memref<10240x128xf32, #tpu.memory_space<hbm>> -> memref<640x128xf32, #tpu.memory_space<hbm>>
        tpu.enqueue_dma source(%dma_start3A_81 : memref<640x128xf32, #tpu.memory_space<hbm>>) target(%dma_start3A_79 : memref<640x128xf32, #tpu.memory_space<vmem_shared>>) target_semaphore(%run_scoped3A : memref<!tpu.dma_semaphore, #tpu.memory_space<semaphore_mem>>)
        %dma_wait3A = arith.constant 0 : i32
        %dma_wait3A_82 = tpu.memref_slice %arg9[%mul3A_77, %dma_wait3A] : memref<10240x128xf32, #tpu.memory_space<vmem_shared>> -> memref<640x128xf32, #tpu.memory_space<vmem_shared>>
        %dma_wait3A_83 = arith.constant 0 : i32
        %dma_wait3A_84 = tpu.memref_slice %arg2[%mul3A_75, %dma_wait3A_83] : memref<10240x128xf32, #tpu.memory_space<hbm>> -> memref<640x128xf32, #tpu.memory_space<hbm>>
        tpu.wait_dma2 semaphore(%run_scoped3A : memref<!tpu.dma_semaphore, #tpu.memory_space<semaphore_mem>>) src(%dma_wait3A_84 : memref<640x128xf32, #tpu.memory_space<hbm>>) dst(%dma_wait3A_82 : memref<640x128xf32, #tpu.memory_space<vmem_shared>>)
        tpu.yield
      }) : () -> ()
    } else {
    }
    %ne3A = arith.constant 0 : i32
    %ne3A_3 = arith.cmpi ne, %arg0, %ne3A : i32
    %convert_element_type3A_4 = arith.extui %ne3A_3 : i1 to i32
    %cond3A_5 = arith.constant 0 : i32
    %cond3A_6 = arith.cmpi ne, %convert_element_type3A_4, %cond3A_5 : i32
    scf.if %cond3A_6 {
      %broadcast_in_dim3A = arith.constant 0.000000e+00 : f32
      %broadcast_in_dim3A_74 = vector.broadcast %broadcast_in_dim3A : f32 to vector<16xf32>
      %scan3A_75 = arith.constant 0 : i32
      %scan3A_76 = arith.constant 0 : i32
      %scan3A_77 = arith.constant 256 : i32
      %scan3A_78 = arith.addi %scan3A_76, %scan3A_77 : i32
      %scan3A_79 = arith.constant 1 : i32
      scf.for %scan3A_93 = %scan3A_76 to %scan3A_78 step %scan3A_79  : i32 {
        %swap3A = arith.index_cast %scan3A_93 : i32 to index
        %swap3A_94 = arith.constant 0 : index
        %swap3A_95 = tpu.vector_load %arg8[%swap3A, %swap3A_94] {strides = array<i32>} : memref<256x128xf32, #tpu.memory_space<vmem>>, vector<1x16xf32>,
        %swap3A_96 = vector.shape_cast %swap3A_95 : vector<1x16xf32> to vector<16xf32>
        %swap3A_97 = vector.shape_cast %broadcast_in_dim3A_74 : vector<16xf32> to vector<1x16xf32>
        tpu.vector_store %arg8[%swap3A, %swap3A_94], %swap3A_97 {strides = array<i32>} : memref<256x128xf32, #tpu.memory_space<vmem>>, vector<1x16xf32>,
        %swap3A_98 = arith.index_cast %scan3A_93 : i32 to index
        %swap3A_99 = arith.constant 16 : index
        %swap3A_100 = tpu.vector_load %arg8[%swap3A_98, %swap3A_99] {strides = array<i32>} : memref<256x128xf32, #tpu.memory_space<vmem>>, vector<1x16xf32>,
        %swap3A_101 = vector.shape_cast %swap3A_100 : vector<1x16xf32> to vector<16xf32>
        %swap3A_102 = vector.shape_cast %broadcast_in_dim3A_74 : vector<16xf32> to vector<1x16xf32>
        tpu.vector_store %arg8[%swap3A_98, %swap3A_99], %swap3A_102 {strides = array<i32>} : memref<256x128xf32, #tpu.memory_space<vmem>>, vector<1x16xf32>,
        %swap3A_103 = arith.index_cast %scan3A_93 : i32 to index
        %swap3A_104 = arith.constant 32 : index
        %swap3A_105 = tpu.vector_load %arg8[%swap3A_103, %swap3A_104] {strides = array<i32>} : memref<256x128xf32, #tpu.memory_space<vmem>>, vector<1x16xf32>,
        %swap3A_106 = vector.shape_cast %swap3A_105 : vector<1x16xf32> to vector<16xf32>
        %swap3A_107 = vector.shape_cast %broadcast_in_dim3A_74 : vector<16xf32> to vector<1x16xf32>
        tpu.vector_store %arg8[%swap3A_103, %swap3A_104], %swap3A_107 {strides = array<i32>} : memref<256x128xf32, #tpu.memory_space<vmem>>, vector<1x16xf32>,
        %swap3A_108 = arith.index_cast %scan3A_93 : i32 to index
        %swap3A_109 = arith.constant 48 : index
        %swap3A_110 = tpu.vector_load %arg8[%swap3A_108, %swap3A_109] {strides = array<i32>} : memref<256x128xf32, #tpu.memory_space<vmem>>, vector<1x16xf32>,
        %swap3A_111 = vector.shape_cast %swap3A_110 : vector<1x16xf32> to vector<16xf32>
        %swap3A_112 = vector.shape_cast %broadcast_in_dim3A_74 : vector<16xf32> to vector<1x16xf32>
        tpu.vector_store %arg8[%swap3A_108, %swap3A_109], %swap3A_112 {strides = array<i32>} : memref<256x128xf32, #tpu.memory_space<vmem>>, vector<1x16xf32>,
        %swap3A_113 = arith.index_cast %scan3A_93 : i32 to index
        %swap3A_114 = arith.constant 64 : index
        %swap3A_115 = tpu.vector_load %arg8[%swap3A_113, %swap3A_114] {strides = array<i32>} : memref<256x128xf32, #tpu.memory_space<vmem>>, vector<1x16xf32>,
        %swap3A_116 = vector.shape_cast %swap3A_115 : vector<1x16xf32> to vector<16xf32>
        %swap3A_117 = vector.shape_cast %broadcast_in_dim3A_74 : vector<16xf32> to vector<1x16xf32>
        tpu.vector_store %arg8[%swap3A_113, %swap3A_114], %swap3A_117 {strides = array<i32>} : memref<256x128xf32, #tpu.memory_space<vmem>>, vector<1x16xf32>,
        %swap3A_118 = arith.index_cast %scan3A_93 : i32 to index
        %swap3A_119 = arith.constant 80 : index
        %swap3A_120 = tpu.vector_load %arg8[%swap3A_118, %swap3A_119] {strides = array<i32>} : memref<256x128xf32, #tpu.memory_space<vmem>>, vector<1x16xf32>,
        %swap3A_121 = vector.shape_cast %swap3A_120 : vector<1x16xf32> to vector<16xf32>
        %swap3A_122 = vector.shape_cast %broadcast_in_dim3A_74 : vector<16xf32> to vector<1x16xf32>
        tpu.vector_store %arg8[%swap3A_118, %swap3A_119], %swap3A_122 {strides = array<i32>} : memref<256x128xf32, #tpu.memory_space<vmem>>, vector<1x16xf32>,
        %swap3A_123 = arith.index_cast %scan3A_93 : i32 to index
        %swap3A_124 = arith.constant 96 : index
        %swap3A_125 = tpu.vector_load %arg8[%swap3A_123, %swap3A_124] {strides = array<i32>} : memref<256x128xf32, #tpu.memory_space<vmem>>, vector<1x16xf32>,
        %swap3A_126 = vector.shape_cast %swap3A_125 : vector<1x16xf32> to vector<16xf32>
        %swap3A_127 = vector.shape_cast %broadcast_in_dim3A_74 : vector<16xf32> to vector<1x16xf32>
        tpu.vector_store %arg8[%swap3A_123, %swap3A_124], %swap3A_127 {strides = array<i32>} : memref<256x128xf32, #tpu.memory_space<vmem>>, vector<1x16xf32>,
        %swap3A_128 = arith.index_cast %scan3A_93 : i32 to index
        %swap3A_129 = arith.constant 112 : index
        %swap3A_130 = tpu.vector_load %arg8[%swap3A_128, %swap3A_129] {strides = array<i32>} : memref<256x128xf32, #tpu.memory_space<vmem>>, vector<1x16xf32>,
        %swap3A_131 = vector.shape_cast %swap3A_130 : vector<1x16xf32> to vector<16xf32>
        %swap3A_132 = vector.shape_cast %broadcast_in_dim3A_74 : vector<16xf32> to vector<1x16xf32>
        tpu.vector_store %arg8[%swap3A_128, %swap3A_129], %swap3A_132 {strides = array<i32>} : memref<256x128xf32, #tpu.memory_space<vmem>>, vector<1x16xf32>,
      }
      %scan3A_80 = arith.constant 256 : i32
      %mul3A_81 = arith.constant 640 : i32
      %mul3A_82 = arith.muli %arg1, %mul3A_81 : i32
      %add3A_83 = arith.constant 0 : i32
      %add3A_84 = arith.addi %mul3A_82, %add3A_83 : i32
      "tpu.region"() ({
        %run_scoped3A = tpu.sem_alloc : memref<!tpu.dma_semaphore, #tpu.memory_space<semaphore_mem>>
        %dma_start3A_93 = arith.constant 0 : i32
        %dma_start3A_94 = arith.constant 0 : i32
        %dma_start3A_95 = tpu.memref_slice %arg8[%dma_start3A_93, %dma_start3A_94] : memref<256x128xf32, #tpu.memory_space<vmem>> -> memref<256x128xf32, #tpu.memory_space<vmem>>
        %dma_start3A_96 = arith.constant 0 : i32
        %dma_start3A_97 = tpu.memref_slice %arg9[%add3A_84, %dma_start3A_96] : memref<10240x128xf32, #tpu.memory_space<vmem_shared>> -> memref<256x128xf32, #tpu.memory_space<vmem_shared>>
        %dma_start3A_98 = arith.constant 0 : i32
        %dma_start3A_99 = tpu.memref_slice %arg9[%add3A_84, %dma_start3A_98] : memref<10240x128xf32, #tpu.memory_space<vmem_shared>> -> memref<256x128xf32, #tpu.memory_space<vmem_shared>>
        %dma_start3A_100 = arith.constant 0 : i32
        %dma_start3A_101 = arith.constant 0 : i32
        %dma_start3A_102 = tpu.memref_slice %arg8[%dma_start3A_100, %dma_start3A_101] : memref<256x128xf32, #tpu.memory_space<vmem>> -> memref<256x128xf32, #tpu.memory_space<vmem>>
        tpu.enqueue_dma source(%dma_start3A_102 : memref<256x128xf32, #tpu.memory_space<vmem>>) target(%dma_start3A_99 : memref<256x128xf32, #tpu.memory_space<vmem_shared>>) target_semaphore(%run_scoped3A : memref<!tpu.dma_semaphore, #tpu.memory_space<semaphore_mem>>)
        %dma_wait3A = arith.constant 0 : i32
        %dma_wait3A_103 = arith.constant 0 : i32
        %dma_wait3A_104 = tpu.memref_slice %arg8[%dma_wait3A, %dma_wait3A_103] : memref<256x128xf32, #tpu.memory_space<vmem>> -> memref<256x128xf32, #tpu.memory_space<vmem>>
        %dma_wait3A_105 = arith.constant 0 : i32
        %dma_wait3A_106 = tpu.memref_slice %arg9[%add3A_84, %dma_wait3A_105] : memref<10240x128xf32, #tpu.memory_space<vmem_shared>> -> memref<256x128xf32, #tpu.memory_space<vmem_shared>>
        %dma_wait3A_107 = arith.constant 0 : i32
        %dma_wait3A_108 = tpu.memref_slice %arg9[%add3A_84, %dma_wait3A_107] : memref<10240x128xf32, #tpu.memory_space<vmem_shared>> -> memref<256x128xf32, #tpu.memory_space<vmem_shared>>
        %dma_wait3A_109 = arith.constant 0 : i32
        %dma_wait3A_110 = arith.constant 0 : i32
        %dma_wait3A_111 = tpu.memref_slice %arg8[%dma_wait3A_109, %dma_wait3A_110] : memref<256x128xf32, #tpu.memory_space<vmem>> -> memref<256x128xf32, #tpu.memory_space<vmem>>
        tpu.wait_dma2 semaphore(%run_scoped3A : memref<!tpu.dma_semaphore, #tpu.memory_space<semaphore_mem>>) src(%dma_wait3A_111 : memref<256x128xf32, #tpu.memory_space<vmem>>) dst(%dma_wait3A_108 : memref<256x128xf32, #tpu.memory_space<vmem_shared>>)
        tpu.yield
      }) : () -> ()
      %mul3A_85 = arith.constant 640 : i32
      %mul3A_86 = arith.muli %arg1, %mul3A_85 : i32
      %add3A_87 = arith.constant 256 : i32
      %add3A_88 = arith.addi %mul3A_86, %add3A_87 : i32
      "tpu.region"() ({
        %run_scoped3A = tpu.sem_alloc : memref<!tpu.dma_semaphore, #tpu.memory_space<semaphore_mem>>
        %dma_start3A_93 = arith.constant 0 : i32
        %dma_start3A_94 = arith.constant 0 : i32
        %dma_start3A_95 = tpu.memref_slice %arg8[%dma_start3A_93, %dma_start3A_94] : memref<256x128xf32, #tpu.memory_space<vmem>> -> memref<256x128xf32, #tpu.memory_space<vmem>>
        %dma_start3A_96 = arith.constant 0 : i32
        %dma_start3A_97 = tpu.memref_slice %arg9[%add3A_88, %dma_start3A_96] : memref<10240x128xf32, #tpu.memory_space<vmem_shared>> -> memref<256x128xf32, #tpu.memory_space<vmem_shared>>
        %dma_start3A_98 = arith.constant 0 : i32
        %dma_start3A_99 = tpu.memref_slice %arg9[%add3A_88, %dma_start3A_98] : memref<10240x128xf32, #tpu.memory_space<vmem_shared>> -> memref<256x128xf32, #tpu.memory_space<vmem_shared>>
        %dma_start3A_100 = arith.constant 0 : i32
        %dma_start3A_101 = arith.constant 0 : i32
        %dma_start3A_102 = tpu.memref_slice %arg8[%dma_start3A_100, %dma_start3A_101] : memref<256x128xf32, #tpu.memory_space<vmem>> -> memref<256x128xf32, #tpu.memory_space<vmem>>
        tpu.enqueue_dma source(%dma_start3A_102 : memref<256x128xf32, #tpu.memory_space<vmem>>) target(%dma_start3A_99 : memref<256x128xf32, #tpu.memory_space<vmem_shared>>) target_semaphore(%run_scoped3A : memref<!tpu.dma_semaphore, #tpu.memory_space<semaphore_mem>>)
        %dma_wait3A = arith.constant 0 : i32
        %dma_wait3A_103 = arith.constant 0 : i32
        %dma_wait3A_104 = tpu.memref_slice %arg8[%dma_wait3A, %dma_wait3A_103] : memref<256x128xf32, #tpu.memory_space<vmem>> -> memref<256x128xf32, #tpu.memory_space<vmem>>
        %dma_wait3A_105 = arith.constant 0 : i32
        %dma_wait3A_106 = tpu.memref_slice %arg9[%add3A_88, %dma_wait3A_105] : memref<10240x128xf32, #tpu.memory_space<vmem_shared>> -> memref<256x128xf32, #tpu.memory_space<vmem_shared>>
        %dma_wait3A_107 = arith.constant 0 : i32
        %dma_wait3A_108 = tpu.memref_slice %arg9[%add3A_88, %dma_wait3A_107] : memref<10240x128xf32, #tpu.memory_space<vmem_shared>> -> memref<256x128xf32, #tpu.memory_space<vmem_shared>>
        %dma_wait3A_109 = arith.constant 0 : i32
        %dma_wait3A_110 = arith.constant 0 : i32
        %dma_wait3A_111 = tpu.memref_slice %arg8[%dma_wait3A_109, %dma_wait3A_110] : memref<256x128xf32, #tpu.memory_space<vmem>> -> memref<256x128xf32, #tpu.memory_space<vmem>>
        tpu.wait_dma2 semaphore(%run_scoped3A : memref<!tpu.dma_semaphore, #tpu.memory_space<semaphore_mem>>) src(%dma_wait3A_111 : memref<256x128xf32, #tpu.memory_space<vmem>>) dst(%dma_wait3A_108 : memref<256x128xf32, #tpu.memory_space<vmem_shared>>)
        tpu.yield
      }) : () -> ()
      %mul3A_89 = arith.constant 640 : i32
      %mul3A_90 = arith.muli %arg1, %mul3A_89 : i32
      %add3A_91 = arith.constant 512 : i32
      %add3A_92 = arith.addi %mul3A_90, %add3A_91 : i32
      "tpu.region"() ({
        %run_scoped3A = tpu.sem_alloc : memref<!tpu.dma_semaphore, #tpu.memory_space<semaphore_mem>>
        %dma_start3A_93 = arith.constant 0 : i32
        %dma_start3A_94 = arith.constant 0 : i32
        %dma_start3A_95 = tpu.memref_slice %arg8[%dma_start3A_93, %dma_start3A_94] : memref<256x128xf32, #tpu.memory_space<vmem>> -> memref<128x128xf32, #tpu.memory_space<vmem>>
        %dma_start3A_96 = arith.constant 0 : i32
        %dma_start3A_97 = tpu.memref_slice %arg9[%add3A_92, %dma_start3A_96] : memref<10240x128xf32, #tpu.memory_space<vmem_shared>> -> memref<128x128xf32, #tpu.memory_space<vmem_shared>>
        %dma_start3A_98 = arith.constant 0 : i32
        %dma_start3A_99 = tpu.memref_slice %arg9[%add3A_92, %dma_start3A_98] : memref<10240x128xf32, #tpu.memory_space<vmem_shared>> -> memref<128x128xf32, #tpu.memory_space<vmem_shared>>
        %dma_start3A_100 = arith.constant 0 : i32
        %dma_start3A_101 = arith.constant 0 : i32
        %dma_start3A_102 = tpu.memref_slice %arg8[%dma_start3A_100, %dma_start3A_101] : memref<256x128xf32, #tpu.memory_space<vmem>> -> memref<128x128xf32, #tpu.memory_space<vmem>>
        tpu.enqueue_dma source(%dma_start3A_102 : memref<128x128xf32, #tpu.memory_space<vmem>>) target(%dma_start3A_99 : memref<128x128xf32, #tpu.memory_space<vmem_shared>>) target_semaphore(%run_scoped3A : memref<!tpu.dma_semaphore, #tpu.memory_space<semaphore_mem>>)
        %dma_wait3A = arith.constant 0 : i32
        %dma_wait3A_103 = arith.constant 0 : i32
        %dma_wait3A_104 = tpu.memref_slice %arg8[%dma_wait3A, %dma_wait3A_103] : memref<256x128xf32, #tpu.memory_space<vmem>> -> memref<128x128xf32, #tpu.memory_space<vmem>>
        %dma_wait3A_105 = arith.constant 0 : i32
        %dma_wait3A_106 = tpu.memref_slice %arg9[%add3A_92, %dma_wait3A_105] : memref<10240x128xf32, #tpu.memory_space<vmem_shared>> -> memref<128x128xf32, #tpu.memory_space<vmem_shared>>
        %dma_wait3A_107 = arith.constant 0 : i32
        %dma_wait3A_108 = tpu.memref_slice %arg9[%add3A_92, %dma_wait3A_107] : memref<10240x128xf32, #tpu.memory_space<vmem_shared>> -> memref<128x128xf32, #tpu.memory_space<vmem_shared>>
        %dma_wait3A_109 = arith.constant 0 : i32
        %dma_wait3A_110 = arith.constant 0 : i32
        %dma_wait3A_111 = tpu.memref_slice %arg8[%dma_wait3A_109, %dma_wait3A_110] : memref<256x128xf32, #tpu.memory_space<vmem>> -> memref<128x128xf32, #tpu.memory_space<vmem>>
        tpu.wait_dma2 semaphore(%run_scoped3A : memref<!tpu.dma_semaphore, #tpu.memory_space<semaphore_mem>>) src(%dma_wait3A_111 : memref<128x128xf32, #tpu.memory_space<vmem>>) dst(%dma_wait3A_108 : memref<128x128xf32, #tpu.memory_space<vmem_shared>>)
        tpu.yield
      }) : () -> ()
    } else {
    }
    %barrier3A = arith.constant 0 : index
    tpu.barrier barrier_id(%barrier3A)
    "tpu.region"() ({
      %run_scoped3A = tpu.sem_alloc : memref<!tpu.dma_semaphore, #tpu.memory_space<semaphore_mem>>
      %dma_start3A_74 = arith.constant 0 : i32
      %dma_start3A_75 = arith.constant 0 : i32
      %dma_start3A_76 = tpu.memref_slice %arg3[%add3A, %dma_start3A_74, %dma_start3A_75] : memref<32x80x128xi32, #tpu.memory_space<hbm>> -> memref<1x40x128xi32, #tpu.memory_space<hbm>>
      %dma_start3A_77 = tpu.memref_squeeze %dma_start3A_76 : memref<1x40x128xi32, #tpu.memory_space<hbm>> -> memref<40x128xi32, #tpu.memory_space<hbm>>
      %dma_start3A_78 = arith.constant 0 : i32
      %dma_start3A_79 = arith.constant 0 : i32
      %dma_start3A_80 = tpu.memref_slice %arg3[%add3A, %dma_start3A_78, %dma_start3A_79] : memref<32x80x128xi32, #tpu.memory_space<hbm>> -> memref<1x40x128xi32, #tpu.memory_space<hbm>>
      %dma_start3A_81 = tpu.memref_squeeze %dma_start3A_80 : memref<1x40x128xi32, #tpu.memory_space<hbm>> -> memref<40x128xi32, #tpu.memory_space<hbm>>
      tpu.enqueue_dma source(%dma_start3A_81 : memref<40x128xi32, #tpu.memory_space<hbm>>) target(%arg6 : memref<40x128xi32, #tpu.memory_space<vmem>>) target_semaphore(%run_scoped3A : memref<!tpu.dma_semaphore, #tpu.memory_space<semaphore_mem>>)
      %dma_wait3A = arith.constant 0 : i32
      %dma_wait3A_82 = arith.constant 0 : i32
      %dma_wait3A_83 = tpu.memref_slice %arg3[%add3A, %dma_wait3A, %dma_wait3A_82] : memref<32x80x128xi32, #tpu.memory_space<hbm>> -> memref<1x40x128xi32, #tpu.memory_space<hbm>>
      %dma_wait3A_84 = tpu.memref_squeeze %dma_wait3A_83 : memref<1x40x128xi32, #tpu.memory_space<hbm>> -> memref<40x128xi32, #tpu.memory_space<hbm>>
      %dma_wait3A_85 = arith.constant 0 : i32
      %dma_wait3A_86 = arith.constant 0 : i32
      %dma_wait3A_87 = tpu.memref_slice %arg3[%add3A, %dma_wait3A_85, %dma_wait3A_86] : memref<32x80x128xi32, #tpu.memory_space<hbm>> -> memref<1x40x128xi32, #tpu.memory_space<hbm>>
      %dma_wait3A_88 = tpu.memref_squeeze %dma_wait3A_87 : memref<1x40x128xi32, #tpu.memory_space<hbm>> -> memref<40x128xi32, #tpu.memory_space<hbm>>
      tpu.wait_dma2 semaphore(%run_scoped3A : memref<!tpu.dma_semaphore, #tpu.memory_space<semaphore_mem>>) src(%dma_wait3A_88 : memref<40x128xi32, #tpu.memory_space<hbm>>) dst(%arg6 : memref<40x128xi32, #tpu.memory_space<vmem>>)
      tpu.yield
    }) : () -> ()
    "tpu.region"() ({
      %run_scoped3A = tpu.sem_alloc : memref<!tpu.dma_semaphore, #tpu.memory_space<semaphore_mem>>
      %dma_start3A_74 = arith.constant 0 : i32
      %dma_start3A_75 = arith.constant 0 : i32
      %dma_start3A_76 = tpu.memref_slice %arg4[%add3A, %dma_start3A_74, %dma_start3A_75] : memref<32x80x128xi32, #tpu.memory_space<hbm>> -> memref<1x40x128xi32, #tpu.memory_space<hbm>>
      %dma_start3A_77 = tpu.memref_squeeze %dma_start3A_76 : memref<1x40x128xi32, #tpu.memory_space<hbm>> -> memref<40x128xi32, #tpu.memory_space<hbm>>
      %dma_start3A_78 = arith.constant 0 : i32
      %dma_start3A_79 = arith.constant 0 : i32
      %dma_start3A_80 = tpu.memref_slice %arg4[%add3A, %dma_start3A_78, %dma_start3A_79] : memref<32x80x128xi32, #tpu.memory_space<hbm>> -> memref<1x40x128xi32, #tpu.memory_space<hbm>>
      %dma_start3A_81 = tpu.memref_squeeze %dma_start3A_80 : memref<1x40x128xi32, #tpu.memory_space<hbm>> -> memref<40x128xi32, #tpu.memory_space<hbm>>
      tpu.enqueue_dma source(%dma_start3A_81 : memref<40x128xi32, #tpu.memory_space<hbm>>) target(%arg7 : memref<40x128xi32, #tpu.memory_space<vmem>>) target_semaphore(%run_scoped3A : memref<!tpu.dma_semaphore, #tpu.memory_space<semaphore_mem>>)
      %dma_wait3A = arith.constant 0 : i32
      %dma_wait3A_82 = arith.constant 0 : i32
      %dma_wait3A_83 = tpu.memref_slice %arg4[%add3A, %dma_wait3A, %dma_wait3A_82] : memref<32x80x128xi32, #tpu.memory_space<hbm>> -> memref<1x40x128xi32, #tpu.memory_space<hbm>>
      %dma_wait3A_84 = tpu.memref_squeeze %dma_wait3A_83 : memref<1x40x128xi32, #tpu.memory_space<hbm>> -> memref<40x128xi32, #tpu.memory_space<hbm>>
      %dma_wait3A_85 = arith.constant 0 : i32
      %dma_wait3A_86 = arith.constant 0 : i32
      %dma_wait3A_87 = tpu.memref_slice %arg4[%add3A, %dma_wait3A_85, %dma_wait3A_86] : memref<32x80x128xi32, #tpu.memory_space<hbm>> -> memref<1x40x128xi32, #tpu.memory_space<hbm>>
      %dma_wait3A_88 = tpu.memref_squeeze %dma_wait3A_87 : memref<1x40x128xi32, #tpu.memory_space<hbm>> -> memref<40x128xi32, #tpu.memory_space<hbm>>
      tpu.wait_dma2 semaphore(%run_scoped3A : memref<!tpu.dma_semaphore, #tpu.memory_space<semaphore_mem>>) src(%dma_wait3A_88 : memref<40x128xi32, #tpu.memory_space<hbm>>) dst(%arg7 : memref<40x128xi32, #tpu.memory_space<vmem>>)
      tpu.yield
    }) : () -> ()
    %dma_start3A = arith.constant 0 : i32
    %dma_start3A_7 = arith.constant 0 : i32
    %dma_start3A_8 = arith.constant 0 : i32
    %dma_start3A_9 = arith.constant 0 : i32
    %dma_start3A_10 = tpu.memref_slice %arg8[%dma_start3A_8, %dma_start3A_9] : memref<256x128xf32, #tpu.memory_space<vmem>> -> memref<128x128xf32, #tpu.memory_space<vmem>>
    %dma_start3A_11 = arith.constant 0 : i32
    %dma_start3A_12 = tpu.memref_slice %arg6[%dma_start3A, %dma_start3A_11] : memref<40x128xi32, #tpu.memory_space<vmem>> -> memref<1x128xi32, #tpu.memory_space<vmem>>
    %dma_start3A_13 = tpu.memref_squeeze %dma_start3A_12 : memref<1x128xi32, #tpu.memory_space<vmem>> -> memref<128xi32, #tpu.memory_space<vmem>>
    %dma_start3A_14 = arith.constant 0 : i32
    %dma_start3A_15 = arith.constant 0 : i32
    %dma_start3A_16 = tpu.memref_slice %arg2[%dma_start3A_14, %dma_start3A_15] : memref<10240x128xf32, #tpu.memory_space<hbm>> -> memref<10240x128xf32, #tpu.memory_space<hbm>>
    %dma_start3A_17 = tpu.memref_slice %arg10[%dma_start3A_7] : memref<2x!tpu.dma_semaphore, #tpu.memory_space<semaphore_mem>> -> memref<1x!tpu.dma_semaphore, #tpu.memory_space<semaphore_mem>>
    %dma_start3A_18 = tpu.memref_squeeze %dma_start3A_17 : memref<1x!tpu.dma_semaphore, #tpu.memory_space<semaphore_mem>> -> memref<!tpu.dma_semaphore, #tpu.memory_space<semaphore_mem>>
    tpu.enqueue_indirect_dma source(%dma_start3A_16 : memref<10240x128xf32, #tpu.memory_space<hbm>>) target(%dma_start3A_10 : memref<128x128xf32, #tpu.memory_space<vmem>>) offsets(%dma_start3A_13 : memref<128xi32, #tpu.memory_space<vmem>>) semaphore(%dma_start3A_18 : memref<!tpu.dma_semaphore, #tpu.memory_space<semaphore_mem>>)
    %dma_start3A_19 = arith.constant 1 : i32
    %dma_start3A_20 = arith.constant 1 : i32
    %dma_start3A_21 = arith.constant 128 : i32
    %dma_start3A_22 = arith.constant 0 : i32
    %dma_start3A_23 = tpu.memref_slice %arg8[%dma_start3A_21, %dma_start3A_22] : memref<256x128xf32, #tpu.memory_space<vmem>> -> memref<128x128xf32, #tpu.memory_space<vmem>>
    %dma_start3A_24 = arith.constant 0 : i32
    %dma_start3A_25 = tpu.memref_slice %arg6[%dma_start3A_19, %dma_start3A_24] : memref<40x128xi32, #tpu.memory_space<vmem>> -> memref<1x128xi32, #tpu.memory_space<vmem>>
    %dma_start3A_26 = tpu.memref_squeeze %dma_start3A_25 : memref<1x128xi32, #tpu.memory_space<vmem>> -> memref<128xi32, #tpu.memory_space<vmem>>
    %dma_start3A_27 = arith.constant 0 : i32
    %dma_start3A_28 = arith.constant 0 : i32
    %dma_start3A_29 = tpu.memref_slice %arg2[%dma_start3A_27, %dma_start3A_28] : memref<10240x128xf32, #tpu.memory_space<hbm>> -> memref<10240x128xf32, #tpu.memory_space<hbm>>
    %dma_start3A_30 = tpu.memref_slice %arg10[%dma_start3A_20] : memref<2x!tpu.dma_semaphore, #tpu.memory_space<semaphore_mem>> -> memref<1x!tpu.dma_semaphore, #tpu.memory_space<semaphore_mem>>
    %dma_start3A_31 = tpu.memref_squeeze %dma_start3A_30 : memref<1x!tpu.dma_semaphore, #tpu.memory_space<semaphore_mem>> -> memref<!tpu.dma_semaphore, #tpu.memory_space<semaphore_mem>>
    tpu.enqueue_indirect_dma source(%dma_start3A_29 : memref<10240x128xf32, #tpu.memory_space<hbm>>) target(%dma_start3A_23 : memref<128x128xf32, #tpu.memory_space<vmem>>) offsets(%dma_start3A_26 : memref<128xi32, #tpu.memory_space<vmem>>) semaphore(%dma_start3A_31 : memref<!tpu.dma_semaphore, #tpu.memory_space<semaphore_mem>>)
    %scan3A = arith.constant 0 : i32
    %scan3A_32 = arith.constant 0 : i32
    %scan3A_33 = arith.constant 20 : i32
    %scan3A_34 = arith.addi %scan3A_32, %scan3A_33 : i32
    %scan3A_35 = arith.constant 1 : i32
    scf.for %scan3A_74 = %scan3A_32 to %scan3A_34 step %scan3A_35  : i32 {
      %mul3A_75 = arith.constant 2 : i32
      %mul3A_76 = arith.muli %scan3A_74, %mul3A_75 : i32
      %add3A_77 = arith.constant 0 : i32
      %add3A_78 = arith.addi %mul3A_76, %add3A_77 : i32
      %dma_wait3A = arith.constant 0 : i32
      %dma_wait3A_79 = arith.constant 0 : i32
      %dma_wait3A_80 = arith.constant 0 : i32
      %dma_wait3A_81 = tpu.memref_slice %arg8[%dma_wait3A_79, %dma_wait3A_80] : memref<256x128xf32, #tpu.memory_space<vmem>> -> memref<128x128xf32, #tpu.memory_space<vmem>>
      %dma_wait3A_82 = arith.constant 0 : i32
      %dma_wait3A_83 = tpu.memref_slice %arg6[%add3A_78, %dma_wait3A_82] : memref<40x128xi32, #tpu.memory_space<vmem>> -> memref<1x128xi32, #tpu.memory_space<vmem>>
      %dma_wait3A_84 = tpu.memref_squeeze %dma_wait3A_83 : memref<1x128xi32, #tpu.memory_space<vmem>> -> memref<128xi32, #tpu.memory_space<vmem>>
      %dma_wait3A_85 = arith.constant 0 : i32
      %dma_wait3A_86 = arith.constant 0 : i32
      %dma_wait3A_87 = tpu.memref_slice %arg2[%dma_wait3A_85, %dma_wait3A_86] : memref<10240x128xf32, #tpu.memory_space<hbm>> -> memref<10240x128xf32, #tpu.memory_space<hbm>>
      %dma_wait3A_88 = tpu.memref_slice %arg10[%dma_wait3A] : memref<2x!tpu.dma_semaphore, #tpu.memory_space<semaphore_mem>> -> memref<1x!tpu.dma_semaphore, #tpu.memory_space<semaphore_mem>>
      %dma_wait3A_89 = tpu.memref_squeeze %dma_wait3A_88 : memref<1x!tpu.dma_semaphore, #tpu.memory_space<semaphore_mem>> -> memref<!tpu.dma_semaphore, #tpu.memory_space<semaphore_mem>>
      tpu.wait_indirect_dma semaphore(%dma_wait3A_89 : memref<!tpu.dma_semaphore, #tpu.memory_space<semaphore_mem>>) src(%dma_wait3A_87 : memref<10240x128xf32, #tpu.memory_space<hbm>>) dst(%dma_wait3A_81 : memref<128x128xf32, #tpu.memory_space<vmem>>)
      "tpu.region"() ({
        %run_scoped3A = tpu.sem_alloc : memref<!tpu.dma_semaphore, #tpu.memory_space<semaphore_mem>>
        %dma_start3A_117 = arith.constant 0 : i32
        %dma_start3A_118 = arith.constant 0 : i32
        %dma_start3A_119 = tpu.memref_slice %arg8[%dma_start3A_117, %dma_start3A_118] : memref<256x128xf32, #tpu.memory_space<vmem>> -> memref<128x128xf32, #tpu.memory_space<vmem>>
        %dma_start3A_120 = arith.constant 0 : i32
        %dma_start3A_121 = tpu.memref_slice %arg7[%add3A_78, %dma_start3A_120] : memref<40x128xi32, #tpu.memory_space<vmem>> -> memref<1x128xi32, #tpu.memory_space<vmem>>
        %dma_start3A_122 = tpu.memref_squeeze %dma_start3A_121 : memref<1x128xi32, #tpu.memory_space<vmem>> -> memref<128xi32, #tpu.memory_space<vmem>>
        %dma_start3A_123 = arith.constant 0 : i32
        %dma_start3A_124 = arith.constant 0 : i32
        %dma_start3A_125 = tpu.memref_slice %arg9[%dma_start3A_123, %dma_start3A_124] : memref<10240x128xf32, #tpu.memory_space<vmem_shared>> -> memref<10240x128xf32, #tpu.memory_space<vmem_shared>>
        tpu.enqueue_indirect_dma source(%dma_start3A_119 : memref<128x128xf32, #tpu.memory_space<vmem>>) target(%dma_start3A_125 : memref<10240x128xf32, #tpu.memory_space<vmem_shared>>) offsets(%dma_start3A_122 : memref<128xi32, #tpu.memory_space<vmem>>) semaphore(%run_scoped3A : memref<!tpu.dma_semaphore, #tpu.memory_space<semaphore_mem>>) {add = true}
        %dma_wait3A_126 = arith.constant 0 : i32
        %dma_wait3A_127 = arith.constant 0 : i32
        %dma_wait3A_128 = tpu.memref_slice %arg8[%dma_wait3A_126, %dma_wait3A_127] : memref<256x128xf32, #tpu.memory_space<vmem>> -> memref<128x128xf32, #tpu.memory_space<vmem>>
        %dma_wait3A_129 = arith.constant 0 : i32
        %dma_wait3A_130 = tpu.memref_slice %arg7[%add3A_78, %dma_wait3A_129] : memref<40x128xi32, #tpu.memory_space<vmem>> -> memref<1x128xi32, #tpu.memory_space<vmem>>
        %dma_wait3A_131 = tpu.memref_squeeze %dma_wait3A_130 : memref<1x128xi32, #tpu.memory_space<vmem>> -> memref<128xi32, #tpu.memory_space<vmem>>
        %dma_wait3A_132 = arith.constant 0 : i32
        %dma_wait3A_133 = arith.constant 0 : i32
        %dma_wait3A_134 = tpu.memref_slice %arg9[%dma_wait3A_132, %dma_wait3A_133] : memref<10240x128xf32, #tpu.memory_space<vmem_shared>> -> memref<10240x128xf32, #tpu.memory_space<vmem_shared>>
        tpu.wait_indirect_dma semaphore(%run_scoped3A : memref<!tpu.dma_semaphore, #tpu.memory_space<semaphore_mem>>) src(%dma_wait3A_128 : memref<128x128xf32, #tpu.memory_space<vmem>>) dst(%dma_wait3A_134 : memref<10240x128xf32, #tpu.memory_space<vmem_shared>>)
        tpu.yield
      }) : () -> ()
      %add3A_90 = arith.constant 2 : i32
      %add3A_91 = arith.addi %add3A_78, %add3A_90 : i32
      %lt3A = arith.constant 40 : i32
      %lt3A_92 = arith.cmpi slt, %add3A_91, %lt3A : i32
      %convert_element_type3A_93 = arith.extui %lt3A_92 : i1 to i32
      %cond3A_94 = arith.constant 0 : i32
      %cond3A_95 = arith.cmpi ne, %convert_element_type3A_93, %cond3A_94 : i32
      scf.if %cond3A_95 {
        %dma_start3A_117 = arith.constant 0 : i32
        %dma_start3A_118 = arith.constant 0 : i32
        %dma_start3A_119 = arith.constant 0 : i32
        %dma_start3A_120 = tpu.memref_slice %arg8[%dma_start3A_118, %dma_start3A_119] : memref<256x128xf32, #tpu.memory_space<vmem>> -> memref<128x128xf32, #tpu.memory_space<vmem>>
        %dma_start3A_121 = arith.constant 0 : i32
        %dma_start3A_122 = tpu.memref_slice %arg6[%add3A_91, %dma_start3A_121] : memref<40x128xi32, #tpu.memory_space<vmem>> -> memref<1x128xi32, #tpu.memory_space<vmem>>
        %dma_start3A_123 = tpu.memref_squeeze %dma_start3A_122 : memref<1x128xi32, #tpu.memory_space<vmem>> -> memref<128xi32, #tpu.memory_space<vmem>>
        %dma_start3A_124 = arith.constant 0 : i32
        %dma_start3A_125 = arith.constant 0 : i32
        %dma_start3A_126 = tpu.memref_slice %arg2[%dma_start3A_124, %dma_start3A_125] : memref<10240x128xf32, #tpu.memory_space<hbm>> -> memref<10240x128xf32, #tpu.memory_space<hbm>>
        %dma_start3A_127 = tpu.memref_slice %arg10[%dma_start3A_117] : memref<2x!tpu.dma_semaphore, #tpu.memory_space<semaphore_mem>> -> memref<1x!tpu.dma_semaphore, #tpu.memory_space<semaphore_mem>>
        %dma_start3A_128 = tpu.memref_squeeze %dma_start3A_127 : memref<1x!tpu.dma_semaphore, #tpu.memory_space<semaphore_mem>> -> memref<!tpu.dma_semaphore, #tpu.memory_space<semaphore_mem>>
        tpu.enqueue_indirect_dma source(%dma_start3A_126 : memref<10240x128xf32, #tpu.memory_space<hbm>>) target(%dma_start3A_120 : memref<128x128xf32, #tpu.memory_space<vmem>>) offsets(%dma_start3A_123 : memref<128xi32, #tpu.memory_space<vmem>>) semaphore(%dma_start3A_128 : memref<!tpu.dma_semaphore, #tpu.memory_space<semaphore_mem>>)
      } else {
      }
      %add3A_96 = arith.constant 1 : i32
      %add3A_97 = arith.addi %mul3A_76, %add3A_96 : i32
      %dma_wait3A_98 = arith.constant 1 : i32
      %dma_wait3A_99 = arith.constant 128 : i32
      %dma_wait3A_100 = arith.constant 0 : i32
      %dma_wait3A_101 = tpu.memref_slice %arg8[%dma_wait3A_99, %dma_wait3A_100] : memref<256x128xf32, #tpu.memory_space<vmem>> -> memref<128x128xf32, #tpu.memory_space<vmem>>
      %dma_wait3A_102 = arith.constant 0 : i32
      %dma_wait3A_103 = tpu.memref_slice %arg6[%add3A_97, %dma_wait3A_102] : memref<40x128xi32, #tpu.memory_space<vmem>> -> memref<1x128xi32, #tpu.memory_space<vmem>>
      %dma_wait3A_104 = tpu.memref_squeeze %dma_wait3A_103 : memref<1x128xi32, #tpu.memory_space<vmem>> -> memref<128xi32, #tpu.memory_space<vmem>>
      %dma_wait3A_105 = arith.constant 0 : i32
      %dma_wait3A_106 = arith.constant 0 : i32
      %dma_wait3A_107 = tpu.memref_slice %arg2[%dma_wait3A_105, %dma_wait3A_106] : memref<10240x128xf32, #tpu.memory_space<hbm>> -> memref<10240x128xf32, #tpu.memory_space<hbm>>
      %dma_wait3A_108 = tpu.memref_slice %arg10[%dma_wait3A_98] : memref<2x!tpu.dma_semaphore, #tpu.memory_space<semaphore_mem>> -> memref<1x!tpu.dma_semaphore, #tpu.memory_space<semaphore_mem>>
      %dma_wait3A_109 = tpu.memref_squeeze %dma_wait3A_108 : memref<1x!tpu.dma_semaphore, #tpu.memory_space<semaphore_mem>> -> memref<!tpu.dma_semaphore, #tpu.memory_space<semaphore_mem>>
      tpu.wait_indirect_dma semaphore(%dma_wait3A_109 : memref<!tpu.dma_semaphore, #tpu.memory_space<semaphore_mem>>) src(%dma_wait3A_107 : memref<10240x128xf32, #tpu.memory_space<hbm>>) dst(%dma_wait3A_101 : memref<128x128xf32, #tpu.memory_space<vmem>>)
      "tpu.region"() ({
        %run_scoped3A = tpu.sem_alloc : memref<!tpu.dma_semaphore, #tpu.memory_space<semaphore_mem>>
        %dma_start3A_117 = arith.constant 128 : i32
        %dma_start3A_118 = arith.constant 0 : i32
        %dma_start3A_119 = tpu.memref_slice %arg8[%dma_start3A_117, %dma_start3A_118] : memref<256x128xf32, #tpu.memory_space<vmem>> -> memref<128x128xf32, #tpu.memory_space<vmem>>
        %dma_start3A_120 = arith.constant 0 : i32
        %dma_start3A_121 = tpu.memref_slice %arg7[%add3A_97, %dma_start3A_120] : memref<40x128xi32, #tpu.memory_space<vmem>> -> memref<1x128xi32, #tpu.memory_space<vmem>>
        %dma_start3A_122 = tpu.memref_squeeze %dma_start3A_121 : memref<1x128xi32, #tpu.memory_space<vmem>> -> memref<128xi32, #tpu.memory_space<vmem>>
        %dma_start3A_123 = arith.constant 0 : i32
        %dma_start3A_124 = arith.constant 0 : i32
        %dma_start3A_125 = tpu.memref_slice %arg9[%dma_start3A_123, %dma_start3A_124] : memref<10240x128xf32, #tpu.memory_space<vmem_shared>> -> memref<10240x128xf32, #tpu.memory_space<vmem_shared>>
        tpu.enqueue_indirect_dma source(%dma_start3A_119 : memref<128x128xf32, #tpu.memory_space<vmem>>) target(%dma_start3A_125 : memref<10240x128xf32, #tpu.memory_space<vmem_shared>>) offsets(%dma_start3A_122 : memref<128xi32, #tpu.memory_space<vmem>>) semaphore(%run_scoped3A : memref<!tpu.dma_semaphore, #tpu.memory_space<semaphore_mem>>) {add = true}
        %dma_wait3A_126 = arith.constant 128 : i32
        %dma_wait3A_127 = arith.constant 0 : i32
        %dma_wait3A_128 = tpu.memref_slice %arg8[%dma_wait3A_126, %dma_wait3A_127] : memref<256x128xf32, #tpu.memory_space<vmem>> -> memref<128x128xf32, #tpu.memory_space<vmem>>
        %dma_wait3A_129 = arith.constant 0 : i32
        %dma_wait3A_130 = tpu.memref_slice %arg7[%add3A_97, %dma_wait3A_129] : memref<40x128xi32, #tpu.memory_space<vmem>> -> memref<1x128xi32, #tpu.memory_space<vmem>>
        %dma_wait3A_131 = tpu.memref_squeeze %dma_wait3A_130 : memref<1x128xi32, #tpu.memory_space<vmem>> -> memref<128xi32, #tpu.memory_space<vmem>>
        %dma_wait3A_132 = arith.constant 0 : i32
        %dma_wait3A_133 = arith.constant 0 : i32
        %dma_wait3A_134 = tpu.memref_slice %arg9[%dma_wait3A_132, %dma_wait3A_133] : memref<10240x128xf32, #tpu.memory_space<vmem_shared>> -> memref<10240x128xf32, #tpu.memory_space<vmem_shared>>
        tpu.wait_indirect_dma semaphore(%run_scoped3A : memref<!tpu.dma_semaphore, #tpu.memory_space<semaphore_mem>>) src(%dma_wait3A_128 : memref<128x128xf32, #tpu.memory_space<vmem>>) dst(%dma_wait3A_134 : memref<10240x128xf32, #tpu.memory_space<vmem_shared>>)
        tpu.yield
      }) : () -> ()
      %add3A_110 = arith.constant 2 : i32
      %add3A_111 = arith.addi %add3A_97, %add3A_110 : i32
      %lt3A_112 = arith.constant 40 : i32
      %lt3A_113 = arith.cmpi slt, %add3A_111, %lt3A_112 : i32
      %convert_element_type3A_114 = arith.extui %lt3A_113 : i1 to i32
      %cond3A_115 = arith.constant 0 : i32
      %cond3A_116 = arith.cmpi ne, %convert_element_type3A_114, %cond3A_115 : i32
      scf.if %cond3A_116 {
        %dma_start3A_117 = arith.constant 1 : i32
        %dma_start3A_118 = arith.constant 128 : i32
        %dma_start3A_119 = arith.constant 0 : i32
        %dma_start3A_120 = tpu.memref_slice %arg8[%dma_start3A_118, %dma_start3A_119] : memref<256x128xf32, #tpu.memory_space<vmem>> -> memref<128x128xf32, #tpu.memory_space<vmem>>
        %dma_start3A_121 = arith.constant 0 : i32
        %dma_start3A_122 = tpu.memref_slice %arg6[%add3A_111, %dma_start3A_121] : memref<40x128xi32, #tpu.memory_space<vmem>> -> memref<1x128xi32, #tpu.memory_space<vmem>>
        %dma_start3A_123 = tpu.memref_squeeze %dma_start3A_122 : memref<1x128xi32, #tpu.memory_space<vmem>> -> memref<128xi32, #tpu.memory_space<vmem>>
        %dma_start3A_124 = arith.constant 0 : i32
        %dma_start3A_125 = arith.constant 0 : i32
        %dma_start3A_126 = tpu.memref_slice %arg2[%dma_start3A_124, %dma_start3A_125] : memref<10240x128xf32, #tpu.memory_space<hbm>> -> memref<10240x128xf32, #tpu.memory_space<hbm>>
        %dma_start3A_127 = tpu.memref_slice %arg10[%dma_start3A_117] : memref<2x!tpu.dma_semaphore, #tpu.memory_space<semaphore_mem>> -> memref<1x!tpu.dma_semaphore, #tpu.memory_space<semaphore_mem>>
        %dma_start3A_128 = tpu.memref_squeeze %dma_start3A_127 : memref<1x!tpu.dma_semaphore, #tpu.memory_space<semaphore_mem>> -> memref<!tpu.dma_semaphore, #tpu.memory_space<semaphore_mem>>
        tpu.enqueue_indirect_dma source(%dma_start3A_126 : memref<10240x128xf32, #tpu.memory_space<hbm>>) target(%dma_start3A_120 : memref<128x128xf32, #tpu.memory_space<vmem>>) offsets(%dma_start3A_123 : memref<128xi32, #tpu.memory_space<vmem>>) semaphore(%dma_start3A_128 : memref<!tpu.dma_semaphore, #tpu.memory_space<semaphore_mem>>)
      } else {
      }
    }
    %scan3A_36 = arith.constant 20 : i32
    "tpu.region"() ({
      %run_scoped3A = tpu.sem_alloc : memref<!tpu.dma_semaphore, #tpu.memory_space<semaphore_mem>>
      %dma_start3A_74 = arith.constant 40 : i32
      %dma_start3A_75 = arith.constant 0 : i32
      %dma_start3A_76 = tpu.memref_slice %arg3[%add3A, %dma_start3A_74, %dma_start3A_75] : memref<32x80x128xi32, #tpu.memory_space<hbm>> -> memref<1x40x128xi32, #tpu.memory_space<hbm>>
      %dma_start3A_77 = tpu.memref_squeeze %dma_start3A_76 : memref<1x40x128xi32, #tpu.memory_space<hbm>> -> memref<40x128xi32, #tpu.memory_space<hbm>>
      %dma_start3A_78 = arith.constant 40 : i32
      %dma_start3A_79 = arith.constant 0 : i32
      %dma_start3A_80 = tpu.memref_slice %arg3[%add3A, %dma_start3A_78, %dma_start3A_79] : memref<32x80x128xi32, #tpu.memory_space<hbm>> -> memref<1x40x128xi32, #tpu.memory_space<hbm>>
      %dma_start3A_81 = tpu.memref_squeeze %dma_start3A_80 : memref<1x40x128xi32, #tpu.memory_space<hbm>> -> memref<40x128xi32, #tpu.memory_space<hbm>>
      tpu.enqueue_dma source(%dma_start3A_81 : memref<40x128xi32, #tpu.memory_space<hbm>>) target(%arg6 : memref<40x128xi32, #tpu.memory_space<vmem>>) target_semaphore(%run_scoped3A : memref<!tpu.dma_semaphore, #tpu.memory_space<semaphore_mem>>)
      %dma_wait3A = arith.constant 40 : i32
      %dma_wait3A_82 = arith.constant 0 : i32
      %dma_wait3A_83 = tpu.memref_slice %arg3[%add3A, %dma_wait3A, %dma_wait3A_82] : memref<32x80x128xi32, #tpu.memory_space<hbm>> -> memref<1x40x128xi32, #tpu.memory_space<hbm>>
      %dma_wait3A_84 = tpu.memref_squeeze %dma_wait3A_83 : memref<1x40x128xi32, #tpu.memory_space<hbm>> -> memref<40x128xi32, #tpu.memory_space<hbm>>
      %dma_wait3A_85 = arith.constant 40 : i32
      %dma_wait3A_86 = arith.constant 0 : i32
      %dma_wait3A_87 = tpu.memref_slice %arg3[%add3A, %dma_wait3A_85, %dma_wait3A_86] : memref<32x80x128xi32, #tpu.memory_space<hbm>> -> memref<1x40x128xi32, #tpu.memory_space<hbm>>
      %dma_wait3A_88 = tpu.memref_squeeze %dma_wait3A_87 : memref<1x40x128xi32, #tpu.memory_space<hbm>> -> memref<40x128xi32, #tpu.memory_space<hbm>>
      tpu.wait_dma2 semaphore(%run_scoped3A : memref<!tpu.dma_semaphore, #tpu.memory_space<semaphore_mem>>) src(%dma_wait3A_88 : memref<40x128xi32, #tpu.memory_space<hbm>>) dst(%arg6 : memref<40x128xi32, #tpu.memory_space<vmem>>)
      tpu.yield
    }) : () -> ()
    "tpu.region"() ({
      %run_scoped3A = tpu.sem_alloc : memref<!tpu.dma_semaphore, #tpu.memory_space<semaphore_mem>>
      %dma_start3A_74 = arith.constant 40 : i32
      %dma_start3A_75 = arith.constant 0 : i32
      %dma_start3A_76 = tpu.memref_slice %arg4[%add3A, %dma_start3A_74, %dma_start3A_75] : memref<32x80x128xi32, #tpu.memory_space<hbm>> -> memref<1x40x128xi32, #tpu.memory_space<hbm>>
      %dma_start3A_77 = tpu.memref_squeeze %dma_start3A_76 : memref<1x40x128xi32, #tpu.memory_space<hbm>> -> memref<40x128xi32, #tpu.memory_space<hbm>>
      %dma_start3A_78 = arith.constant 40 : i32
      %dma_start3A_79 = arith.constant 0 : i32
      %dma_start3A_80 = tpu.memref_slice %arg4[%add3A, %dma_start3A_78, %dma_start3A_79] : memref<32x80x128xi32, #tpu.memory_space<hbm>> -> memref<1x40x128xi32, #tpu.memory_space<hbm>>
      %dma_start3A_81 = tpu.memref_squeeze %dma_start3A_80 : memref<1x40x128xi32, #tpu.memory_space<hbm>> -> memref<40x128xi32, #tpu.memory_space<hbm>>
      tpu.enqueue_dma source(%dma_start3A_81 : memref<40x128xi32, #tpu.memory_space<hbm>>) target(%arg7 : memref<40x128xi32, #tpu.memory_space<vmem>>) target_semaphore(%run_scoped3A : memref<!tpu.dma_semaphore, #tpu.memory_space<semaphore_mem>>)
      %dma_wait3A = arith.constant 40 : i32
      %dma_wait3A_82 = arith.constant 0 : i32
      %dma_wait3A_83 = tpu.memref_slice %arg4[%add3A, %dma_wait3A, %dma_wait3A_82] : memref<32x80x128xi32, #tpu.memory_space<hbm>> -> memref<1x40x128xi32, #tpu.memory_space<hbm>>
      %dma_wait3A_84 = tpu.memref_squeeze %dma_wait3A_83 : memref<1x40x128xi32, #tpu.memory_space<hbm>> -> memref<40x128xi32, #tpu.memory_space<hbm>>
      %dma_wait3A_85 = arith.constant 40 : i32
      %dma_wait3A_86 = arith.constant 0 : i32
      %dma_wait3A_87 = tpu.memref_slice %arg4[%add3A, %dma_wait3A_85, %dma_wait3A_86] : memref<32x80x128xi32, #tpu.memory_space<hbm>> -> memref<1x40x128xi32, #tpu.memory_space<hbm>>
      %dma_wait3A_88 = tpu.memref_squeeze %dma_wait3A_87 : memref<1x40x128xi32, #tpu.memory_space<hbm>> -> memref<40x128xi32, #tpu.memory_space<hbm>>
      tpu.wait_dma2 semaphore(%run_scoped3A : memref<!tpu.dma_semaphore, #tpu.memory_space<semaphore_mem>>) src(%dma_wait3A_88 : memref<40x128xi32, #tpu.memory_space<hbm>>) dst(%arg7 : memref<40x128xi32, #tpu.memory_space<vmem>>)
      tpu.yield
    }) : () -> ()
    %dma_start3A_37 = arith.constant 0 : i32
    %dma_start3A_38 = arith.constant 0 : i32
    %dma_start3A_39 = arith.constant 0 : i32
    %dma_start3A_40 = arith.constant 0 : i32
    %dma_start3A_41 = tpu.memref_slice %arg8[%dma_start3A_39, %dma_start3A_40] : memref<256x128xf32, #tpu.memory_space<vmem>> -> memref<128x128xf32, #tpu.memory_space<vmem>>
    %dma_start3A_42 = arith.constant 0 : i32
    %dma_start3A_43 = tpu.memref_slice %arg6[%dma_start3A_37, %dma_start3A_42] : memref<40x128xi32, #tpu.memory_space<vmem>> -> memref<1x128xi32, #tpu.memory_space<vmem>>
    %dma_start3A_44 = tpu.memref_squeeze %dma_start3A_43 : memref<1x128xi32, #tpu.memory_space<vmem>> -> memref<128xi32, #tpu.memory_space<vmem>>
    %dma_start3A_45 = arith.constant 0 : i32
    %dma_start3A_46 = arith.constant 0 : i32
    %dma_start3A_47 = tpu.memref_slice %arg2[%dma_start3A_45, %dma_start3A_46] : memref<10240x128xf32, #tpu.memory_space<hbm>> -> memref<10240x128xf32, #tpu.memory_space<hbm>>
    %dma_start3A_48 = tpu.memref_slice %arg10[%dma_start3A_38] : memref<2x!tpu.dma_semaphore, #tpu.memory_space<semaphore_mem>> -> memref<1x!tpu.dma_semaphore, #tpu.memory_space<semaphore_mem>>
    %dma_start3A_49 = tpu.memref_squeeze %dma_start3A_48 : memref<1x!tpu.dma_semaphore, #tpu.memory_space<semaphore_mem>> -> memref<!tpu.dma_semaphore, #tpu.memory_space<semaphore_mem>>
    tpu.enqueue_indirect_dma source(%dma_start3A_47 : memref<10240x128xf32, #tpu.memory_space<hbm>>) target(%dma_start3A_41 : memref<128x128xf32, #tpu.memory_space<vmem>>) offsets(%dma_start3A_44 : memref<128xi32, #tpu.memory_space<vmem>>) semaphore(%dma_start3A_49 : memref<!tpu.dma_semaphore, #tpu.memory_space<semaphore_mem>>)
    %dma_start3A_50 = arith.constant 1 : i32
    %dma_start3A_51 = arith.constant 1 : i32
    %dma_start3A_52 = arith.constant 128 : i32
    %dma_start3A_53 = arith.constant 0 : i32
    %dma_start3A_54 = tpu.memref_slice %arg8[%dma_start3A_52, %dma_start3A_53] : memref<256x128xf32, #tpu.memory_space<vmem>> -> memref<128x128xf32, #tpu.memory_space<vmem>>
    %dma_start3A_55 = arith.constant 0 : i32
    %dma_start3A_56 = tpu.memref_slice %arg6[%dma_start3A_50, %dma_start3A_55] : memref<40x128xi32, #tpu.memory_space<vmem>> -> memref<1x128xi32, #tpu.memory_space<vmem>>
    %dma_start3A_57 = tpu.memref_squeeze %dma_start3A_56 : memref<1x128xi32, #tpu.memory_space<vmem>> -> memref<128xi32, #tpu.memory_space<vmem>>
    %dma_start3A_58 = arith.constant 0 : i32
    %dma_start3A_59 = arith.constant 0 : i32
    %dma_start3A_60 = tpu.memref_slice %arg2[%dma_start3A_58, %dma_start3A_59] : memref<10240x128xf32, #tpu.memory_space<hbm>> -> memref<10240x128xf32, #tpu.memory_space<hbm>>
    %dma_start3A_61 = tpu.memref_slice %arg10[%dma_start3A_51] : memref<2x!tpu.dma_semaphore, #tpu.memory_space<semaphore_mem>> -> memref<1x!tpu.dma_semaphore, #tpu.memory_space<semaphore_mem>>
    %dma_start3A_62 = tpu.memref_squeeze %dma_start3A_61 : memref<1x!tpu.dma_semaphore, #tpu.memory_space<semaphore_mem>> -> memref<!tpu.dma_semaphore, #tpu.memory_space<semaphore_mem>>
    tpu.enqueue_indirect_dma source(%dma_start3A_60 : memref<10240x128xf32, #tpu.memory_space<hbm>>) target(%dma_start3A_54 : memref<128x128xf32, #tpu.memory_space<vmem>>) offsets(%dma_start3A_57 : memref<128xi32, #tpu.memory_space<vmem>>) semaphore(%dma_start3A_62 : memref<!tpu.dma_semaphore, #tpu.memory_space<semaphore_mem>>)
    %scan3A_63 = arith.constant 0 : i32
    %scan3A_64 = arith.constant 0 : i32
    %scan3A_65 = arith.constant 20 : i32
    %scan3A_66 = arith.addi %scan3A_64, %scan3A_65 : i32
    %scan3A_67 = arith.constant 1 : i32
    scf.for %scan3A_74 = %scan3A_64 to %scan3A_66 step %scan3A_67  : i32 {
      %mul3A_75 = arith.constant 2 : i32
      %mul3A_76 = arith.muli %scan3A_74, %mul3A_75 : i32
      %add3A_77 = arith.constant 0 : i32
      %add3A_78 = arith.addi %mul3A_76, %add3A_77 : i32
      %dma_wait3A = arith.constant 0 : i32
      %dma_wait3A_79 = arith.constant 0 : i32
      %dma_wait3A_80 = arith.constant 0 : i32
      %dma_wait3A_81 = tpu.memref_slice %arg8[%dma_wait3A_79, %dma_wait3A_80] : memref<256x128xf32, #tpu.memory_space<vmem>> -> memref<128x128xf32, #tpu.memory_space<vmem>>
      %dma_wait3A_82 = arith.constant 0 : i32
      %dma_wait3A_83 = tpu.memref_slice %arg6[%add3A_78, %dma_wait3A_82] : memref<40x128xi32, #tpu.memory_space<vmem>> -> memref<1x128xi32, #tpu.memory_space<vmem>>
      %dma_wait3A_84 = tpu.memref_squeeze %dma_wait3A_83 : memref<1x128xi32, #tpu.memory_space<vmem>> -> memref<128xi32, #tpu.memory_space<vmem>>
      %dma_wait3A_85 = arith.constant 0 : i32
      %dma_wait3A_86 = arith.constant 0 : i32
      %dma_wait3A_87 = tpu.memref_slice %arg2[%dma_wait3A_85, %dma_wait3A_86] : memref<10240x128xf32, #tpu.memory_space<hbm>> -> memref<10240x128xf32, #tpu.memory_space<hbm>>
      %dma_wait3A_88 = tpu.memref_slice %arg10[%dma_wait3A] : memref<2x!tpu.dma_semaphore, #tpu.memory_space<semaphore_mem>> -> memref<1x!tpu.dma_semaphore, #tpu.memory_space<semaphore_mem>>
      %dma_wait3A_89 = tpu.memref_squeeze %dma_wait3A_88 : memref<1x!tpu.dma_semaphore, #tpu.memory_space<semaphore_mem>> -> memref<!tpu.dma_semaphore, #tpu.memory_space<semaphore_mem>>
      tpu.wait_indirect_dma semaphore(%dma_wait3A_89 : memref<!tpu.dma_semaphore, #tpu.memory_space<semaphore_mem>>) src(%dma_wait3A_87 : memref<10240x128xf32, #tpu.memory_space<hbm>>) dst(%dma_wait3A_81 : memref<128x128xf32, #tpu.memory_space<vmem>>)
      "tpu.region"() ({
        %run_scoped3A = tpu.sem_alloc : memref<!tpu.dma_semaphore, #tpu.memory_space<semaphore_mem>>
        %dma_start3A_117 = arith.constant 0 : i32
        %dma_start3A_118 = arith.constant 0 : i32
        %dma_start3A_119 = tpu.memref_slice %arg8[%dma_start3A_117, %dma_start3A_118] : memref<256x128xf32, #tpu.memory_space<vmem>> -> memref<128x128xf32, #tpu.memory_space<vmem>>
        %dma_start3A_120 = arith.constant 0 : i32
        %dma_start3A_121 = tpu.memref_slice %arg7[%add3A_78, %dma_start3A_120] : memref<40x128xi32, #tpu.memory_space<vmem>> -> memref<1x128xi32, #tpu.memory_space<vmem>>
        %dma_start3A_122 = tpu.memref_squeeze %dma_start3A_121 : memref<1x128xi32, #tpu.memory_space<vmem>> -> memref<128xi32, #tpu.memory_space<vmem>>
        %dma_start3A_123 = arith.constant 0 : i32
        %dma_start3A_124 = arith.constant 0 : i32
        %dma_start3A_125 = tpu.memref_slice %arg9[%dma_start3A_123, %dma_start3A_124] : memref<10240x128xf32, #tpu.memory_space<vmem_shared>> -> memref<10240x128xf32, #tpu.memory_space<vmem_shared>>
        tpu.enqueue_indirect_dma source(%dma_start3A_119 : memref<128x128xf32, #tpu.memory_space<vmem>>) target(%dma_start3A_125 : memref<10240x128xf32, #tpu.memory_space<vmem_shared>>) offsets(%dma_start3A_122 : memref<128xi32, #tpu.memory_space<vmem>>) semaphore(%run_scoped3A : memref<!tpu.dma_semaphore, #tpu.memory_space<semaphore_mem>>) {add = true}
        %dma_wait3A_126 = arith.constant 0 : i32
        %dma_wait3A_127 = arith.constant 0 : i32
        %dma_wait3A_128 = tpu.memref_slice %arg8[%dma_wait3A_126, %dma_wait3A_127] : memref<256x128xf32, #tpu.memory_space<vmem>> -> memref<128x128xf32, #tpu.memory_space<vmem>>
        %dma_wait3A_129 = arith.constant 0 : i32
        %dma_wait3A_130 = tpu.memref_slice %arg7[%add3A_78, %dma_wait3A_129] : memref<40x128xi32, #tpu.memory_space<vmem>> -> memref<1x128xi32, #tpu.memory_space<vmem>>
        %dma_wait3A_131 = tpu.memref_squeeze %dma_wait3A_130 : memref<1x128xi32, #tpu.memory_space<vmem>> -> memref<128xi32, #tpu.memory_space<vmem>>
        %dma_wait3A_132 = arith.constant 0 : i32
        %dma_wait3A_133 = arith.constant 0 : i32
        %dma_wait3A_134 = tpu.memref_slice %arg9[%dma_wait3A_132, %dma_wait3A_133] : memref<10240x128xf32, #tpu.memory_space<vmem_shared>> -> memref<10240x128xf32, #tpu.memory_space<vmem_shared>>
        tpu.wait_indirect_dma semaphore(%run_scoped3A : memref<!tpu.dma_semaphore, #tpu.memory_space<semaphore_mem>>) src(%dma_wait3A_128 : memref<128x128xf32, #tpu.memory_space<vmem>>) dst(%dma_wait3A_134 : memref<10240x128xf32, #tpu.memory_space<vmem_shared>>)
        tpu.yield
      }) : () -> ()
      %add3A_90 = arith.constant 2 : i32
      %add3A_91 = arith.addi %add3A_78, %add3A_90 : i32
      %lt3A = arith.constant 40 : i32
      %lt3A_92 = arith.cmpi slt, %add3A_91, %lt3A : i32
      %convert_element_type3A_93 = arith.extui %lt3A_92 : i1 to i32
      %cond3A_94 = arith.constant 0 : i32
      %cond3A_95 = arith.cmpi ne, %convert_element_type3A_93, %cond3A_94 : i32
      scf.if %cond3A_95 {
        %dma_start3A_117 = arith.constant 0 : i32
        %dma_start3A_118 = arith.constant 0 : i32
        %dma_start3A_119 = arith.constant 0 : i32
        %dma_start3A_120 = tpu.memref_slice %arg8[%dma_start3A_118, %dma_start3A_119] : memref<256x128xf32, #tpu.memory_space<vmem>> -> memref<128x128xf32, #tpu.memory_space<vmem>>
        %dma_start3A_121 = arith.constant 0 : i32
        %dma_start3A_122 = tpu.memref_slice %arg6[%add3A_91, %dma_start3A_121] : memref<40x128xi32, #tpu.memory_space<vmem>> -> memref<1x128xi32, #tpu.memory_space<vmem>>
        %dma_start3A_123 = tpu.memref_squeeze %dma_start3A_122 : memref<1x128xi32, #tpu.memory_space<vmem>> -> memref<128xi32, #tpu.memory_space<vmem>>
        %dma_start3A_124 = arith.constant 0 : i32
        %dma_start3A_125 = arith.constant 0 : i32
        %dma_start3A_126 = tpu.memref_slice %arg2[%dma_start3A_124, %dma_start3A_125] : memref<10240x128xf32, #tpu.memory_space<hbm>> -> memref<10240x128xf32, #tpu.memory_space<hbm>>
        %dma_start3A_127 = tpu.memref_slice %arg10[%dma_start3A_117] : memref<2x!tpu.dma_semaphore, #tpu.memory_space<semaphore_mem>> -> memref<1x!tpu.dma_semaphore, #tpu.memory_space<semaphore_mem>>
        %dma_start3A_128 = tpu.memref_squeeze %dma_start3A_127 : memref<1x!tpu.dma_semaphore, #tpu.memory_space<semaphore_mem>> -> memref<!tpu.dma_semaphore, #tpu.memory_space<semaphore_mem>>
        tpu.enqueue_indirect_dma source(%dma_start3A_126 : memref<10240x128xf32, #tpu.memory_space<hbm>>) target(%dma_start3A_120 : memref<128x128xf32, #tpu.memory_space<vmem>>) offsets(%dma_start3A_123 : memref<128xi32, #tpu.memory_space<vmem>>) semaphore(%dma_start3A_128 : memref<!tpu.dma_semaphore, #tpu.memory_space<semaphore_mem>>)
      } else {
      }
      %add3A_96 = arith.constant 1 : i32
      %add3A_97 = arith.addi %mul3A_76, %add3A_96 : i32
      %dma_wait3A_98 = arith.constant 1 : i32
      %dma_wait3A_99 = arith.constant 128 : i32
      %dma_wait3A_100 = arith.constant 0 : i32
      %dma_wait3A_101 = tpu.memref_slice %arg8[%dma_wait3A_99, %dma_wait3A_100] : memref<256x128xf32, #tpu.memory_space<vmem>> -> memref<128x128xf32, #tpu.memory_space<vmem>>
      %dma_wait3A_102 = arith.constant 0 : i32
      %dma_wait3A_103 = tpu.memref_slice %arg6[%add3A_97, %dma_wait3A_102] : memref<40x128xi32, #tpu.memory_space<vmem>> -> memref<1x128xi32, #tpu.memory_space<vmem>>
      %dma_wait3A_104 = tpu.memref_squeeze %dma_wait3A_103 : memref<1x128xi32, #tpu.memory_space<vmem>> -> memref<128xi32, #tpu.memory_space<vmem>>
      %dma_wait3A_105 = arith.constant 0 : i32
      %dma_wait3A_106 = arith.constant 0 : i32
      %dma_wait3A_107 = tpu.memref_slice %arg2[%dma_wait3A_105, %dma_wait3A_106] : memref<10240x128xf32, #tpu.memory_space<hbm>> -> memref<10240x128xf32, #tpu.memory_space<hbm>>
      %dma_wait3A_108 = tpu.memref_slice %arg10[%dma_wait3A_98] : memref<2x!tpu.dma_semaphore, #tpu.memory_space<semaphore_mem>> -> memref<1x!tpu.dma_semaphore, #tpu.memory_space<semaphore_mem>>
      %dma_wait3A_109 = tpu.memref_squeeze %dma_wait3A_108 : memref<1x!tpu.dma_semaphore, #tpu.memory_space<semaphore_mem>> -> memref<!tpu.dma_semaphore, #tpu.memory_space<semaphore_mem>>
      tpu.wait_indirect_dma semaphore(%dma_wait3A_109 : memref<!tpu.dma_semaphore, #tpu.memory_space<semaphore_mem>>) src(%dma_wait3A_107 : memref<10240x128xf32, #tpu.memory_space<hbm>>) dst(%dma_wait3A_101 : memref<128x128xf32, #tpu.memory_space<vmem>>)
      "tpu.region"() ({
        %run_scoped3A = tpu.sem_alloc : memref<!tpu.dma_semaphore, #tpu.memory_space<semaphore_mem>>
        %dma_start3A_117 = arith.constant 128 : i32
        %dma_start3A_118 = arith.constant 0 : i32
        %dma_start3A_119 = tpu.memref_slice %arg8[%dma_start3A_117, %dma_start3A_118] : memref<256x128xf32, #tpu.memory_space<vmem>> -> memref<128x128xf32, #tpu.memory_space<vmem>>
        %dma_start3A_120 = arith.constant 0 : i32
        %dma_start3A_121 = tpu.memref_slice %arg7[%add3A_97, %dma_start3A_120] : memref<40x128xi32, #tpu.memory_space<vmem>> -> memref<1x128xi32, #tpu.memory_space<vmem>>
        %dma_start3A_122 = tpu.memref_squeeze %dma_start3A_121 : memref<1x128xi32, #tpu.memory_space<vmem>> -> memref<128xi32, #tpu.memory_space<vmem>>
        %dma_start3A_123 = arith.constant 0 : i32
        %dma_start3A_124 = arith.constant 0 : i32
        %dma_start3A_125 = tpu.memref_slice %arg9[%dma_start3A_123, %dma_start3A_124] : memref<10240x128xf32, #tpu.memory_space<vmem_shared>> -> memref<10240x128xf32, #tpu.memory_space<vmem_shared>>
        tpu.enqueue_indirect_dma source(%dma_start3A_119 : memref<128x128xf32, #tpu.memory_space<vmem>>) target(%dma_start3A_125 : memref<10240x128xf32, #tpu.memory_space<vmem_shared>>) offsets(%dma_start3A_122 : memref<128xi32, #tpu.memory_space<vmem>>) semaphore(%run_scoped3A : memref<!tpu.dma_semaphore, #tpu.memory_space<semaphore_mem>>) {add = true}
        %dma_wait3A_126 = arith.constant 128 : i32
        %dma_wait3A_127 = arith.constant 0 : i32
        %dma_wait3A_128 = tpu.memref_slice %arg8[%dma_wait3A_126, %dma_wait3A_127] : memref<256x128xf32, #tpu.memory_space<vmem>> -> memref<128x128xf32, #tpu.memory_space<vmem>>
        %dma_wait3A_129 = arith.constant 0 : i32
        %dma_wait3A_130 = tpu.memref_slice %arg7[%add3A_97, %dma_wait3A_129] : memref<40x128xi32, #tpu.memory_space<vmem>> -> memref<1x128xi32, #tpu.memory_space<vmem>>
        %dma_wait3A_131 = tpu.memref_squeeze %dma_wait3A_130 : memref<1x128xi32, #tpu.memory_space<vmem>> -> memref<128xi32, #tpu.memory_space<vmem>>
        %dma_wait3A_132 = arith.constant 0 : i32
        %dma_wait3A_133 = arith.constant 0 : i32
        %dma_wait3A_134 = tpu.memref_slice %arg9[%dma_wait3A_132, %dma_wait3A_133] : memref<10240x128xf32, #tpu.memory_space<vmem_shared>> -> memref<10240x128xf32, #tpu.memory_space<vmem_shared>>
        tpu.wait_indirect_dma semaphore(%run_scoped3A : memref<!tpu.dma_semaphore, #tpu.memory_space<semaphore_mem>>) src(%dma_wait3A_128 : memref<128x128xf32, #tpu.memory_space<vmem>>) dst(%dma_wait3A_134 : memref<10240x128xf32, #tpu.memory_space<vmem_shared>>)
        tpu.yield
      }) : () -> ()
      %add3A_110 = arith.constant 2 : i32
      %add3A_111 = arith.addi %add3A_97, %add3A_110 : i32
      %lt3A_112 = arith.constant 40 : i32
      %lt3A_113 = arith.cmpi slt, %add3A_111, %lt3A_112 : i32
      %convert_element_type3A_114 = arith.extui %lt3A_113 : i1 to i32
      %cond3A_115 = arith.constant 0 : i32
      %cond3A_116 = arith.cmpi ne, %convert_element_type3A_114, %cond3A_115 : i32
      scf.if %cond3A_116 {
        %dma_start3A_117 = arith.constant 1 : i32
        %dma_start3A_118 = arith.constant 128 : i32
        %dma_start3A_119 = arith.constant 0 : i32
        %dma_start3A_120 = tpu.memref_slice %arg8[%dma_start3A_118, %dma_start3A_119] : memref<256x128xf32, #tpu.memory_space<vmem>> -> memref<128x128xf32, #tpu.memory_space<vmem>>
        %dma_start3A_121 = arith.constant 0 : i32
        %dma_start3A_122 = tpu.memref_slice %arg6[%add3A_111, %dma_start3A_121] : memref<40x128xi32, #tpu.memory_space<vmem>> -> memref<1x128xi32, #tpu.memory_space<vmem>>
        %dma_start3A_123 = tpu.memref_squeeze %dma_start3A_122 : memref<1x128xi32, #tpu.memory_space<vmem>> -> memref<128xi32, #tpu.memory_space<vmem>>
        %dma_start3A_124 = arith.constant 0 : i32
        %dma_start3A_125 = arith.constant 0 : i32
        %dma_start3A_126 = tpu.memref_slice %arg2[%dma_start3A_124, %dma_start3A_125] : memref<10240x128xf32, #tpu.memory_space<hbm>> -> memref<10240x128xf32, #tpu.memory_space<hbm>>
        %dma_start3A_127 = tpu.memref_slice %arg10[%dma_start3A_117] : memref<2x!tpu.dma_semaphore, #tpu.memory_space<semaphore_mem>> -> memref<1x!tpu.dma_semaphore, #tpu.memory_space<semaphore_mem>>
        %dma_start3A_128 = tpu.memref_squeeze %dma_start3A_127 : memref<1x!tpu.dma_semaphore, #tpu.memory_space<semaphore_mem>> -> memref<!tpu.dma_semaphore, #tpu.memory_space<semaphore_mem>>
        tpu.enqueue_indirect_dma source(%dma_start3A_126 : memref<10240x128xf32, #tpu.memory_space<hbm>>) target(%dma_start3A_120 : memref<128x128xf32, #tpu.memory_space<vmem>>) offsets(%dma_start3A_123 : memref<128xi32, #tpu.memory_space<vmem>>) semaphore(%dma_start3A_128 : memref<!tpu.dma_semaphore, #tpu.memory_space<semaphore_mem>>)
      } else {
      }
    }
    %scan3A_68 = arith.constant 20 : i32
    %barrier3A_69 = arith.constant 0 : index
    tpu.barrier barrier_id(%barrier3A_69)
    %mul3A_70 = arith.constant 640 : i32
    %mul3A_71 = arith.muli %arg1, %mul3A_70 : i32
    %mul3A_72 = arith.constant 640 : i32
    %mul3A_73 = arith.muli %arg1, %mul3A_72 : i32
    "tpu.region"() ({
      %run_scoped3A = tpu.sem_alloc : memref<!tpu.dma_semaphore, #tpu.memory_space<semaphore_mem>>
      %dma_start3A_74 = arith.constant 0 : i32
      %dma_start3A_75 = tpu.memref_slice %arg5[%arg0, %mul3A_73, %dma_start3A_74] : memref<2x10240x128xf32, #tpu.memory_space<hbm>> -> memref<1x640x128xf32, #tpu.memory_space<hbm>>
      %dma_start3A_76 = tpu.memref_squeeze %dma_start3A_75 : memref<1x640x128xf32, #tpu.memory_space<hbm>> -> memref<640x128xf32, #tpu.memory_space<hbm>>
      %dma_start3A_77 = arith.constant 0 : i32
      %dma_start3A_78 = tpu.memref_slice %arg9[%mul3A_71, %dma_start3A_77] : memref<10240x128xf32, #tpu.memory_space<vmem_shared>> -> memref<640x128xf32, #tpu.memory_space<vmem_shared>>
      tpu.enqueue_dma source(%dma_start3A_78 : memref<640x128xf32, #tpu.memory_space<vmem_shared>>) target(%dma_start3A_76 : memref<640x128xf32, #tpu.memory_space<hbm>>) target_semaphore(%run_scoped3A : memref<!tpu.dma_semaphore, #tpu.memory_space<semaphore_mem>>)
      %dma_wait3A = arith.constant 0 : i32
      %dma_wait3A_79 = tpu.memref_slice %arg5[%arg0, %mul3A_73, %dma_wait3A] : memref<2x10240x128xf32, #tpu.memory_space<hbm>> -> memref<1x640x128xf32, #tpu.memory_space<hbm>>
      %dma_wait3A_80 = tpu.memref_squeeze %dma_wait3A_79 : memref<1x640x128xf32, #tpu.memory_space<hbm>> -> memref<640x128xf32, #tpu.memory_space<hbm>>
      %dma_wait3A_81 = arith.constant 0 : i32
      %dma_wait3A_82 = tpu.memref_slice %arg9[%mul3A_71, %dma_wait3A_81] : memref<10240x128xf32, #tpu.memory_space<vmem_shared>> -> memref<640x128xf32, #tpu.memory_space<vmem_shared>>
      tpu.wait_dma2 semaphore(%run_scoped3A : memref<!tpu.dma_semaphore, #tpu.memory_space<semaphore_mem>>) src(%dma_wait3A_82 : memref<640x128xf32, #tpu.memory_space<vmem_shared>>) dst(%dma_wait3A_80 : memref<640x128xf32, #tpu.memory_space<hbm>>)
      tpu.yield
    }) : () -> ()
    return
  }
}

module attributes {stable_mosaic.version = 14 : i64} {
  func.func @_tc_mm_body(%arg0: i32, %arg1: memref<2048x128xf32, #tpu.memory_space<vmem>>, %arg2: memref<128x128xf32, #tpu.memory_space<vmem>>, %arg3: memref<128x128xf32, #tpu.memory_space<vmem>>, %arg4: memref<1x128xf32, #tpu.memory_space<vmem>>, %arg5: memref<2048x128xf32, #tpu.memory_space<vmem>>, %arg6: memref<2048x128xf32, #tpu.memory_space<vmem>>) attributes {dimension_semantics = [#tpu.dimension_semantics<arbitrary>], iteration_bounds = array<i64: 5>, scalar_prefetch = 0 : i64, scratch_operands = 0 : i64, tpu.core_type = #tpu.core_type<tc>, window_params = [{transform_indices = @transform_0, window_bounds = array<i64: 2048, 128>}, {pipeline_mode = #tpu.pipeline_mode<synchronous>, transform_indices = @transform_1, window_bounds = array<i64: 128, 128>}, {pipeline_mode = #tpu.pipeline_mode<synchronous>, transform_indices = @transform_2, window_bounds = array<i64: 128, 128>}, {pipeline_mode = #tpu.pipeline_mode<synchronous>, transform_indices = @transform_3, window_bounds = array<i64: 1, 128>}, {transform_indices = @transform_4, window_bounds = array<i64: 2048, 128>}, {transform_indices = @transform_5, window_bounds = array<i64: 2048, 128>}]} {
    %get3A = arith.constant 0 : index
    %get3A_0 = arith.constant 0 : index
    %get3A_1 = vector.load %arg1[%get3A, %get3A_0] : memref<2048x128xf32, #tpu.memory_space<vmem>>, vector<2048x128xf32>
    %get3A_2 = arith.constant 0 : index
    %get3A_3 = arith.constant 0 : index
    %get3A_4 = vector.load %arg2[%get3A_2, %get3A_3] : memref<128x128xf32, #tpu.memory_space<vmem>>, vector<128x128xf32>
    %dot_general3A = arith.constant dense<0.000000e+00> : vector<2048x128xf32>
    %dot_general3A_5 = tpu.matmul %get3A_1, %get3A_4, %dot_general3A {dimension_numbers = #tpu.dot_dimension_numbers<[1], [0], [0], [1], [0, 0, 1, 1], [], []>, transpose_lhs_hint = false} : vector<2048x128xf32>, vector<128x128xf32>, vector<2048x128xf32> -> vector<2048x128xf32>
    %swap3A = arith.constant 0 : index
    %swap3A_6 = arith.constant 0 : index
    %swap3A_7 = vector.load %arg5[%swap3A, %swap3A_6] : memref<2048x128xf32, #tpu.memory_space<vmem>>, vector<2048x128xf32>
    tpu.vector_store %arg5[%swap3A, %swap3A_6], %dot_general3A_5 {strides = array<i32>} : memref<2048x128xf32, #tpu.memory_space<vmem>>, vector<2048x128xf32>,
    %get3A_8 = arith.constant 0 : index
    %get3A_9 = arith.constant 0 : index
    %get3A_10 = vector.load %arg3[%get3A_8, %get3A_9] : memref<128x128xf32, #tpu.memory_space<vmem>>, vector<128x128xf32>
    %dot_general3A_11 = arith.constant dense<0.000000e+00> : vector<2048x128xf32>
    %dot_general3A_12 = tpu.matmul %get3A_1, %get3A_10, %dot_general3A_11 {dimension_numbers = #tpu.dot_dimension_numbers<[1], [0], [0], [1], [0, 0, 1, 1], [], []>, transpose_lhs_hint = false} : vector<2048x128xf32>, vector<128x128xf32>, vector<2048x128xf32> -> vector<2048x128xf32>
    %get3A_13 = arith.constant 0 : index
    %get3A_14 = arith.constant 0 : index
    %get3A_15 = vector.load %arg4[%get3A_13, %get3A_14] : memref<1x128xf32, #tpu.memory_space<vmem>>, vector<1x128xf32>
    %add3A = vector.broadcast %get3A_15 : vector<1x128xf32> to vector<2048x128xf32>
    %add3A_16 = arith.addf %dot_general3A_12, %add3A : vector<2048x128xf32>
    %swap3A_17 = arith.constant 0 : index
    %swap3A_18 = arith.constant 0 : index
    %swap3A_19 = vector.load %arg6[%swap3A_17, %swap3A_18] : memref<2048x128xf32, #tpu.memory_space<vmem>>, vector<2048x128xf32>
    tpu.vector_store %arg6[%swap3A_17, %swap3A_18], %add3A_16 {strides = array<i32>} : memref<2048x128xf32, #tpu.memory_space<vmem>>, vector<2048x128xf32>,
    return
  }
  func.func @transform_0(%arg0: i32) -> (i32, i32) {
    %c0_i32 = arith.constant 0 : i32
    %c0_i32_0 = arith.constant 0 : i32
    return %arg0, %c0_i32 : i32, i32
  }
  func.func @transform_1(%arg0: i32) -> (i32, i32) {
    %c0_i32 = arith.constant 0 : i32
    %c0_i32_0 = arith.constant 0 : i32
    %c0_i32_1 = arith.constant 0 : i32
    return %c0_i32, %c0_i32_0 : i32, i32
  }
  func.func @transform_2(%arg0: i32) -> (i32, i32) {
    %c0_i32 = arith.constant 0 : i32
    %c0_i32_0 = arith.constant 0 : i32
    %c0_i32_1 = arith.constant 0 : i32
    return %c0_i32, %c0_i32_0 : i32, i32
  }
  func.func @transform_3(%arg0: i32) -> (i32, i32) {
    %c0_i32 = arith.constant 0 : i32
    %c0_i32_0 = arith.constant 0 : i32
    %c0_i32_1 = arith.constant 0 : i32
    return %c0_i32, %c0_i32_0 : i32, i32
  }
  func.func @transform_4(%arg0: i32) -> (i32, i32) {
    %c0_i32 = arith.constant 0 : i32
    %c0_i32_0 = arith.constant 0 : i32
    return %arg0, %c0_i32 : i32, i32
  }
  func.func @transform_5(%arg0: i32) -> (i32, i32) {
    %c0_i32 = arith.constant 0 : i32
    %c0_i32_0 = arith.constant 0 : i32
    return %arg0, %c0_i32 : i32, i32
  }
}

module attributes {stable_mosaic.version = 14 : i64} {
  func.func @_tc_mid_body(%arg0: i32, %arg1: memref<2x2048x128xf32, #tpu.memory_space<vmem>>, %arg2: memref<2048x128xf32, #tpu.memory_space<vmem>>, %arg3: memref<1x128xf32, #tpu.memory_space<vmem>>, %arg4: memref<1x128xf32, #tpu.memory_space<vmem>>, %arg5: memref<1x128xf32, #tpu.memory_space<vmem>>, %arg6: memref<2048x128xf32, #tpu.memory_space<vmem>>, %arg7: memref<128x128xf32, #tpu.memory_space<vmem>>, %arg8: memref<128x128xf32, #tpu.memory_space<vmem>>, %arg9: memref<1x128xf32, #tpu.memory_space<vmem>>, %arg10: memref<2048x128xf32, #tpu.memory_space<vmem>>, %arg11: memref<2048x128xf32, #tpu.memory_space<vmem>>) attributes {dimension_semantics = [#tpu.dimension_semantics<arbitrary>], iteration_bounds = array<i64: 5>, scalar_prefetch = 0 : i64, scratch_operands = 0 : i64, tpu.core_type = #tpu.core_type<tc>, window_params = [{transform_indices = @transform_0, window_bounds = array<i64: 2, 2048, 128>}, {transform_indices = @transform_1, window_bounds = array<i64: 2048, 128>}, {pipeline_mode = #tpu.pipeline_mode<synchronous>, transform_indices = @transform_2, window_bounds = array<i64: 1, 128>}, {pipeline_mode = #tpu.pipeline_mode<synchronous>, transform_indices = @transform_3, window_bounds = array<i64: 1, 128>}, {pipeline_mode = #tpu.pipeline_mode<synchronous>, transform_indices = @transform_4, window_bounds = array<i64: 1, 128>}, {transform_indices = @transform_5, window_bounds = array<i64: 2048, 128>}, {pipeline_mode = #tpu.pipeline_mode<synchronous>, transform_indices = @transform_6, window_bounds = array<i64: 128, 128>}, {pipeline_mode = #tpu.pipeline_mode<synchronous>, transform_indices = @transform_7, window_bounds = array<i64: 128, 128>}, {pipeline_mode = #tpu.pipeline_mode<synchronous>, transform_indices = @transform_8, window_bounds = array<i64: 1, 128>}, {transform_indices = @transform_9, window_bounds = array<i64: 2048, 128>}, {transform_indices = @transform_10, window_bounds = array<i64: 2048, 128>}]} {
    %get3A = arith.constant 0 : index
    %get3A_0 = arith.constant 0 : index
    %get3A_1 = vector.load %arg2[%get3A, %get3A_0] : memref<2048x128xf32, #tpu.memory_space<vmem>>, vector<2048x128xf32>
    %get3A_2 = arith.constant 0 : index
    %get3A_3 = arith.constant 0 : index
    %get3A_4 = arith.constant 0 : index
    %get3A_5 = vector.load %arg1[%get3A_2, %get3A_3, %get3A_4] : memref<2x2048x128xf32, #tpu.memory_space<vmem>>, vector<1x2048x128xf32>
    %get3A_6 = vector.shape_cast %get3A_5 : vector<1x2048x128xf32> to vector<2048x128xf32>
    %get3A_7 = arith.constant 1 : index
    %get3A_8 = arith.constant 0 : index
    %get3A_9 = arith.constant 0 : index
    %get3A_10 = vector.load %arg1[%get3A_7, %get3A_8, %get3A_9] : memref<2x2048x128xf32, #tpu.memory_space<vmem>>, vector<1x2048x128xf32>
    %get3A_11 = vector.shape_cast %get3A_10 : vector<1x2048x128xf32> to vector<2048x128xf32>
    %add3A = arith.addf %get3A_6, %get3A_11 : vector<2048x128xf32>
    %mul3A = arith.mulf %get3A_1, %add3A : vector<2048x128xf32>
    %get3A_12 = arith.constant 0 : index
    %get3A_13 = arith.constant 0 : index
    %get3A_14 = vector.load %arg3[%get3A_12, %get3A_13] : memref<1x128xf32, #tpu.memory_space<vmem>>, vector<1x128xf32>
    %add3A_15 = vector.broadcast %get3A_14 : vector<1x128xf32> to vector<2048x128xf32>
    %add3A_16 = arith.addf %mul3A, %add3A_15 : vector<2048x128xf32>
    %get3A_17 = arith.constant 0 : index
    %get3A_18 = arith.constant 0 : index
    %get3A_19 = vector.load %arg4[%get3A_17, %get3A_18] : memref<1x128xf32, #tpu.memory_space<vmem>>, vector<1x128xf32>
    %rsqrt3A = arith.constant 1.000010e+00 : f32
    %rsqrt3A_20 = math.rsqrt %rsqrt3A : f32
    %mul3A_21 = vector.broadcast %rsqrt3A_20 : f32 to vector<1x128xf32>
    %mul3A_22 = arith.mulf %get3A_19, %mul3A_21 : vector<1x128xf32>
    %mul3A_23 = vector.broadcast %mul3A_22 : vector<1x128xf32> to vector<2048x128xf32>
    %mul3A_24 = arith.mulf %add3A_16, %mul3A_23 : vector<2048x128xf32>
    %get3A_25 = arith.constant 0 : index
    %get3A_26 = arith.constant 0 : index
    %get3A_27 = vector.load %arg5[%get3A_25, %get3A_26] : memref<1x128xf32, #tpu.memory_space<vmem>>, vector<1x128xf32>
    %add3A_28 = vector.broadcast %get3A_27 : vector<1x128xf32> to vector<2048x128xf32>
    %add3A_29 = arith.addf %mul3A_24, %add3A_28 : vector<2048x128xf32>
    %gt3A = arith.constant 0.000000e+00 : f32
    %gt3A_30 = vector.broadcast %gt3A : f32 to vector<2048x128xf32>
    %gt3A_31 = arith.cmpf ogt, %add3A_29, %gt3A_30 : vector<2048x128xf32>
    %min3A = arith.constant 0.000000e+00 : f32
    %min3A_32 = vector.broadcast %min3A : f32 to vector<2048x128xf32>
    %min3A_33 = arith.minimumf %add3A_29, %min3A_32 : vector<2048x128xf32>
    %exp3A = math.exp %min3A_33 : vector<2048x128xf32>
    %sub3A = arith.constant 1.000000e+00 : f32
    %sub3A_34 = vector.broadcast %sub3A : f32 to vector<2048x128xf32>
    %sub3A_35 = arith.subf %exp3A, %sub3A_34 : vector<2048x128xf32>
    %select_n3A = arith.select %gt3A_31, %add3A_29, %sub3A_35 : vector<2048x128xi1>, vector<2048x128xf32>
    %get3A_36 = arith.constant 0 : index
    %get3A_37 = arith.constant 0 : index
    %get3A_38 = vector.load %arg6[%get3A_36, %get3A_37] : memref<2048x128xf32, #tpu.memory_space<vmem>>, vector<2048x128xf32>
    %add3A_39 = arith.addf %select_n3A, %get3A_38 : vector<2048x128xf32>
    %get3A_40 = arith.constant 0 : index
    %get3A_41 = arith.constant 0 : index
    %get3A_42 = vector.load %arg2[%get3A_40, %get3A_41] : memref<2048x128xf32, #tpu.memory_space<vmem>>, vector<2048x128xf32>
    %get3A_43 = arith.constant 0 : index
    %get3A_44 = arith.constant 0 : index
    %get3A_45 = vector.load %arg7[%get3A_43, %get3A_44] : memref<128x128xf32, #tpu.memory_space<vmem>>, vector<128x128xf32>
    %dot_general3A = arith.constant dense<0.000000e+00> : vector<2048x128xf32>
    %dot_general3A_46 = tpu.matmul %add3A_39, %get3A_45, %dot_general3A {dimension_numbers = #tpu.dot_dimension_numbers<[1], [0], [0], [1], [0, 0, 1, 1], [], []>, transpose_lhs_hint = false} : vector<2048x128xf32>, vector<128x128xf32>, vector<2048x128xf32> -> vector<2048x128xf32>
    %mul3A_47 = arith.mulf %get3A_42, %dot_general3A_46 : vector<2048x128xf32>
    %swap3A = arith.constant 0 : index
    %swap3A_48 = arith.constant 0 : index
    %swap3A_49 = vector.load %arg10[%swap3A, %swap3A_48] : memref<2048x128xf32, #tpu.memory_space<vmem>>, vector<2048x128xf32>
    tpu.vector_store %arg10[%swap3A, %swap3A_48], %mul3A_47 {strides = array<i32>} : memref<2048x128xf32, #tpu.memory_space<vmem>>, vector<2048x128xf32>,
    %get3A_50 = arith.constant 0 : index
    %get3A_51 = arith.constant 0 : index
    %get3A_52 = vector.load %arg8[%get3A_50, %get3A_51] : memref<128x128xf32, #tpu.memory_space<vmem>>, vector<128x128xf32>
    %dot_general3A_53 = arith.constant dense<0.000000e+00> : vector<2048x128xf32>
    %dot_general3A_54 = tpu.matmul %add3A_39, %get3A_52, %dot_general3A_53 {dimension_numbers = #tpu.dot_dimension_numbers<[1], [0], [0], [1], [0, 0, 1, 1], [], []>, transpose_lhs_hint = false} : vector<2048x128xf32>, vector<128x128xf32>, vector<2048x128xf32> -> vector<2048x128xf32>
    %get3A_55 = arith.constant 0 : index
    %get3A_56 = arith.constant 0 : index
    %get3A_57 = vector.load %arg9[%get3A_55, %get3A_56] : memref<1x128xf32, #tpu.memory_space<vmem>>, vector<1x128xf32>
    %add3A_58 = vector.broadcast %get3A_57 : vector<1x128xf32> to vector<2048x128xf32>
    %add3A_59 = arith.addf %dot_general3A_54, %add3A_58 : vector<2048x128xf32>
    %swap3A_60 = arith.constant 0 : index
    %swap3A_61 = arith.constant 0 : index
    %swap3A_62 = vector.load %arg11[%swap3A_60, %swap3A_61] : memref<2048x128xf32, #tpu.memory_space<vmem>>, vector<2048x128xf32>
    tpu.vector_store %arg11[%swap3A_60, %swap3A_61], %add3A_59 {strides = array<i32>} : memref<2048x128xf32, #tpu.memory_space<vmem>>, vector<2048x128xf32>,
    return
  }
  func.func @transform_0(%arg0: i32) -> (i32, i32, i32) {
    %c0_i32 = arith.constant 0 : i32
    %c0_i32_0 = arith.constant 0 : i32
    %c0_i32_1 = arith.constant 0 : i32
    return %c0_i32, %arg0, %c0_i32_0 : i32, i32, i32
  }
  func.func @transform_1(%arg0: i32) -> (i32, i32) {
    %c0_i32 = arith.constant 0 : i32
    %c0_i32_0 = arith.constant 0 : i32
    return %arg0, %c0_i32 : i32, i32
  }
  func.func @transform_2(%arg0: i32) -> (i32, i32) {
    %c0_i32 = arith.constant 0 : i32
    %c0_i32_0 = arith.constant 0 : i32
    %c0_i32_1 = arith.constant 0 : i32
    return %c0_i32, %c0_i32_0 : i32, i32
  }
  func.func @transform_3(%arg0: i32) -> (i32, i32) {
    %c0_i32 = arith.constant 0 : i32
    %c0_i32_0 = arith.constant 0 : i32
    %c0_i32_1 = arith.constant 0 : i32
    return %c0_i32, %c0_i32_0 : i32, i32
  }
  func.func @transform_4(%arg0: i32) -> (i32, i32) {
    %c0_i32 = arith.constant 0 : i32
    %c0_i32_0 = arith.constant 0 : i32
    %c0_i32_1 = arith.constant 0 : i32
    return %c0_i32, %c0_i32_0 : i32, i32
  }
  func.func @transform_5(%arg0: i32) -> (i32, i32) {
    %c0_i32 = arith.constant 0 : i32
    %c0_i32_0 = arith.constant 0 : i32
    return %arg0, %c0_i32 : i32, i32
  }
  func.func @transform_6(%arg0: i32) -> (i32, i32) {
    %c0_i32 = arith.constant 0 : i32
    %c0_i32_0 = arith.constant 0 : i32
    %c0_i32_1 = arith.constant 0 : i32
    return %c0_i32, %c0_i32_0 : i32, i32
  }
  func.func @transform_7(%arg0: i32) -> (i32, i32) {
    %c0_i32 = arith.constant 0 : i32
    %c0_i32_0 = arith.constant 0 : i32
    %c0_i32_1 = arith.constant 0 : i32
    return %c0_i32, %c0_i32_0 : i32, i32
  }
  func.func @transform_8(%arg0: i32) -> (i32, i32) {
    %c0_i32 = arith.constant 0 : i32
    %c0_i32_0 = arith.constant 0 : i32
    %c0_i32_1 = arith.constant 0 : i32
    return %c0_i32, %c0_i32_0 : i32, i32
  }
  func.func @transform_9(%arg0: i32) -> (i32, i32) {
    %c0_i32 = arith.constant 0 : i32
    %c0_i32_0 = arith.constant 0 : i32
    return %arg0, %c0_i32 : i32, i32
  }
  func.func @transform_10(%arg0: i32) -> (i32, i32) {
    %c0_i32 = arith.constant 0 : i32
    %c0_i32_0 = arith.constant 0 : i32
    return %arg0, %c0_i32 : i32, i32
  }
}

module attributes {stable_mosaic.version = 14 : i64} {
  func.func @_tc_scale_body(%arg0: i32, %arg1: memref<10240x128xf32, #tpu.memory_space<vmem>>, %arg2: memref<2x10240xf32, #tpu.memory_space<vmem>>, %arg3: memref<10240x128xf32, #tpu.memory_space<vmem>>, %arg4: memref<10240x128xf32, #tpu.memory_space<vmem>>) attributes {dimension_semantics = [#tpu.dimension_semantics<arbitrary>], iteration_bounds = array<i64: 1>, scalar_prefetch = 0 : i64, scratch_operands = 0 : i64, tpu.core_type = #tpu.core_type<tc>, window_params = [{pipeline_mode = #tpu.pipeline_mode<synchronous>, transform_indices = @transform_0, window_bounds = array<i64: 10240, 128>}, {pipeline_mode = #tpu.pipeline_mode<synchronous>, transform_indices = @transform_1, window_bounds = array<i64: 2, 10240>}, {pipeline_mode = #tpu.pipeline_mode<synchronous>, transform_indices = @transform_2, window_bounds = array<i64: 10240, 128>}, {pipeline_mode = #tpu.pipeline_mode<synchronous>, transform_indices = @transform_3, window_bounds = array<i64: 10240, 128>}]} {
    %get3A = arith.constant 0 : index
    %get3A_0 = arith.constant 0 : index
    %get3A_1 = vector.load %arg2[%get3A, %get3A_0] : memref<2x10240xf32, #tpu.memory_space<vmem>>, vector<1x10240xf32>
    %get3A_2 = vector.shape_cast %get3A_1 : vector<1x10240xf32> to vector<10240xf32>
    %get3A_3 = arith.constant 1 : index
    %get3A_4 = arith.constant 0 : index
    %get3A_5 = vector.load %arg2[%get3A_3, %get3A_4] : memref<2x10240xf32, #tpu.memory_space<vmem>>, vector<1x10240xf32>
    %get3A_6 = vector.shape_cast %get3A_5 : vector<1x10240xf32> to vector<10240xf32>
    %add3A = arith.addf %get3A_2, %get3A_6 : vector<10240xf32>
    %add3A_7 = arith.constant 1.000000e+00 : f32
    %add3A_8 = vector.broadcast %add3A_7 : f32 to vector<10240xf32>
    %add3A_9 = arith.addf %add3A, %add3A_8 : vector<10240xf32>
    %reshape3A = vector.shape_cast %add3A_9 : vector<10240xf32> to vector<10240x1xf32>
    %rsqrt3A = math.rsqrt %reshape3A : vector<10240x1xf32>
    %broadcast_in_dim3A = vector.shape_cast %rsqrt3A : vector<10240x1xf32> to vector<10240x1xf32>
    %broadcast_in_dim3A_10 = vector.broadcast %broadcast_in_dim3A : vector<10240x1xf32> to vector<10240x128xf32>
    %swap3A = arith.constant 0 : index
    %swap3A_11 = arith.constant 0 : index
    %swap3A_12 = vector.load %arg4[%swap3A, %swap3A_11] : memref<10240x128xf32, #tpu.memory_space<vmem>>, vector<10240x128xf32>
    tpu.vector_store %arg4[%swap3A, %swap3A_11], %broadcast_in_dim3A_10 {strides = array<i32>} : memref<10240x128xf32, #tpu.memory_space<vmem>>, vector<10240x128xf32>,
    %get3A_13 = arith.constant 0 : index
    %get3A_14 = arith.constant 0 : index
    %get3A_15 = vector.load %arg1[%get3A_13, %get3A_14] : memref<10240x128xf32, #tpu.memory_space<vmem>>, vector<10240x128xf32>
    %mul3A = arith.mulf %get3A_15, %broadcast_in_dim3A_10 : vector<10240x128xf32>
    %swap3A_16 = arith.constant 0 : index
    %swap3A_17 = arith.constant 0 : index
    %swap3A_18 = vector.load %arg3[%swap3A_16, %swap3A_17] : memref<10240x128xf32, #tpu.memory_space<vmem>>, vector<10240x128xf32>
    tpu.vector_store %arg3[%swap3A_16, %swap3A_17], %mul3A {strides = array<i32>} : memref<10240x128xf32, #tpu.memory_space<vmem>>, vector<10240x128xf32>,
    return
  }
  func.func @transform_0(%arg0: i32) -> (i32, i32) {
    %c0_i32 = arith.constant 0 : i32
    %c0_i32_0 = arith.constant 0 : i32
    %c0_i32_1 = arith.constant 0 : i32
    return %c0_i32, %c0_i32_0 : i32, i32
  }
  func.func @transform_1(%arg0: i32) -> (i32, i32) {
    %c0_i32 = arith.constant 0 : i32
    %c0_i32_0 = arith.constant 0 : i32
    %c0_i32_1 = arith.constant 0 : i32
    return %c0_i32, %c0_i32_0 : i32, i32
  }
  func.func @transform_2(%arg0: i32) -> (i32, i32) {
    %c0_i32 = arith.constant 0 : i32
    %c0_i32_0 = arith.constant 0 : i32
    %c0_i32_1 = arith.constant 0 : i32
    return %c0_i32, %c0_i32_0 : i32, i32
  }
  func.func @transform_3(%arg0: i32) -> (i32, i32) {
    %c0_i32 = arith.constant 0 : i32
    %c0_i32_0 = arith.constant 0 : i32
    %c0_i32_1 = arith.constant 0 : i32
    return %c0_i32, %c0_i32_0 : i32, i32
  }
}

module attributes {stable_mosaic.version = 14 : i64} {
  func.func @_tc_mid2_body(%arg0: i32, %arg1: memref<2x2048x128xf32, #tpu.memory_space<vmem>>, %arg2: memref<2048x128xf32, #tpu.memory_space<vmem>>, %arg3: memref<1x128xf32, #tpu.memory_space<vmem>>, %arg4: memref<1x128xf32, #tpu.memory_space<vmem>>, %arg5: memref<1x128xf32, #tpu.memory_space<vmem>>, %arg6: memref<2048x128xf32, #tpu.memory_space<vmem>>, %arg7: memref<128x128xf32, #tpu.memory_space<vmem>>, %arg8: memref<2048x128xf32, #tpu.memory_space<vmem>>) attributes {dimension_semantics = [#tpu.dimension_semantics<arbitrary>], iteration_bounds = array<i64: 5>, scalar_prefetch = 0 : i64, scratch_operands = 0 : i64, tpu.core_type = #tpu.core_type<tc>, window_params = [{transform_indices = @transform_0, window_bounds = array<i64: 2, 2048, 128>}, {transform_indices = @transform_1, window_bounds = array<i64: 2048, 128>}, {pipeline_mode = #tpu.pipeline_mode<synchronous>, transform_indices = @transform_2, window_bounds = array<i64: 1, 128>}, {pipeline_mode = #tpu.pipeline_mode<synchronous>, transform_indices = @transform_3, window_bounds = array<i64: 1, 128>}, {pipeline_mode = #tpu.pipeline_mode<synchronous>, transform_indices = @transform_4, window_bounds = array<i64: 1, 128>}, {transform_indices = @transform_5, window_bounds = array<i64: 2048, 128>}, {pipeline_mode = #tpu.pipeline_mode<synchronous>, transform_indices = @transform_6, window_bounds = array<i64: 128, 128>}, {transform_indices = @transform_7, window_bounds = array<i64: 2048, 128>}]} {
    %get3A = arith.constant 0 : index
    %get3A_0 = arith.constant 0 : index
    %get3A_1 = vector.load %arg2[%get3A, %get3A_0] : memref<2048x128xf32, #tpu.memory_space<vmem>>, vector<2048x128xf32>
    %get3A_2 = arith.constant 0 : index
    %get3A_3 = arith.constant 0 : index
    %get3A_4 = arith.constant 0 : index
    %get3A_5 = vector.load %arg1[%get3A_2, %get3A_3, %get3A_4] : memref<2x2048x128xf32, #tpu.memory_space<vmem>>, vector<1x2048x128xf32>
    %get3A_6 = vector.shape_cast %get3A_5 : vector<1x2048x128xf32> to vector<2048x128xf32>
    %get3A_7 = arith.constant 1 : index
    %get3A_8 = arith.constant 0 : index
    %get3A_9 = arith.constant 0 : index
    %get3A_10 = vector.load %arg1[%get3A_7, %get3A_8, %get3A_9] : memref<2x2048x128xf32, #tpu.memory_space<vmem>>, vector<1x2048x128xf32>
    %get3A_11 = vector.shape_cast %get3A_10 : vector<1x2048x128xf32> to vector<2048x128xf32>
    %add3A = arith.addf %get3A_6, %get3A_11 : vector<2048x128xf32>
    %mul3A = arith.mulf %get3A_1, %add3A : vector<2048x128xf32>
    %get3A_12 = arith.constant 0 : index
    %get3A_13 = arith.constant 0 : index
    %get3A_14 = vector.load %arg3[%get3A_12, %get3A_13] : memref<1x128xf32, #tpu.memory_space<vmem>>, vector<1x128xf32>
    %add3A_15 = vector.broadcast %get3A_14 : vector<1x128xf32> to vector<2048x128xf32>
    %add3A_16 = arith.addf %mul3A, %add3A_15 : vector<2048x128xf32>
    %get3A_17 = arith.constant 0 : index
    %get3A_18 = arith.constant 0 : index
    %get3A_19 = vector.load %arg4[%get3A_17, %get3A_18] : memref<1x128xf32, #tpu.memory_space<vmem>>, vector<1x128xf32>
    %rsqrt3A = arith.constant 1.000010e+00 : f32
    %rsqrt3A_20 = math.rsqrt %rsqrt3A : f32
    %mul3A_21 = vector.broadcast %rsqrt3A_20 : f32 to vector<1x128xf32>
    %mul3A_22 = arith.mulf %get3A_19, %mul3A_21 : vector<1x128xf32>
    %mul3A_23 = vector.broadcast %mul3A_22 : vector<1x128xf32> to vector<2048x128xf32>
    %mul3A_24 = arith.mulf %add3A_16, %mul3A_23 : vector<2048x128xf32>
    %get3A_25 = arith.constant 0 : index
    %get3A_26 = arith.constant 0 : index
    %get3A_27 = vector.load %arg5[%get3A_25, %get3A_26] : memref<1x128xf32, #tpu.memory_space<vmem>>, vector<1x128xf32>
    %add3A_28 = vector.broadcast %get3A_27 : vector<1x128xf32> to vector<2048x128xf32>
    %add3A_29 = arith.addf %mul3A_24, %add3A_28 : vector<2048x128xf32>
    %gt3A = arith.constant 0.000000e+00 : f32
    %gt3A_30 = vector.broadcast %gt3A : f32 to vector<2048x128xf32>
    %gt3A_31 = arith.cmpf ogt, %add3A_29, %gt3A_30 : vector<2048x128xf32>
    %min3A = arith.constant 0.000000e+00 : f32
    %min3A_32 = vector.broadcast %min3A : f32 to vector<2048x128xf32>
    %min3A_33 = arith.minimumf %add3A_29, %min3A_32 : vector<2048x128xf32>
    %exp3A = math.exp %min3A_33 : vector<2048x128xf32>
    %sub3A = arith.constant 1.000000e+00 : f32
    %sub3A_34 = vector.broadcast %sub3A : f32 to vector<2048x128xf32>
    %sub3A_35 = arith.subf %exp3A, %sub3A_34 : vector<2048x128xf32>
    %select_n3A = arith.select %gt3A_31, %add3A_29, %sub3A_35 : vector<2048x128xi1>, vector<2048x128xf32>
    %get3A_36 = arith.constant 0 : index
    %get3A_37 = arith.constant 0 : index
    %get3A_38 = vector.load %arg6[%get3A_36, %get3A_37] : memref<2048x128xf32, #tpu.memory_space<vmem>>, vector<2048x128xf32>
    %add3A_39 = arith.addf %select_n3A, %get3A_38 : vector<2048x128xf32>
    %get3A_40 = arith.constant 0 : index
    %get3A_41 = arith.constant 0 : index
    %get3A_42 = vector.load %arg2[%get3A_40, %get3A_41] : memref<2048x128xf32, #tpu.memory_space<vmem>>, vector<2048x128xf32>
    %get3A_43 = arith.constant 0 : index
    %get3A_44 = arith.constant 0 : index
    %get3A_45 = vector.load %arg7[%get3A_43, %get3A_44] : memref<128x128xf32, #tpu.memory_space<vmem>>, vector<128x128xf32>
    %dot_general3A = arith.constant dense<0.000000e+00> : vector<2048x128xf32>
    %dot_general3A_46 = tpu.matmul %add3A_39, %get3A_45, %dot_general3A {dimension_numbers = #tpu.dot_dimension_numbers<[1], [0], [0], [1], [0, 0, 1, 1], [], []>, transpose_lhs_hint = false} : vector<2048x128xf32>, vector<128x128xf32>, vector<2048x128xf32> -> vector<2048x128xf32>
    %mul3A_47 = arith.mulf %get3A_42, %dot_general3A_46 : vector<2048x128xf32>
    %swap3A = arith.constant 0 : index
    %swap3A_48 = arith.constant 0 : index
    %swap3A_49 = vector.load %arg8[%swap3A, %swap3A_48] : memref<2048x128xf32, #tpu.memory_space<vmem>>, vector<2048x128xf32>
    tpu.vector_store %arg8[%swap3A, %swap3A_48], %mul3A_47 {strides = array<i32>} : memref<2048x128xf32, #tpu.memory_space<vmem>>, vector<2048x128xf32>,
    return
  }
  func.func @transform_0(%arg0: i32) -> (i32, i32, i32) {
    %c0_i32 = arith.constant 0 : i32
    %c0_i32_0 = arith.constant 0 : i32
    %c0_i32_1 = arith.constant 0 : i32
    return %c0_i32, %arg0, %c0_i32_0 : i32, i32, i32
  }
  func.func @transform_1(%arg0: i32) -> (i32, i32) {
    %c0_i32 = arith.constant 0 : i32
    %c0_i32_0 = arith.constant 0 : i32
    return %arg0, %c0_i32 : i32, i32
  }
  func.func @transform_2(%arg0: i32) -> (i32, i32) {
    %c0_i32 = arith.constant 0 : i32
    %c0_i32_0 = arith.constant 0 : i32
    %c0_i32_1 = arith.constant 0 : i32
    return %c0_i32, %c0_i32_0 : i32, i32
  }
  func.func @transform_3(%arg0: i32) -> (i32, i32) {
    %c0_i32 = arith.constant 0 : i32
    %c0_i32_0 = arith.constant 0 : i32
    %c0_i32_1 = arith.constant 0 : i32
    return %c0_i32, %c0_i32_0 : i32, i32
  }
  func.func @transform_4(%arg0: i32) -> (i32, i32) {
    %c0_i32 = arith.constant 0 : i32
    %c0_i32_0 = arith.constant 0 : i32
    %c0_i32_1 = arith.constant 0 : i32
    return %c0_i32, %c0_i32_0 : i32, i32
  }
  func.func @transform_5(%arg0: i32) -> (i32, i32) {
    %c0_i32 = arith.constant 0 : i32
    %c0_i32_0 = arith.constant 0 : i32
    return %arg0, %c0_i32 : i32, i32
  }
  func.func @transform_6(%arg0: i32) -> (i32, i32) {
    %c0_i32 = arith.constant 0 : i32
    %c0_i32_0 = arith.constant 0 : i32
    %c0_i32_1 = arith.constant 0 : i32
    return %c0_i32, %c0_i32_0 : i32, i32
  }
  func.func @transform_7(%arg0: i32) -> (i32, i32) {
    %c0_i32 = arith.constant 0 : i32
    %c0_i32_0 = arith.constant 0 : i32
    return %arg0, %c0_i32 : i32, i32
  }
}

module attributes {stable_mosaic.version = 14 : i64} {
  func.func @_tc_post_body(%arg0: i32, %arg1: memref<2x2048x128xf32, #tpu.memory_space<vmem>>, %arg2: memref<2048x128xf32, #tpu.memory_space<vmem>>, %arg3: memref<1x128xf32, #tpu.memory_space<vmem>>, %arg4: memref<1x128xf32, #tpu.memory_space<vmem>>, %arg5: memref<1x128xf32, #tpu.memory_space<vmem>>, %arg6: memref<2048x128xf32, #tpu.memory_space<vmem>>) attributes {dimension_semantics = [#tpu.dimension_semantics<arbitrary>], iteration_bounds = array<i64: 5>, scalar_prefetch = 0 : i64, scratch_operands = 0 : i64, tpu.core_type = #tpu.core_type<tc>, window_params = [{transform_indices = @transform_0, window_bounds = array<i64: 2, 2048, 128>}, {transform_indices = @transform_1, window_bounds = array<i64: 2048, 128>}, {pipeline_mode = #tpu.pipeline_mode<synchronous>, transform_indices = @transform_2, window_bounds = array<i64: 1, 128>}, {pipeline_mode = #tpu.pipeline_mode<synchronous>, transform_indices = @transform_3, window_bounds = array<i64: 1, 128>}, {pipeline_mode = #tpu.pipeline_mode<synchronous>, transform_indices = @transform_4, window_bounds = array<i64: 1, 128>}, {transform_indices = @transform_5, window_bounds = array<i64: 2048, 128>}]} {
    %get3A = arith.constant 0 : index
    %get3A_0 = arith.constant 0 : index
    %get3A_1 = vector.load %arg2[%get3A, %get3A_0] : memref<2048x128xf32, #tpu.memory_space<vmem>>, vector<2048x128xf32>
    %get3A_2 = arith.constant 0 : index
    %get3A_3 = arith.constant 0 : index
    %get3A_4 = arith.constant 0 : index
    %get3A_5 = vector.load %arg1[%get3A_2, %get3A_3, %get3A_4] : memref<2x2048x128xf32, #tpu.memory_space<vmem>>, vector<1x2048x128xf32>
    %get3A_6 = vector.shape_cast %get3A_5 : vector<1x2048x128xf32> to vector<2048x128xf32>
    %get3A_7 = arith.constant 1 : index
    %get3A_8 = arith.constant 0 : index
    %get3A_9 = arith.constant 0 : index
    %get3A_10 = vector.load %arg1[%get3A_7, %get3A_8, %get3A_9] : memref<2x2048x128xf32, #tpu.memory_space<vmem>>, vector<1x2048x128xf32>
    %get3A_11 = vector.shape_cast %get3A_10 : vector<1x2048x128xf32> to vector<2048x128xf32>
    %add3A = arith.addf %get3A_6, %get3A_11 : vector<2048x128xf32>
    %mul3A = arith.mulf %get3A_1, %add3A : vector<2048x128xf32>
    %get3A_12 = arith.constant 0 : index
    %get3A_13 = arith.constant 0 : index
    %get3A_14 = vector.load %arg3[%get3A_12, %get3A_13] : memref<1x128xf32, #tpu.memory_space<vmem>>, vector<1x128xf32>
    %add3A_15 = vector.broadcast %get3A_14 : vector<1x128xf32> to vector<2048x128xf32>
    %add3A_16 = arith.addf %mul3A, %add3A_15 : vector<2048x128xf32>
    %get3A_17 = arith.constant 0 : index
    %get3A_18 = arith.constant 0 : index
    %get3A_19 = vector.load %arg4[%get3A_17, %get3A_18] : memref<1x128xf32, #tpu.memory_space<vmem>>, vector<1x128xf32>
    %rsqrt3A = arith.constant 1.000010e+00 : f32
    %rsqrt3A_20 = math.rsqrt %rsqrt3A : f32
    %mul3A_21 = vector.broadcast %rsqrt3A_20 : f32 to vector<1x128xf32>
    %mul3A_22 = arith.mulf %get3A_19, %mul3A_21 : vector<1x128xf32>
    %mul3A_23 = vector.broadcast %mul3A_22 : vector<1x128xf32> to vector<2048x128xf32>
    %mul3A_24 = arith.mulf %add3A_16, %mul3A_23 : vector<2048x128xf32>
    %get3A_25 = arith.constant 0 : index
    %get3A_26 = arith.constant 0 : index
    %get3A_27 = vector.load %arg5[%get3A_25, %get3A_26] : memref<1x128xf32, #tpu.memory_space<vmem>>, vector<1x128xf32>
    %add3A_28 = vector.broadcast %get3A_27 : vector<1x128xf32> to vector<2048x128xf32>
    %add3A_29 = arith.addf %mul3A_24, %add3A_28 : vector<2048x128xf32>
    %gt3A = arith.constant 0.000000e+00 : f32
    %gt3A_30 = vector.broadcast %gt3A : f32 to vector<2048x128xf32>
    %gt3A_31 = arith.cmpf ogt, %add3A_29, %gt3A_30 : vector<2048x128xf32>
    %min3A = arith.constant 0.000000e+00 : f32
    %min3A_32 = vector.broadcast %min3A : f32 to vector<2048x128xf32>
    %min3A_33 = arith.minimumf %add3A_29, %min3A_32 : vector<2048x128xf32>
    %exp3A = math.exp %min3A_33 : vector<2048x128xf32>
    %sub3A = arith.constant 1.000000e+00 : f32
    %sub3A_34 = vector.broadcast %sub3A : f32 to vector<2048x128xf32>
    %sub3A_35 = arith.subf %exp3A, %sub3A_34 : vector<2048x128xf32>
    %select_n3A = arith.select %gt3A_31, %add3A_29, %sub3A_35 : vector<2048x128xi1>, vector<2048x128xf32>
    %swap3A = arith.constant 0 : index
    %swap3A_36 = arith.constant 0 : index
    %swap3A_37 = vector.load %arg6[%swap3A, %swap3A_36] : memref<2048x128xf32, #tpu.memory_space<vmem>>, vector<2048x128xf32>
    tpu.vector_store %arg6[%swap3A, %swap3A_36], %select_n3A {strides = array<i32>} : memref<2048x128xf32, #tpu.memory_space<vmem>>, vector<2048x128xf32>,
    return
  }
  func.func @transform_0(%arg0: i32) -> (i32, i32, i32) {
    %c0_i32 = arith.constant 0 : i32
    %c0_i32_0 = arith.constant 0 : i32
    %c0_i32_1 = arith.constant 0 : i32
    return %c0_i32, %arg0, %c0_i32_0 : i32, i32, i32
  }
  func.func @transform_1(%arg0: i32) -> (i32, i32) {
    %c0_i32 = arith.constant 0 : i32
    %c0_i32_0 = arith.constant 0 : i32
    return %arg0, %c0_i32 : i32, i32
  }
  func.func @transform_2(%arg0: i32) -> (i32, i32) {
    %c0_i32 = arith.constant 0 : i32
    %c0_i32_0 = arith.constant 0 : i32
    %c0_i32_1 = arith.constant 0 : i32
    return %c0_i32, %c0_i32_0 : i32, i32
  }
  func.func @transform_3(%arg0: i32) -> (i32, i32) {
    %c0_i32 = arith.constant 0 : i32
    %c0_i32_0 = arith.constant 0 : i32
    %c0_i32_1 = arith.constant 0 : i32
    return %c0_i32, %c0_i32_0 : i32, i32
  }
  func.func @transform_4(%arg0: i32) -> (i32, i32) {
    %c0_i32 = arith.constant 0 : i32
    %c0_i32_0 = arith.constant 0 : i32
    %c0_i32_1 = arith.constant 0 : i32
    return %c0_i32, %c0_i32_0 : i32, i32
  }
  func.func @transform_5(%arg0: i32) -> (i32, i32) {
    %c0_i32 = arith.constant 0 : i32
    %c0_i32_0 = arith.constant 0 : i32
    return %arg0, %c0_i32 : i32, i32
  }
}

</mosaic_0001>

<sc_bundles>
// kernel: kernel.11.cloned.1.call-start
scs
__scs_entry_jumppad:
0x0: {  	(pc) =	sbr.rel $0x88, $3  }
0x1: {  	(tag) =	ssettag $0x0;
	lr =	simm.s32 $0x1  }
0x2: {  	[smem:$0x3F8F] =	sst lr;
	_ =	strace $0xD0000000  }
0x3: {  	_ = 	snop  }
0x4: {  	_ = 	snop  }
0x5: {  	_ = 	snop  }
0x6: {  	_ = 	snop  }
0x7: {  	_ = 	snop  }
__scs_overlays_trampoline_lowered:
0x8: {  	[smem:$0x3F9E] =	sst s0  }
0x9: {  	[smem:$0x3F9F] =	sst s1  }
0xa: {  	[smem:$0x3FA0] =	sst s2  }
0xb: {  	[smem:$0x3FA1] =	sst s3  }
0xc: {  	[smem:$0x3FA2] =	sst s4  }
0xd: {  	[smem:$0x3FA3] =	sst s5  }
0xe: {  	[smem:$0x3FA4] =	sst s6  }
0xf: {  	[smem:$0x3FA5] =	sst s7  }
0x10: {  	[smem:$0x3FA6] =	sst s8  }
0x11: {  	[smem:$0x3FA7] =	sst s9;
	s0 =	simm.s32 @!p0 $0x0  }
0x12: {  	s1 =	sld [smem:$0x3F8D];
	s0 =	simm.s32 @p0 $0x1  }
0x13: {  	[smem:$0x3FA8] =	sst s0;
	s0 =	simm.s32 @!p1 $0x0  }
0x14: {  	s2 =	sld [smem:$0x3F8C];
	s0 =	simm.s32 @p1 $0x1  }
0x15: {  	[smem:$0x3FA9] =	sst s0;
	s0 =	simm.s32 @!p2 $0x0  }
0x16: {  	s3 =	sld [smem:$0x3FDB];
	s0 =	simm.s32 @p2 $0x1  }
0x17: {  	s4 =	simm.s32 $0x1BF5;
	[smem:$0x3FAB] =	sst s0  }
0x18: {  	s0 =	sld [smem:$0x3F8E];
	_ =	swait.ge [sflag:s4], $0x0  }
0x19: {  	s7 =	sld [smem:$0x3F8F]  }
0x1a: {  	s8 =	sadd.s32 $0xFFFFE003, lr  }
0x1b: {  	s9 =	sadd.s32 $0xFFFFFEF7, lr;
	s5 =	simm.s32 $0xFFFFFFFF;
	p2 =	slt.u32 s8, $0xFFFFF086  }
0x1c: {  	p1 =	slt.u32 s9, $0xF7A;
	s5 =	simm.s32 @!p2 $0x0  }
0x1d: {  	s5 =	simm.s32 @p1 $0x1;
	p0 =	seq.s32 s7, s2  }
0x1e: {  	s7 =	smul.u32 @!p0 $0xF7A, s2;
	p2 =	seq.s32 @!p0 s5, $0x0  }
0x1f: {  	s9 =	smul.u32 $0xF7A, s1;
	s8 =	simm.s32 @!p0 $0x1BF5;
	p2 =	por !p2, p0  }
0x20: {  	[sflag:s8] =	ssyncset.s32 @!p0 $0xFFFFF086;
	s6 =	sadd.s32 @!p0 s3, s7;
	s7 =	simm.s32 @!p0 $0x108  }
0x21: {  	s3 =	sadd.s32 s3, s9;
	s6 =	sadd.s32 @!p0 $0x88, s6;
	s7 =	simm.s32 @p2 $0x1082  }
0x22: {  	[simem:s7], [sflag:s8] =	dma.local @!p0 [hbm:s6], $0xF7A  }
0x23: {  	s9 =	sor.u32 $0xD0000000, s2;
	s6 =	simm.s32 $0x108;
	_ =	swait.ge @!p0 [sflag:s8], $0x0  }
0x24: {  	s3 =	sadd.s32 $0x88, s3;
	s6 =	simm.s32 @!p1 $0x1082;
	[sflag:s4] =	ssyncset.s32 $0xFFFFF086  }
0x25: {  	[simem:s6], [sflag:s4] =	dma.local [hbm:s3], $0xF7A  }
0x26: {  	[smem:$0x3F8F] =	sst s1;
	(tag) =	ssettag s2;
	_ =	strace s9  }
0x27: {  	s1 =	sld [smem:$0x3F9F]  }
0x28: {  	s2 =	sld [smem:$0x3FA0]  }
0x29: {  	s4 =	sld [smem:$0x3FA2]  }
0x2a: {  	p0 =	seq.s32 s5, $0x0;
	s5 =	sld [smem:$0x3FA3]  }
0x2b: {  	s6 =	sld [smem:$0x3FA4]  }
0x2c: {  	s7 =	sld [smem:$0x3FA5]  }
0x2d: {  	s3 =	simm.s32 $0x108;
	s8 =	sld [smem:$0x3FA6]  }
0x2e: {  	s3 =	simm.s32 @!p0 $0x1082;
	s9 =	sld [smem:$0x3FA7]  }
0x2f: {  	lr =	sadd.s32 s0, s3;
	s0 =	sld [smem:$0x3F9E]  }
0x30: {  	s3 =	sld [smem:$0x3FA1]  }
0x31: {  	[smem:$0x3FAA] =	sst s10  }
0x32: {  	s10 =	sld [smem:$0x3FA8];
	_ =	sdelay $0x3  }
0x33: {  	p0 =	seq.s32 s10, $0x1;
	s10 =	sld [smem:$0x3FAA];
	_ =	sdelay $0x3  }
0x34: {  	[smem:$0x3FAA] =	sst s10  }
0x35: {  	s10 =	sld [smem:$0x3FA9];
	_ =	sdelay $0x3  }
0x36: {  	p1 =	seq.s32 s10, $0x1;
	s10 =	sld [smem:$0x3FAA];
	_ =	sdelay $0x3  }
0x37: {  	[smem:$0x3FAA] =	sst s10  }
0x38: {  	s10 =	sld [smem:$0x3FAB]  }
0x39: {  	_ = 	snop;
	(pc) =	sbr.ind lr, $3  }
0x3a: {  	_ = 	snop  }
0x3b: {  	_ = 	snop  }
0x3c: {  	p2 =	seq.s32 s10, $0x1;
	s10 =	sld [smem:$0x3FAA]  }
0x3d: {  	_ =	shalt  }
0x3e: {  	_ =	shalt  }
0x3f: {  	_ =	shalt  }
0x40: {  	_ =	shalt  }
0x41: {  	_ =	shalt  }
0x42: {  	_ =	shalt  }
0x43: {  	_ =	shalt  }
0x44: {  	_ =	shalt  }
0x45: {  	_ =	shalt  }
0x46: {  	_ =	shalt  }
0x47: {  	_ =	shalt  }
0x48: {  	_ =	shalt  }
0x49: {  	_ =	shalt  }
0x4a: {  	_ =	shalt  }
0x4b: {  	_ =	shalt  }
0x4c: {  	_ =	shalt  }
0x4d: {  	_ =	shalt  }
0x4e: {  	_ =	shalt  }
0x4f: {  	_ =	shalt  }
0x50: {  	_ =	shalt  }
0x51: {  	_ =	shalt  }
0x52: {  	_ =	shalt  }
0x53: {  	_ =	shalt  }
0x54: {  	_ =	shalt  }
0x55: {  	_ =	shalt  }
0x56: {  	_ =	shalt  }
0x57: {  	_ =	shalt  }
0x58: {  	_ =	shalt  }
0x59: {  	_ =	shalt  }
0x5a: {  	_ =	shalt  }
0x5b: {  	_ =	shalt  }
0x5c: {  	_ =	shalt  }
0x5d: {  	_ =	shalt  }
0x5e: {  	_ =	shalt  }
0x5f: {  	_ =	shalt  }
0x60: {  	_ =	shalt  }
0x61: {  	_ =	shalt  }
0x62: {  	_ =	shalt  }
0x63: {  	_ =	shalt  }
0x64: {  	_ =	shalt  }
0x65: {  	_ =	shalt  }
0x66: {  	_ =	shalt  }
0x67: {  	_ =	shalt  }
0x68: {  	_ =	shalt  }
0x69: {  	_ =	shalt  }
0x6a: {  	_ =	shalt  }
0x6b: {  	_ =	shalt  }
0x6c: {  	_ =	shalt  }
0x6d: {  	_ =	shalt  }
0x6e: {  	_ =	shalt  }
0x6f: {  	_ =	shalt  }
0x70: {  	_ =	shalt  }
0x71: {  	_ =	shalt  }
0x72: {  	_ =	shalt  }
0x73: {  	_ =	shalt  }
0x74: {  	_ =	shalt  }
0x75: {  	_ =	shalt  }
0x76: {  	_ =	shalt  }
0x77: {  	_ =	shalt  }
0x78: {  	_ =	shalt  }
0x79: {  	_ =	shalt  }
0x7a: {  	_ =	shalt  }
0x7b: {  	_ =	shalt  }
0x7c: {  	_ =	shalt  }
0x7d: {  	_ =	shalt  }
0x7e: {  	_ =	shalt  }
0x7f: {  	_ =	shalt  }
0x80: {  	_ =	shalt  }
0x81: {  	_ =	shalt  }
0x82: {  	_ =	shalt  }
0x83: {  	_ =	shalt  }
0x84: {  	_ =	shalt  }
0x85: {  	_ =	shalt  }
0x86: {  	_ =	shalt  }
0x87: {  	_ =	shalt  }
.Lfunc_end0:
.L_simem_size_0:
called_computation_lowered:
.L_overlay_start_0:
0x88: {  	s2 =	sld [smem:$0x3FD9]  }
0x89: {  	s3 =	sld [smem:$0x3FFE];
	_ =	sdelay $0x1  }
0x8a: {  	s1 =	srdreg.scid  }
0x8b: {  	s0 =	sand.u32 $0x1, s1  }
0x8c: {  	s16 =	sshll.u32 s0, $0xA;
	s2 =	sadd.s32 s3, s2  }
0x8d: {  	s2 =	sadd.s32 s2, s16  }
0x8e: {  	[smem:$0x3FB6] =	sst s2  }
0x8f: {  	_ = 	snop  }
0x90: {  	(tm) =	ssettm $0x1  }
0x91: {  	s17 =	sld [smem:$0x3FFB];
	_ =	sdelay $0x3  }
0x92: {  	_ =	strace s17  }
0x93: {  	s2 =	sld [smem:$0x3FFC];
	_ =	sdelay $0x3  }
0x94: {  	_ =	strace s2  }
0x95: {  	s2 =	sld [smem:$0x3FFD];
	_ =	sdelay $0x3  }
0x96: {  	_ =	strace s2  }
0x97: {  	_ =	strace $0x8FFFFFFF  }
0x98: {  	s18 =	sld [smem:$0x3FDB];
	_ =	sdelay $0x1  }
0x99: {  	s19 =	simm.s32 $_scs_section_size  }
0x9a: {  	s4 =	simm.s32 $_size__tile_overlayer_lowered;
	s5 =	simm.s32 $_tile_overlayer_lowered  }
0x9b: {  	s22 =	simm.s32 $0x1BFF;
	s21 =	sshll.u32 s5, $0x1;
	s2 =	sadd.s32 s19, s18  }
0x9c: {  	s6 =	simm.s32 $0x0;
	s20 =	sshll.u32 s4, $0x1;
	s4 =	sadd.s32 s21, s2  }
0x9d: {  	[timem:s6], [sflag:s22] =	dma.local [hbm:s4], s20  }
0x9e: {  	_ =	swait.ge [sflag:s22], s20  }
0x9f: {  	s3 =	ssub.s32 $0x0, s20;
	[sflag:s22] =	ssyncset.done $0x0  }
0xa0: {  	[sflag:s22] =	ssyncadd.s32 s3;
	_ =	sdelay $0x1  }
0xa1: {  	s23 =	simm.s32 $0x1B8B  }
0xa2: {  	_ =	swait.ge [sflag:s23], $0x1  }
0xa3: {  	[sflag:s23] =	ssyncset.done $0x0  }
0xa4: {  	s25 =	simm.s32 $0x1B8E;
	s24 =	sld [smem:$0x3FFE];
	[sflag:s23] =	ssyncadd.s32 $0xFFFFFFFF  }
0xa5: {  	s26 =	simm.s32 $execute0_lowered;
	[smem:$0x3FD2] =	sst s25  }
0xa6: {  	s4 =	sshll.u32 s26, $0x1;
	_ =	strace $0x80000046;
	[dreg:$0x1] =	wrdreg $0xFFFFFFFF  }
0xa7: {  	s28 =	simm.s32 $_size_execute0_lowered;
	s2 =	sadd.s32 s2, s4;
	[dreg:$0x0] =	wrdreg $0x0  }
0xa8: {  	s4 =	sshll.u32 s28, $0x1;
	[dreg:$0x2] =	wrdreg s2  }
0xa9: {  	[dreg:$0x3] =	wrdreg s4  }
0xaa: {  	[dreg:$0x4] =	wrdreg $0xC0  }
0xab: {  	_ =	task [dreg:s6], $0x5FFFF  }
0xac: {  	[dreg:$0x1] =	wrdreg $0xFFFFFFFF  }
0xad: {  	[dreg:$0x0] =	wrdreg $0x60  }
0xae: {  	[dreg:$0x2] =	wrdreg s24  }
0xaf: {  	[dreg:$0x3] =	wrdreg $0x50000  }
0xb0: {  	[dreg:$0x4] =	wrdreg $0x9  }
0xb1: {  	_ =	task.clear_ibuf [dreg:s6], $0x5FFFF;
	_ =	strace $0x90000046  }
0xb2: {  	s29 =	simm.s32 $0x9;
	_ =	strace $0x80000048  }
0xb3: {  	_ =	swait.ge [sflag:s29], $0x1  }
0xb4: {  	[sflag:s29] =	ssyncadd.s32 $0xFFFFFFFF  }
0xb5: {  	_ =	strace $0x90000048  }
0xb6: {  	_ =	sfence  }
0xb7: {  	s30 =	sld [smem:$0x0];
	_ =	sdelay $0x2  }
0xb8: {  	s31 =	sshll.u32 s1, $0xD;
	s1 =	sshrl.u32 s1, $0x2  }
0xb9: {  	s3 =	sand.u32 $0x4000, s31;
	s1 =	sadd.s32 s1, s30  }
0xba: {  	s0 =	sor.u32 s3, s0;
	s1 =	sshll.u32 s1, $0x11  }
0xbb: {  	s0 =	sor.u32 s1, s0  }
0xbc: {  	s0 =	sadd.s32 $0x8F2B, s0  }
0xbd: {  	[sflag:s0] =	ssyncadd.remote.s32 $0x1  }
0xbe: {  	_ =	sfence.sel $0xFFFF  }
0xbf: {  	[dreg:$0x0] =	wrdreg $0xFFFFFFFF;
	(pc) =	sbr.abs _section_cstart, $3  }
0xc0: {  	[dreg:$0x1] =	wrdreg $0xFFFFFFFF  }
0xc1: {  	_ =	task.clear_ibuf [dreg:s6], $0x2FFFF;
	_ =	strace $0x9FFFFFFF  }
0xc2: {  	(tm) =	ssettm $0x7FFFFFFF  }
0xc3: {  	_ =	shalt  }
tec
execute0_lowered:
.L_overlay_start_1:
0x0: {  	(tag) =	ssettag $0x1  }
0x1: {  	s5 =	rddreg [dreg:$0x0]  }
0x2: {  	s0 =	srdreg.scid;
	s2 =	rddreg [dreg:$0x1]  }
0x3: {  	s3 =	simm.s32 $0x0;
	s12 =	simm.s32 $0x2800;
	s13 =	simm.s32 $0x80  }
0x4: {  	s14 =	simm.s32 $0x20;
	s4 =	sand.u32 $0x1, s0;
	s0 =	stileid.u32  }
0x5: {  	s15 =	simm.s32 $0x10;
	s16 =	simm.s32 $0x0;
	s7 =	smul.u32 $0x280, s0  }
0x6: {  	[smem:$0x7FF] =	sst s3;
	s1 =	sshll.u32 s4, $0x4;
	s8 =	smul.u32 $0x500, s0  }
0x7: {  	s9 =	sshll.u32 s4, $0x7;
	s29 =	ssub.s32 $0x2, s4;
	s4 =	sadd.s32 $0xEA00, s5  }
0x8: {  	s31 =	sshll.u32 s0, $0x6;
	s1 =	sor.u32 s0, s1;
	s30 =	sshrl.u32 s29, $0x1  }
0x9: {  	s6 =	smul.u32 $0x500, s1;
	s1 =	rddreg [dreg:$0x2];
	_ =	strace $0x80000047  }
0xa: {  	s28 =	sshrl.u32 s7, $0x3;
	s8 =	sor.u32 s9, s8;
	s9 =	ssub.s32 s29, s30  }
0xb: {  	s11 =	sadd.s32 s7, s2;
	s8 =	sshrl.u32 s8, $0x3;
	s9 =	smax.u32 s9, $0x1  }
0xc: {  	s10 =	sadd.s32 s6, s5;
	s6 =	sadd.s32 s28, s5;
	s8 =	sadd.s32 s8, s5  }
0xd: {  	s5 =	sadd.s32 $0xF000, s6;
	s6 =	sor.u32 $0x1C01, s31;
	s7 =	sadd.s32 $0x4A00, s10  }
0xe: {  	s8 =	sadd.s32 $0xF600, s8;
	s10 =	sshrl.u32 s11, $0x3;
	s11 =	simm.s32 $0x1  }
.LBB2_1:
0xf: {  	[spmem:s10], [sflag:s6] =	dma.local [hbm:s5], $0x50  }
0x10: {  	_ =	swait.ge [sflag:s11], $0x50  }
0x11: {  	[sflag:s11] =	ssyncset.done $0x0  }
0x12: {  	[sflag:s11] =	ssyncadd.s32 $0xFFFFFFB0  }
0x13: {  	[tilespmem:s3], [sflag:$0x1] =	stream.linear.gather [hbm4b:s7+s3], $0x2800, $0x38;
	[tilespmem:$0x5280] =	vst v63  }
0x14: {  	_ =	swait.ge [sflag:s11], $0x2800  }
0x15: {  	[sflag:s11] =	ssyncset.done $0x0  }
0x16: {  	[sflag:s11] =	ssyncadd.s32 $0xFFFFD800  }
0x17: {  	[tilespmem:s12], [sflag:$0x1] =	stream.linear.gather [hbm4b:s4+s3], $0x2800, $0x38;
	[tilespmem:$0x5280] =	vst v63  }
0x18: {  	_ =	swait.ge [sflag:s11], $0x2800  }
0x19: {  	[sflag:s11] =	ssyncset.done $0x0  }
0x1a: {  	[sflag:s11] =	ssyncadd.s32 $0xFFFFD800  }
0x1b: {  	s17 =	simm.s32 $0x0;
	s18 =	simm.s32 $0x2800;
	[bflag:$0x0] =	sbarrier.arrive $0xFFFF  }
0x1c: {  	[spmem:s2] =	stream.indirect.scatter.add.f32 [tilespmem:s18], [sflag:$0x1], $0x1, s17, s13, $0xb8;
	[tilespmem:$0x5280] =	vst v63  }
0x1d: {  	s17 =	simm.s32 $0x200;
	_ =	swait.ge [sflag:s11], $0x80  }
.LBB2_2:
0x1e: {  	s18 =	sshra.s32 s17, $0x2;
	[sflag:s11] =	ssyncset.done $0x0;
	p0 =	sne.s32 s17, $0x9E00  }
.Ltmp0:
0x1f: {  	s19 =	sadd.s32 $0x2800, s18;
	[sflag:s11] =	ssyncadd.s32 $0xFFFFFF80;
	(pc) =	sbr.rel @p0 .LBB2_2-.Ltmp0, $3  }
0x20: {  	[spmem:s2] =	stream.indirect.scatter.add.f32 [tilespmem:s19], [sflag:$0x1], $0x1, s18, s13, $0xb8;
	[tilespmem:$0x5280] =	vst v63  }
0x21: {  	s17 =	sadd.s32 $0x200, s17;
	_ =	sdelay $0x1  }
0x22: {  	_ =	swait.ge [sflag:s11], $0x80  }
0x23: {  	[sflag:s11] =	ssyncset.done $0x0;
	s16 =	sadd.s32 $0x1, s16  }
0x24: {  	[sflag:s11] =	ssyncadd.s32 $0xFFFFFF80;
	p0 =	sne.s32 s16, s9  }
.Ltmp1:
0x25: {  	[bflag:$0x0] =	sbarrier.arrive $0xFFFF;
	(pc) =	sbr.rel @p0 .LBB2_1-.Ltmp1, $4  }
0x26: {  	[hbm:s8@s14], [sflag:s6] =	dma.strided [spmem:s10@s15], $0x50, s11, $0x10   }
0x27: {  	_ =	swait.ge [sflag:s11], $0x50  }
0x28: {  	[sflag:s11] =	ssyncset.done $0x0  }
0x29: {  	[sflag:s11] =	ssyncadd.s32 $0xFFFFFFB0  }
0x2a: {  	_ =	sfence.sel $0x180000  }
0x2b: {  	[bflag:$0x0] =	sbarrier.arrive $0xFFFF  }
0x2c: {  	p0 =	sne.s32 s0, $0x0;
	_ =	strace $0x90000047  }
0x2d: {  	s0 =	sadd.s32 @!p0 $0x100000, s1;
	[bflag:$0x2] =	sbarrier.arrive $0xFFFF  }
0x2e: {  	[sflag:s0] =	ssyncadd.tile.s32 @!p0 $0x1;
	_ =	shalt  }
.Lfunc_end2:
_tile_overlayer_lowered:
.L_overlay_start_2:
0x2f: {  	(tag) =	ssettag $0x2  }
0x30: {  	s0 =	rddreg [dreg:$0x0];
	s2 =	stileid.u32  }
0x31: {  	s1 =	rddreg [dreg:$0x1];
	p0 =	sne.s32 s2, $0x0  }
0x32: {  	s3 =	rddreg [dreg:$0x2];
	[bflag:$0x3] =	sbarrier.arrive $0xFFFF;
	s2 =	simm.s32 @!p0 $0x1C01  }
0x33: {  	[timem:s3], [sflag:s2] =	dma.local @!p0 [hbm:s0], s1  }
0x34: {  	s0 =	simm.s32 @!p0 $0x1  }
0x35: {  	_ =	swait.ge @!p0 [sflag:s0], s1  }
0x36: {  	s1 =	ssub.s32 @!p0 $0x0, s1;
	[sflag:s0] =	ssyncset.done @!p0 $0x0  }
0x37: {  	[sflag:s0] =	ssyncadd.s32 @!p0 s1  }
0x38: {  	[bflag:$0x3] =	sbarrier.arrive $0xFFFF  }
0x39: {  	_ =	shalt  }

// kernel: kernel.14.cloned.1.call-start
scs
__scs_entry_jumppad:
0x0: {  	(pc) =	sbr.rel $0x88, $3  }
0x1: {  	(tag) =	ssettag $0x0;
	lr =	simm.s32 $0x1  }
0x2: {  	[smem:$0x3F8F] =	sst lr;
	_ =	strace $0xD0000000  }
0x3: {  	_ = 	snop  }
0x4: {  	_ = 	snop  }
0x5: {  	_ = 	snop  }
0x6: {  	_ = 	snop  }
0x7: {  	_ = 	snop  }
__scs_overlays_trampoline_lowered:
0x8: {  	[smem:$0x3F9E] =	sst s0  }
0x9: {  	[smem:$0x3F9F] =	sst s1  }
0xa: {  	[smem:$0x3FA0] =	sst s2  }
0xb: {  	[smem:$0x3FA1] =	sst s3  }
0xc: {  	[smem:$0x3FA2] =	sst s4  }
0xd: {  	[smem:$0x3FA3] =	sst s5  }
0xe: {  	[smem:$0x3FA4] =	sst s6  }
0xf: {  	[smem:$0x3FA5] =	sst s7  }
0x10: {  	[smem:$0x3FA6] =	sst s8  }
0x11: {  	[smem:$0x3FA7] =	sst s9;
	s0 =	simm.s32 @!p0 $0x0  }
0x12: {  	s1 =	sld [smem:$0x3F8D];
	s0 =	simm.s32 @p0 $0x1  }
0x13: {  	[smem:$0x3FA8] =	sst s0;
	s0 =	simm.s32 @!p1 $0x0  }
0x14: {  	s2 =	sld [smem:$0x3F8C];
	s0 =	simm.s32 @p1 $0x1  }
0x15: {  	[smem:$0x3FA9] =	sst s0;
	s0 =	simm.s32 @!p2 $0x0  }
0x16: {  	s3 =	sld [smem:$0x3FDB];
	s0 =	simm.s32 @p2 $0x1  }
0x17: {  	s4 =	simm.s32 $0x1BF5;
	[smem:$0x3FAB] =	sst s0  }
0x18: {  	s0 =	sld [smem:$0x3F8E];
	_ =	swait.ge [sflag:s4], $0x0  }
0x19: {  	s7 =	sld [smem:$0x3F8F]  }
0x1a: {  	s8 =	sadd.s32 $0xFFFFE003, lr  }
0x1b: {  	s9 =	sadd.s32 $0xFFFFFEF7, lr;
	s5 =	simm.s32 $0xFFFFFFFF;
	p2 =	slt.u32 s8, $0xFFFFF086  }
0x1c: {  	p1 =	slt.u32 s9, $0xF7A;
	s5 =	simm.s32 @!p2 $0x0  }
0x1d: {  	s5 =	simm.s32 @p1 $0x1;
	p0 =	seq.s32 s7, s2  }
0x1e: {  	s7 =	smul.u32 @!p0 $0xF7A, s2;
	p2 =	seq.s32 @!p0 s5, $0x0  }
0x1f: {  	s9 =	smul.u32 $0xF7A, s1;
	s8 =	simm.s32 @!p0 $0x1BF5;
	p2 =	por !p2, p0  }
0x20: {  	[sflag:s8] =	ssyncset.s32 @!p0 $0xFFFFF086;
	s6 =	sadd.s32 @!p0 s3, s7;
	s7 =	simm.s32 @!p0 $0x108  }
0x21: {  	s3 =	sadd.s32 s3, s9;
	s6 =	sadd.s32 @!p0 $0x88, s6;
	s7 =	simm.s32 @p2 $0x1082  }
0x22: {  	[simem:s7], [sflag:s8] =	dma.local @!p0 [hbm:s6], $0xF7A  }
0x23: {  	s9 =	sor.u32 $0xD0000000, s2;
	s6 =	simm.s32 $0x108;
	_ =	swait.ge @!p0 [sflag:s8], $0x0  }
0x24: {  	s3 =	sadd.s32 $0x88, s3;
	s6 =	simm.s32 @!p1 $0x1082;
	[sflag:s4] =	ssyncset.s32 $0xFFFFF086  }
0x25: {  	[simem:s6], [sflag:s4] =	dma.local [hbm:s3], $0xF7A  }
0x26: {  	[smem:$0x3F8F] =	sst s1;
	(tag) =	ssettag s2;
	_ =	strace s9  }
0x27: {  	s1 =	sld [smem:$0x3F9F]  }
0x28: {  	s2 =	sld [smem:$0x3FA0]  }
0x29: {  	s4 =	sld [smem:$0x3FA2]  }
0x2a: {  	p0 =	seq.s32 s5, $0x0;
	s5 =	sld [smem:$0x3FA3]  }
0x2b: {  	s6 =	sld [smem:$0x3FA4]  }
0x2c: {  	s7 =	sld [smem:$0x3FA5]  }
0x2d: {  	s3 =	simm.s32 $0x108;
	s8 =	sld [smem:$0x3FA6]  }
0x2e: {  	s3 =	simm.s32 @!p0 $0x1082;
	s9 =	sld [smem:$0x3FA7]  }
0x2f: {  	lr =	sadd.s32 s0, s3;
	s0 =	sld [smem:$0x3F9E]  }
0x30: {  	s3 =	sld [smem:$0x3FA1]  }
0x31: {  	[smem:$0x3FAA] =	sst s10  }
0x32: {  	s10 =	sld [smem:$0x3FA8];
	_ =	sdelay $0x3  }
0x33: {  	p0 =	seq.s32 s10, $0x1;
	s10 =	sld [smem:$0x3FAA];
	_ =	sdelay $0x3  }
0x34: {  	[smem:$0x3FAA] =	sst s10  }
0x35: {  	s10 =	sld [smem:$0x3FA9];
	_ =	sdelay $0x3  }
0x36: {  	p1 =	seq.s32 s10, $0x1;
	s10 =	sld [smem:$0x3FAA];
	_ =	sdelay $0x3  }
0x37: {  	[smem:$0x3FAA] =	sst s10  }
0x38: {  	s10 =	sld [smem:$0x3FAB]  }
0x39: {  	_ = 	snop;
	(pc) =	sbr.ind lr, $3  }
0x3a: {  	_ = 	snop  }
0x3b: {  	_ = 	snop  }
0x3c: {  	p2 =	seq.s32 s10, $0x1;
	s10 =	sld [smem:$0x3FAA]  }
0x3d: {  	_ =	shalt  }
0x3e: {  	_ =	shalt  }
0x3f: {  	_ =	shalt  }
0x40: {  	_ =	shalt  }
0x41: {  	_ =	shalt  }
0x42: {  	_ =	shalt  }
0x43: {  	_ =	shalt  }
0x44: {  	_ =	shalt  }
0x45: {  	_ =	shalt  }
0x46: {  	_ =	shalt  }
0x47: {  	_ =	shalt  }
0x48: {  	_ =	shalt  }
0x49: {  	_ =	shalt  }
0x4a: {  	_ =	shalt  }
0x4b: {  	_ =	shalt  }
0x4c: {  	_ =	shalt  }
0x4d: {  	_ =	shalt  }
0x4e: {  	_ =	shalt  }
0x4f: {  	_ =	shalt  }
0x50: {  	_ =	shalt  }
0x51: {  	_ =	shalt  }
0x52: {  	_ =	shalt  }
0x53: {  	_ =	shalt  }
0x54: {  	_ =	shalt  }
0x55: {  	_ =	shalt  }
0x56: {  	_ =	shalt  }
0x57: {  	_ =	shalt  }
0x58: {  	_ =	shalt  }
0x59: {  	_ =	shalt  }
0x5a: {  	_ =	shalt  }
0x5b: {  	_ =	shalt  }
0x5c: {  	_ =	shalt  }
0x5d: {  	_ =	shalt  }
0x5e: {  	_ =	shalt  }
0x5f: {  	_ =	shalt  }
0x60: {  	_ =	shalt  }
0x61: {  	_ =	shalt  }
0x62: {  	_ =	shalt  }
0x63: {  	_ =	shalt  }
0x64: {  	_ =	shalt  }
0x65: {  	_ =	shalt  }
0x66: {  	_ =	shalt  }
0x67: {  	_ =	shalt  }
0x68: {  	_ =	shalt  }
0x69: {  	_ =	shalt  }
0x6a: {  	_ =	shalt  }
0x6b: {  	_ =	shalt  }
0x6c: {  	_ =	shalt  }
0x6d: {  	_ =	shalt  }
0x6e: {  	_ =	shalt  }
0x6f: {  	_ =	shalt  }
0x70: {  	_ =	shalt  }
0x71: {  	_ =	shalt  }
0x72: {  	_ =	shalt  }
0x73: {  	_ =	shalt  }
0x74: {  	_ =	shalt  }
0x75: {  	_ =	shalt  }
0x76: {  	_ =	shalt  }
0x77: {  	_ =	shalt  }
0x78: {  	_ =	shalt  }
0x79: {  	_ =	shalt  }
0x7a: {  	_ =	shalt  }
0x7b: {  	_ =	shalt  }
0x7c: {  	_ =	shalt  }
0x7d: {  	_ =	shalt  }
0x7e: {  	_ =	shalt  }
0x7f: {  	_ =	shalt  }
0x80: {  	_ =	shalt  }
0x81: {  	_ =	shalt  }
0x82: {  	_ =	shalt  }
0x83: {  	_ =	shalt  }
0x84: {  	_ =	shalt  }
0x85: {  	_ =	shalt  }
0x86: {  	_ =	shalt  }
0x87: {  	_ =	shalt  }
.Lfunc_end0:
.L_simem_size_0:
called_computation.1_lowered:
.L_overlay_start_0:
0x88: {  	s2 =	sld [smem:$0x3FD9]  }
0x89: {  	s3 =	sld [smem:$0x3FFE];
	_ =	sdelay $0x1  }
0x8a: {  	s1 =	srdreg.scid  }
0x8b: {  	s0 =	sand.u32 $0x1, s1  }
0x8c: {  	s17 =	sshll.u32 s0, $0xA;
	s2 =	sadd.s32 s3, s2  }
0x8d: {  	s2 =	sadd.s32 s2, s17  }
0x8e: {  	[smem:$0x3FB6] =	sst s2  }
0x8f: {  	_ = 	snop  }
0x90: {  	s2 =	sld [smem:$0x3FD0];
	(tm) =	ssettm $0x1  }
0x91: {  	s18 =	sld [smem:$0x3FFB];
	_ =	sdelay $0x3  }
0x92: {  	_ =	strace s18  }
0x93: {  	s3 =	sld [smem:$0x3FFC];
	_ =	sdelay $0x3  }
0x94: {  	_ =	strace s3  }
0x95: {  	s3 =	sld [smem:$0x3FFD];
	_ =	sdelay $0x3  }
0x96: {  	_ =	strace s3  }
0x97: {  	_ =	strace $0x8FFFFFFF  }
0x98: {  	s19 =	sld [smem:$0x3FDB];
	_ =	sdelay $0x1  }
0x99: {  	s4 =	simm.s32 $_scs_section_size  }
0x9a: {  	s5 =	simm.s32 $_size__tile_overlayer_lowered;
	s6 =	simm.s32 $_tile_overlayer_lowered  }
0x9b: {  	s22 =	simm.s32 $0x1BFF;
	s21 =	sshll.u32 s6, $0x1;
	s3 =	sadd.s32 s4, s19  }
0x9c: {  	s7 =	simm.s32 $0x0;
	s20 =	sshll.u32 s5, $0x1;
	s5 =	sadd.s32 s21, s3  }
0x9d: {  	[timem:s7], [sflag:s22] =	dma.local [hbm:s5], s20  }
0x9e: {  	_ =	swait.ge [sflag:s22], s20  }
0x9f: {  	s4 =	ssub.s32 $0x0, s20;
	[sflag:s22] =	ssyncset.done $0x0  }
0xa0: {  	[sflag:s22] =	ssyncadd.s32 s4;
	_ =	sdelay $0x1  }
0xa1: {  	s23 =	simm.s32 $0x1B8B  }
0xa2: {  	_ =	swait.ge [sflag:s23], $0x1  }
0xa3: {  	[sflag:s23] =	ssyncset.done $0x0  }
0xa4: {  	s25 =	simm.s32 $0x1B8E;
	s24 =	sld [smem:$0x3FFE];
	[sflag:s23] =	ssyncadd.s32 $0xFFFFFFFF  }
0xa5: {  	s26 =	simm.s32 $execute0_lowered;
	[smem:$0x3FD2] =	sst s25  }
0xa6: {  	s5 =	sshll.u32 s26, $0x1;
	_ =	strace $0x80000049;
	[dreg:$0x1] =	wrdreg $0xFFFFFFFF  }
0xa7: {  	s28 =	simm.s32 $_size_execute0_lowered;
	s3 =	sadd.s32 s3, s5;
	[dreg:$0x0] =	wrdreg $0x0  }
0xa8: {  	s5 =	sshll.u32 s28, $0x1;
	[dreg:$0x2] =	wrdreg s3  }
0xa9: {  	[dreg:$0x3] =	wrdreg s5  }
0xaa: {  	[dreg:$0x4] =	wrdreg $0xC0  }
0xab: {  	_ =	task [dreg:s7], $0x5FFFF  }
0xac: {  	[dreg:$0x1] =	wrdreg $0xFFFFFFFF  }
0xad: {  	[dreg:$0x0] =	wrdreg $0x60  }
0xae: {  	[dreg:$0x2] =	wrdreg s24  }
0xaf: {  	[dreg:$0x3] =	wrdreg s2  }
0xb0: {  	[dreg:$0x4] =	wrdreg $0xA8000  }
0xb1: {  	[dreg:$0x5] =	wrdreg $0x9  }
0xb2: {  	_ =	task.clear_ibuf [dreg:s7], $0x6FFFF;
	_ =	strace $0x90000049  }
0xb3: {  	s29 =	simm.s32 $0x9;
	_ =	strace $0x8000004B  }
0xb4: {  	_ =	swait.ge [sflag:s29], $0x1  }
0xb5: {  	[sflag:s29] =	ssyncadd.s32 $0xFFFFFFFF  }
0xb6: {  	_ =	strace $0x9000004B  }
0xb7: {  	_ =	sfence  }
0xb8: {  	s30 =	sld [smem:$0x0];
	_ =	sdelay $0x2  }
0xb9: {  	s31 =	sshll.u32 s1, $0xD;
	s1 =	sshrl.u32 s1, $0x2  }
0xba: {  	s3 =	sand.u32 $0x4000, s31;
	s1 =	sadd.s32 s1, s30  }
0xbb: {  	s0 =	sor.u32 s3, s0;
	s1 =	sshll.u32 s1, $0x11  }
0xbc: {  	s0 =	sor.u32 s1, s0  }
0xbd: {  	s0 =	sadd.s32 $0x8F2B, s0  }
0xbe: {  	[sflag:s0] =	ssyncadd.remote.s32 $0x1  }
0xbf: {  	_ =	sfence.sel $0xFFFF  }
0xc0: {  	[dreg:$0x0] =	wrdreg $0xFFFFFFFF;
	(pc) =	sbr.abs _section_cstart, $3  }
0xc1: {  	[dreg:$0x1] =	wrdreg $0xFFFFFFFF  }
0xc2: {  	_ =	task.clear_ibuf [dreg:s7], $0x2FFFF;
	_ =	strace $0x9FFFFFFF  }
0xc3: {  	(tm) =	ssettm $0x7FFFFFFF  }
tec
execute0_lowered:
.L_overlay_start_1:
0x0: {  	(tag) =	ssettag $0x1  }
0x1: {  	s6 =	rddreg [dreg:$0x0]  }
0x2: {  	s11 =	rddreg [dreg:$0x1]  }
0x3: {  	s1 =	rddreg [dreg:$0x2];
	s2 =	srdreg.scid  }
0x4: {  	s0 =	rddreg [dreg:$0x3];
	s3 =	simm.s32 $0x0;
	s17 =	simm.s32 $0x3  }
0x5: {  	s18 =	simm.s32 $0x1400;
	s19 =	simm.s32 $0x80;
	s20 =	simm.s32 $0x2800  }
0x6: {  	s21 =	simm.s32 $0x6800;
	s22 =	simm.s32 $0x1;
	s23 =	simm.s32 $0x2  }
0x7: {  	s24 =	simm.s32 $0x2700;
	s15 =	sand.u32 $0x1, s2;
	s2 =	stileid.u32  }
0x8: {  	[smem:$0x7FF] =	sst s3;
	s4 =	sadd.s32 $0xEA00, s6;
	s5 =	smul.u32 $0x140000, s15  }
0x9: {  	s12 =	sadd.s32 $0x4A00, s6;
	s7 =	smul.u32 $0x14000, s2;
	_ =	strace $0x8000004A  }
0xa: {  	s25 =	smul.u32 $0x50000, s2;
	s9 =	ssub.s32 $0x2, s15;
	s26 =	sshll.u32 s15, $0x4  }
0xb: {  	s13 =	smul.u32 $0x2800, s2;
	p0 =	sne.s32 s15, $0x0;
	s31 =	sshll.u32 s2, $0x6  }
0xc: {  	s10 =	sor.u32 s2, s26;
	s29 =	sshrl.u32 s9, $0x1;
	s15 =	sor.u32 $0x1C03, s31  }
0xd: {  	s26 =	simm.s32 $0x0;
	s5 =	sadd.s32 s7, s5;
	s28 =	sshrl.u32 s25, $0x2  }
0xe: {  	s10 =	smul.u32 $0x2800, s10;
	s16 =	ssub.s32 s9, s29;
	s8 =	sshrl.u32 s5, $0x3  }
0xf: {  	s25 =	simm.s32 $0x2780;
	s5 =	sadd.s32 s28, s1;
	s14 =	sadd.s32 s8, s6  }
0x10: {  	s6 =	sadd.s32 $0x8000, s5;
	s7 =	sadd.s32 $0x10000, s5;
	s30 =	sshrl.u32 s10, $0x3  }
0x11: {  	s8 =	sadd.s32 s4, s13;
	s9 =	sadd.s32 s11, s30;
	s13 =	sadd.s32 $0x280, s30  }
0x12: {  	s10 =	sadd.s32 s12, s30;
	s11 =	sadd.s32 s11, s13;
	s12 =	sadd.s32 s12, s13  }
0x13: {  	v0 =	vimm.f32 $0.0e+00;
	s13 =	sadd.s32 $0x36A00, s14;
	s14 =	smax.u32 s16, $0x1;
	s16 =	sshrl.u32 s5, $0x3  }
.LBB2_1:
.Ltmp0:
0x14: {  	(pc) =	sbr.rel @p0 .LBB2_3-.Ltmp0, $1  }
0x15: {  	_ =	sdelay $0x3  }
.Ltmp1:
0x16: {  	(pc) =	sbr.rel .LBB2_6-.Ltmp1, $4  }
0x17: {  	[spmem:s16], [sflag:s15] =	dma.local [hbm:s8], $0x2800  }
0x18: {  	_ =	swait.ge [sflag:s17], $0x2800  }
0x19: {  	[sflag:s17] =	ssyncset.done $0x0  }
0x1a: {  	[sflag:s17] =	ssyncadd.s32 $0xFFFFD800  }
.LBB2_3:
0x1b: {  	s28 =	sshra.s32 s3, $0x2;
	s29 =	sadd.s32 $0x200, s3  }
.LBB2_4:
0x1c: {  	p1 =	sne.s32 s29, $0x1FE00;
	[tilespmem:s28+$0x2870] =	vst v0  }
0x1d: {  	[tilespmem:s28+$0x2800] =	vst v0  }
0x1e: {  	[tilespmem:s28+$0x2810] =	vst v0  }
.Ltmp2:
0x1f: {  	[tilespmem:s28+$0x2820] =	vst v0;
	(pc) =	sbr.rel @p1 .LBB2_4-.Ltmp2, $4  }
0x20: {  	[tilespmem:s28+$0x2830] =	vst v0  }
0x21: {  	[tilespmem:s28+$0x2840] =	vst v0  }
0x22: {  	[tilespmem:s28+$0x2850] =	vst v0  }
0x23: {  	[tilespmem:s28+$0x2860] =	vst v0;
	s28 =	sshra.s32 s29, $0x2;
	s29 =	sadd.s32 $0x200, s29  }
0x24: {  	[tilespmem:s28+$0x2870] =	vst v0  }
0x25: {  	[tilespmem:s28+$0x2800] =	vst v0  }
0x26: {  	[tilespmem:s28+$0x2810] =	vst v0  }
0x27: {  	[tilespmem:s28+$0x2820] =	vst v0  }
0x28: {  	[tilespmem:s28+$0x2830] =	vst v0  }
0x29: {  	[tilespmem:s28+$0x2840] =	vst v0  }
0x2a: {  	[tilespmem:s28+$0x2850] =	vst v0  }
0x2b: {  	[tilespmem:s28+$0x2860] =	vst v0  }
0x2c: {  	[spmem:s5] =	stream.linear.scatter [tilespmem:s20], [sflag:$0x3], $0x8000, $0x38;
	[tilespmem:$0x1E800] =	vst v63  }
0x2d: {  	_ =	swait.ge [sflag:s17], $0x8000  }
0x2e: {  	[sflag:s17] =	ssyncset.done $0x0  }
0x2f: {  	[sflag:s17] =	ssyncadd.s32 $0xFFFF8000  }
0x30: {  	[spmem:s6] =	stream.linear.scatter [tilespmem:s20], [sflag:$0x3], $0x8000, $0x38;
	[tilespmem:$0x1E800] =	vst v63  }
0x31: {  	_ =	swait.ge [sflag:s17], $0x8000  }
0x32: {  	[sflag:s17] =	ssyncset.done $0x0  }
0x33: {  	[sflag:s17] =	ssyncadd.s32 $0xFFFF8000  }
0x34: {  	[spmem:s7] =	stream.linear.scatter [tilespmem:s20], [sflag:$0x3], $0x4000, $0x38;
	[tilespmem:$0x1E800] =	vst v63  }
0x35: {  	_ =	swait.ge [sflag:s17], $0x4000  }
0x36: {  	[sflag:s17] =	ssyncset.done $0x0  }
0x37: {  	[sflag:s17] =	ssyncadd.s32 $0xFFFFC000  }
.LBB2_6:
0x38: {  	[bflag:$0x0] =	sbarrier.arrive $0xFFFF;
	s28 =	simm.s32 $0x0  }
0x39: {  	[tilespmem:s28], [sflag:$0x3] =	stream.linear.gather [hbm4b:s9+s28], $0x1400, $0x38;
	[tilespmem:$0x1E800] =	vst v63  }
0x3a: {  	_ =	swait.ge [sflag:s17], $0x1400  }
0x3b: {  	[sflag:s17] =	ssyncset.done $0x0  }
0x3c: {  	[sflag:s17] =	ssyncadd.s32 $0xFFFFEC00  }
0x3d: {  	[tilespmem:s18], [sflag:$0x3] =	stream.linear.gather [hbm4b:s10+s28], $0x1400, $0x38;
	[tilespmem:$0x1E800] =	vst v63  }
0x3e: {  	_ =	swait.ge [sflag:s17], $0x1400  }
0x3f: {  	[sflag:s17] =	ssyncset.done $0x0  }
0x40: {  	[sflag:s17] =	ssyncadd.s32 $0xFFFFEC00  }
0x41: {  	[tilespmem:s20], [sflag:$0x1] =	stream.indirect.gather [hbm4b:s4+s19], $0x80, s28, s19, $0xb8;
	[tilespmem:$0x1E800] =	vst v63  }
0x42: {  	_ = 	snop  }
0x43: {  	[tilespmem:s21], [sflag:$0x2] =	stream.indirect.gather [hbm4b:s4+s19], $0x80, s19, s19, $0xb8;
	[tilespmem:$0x1E800] =	vst v63  }
0x44: {  	_ =	swait.ge [sflag:s22], $0x4000  }
0x45: {  	[sflag:s22] =	ssyncset.done $0x0  }
0x46: {  	s28 =	simm.s32 $0x1400;
	[sflag:s22] =	ssyncadd.s32 $0xFFFFC000  }
0x47: {  	[spmem:s1] =	stream.indirect.scatter.add.f32 [tilespmem:s20], [sflag:$0x3], $0x80, s28, s19, $0xb8;
	[tilespmem:$0x1E800] =	vst v63  }
0x48: {  	_ =	swait.ge [sflag:s17], $0x4000  }
0x49: {  	[sflag:s17] =	ssyncset.done $0x0  }
0x4a: {  	s28 =	simm.s32 $0x100;
	[sflag:s17] =	ssyncadd.s32 $0xFFFFC000  }
0x4b: {  	[tilespmem:s20], [sflag:$0x1] =	stream.indirect.gather [hbm4b:s4+s19], $0x80, s28, s19, $0xb8;
	[tilespmem:$0x1E800] =	vst v63  }
0x4c: {  	_ =	swait.ge [sflag:s23], $0x4000  }
0x4d: {  	[sflag:s23] =	ssyncset.done $0x0  }
0x4e: {  	s28 =	simm.s32 $0x1480;
	[sflag:s23] =	ssyncadd.s32 $0xFFFFC000  }
0x4f: {  	[spmem:s1] =	stream.indirect.scatter.add.f32 [tilespmem:s21], [sflag:$0x3], $0x80, s28, s19, $0xb8;
	[tilespmem:$0x1E800] =	vst v63  }
0x50: {  	_ =	swait.ge [sflag:s17], $0x4000  }
0x51: {  	[sflag:s17] =	ssyncset.done $0x0  }
0x52: {  	s29 =	simm.s32 $0x180;
	s28 =	simm.s32 $0x400;
	[sflag:s17] =	ssyncadd.s32 $0xFFFFC000  }
.LBB2_7:
0x53: {  	[tilespmem:s21], [sflag:$0x2] =	stream.indirect.gather [hbm4b:s4+s19], $0x80, s29, s19, $0xb8;
	[tilespmem:$0x1E800] =	vst v63  }
0x54: {  	s29 =	smov.u32 s28  }
0x55: {  	p1 =	sne.s32 s28, $0x4800;
	s28 =	sadd.s32 $0x400, s28;
	_ =	swait.ge [sflag:s22], $0x4000  }
0x56: {  	s29 =	sshra.s32 s29, $0x2;
	[sflag:s22] =	ssyncset.done $0x0  }
0x57: {  	s30 =	sadd.s32 $0x1400, s29;
	[sflag:s22] =	ssyncadd.s32 $0xFFFFC000  }
0x58: {  	[spmem:s1] =	stream.indirect.scatter.add.f32 [tilespmem:s20], [sflag:$0x3], $0x80, s30, s19, $0xb8;
	[tilespmem:$0x1E800] =	vst v63  }
0x59: {  	_ =	swait.ge [sflag:s17], $0x4000  }
0x5a: {  	[sflag:s17] =	ssyncset.done $0x0  }
0x5b: {  	s30 =	sadd.s32 $0x100, s29;
	[sflag:s17] =	ssyncadd.s32 $0xFFFFC000  }
0x5c: {  	[tilespmem:s20], [sflag:$0x1] =	stream.indirect.gather [hbm4b:s4+s19], $0x80, s30, s19, $0xb8;
	[tilespmem:$0x1E800] =	vst v63  }
0x5d: {  	_ =	swait.ge [sflag:s23], $0x4000  }
0x5e: {  	[sflag:s23] =	ssyncset.done $0x0  }
.Ltmp3:
0x5f: {  	s30 =	sadd.s32 $0x1480, s29;
	[sflag:s23] =	ssyncadd.s32 $0xFFFFC000;
	(pc) =	sbr.rel @p1 .LBB2_7-.Ltmp3, $4  }
0x60: {  	[spmem:s1] =	stream.indirect.scatter.add.f32 [tilespmem:s21], [sflag:$0x3], $0x80, s30, s19, $0xb8;
	[tilespmem:$0x1E800] =	vst v63  }
0x61: {  	_ =	swait.ge [sflag:s17], $0x4000  }
0x62: {  	[sflag:s17] =	ssyncset.done $0x0  }
0x63: {  	s29 =	sadd.s32 $0x180, s29;
	[sflag:s17] =	ssyncadd.s32 $0xFFFFC000  }
0x64: {  	[tilespmem:s21], [sflag:$0x2] =	stream.indirect.gather [hbm4b:s4+s19], $0x80, s29, s19, $0xb8;
	[tilespmem:$0x1E800] =	vst v63  }
0x65: {  	_ =	swait.ge [sflag:s22], $0x4000  }
0x66: {  	[sflag:s22] =	ssyncset.done $0x0  }
0x67: {  	[sflag:s22] =	ssyncadd.s32 $0xFFFFC000  }
0x68: {  	[spmem:s1] =	stream.indirect.scatter.add.f32 [tilespmem:s20], [sflag:$0x3], $0x80, s24, s19, $0xb8;
	[tilespmem:$0x1E800] =	vst v63  }
0x69: {  	_ =	swait.ge [sflag:s17], $0x4000  }
0x6a: {  	[sflag:s17] =	ssyncset.done $0x0  }
0x6b: {  	[sflag:s17] =	ssyncadd.s32 $0xFFFFC000  }
0x6c: {  	_ =	swait.ge [sflag:s23], $0x4000  }
0x6d: {  	[sflag:s23] =	ssyncset.done $0x0  }
0x6e: {  	[sflag:s23] =	ssyncadd.s32 $0xFFFFC000  }
0x6f: {  	[spmem:s1] =	stream.indirect.scatter.add.f32 [tilespmem:s21], [sflag:$0x3], $0x80, s25, s19, $0xb8;
	[tilespmem:$0x1E800] =	vst v63  }
0x70: {  	_ =	swait.ge [sflag:s17], $0x4000  }
0x71: {  	[sflag:s17] =	ssyncset.done $0x0  }
0x72: {  	s28 =	simm.s32 $0x0;
	[sflag:s17] =	ssyncadd.s32 $0xFFFFC000  }
0x73: {  	[tilespmem:s28], [sflag:$0x3] =	stream.linear.gather [hbm4b:s11+s28], $0x1400, $0x38;
	[tilespmem:$0x1E800] =	vst v63  }
0x74: {  	_ =	swait.ge [sflag:s17], $0x1400  }
0x75: {  	[sflag:s17] =	ssyncset.done $0x0  }
0x76: {  	[sflag:s17] =	ssyncadd.s32 $0xFFFFEC00  }
0x77: {  	[tilespmem:s18], [sflag:$0x3] =	stream.linear.gather [hbm4b:s12+s28], $0x1400, $0x38;
	[tilespmem:$0x1E800] =	vst v63  }
0x78: {  	_ =	swait.ge [sflag:s17], $0x1400  }
0x79: {  	[sflag:s17] =	ssyncset.done $0x0  }
0x7a: {  	[sflag:s17] =	ssyncadd.s32 $0xFFFFEC00  }
0x7b: {  	[tilespmem:s20], [sflag:$0x1] =	stream.indirect.gather [hbm4b:s4+s19], $0x80, s28, s19, $0xb8;
	[tilespmem:$0x1E800] =	vst v63  }
0x7c: {  	_ = 	snop  }
0x7d: {  	[tilespmem:s21], [sflag:$0x2] =	stream.indirect.gather [hbm4b:s4+s19], $0x80, s19, s19, $0xb8;
	[tilespmem:$0x1E800] =	vst v63  }
0x7e: {  	_ =	swait.ge [sflag:s22], $0x4000  }
0x7f: {  	[sflag:s22] =	ssyncset.done $0x0  }
0x80: {  	s28 =	simm.s32 $0x1400;
	[sflag:s22] =	ssyncadd.s32 $0xFFFFC000  }
0x81: {  	[spmem:s1] =	stream.indirect.scatter.add.f32 [tilespmem:s20], [sflag:$0x3], $0x80, s28, s19, $0xb8;
	[tilespmem:$0x1E800] =	vst v63  }
0x82: {  	_ =	swait.ge [sflag:s17], $0x4000  }
0x83: {  	[sflag:s17] =	ssyncset.done $0x0  }
0x84: {  	s28 =	simm.s32 $0x100;
	[sflag:s17] =	ssyncadd.s32 $0xFFFFC000  }
0x85: {  	[tilespmem:s20], [sflag:$0x1] =	stream.indirect.gather [hbm4b:s4+s19], $0x80, s28, s19, $0xb8;
	[tilespmem:$0x1E800] =	vst v63  }
0x86: {  	_ =	swait.ge [sflag:s23], $0x4000  }
0x87: {  	[sflag:s23] =	ssyncset.done $0x0  }
0x88: {  	s28 =	simm.s32 $0x1480;
	[sflag:s23] =	ssyncadd.s32 $0xFFFFC000  }
0x89: {  	[spmem:s1] =	stream.indirect.scatter.add.f32 [tilespmem:s21], [sflag:$0x3], $0x80, s28, s19, $0xb8;
	[tilespmem:$0x1E800] =	vst v63  }
0x8a: {  	_ =	swait.ge [sflag:s17], $0x4000  }
0x8b: {  	[sflag:s17] =	ssyncset.done $0x0  }
0x8c: {  	s29 =	simm.s32 $0x180;
	s28 =	simm.s32 $0x400;
	[sflag:s17] =	ssyncadd.s32 $0xFFFFC000  }
.LBB2_9:
0x8d: {  	[tilespmem:s21], [sflag:$0x2] =	stream.indirect.gather [hbm4b:s4+s19], $0x80, s29, s19, $0xb8;
	[tilespmem:$0x1E800] =	vst v63  }
0x8e: {  	s29 =	smov.u32 s28  }
0x8f: {  	p1 =	sne.s32 s28, $0x4800;
	s28 =	sadd.s32 $0x400, s28;
	_ =	swait.ge [sflag:s22], $0x4000  }
0x90: {  	s29 =	sshra.s32 s29, $0x2;
	[sflag:s22] =	ssyncset.done $0x0  }
0x91: {  	s30 =	sadd.s32 $0x1400, s29;
	[sflag:s22] =	ssyncadd.s32 $0xFFFFC000  }
0x92: {  	[spmem:s1] =	stream.indirect.scatter.add.f32 [tilespmem:s20], [sflag:$0x3], $0x80, s30, s19, $0xb8;
	[tilespmem:$0x1E800] =	vst v63  }
0x93: {  	_ =	swait.ge [sflag:s17], $0x4000  }
0x94: {  	[sflag:s17] =	ssyncset.done $0x0  }
0x95: {  	s30 =	sadd.s32 $0x100, s29;
	[sflag:s17] =	ssyncadd.s32 $0xFFFFC000  }
0x96: {  	[tilespmem:s20], [sflag:$0x1] =	stream.indirect.gather [hbm4b:s4+s19], $0x80, s30, s19, $0xb8;
	[tilespmem:$0x1E800] =	vst v63  }
0x97: {  	_ =	swait.ge [sflag:s23], $0x4000  }
0x98: {  	[sflag:s23] =	ssyncset.done $0x0  }
.Ltmp4:
0x99: {  	s30 =	sadd.s32 $0x1480, s29;
	[sflag:s23] =	ssyncadd.s32 $0xFFFFC000;
	(pc) =	sbr.rel @p1 .LBB2_9-.Ltmp4, $4  }
0x9a: {  	[spmem:s1] =	stream.indirect.scatter.add.f32 [tilespmem:s21], [sflag:$0x3], $0x80, s30, s19, $0xb8;
	[tilespmem:$0x1E800] =	vst v63  }
0x9b: {  	_ =	swait.ge [sflag:s17], $0x4000  }
0x9c: {  	[sflag:s17] =	ssyncset.done $0x0  }
0x9d: {  	s29 =	sadd.s32 $0x180, s29;
	[sflag:s17] =	ssyncadd.s32 $0xFFFFC000  }
0x9e: {  	[tilespmem:s21], [sflag:$0x2] =	stream.indirect.gather [hbm4b:s4+s19], $0x80, s29, s19, $0xb8;
	[tilespmem:$0x1E800] =	vst v63  }
0x9f: {  	_ =	swait.ge [sflag:s22], $0x4000  }
0xa0: {  	[sflag:s22] =	ssyncset.done $0x0  }
0xa1: {  	[sflag:s22] =	ssyncadd.s32 $0xFFFFC000  }
0xa2: {  	[spmem:s1] =	stream.indirect.scatter.add.f32 [tilespmem:s20], [sflag:$0x3], $0x80, s24, s19, $0xb8;
	[tilespmem:$0x1E800] =	vst v63  }
0xa3: {  	_ =	swait.ge [sflag:s17], $0x4000  }
0xa4: {  	[sflag:s17] =	ssyncset.done $0x0  }
0xa5: {  	[sflag:s17] =	ssyncadd.s32 $0xFFFFC000  }
0xa6: {  	_ =	swait.ge [sflag:s23], $0x4000  }
0xa7: {  	[sflag:s23] =	ssyncset.done $0x0  }
0xa8: {  	[sflag:s23] =	ssyncadd.s32 $0xFFFFC000  }
0xa9: {  	[spmem:s1] =	stream.indirect.scatter.add.f32 [tilespmem:s21], [sflag:$0x3], $0x80, s25, s19, $0xb8;
	[tilespmem:$0x1E800] =	vst v63  }
0xaa: {  	_ =	swait.ge [sflag:s17], $0x4000  }
0xab: {  	s26 =	sadd.s32 $0x1, s26;
	[sflag:s17] =	ssyncset.done $0x0  }
0xac: {  	p1 =	sne.s32 s26, s14;
	[sflag:s17] =	ssyncadd.s32 $0xFFFFC000  }
.Ltmp5:
0xad: {  	[bflag:$0x0] =	sbarrier.arrive $0xFFFF;
	(pc) =	sbr.rel @p1 .LBB2_1-.Ltmp5, $4  }
0xae: {  	[hbm:s13], [sflag:s15] =	dma.local [spmem:s16], $0x2800  }
0xaf: {  	_ =	swait.ge [sflag:s17], $0x2800  }
0xb0: {  	[sflag:s17] =	ssyncset.done $0x0  }
0xb1: {  	[sflag:s17] =	ssyncadd.s32 $0xFFFFD800  }
0xb2: {  	_ =	sfence.sel $0x180000  }
0xb3: {  	[bflag:$0x0] =	sbarrier.arrive $0xFFFF  }
0xb4: {  	p0 =	sne.s32 s2, $0x0;
	_ =	strace $0x9000004A  }
0xb5: {  	s0 =	sadd.s32 @!p0 $0x100000, s0;
	[bflag:$0x2] =	sbarrier.arrive $0xFFFF  }
0xb6: {  	[sflag:s0] =	ssyncadd.tile.s32 @!p0 $0x1;
	_ =	shalt  }
.Lfunc_end2:
_tile_overlayer_lowered:
.L_overlay_start_2:
0xb7: {  	(tag) =	ssettag $0x2  }
0xb8: {  	s0 =	rddreg [dreg:$0x0];
	s2 =	stileid.u32  }
0xb9: {  	s1 =	rddreg [dreg:$0x1];
	p0 =	sne.s32 s2, $0x0  }
0xba: {  	s3 =	rddreg [dreg:$0x2];
	[bflag:$0x3] =	sbarrier.arrive $0xFFFF;
	s2 =	simm.s32 @!p0 $0x1C03  }
0xbb: {  	[timem:s3], [sflag:s2] =	dma.local @!p0 [hbm:s0], s1  }
0xbc: {  	s0 =	simm.s32 @!p0 $0x3  }
0xbd: {  	_ =	swait.ge @!p0 [sflag:s0], s1  }
0xbe: {  	s1 =	ssub.s32 @!p0 $0x0, s1;
	[sflag:s0] =	ssyncset.done @!p0 $0x0  }
0xbf: {  	[sflag:s0] =	ssyncadd.s32 @!p0 s1  }
0xc0: {  	[bflag:$0x3] =	sbarrier.arrive $0xFFFF  }
0xc1: {  	_ =	shalt  }

// kernel: kernel.17.cloned.1.call-start
scs
__scs_entry_jumppad:
0x0: {  	(pc) =	sbr.rel $0x88, $3  }
0x1: {  	(tag) =	ssettag $0x0;
	lr =	simm.s32 $0x1  }
0x2: {  	[smem:$0x3F8F] =	sst lr;
	_ =	strace $0xD0000000  }
0x3: {  	_ = 	snop  }
0x4: {  	_ = 	snop  }
0x5: {  	_ = 	snop  }
0x6: {  	_ = 	snop  }
0x7: {  	_ = 	snop  }
__scs_overlays_trampoline_lowered:
0x8: {  	[smem:$0x3F9E] =	sst s0  }
0x9: {  	[smem:$0x3F9F] =	sst s1  }
0xa: {  	[smem:$0x3FA0] =	sst s2  }
0xb: {  	[smem:$0x3FA1] =	sst s3  }
0xc: {  	[smem:$0x3FA2] =	sst s4  }
0xd: {  	[smem:$0x3FA3] =	sst s5  }
0xe: {  	[smem:$0x3FA4] =	sst s6  }
0xf: {  	[smem:$0x3FA5] =	sst s7  }
0x10: {  	[smem:$0x3FA6] =	sst s8  }
0x11: {  	[smem:$0x3FA7] =	sst s9;
	s0 =	simm.s32 @!p0 $0x0  }
0x12: {  	s1 =	sld [smem:$0x3F8D];
	s0 =	simm.s32 @p0 $0x1  }
0x13: {  	[smem:$0x3FA8] =	sst s0;
	s0 =	simm.s32 @!p1 $0x0  }
0x14: {  	s2 =	sld [smem:$0x3F8C];
	s0 =	simm.s32 @p1 $0x1  }
0x15: {  	[smem:$0x3FA9] =	sst s0;
	s0 =	simm.s32 @!p2 $0x0  }
0x16: {  	s3 =	sld [smem:$0x3FDB];
	s0 =	simm.s32 @p2 $0x1  }
0x17: {  	s4 =	simm.s32 $0x1BF5;
	[smem:$0x3FAB] =	sst s0  }
0x18: {  	s0 =	sld [smem:$0x3F8E];
	_ =	swait.ge [sflag:s4], $0x0  }
0x19: {  	s7 =	sld [smem:$0x3F8F]  }
0x1a: {  	s8 =	sadd.s32 $0xFFFFE003, lr  }
0x1b: {  	s9 =	sadd.s32 $0xFFFFFEF7, lr;
	s5 =	simm.s32 $0xFFFFFFFF;
	p2 =	slt.u32 s8, $0xFFFFF086  }
0x1c: {  	p1 =	slt.u32 s9, $0xF7A;
	s5 =	simm.s32 @!p2 $0x0  }
0x1d: {  	s5 =	simm.s32 @p1 $0x1;
	p0 =	seq.s32 s7, s2  }
0x1e: {  	s7 =	smul.u32 @!p0 $0xF7A, s2;
	p2 =	seq.s32 @!p0 s5, $0x0  }
0x1f: {  	s9 =	smul.u32 $0xF7A, s1;
	s8 =	simm.s32 @!p0 $0x1BF5;
	p2 =	por !p2, p0  }
0x20: {  	[sflag:s8] =	ssyncset.s32 @!p0 $0xFFFFF086;
	s6 =	sadd.s32 @!p0 s3, s7;
	s7 =	simm.s32 @!p0 $0x108  }
0x21: {  	s3 =	sadd.s32 s3, s9;
	s6 =	sadd.s32 @!p0 $0x88, s6;
	s7 =	simm.s32 @p2 $0x1082  }
0x22: {  	[simem:s7], [sflag:s8] =	dma.local @!p0 [hbm:s6], $0xF7A  }
0x23: {  	s9 =	sor.u32 $0xD0000000, s2;
	s6 =	simm.s32 $0x108;
	_ =	swait.ge @!p0 [sflag:s8], $0x0  }
0x24: {  	s3 =	sadd.s32 $0x88, s3;
	s6 =	simm.s32 @!p1 $0x1082;
	[sflag:s4] =	ssyncset.s32 $0xFFFFF086  }
0x25: {  	[simem:s6], [sflag:s4] =	dma.local [hbm:s3], $0xF7A  }
0x26: {  	[smem:$0x3F8F] =	sst s1;
	(tag) =	ssettag s2;
	_ =	strace s9  }
0x27: {  	s1 =	sld [smem:$0x3F9F]  }
0x28: {  	s2 =	sld [smem:$0x3FA0]  }
0x29: {  	s4 =	sld [smem:$0x3FA2]  }
0x2a: {  	p0 =	seq.s32 s5, $0x0;
	s5 =	sld [smem:$0x3FA3]  }
0x2b: {  	s6 =	sld [smem:$0x3FA4]  }
0x2c: {  	s7 =	sld [smem:$0x3FA5]  }
0x2d: {  	s3 =	simm.s32 $0x108;
	s8 =	sld [smem:$0x3FA6]  }
0x2e: {  	s3 =	simm.s32 @!p0 $0x1082;
	s9 =	sld [smem:$0x3FA7]  }
0x2f: {  	lr =	sadd.s32 s0, s3;
	s0 =	sld [smem:$0x3F9E]  }
0x30: {  	s3 =	sld [smem:$0x3FA1]  }
0x31: {  	[smem:$0x3FAA] =	sst s10  }
0x32: {  	s10 =	sld [smem:$0x3FA8];
	_ =	sdelay $0x3  }
0x33: {  	p0 =	seq.s32 s10, $0x1;
	s10 =	sld [smem:$0x3FAA];
	_ =	sdelay $0x3  }
0x34: {  	[smem:$0x3FAA] =	sst s10  }
0x35: {  	s10 =	sld [smem:$0x3FA9];
	_ =	sdelay $0x3  }
0x36: {  	p1 =	seq.s32 s10, $0x1;
	s10 =	sld [smem:$0x3FAA];
	_ =	sdelay $0x3  }
0x37: {  	[smem:$0x3FAA] =	sst s10  }
0x38: {  	s10 =	sld [smem:$0x3FAB]  }
0x39: {  	_ = 	snop;
	(pc) =	sbr.ind lr, $3  }
0x3a: {  	_ = 	snop  }
0x3b: {  	_ = 	snop  }
0x3c: {  	p2 =	seq.s32 s10, $0x1;
	s10 =	sld [smem:$0x3FAA]  }
0x3d: {  	_ =	shalt  }
0x3e: {  	_ =	shalt  }
0x3f: {  	_ =	shalt  }
0x40: {  	_ =	shalt  }
0x41: {  	_ =	shalt  }
0x42: {  	_ =	shalt  }
0x43: {  	_ =	shalt  }
0x44: {  	_ =	shalt  }
0x45: {  	_ =	shalt  }
0x46: {  	_ =	shalt  }
0x47: {  	_ =	shalt  }
0x48: {  	_ =	shalt  }
0x49: {  	_ =	shalt  }
0x4a: {  	_ =	shalt  }
0x4b: {  	_ =	shalt  }
0x4c: {  	_ =	shalt  }
0x4d: {  	_ =	shalt  }
0x4e: {  	_ =	shalt  }
0x4f: {  	_ =	shalt  }
0x50: {  	_ =	shalt  }
0x51: {  	_ =	shalt  }
0x52: {  	_ =	shalt  }
0x53: {  	_ =	shalt  }
0x54: {  	_ =	shalt  }
0x55: {  	_ =	shalt  }
0x56: {  	_ =	shalt  }
0x57: {  	_ =	shalt  }
0x58: {  	_ =	shalt  }
0x59: {  	_ =	shalt  }
0x5a: {  	_ =	shalt  }
0x5b: {  	_ =	shalt  }
0x5c: {  	_ =	shalt  }
0x5d: {  	_ =	shalt  }
0x5e: {  	_ =	shalt  }
0x5f: {  	_ =	shalt  }
0x60: {  	_ =	shalt  }
0x61: {  	_ =	shalt  }
0x62: {  	_ =	shalt  }
0x63: {  	_ =	shalt  }
0x64: {  	_ =	shalt  }
0x65: {  	_ =	shalt  }
0x66: {  	_ =	shalt  }
0x67: {  	_ =	shalt  }
0x68: {  	_ =	shalt  }
0x69: {  	_ =	shalt  }
0x6a: {  	_ =	shalt  }
0x6b: {  	_ =	shalt  }
0x6c: {  	_ =	shalt  }
0x6d: {  	_ =	shalt  }
0x6e: {  	_ =	shalt  }
0x6f: {  	_ =	shalt  }
0x70: {  	_ =	shalt  }
0x71: {  	_ =	shalt  }
0x72: {  	_ =	shalt  }
0x73: {  	_ =	shalt  }
0x74: {  	_ =	shalt  }
0x75: {  	_ =	shalt  }
0x76: {  	_ =	shalt  }
0x77: {  	_ =	shalt  }
0x78: {  	_ =	shalt  }
0x79: {  	_ =	shalt  }
0x7a: {  	_ =	shalt  }
0x7b: {  	_ =	shalt  }
0x7c: {  	_ =	shalt  }
0x7d: {  	_ =	shalt  }
0x7e: {  	_ =	shalt  }
0x7f: {  	_ =	shalt  }
0x80: {  	_ =	shalt  }
0x81: {  	_ =	shalt  }
0x82: {  	_ =	shalt  }
0x83: {  	_ =	shalt  }
0x84: {  	_ =	shalt  }
0x85: {  	_ =	shalt  }
0x86: {  	_ =	shalt  }
0x87: {  	_ =	shalt  }
.Lfunc_end0:
.L_simem_size_0:
called_computation.2_lowered:
.L_overlay_start_0:
0x88: {  	s2 =	sld [smem:$0x3FD9]  }
0x89: {  	s3 =	sld [smem:$0x3FFE];
	_ =	sdelay $0x1  }
0x8a: {  	s1 =	srdreg.scid  }
0x8b: {  	s0 =	sand.u32 $0x1, s1  }
0x8c: {  	s17 =	sshll.u32 s0, $0xA;
	s2 =	sadd.s32 s3, s2  }
0x8d: {  	s2 =	sadd.s32 s2, s17  }
0x8e: {  	[smem:$0x3FB6] =	sst s2  }
0x8f: {  	_ = 	snop  }
0x90: {  	s2 =	sld [smem:$0x3FD0];
	(tm) =	ssettm $0x1  }
0x91: {  	s18 =	sld [smem:$0x3FFB];
	_ =	sdelay $0x3  }
0x92: {  	_ =	strace s18  }
0x93: {  	s3 =	sld [smem:$0x3FFC];
	_ =	sdelay $0x3  }
0x94: {  	_ =	strace s3  }
0x95: {  	s3 =	sld [smem:$0x3FFD];
	_ =	sdelay $0x3  }
0x96: {  	_ =	strace s3  }
0x97: {  	_ =	strace $0x8FFFFFFF  }
0x98: {  	s19 =	sld [smem:$0x3FDB];
	_ =	sdelay $0x1  }
0x99: {  	s4 =	simm.s32 $_scs_section_size  }
0x9a: {  	s5 =	simm.s32 $_size__tile_overlayer_lowered;
	s6 =	simm.s32 $_tile_overlayer_lowered  }
0x9b: {  	s22 =	simm.s32 $0x1BFF;
	s21 =	sshll.u32 s6, $0x1;
	s3 =	sadd.s32 s4, s19  }
0x9c: {  	s7 =	simm.s32 $0x0;
	s20 =	sshll.u32 s5, $0x1;
	s5 =	sadd.s32 s21, s3  }
0x9d: {  	[timem:s7], [sflag:s22] =	dma.local [hbm:s5], s20  }
0x9e: {  	_ =	swait.ge [sflag:s22], s20  }
0x9f: {  	s4 =	ssub.s32 $0x0, s20;
	[sflag:s22] =	ssyncset.done $0x0  }
0xa0: {  	[sflag:s22] =	ssyncadd.s32 s4;
	_ =	sdelay $0x1  }
0xa1: {  	s23 =	simm.s32 $0x1B8B  }
0xa2: {  	_ =	swait.ge [sflag:s23], $0x1  }
0xa3: {  	[sflag:s23] =	ssyncset.done $0x0  }
0xa4: {  	s25 =	simm.s32 $0x1B8E;
	s24 =	sld [smem:$0x3FFE];
	[sflag:s23] =	ssyncadd.s32 $0xFFFFFFFF  }
0xa5: {  	s26 =	simm.s32 $execute0_lowered;
	[smem:$0x3FD2] =	sst s25  }
0xa6: {  	s5 =	sshll.u32 s26, $0x1;
	_ =	strace $0x8000004C;
	[dreg:$0x1] =	wrdreg $0xFFFFFFFF  }
0xa7: {  	s28 =	simm.s32 $_size_execute0_lowered;
	s3 =	sadd.s32 s3, s5;
	[dreg:$0x0] =	wrdreg $0x0  }
0xa8: {  	s5 =	sshll.u32 s28, $0x1;
	[dreg:$0x2] =	wrdreg s3  }
0xa9: {  	[dreg:$0x3] =	wrdreg s5  }
0xaa: {  	[dreg:$0x4] =	wrdreg $0xC0  }
0xab: {  	_ =	task [dreg:s7], $0x5FFFF  }
0xac: {  	[dreg:$0x1] =	wrdreg $0xFFFFFFFF  }
0xad: {  	[dreg:$0x0] =	wrdreg $0x60  }
0xae: {  	[dreg:$0x2] =	wrdreg s24  }
0xaf: {  	[dreg:$0x3] =	wrdreg s2  }
0xb0: {  	[dreg:$0x4] =	wrdreg $0xA8000  }
0xb1: {  	[dreg:$0x5] =	wrdreg $0x9  }
0xb2: {  	_ =	task.clear_ibuf [dreg:s7], $0x6FFFF;
	_ =	strace $0x9000004C  }
0xb3: {  	s29 =	simm.s32 $0x9;
	_ =	strace $0x8000004E  }
0xb4: {  	_ =	swait.ge [sflag:s29], $0x1  }
0xb5: {  	[sflag:s29] =	ssyncadd.s32 $0xFFFFFFFF  }
0xb6: {  	_ =	strace $0x9000004E  }
0xb7: {  	_ =	sfence  }
0xb8: {  	s30 =	sld [smem:$0x0];
	_ =	sdelay $0x2  }
0xb9: {  	s31 =	sshll.u32 s1, $0xD;
	s1 =	sshrl.u32 s1, $0x2  }
0xba: {  	s3 =	sand.u32 $0x4000, s31;
	s1 =	sadd.s32 s1, s30  }
0xbb: {  	s0 =	sor.u32 s3, s0;
	s1 =	sshll.u32 s1, $0x11  }
0xbc: {  	s0 =	sor.u32 s1, s0  }
0xbd: {  	s0 =	sadd.s32 $0x8F2B, s0  }
0xbe: {  	[sflag:s0] =	ssyncadd.remote.s32 $0x1  }
0xbf: {  	_ =	sfence.sel $0xFFFF  }
0xc0: {  	[dreg:$0x0] =	wrdreg $0xFFFFFFFF;
	(pc) =	sbr.abs _section_cstart, $3  }
0xc1: {  	[dreg:$0x1] =	wrdreg $0xFFFFFFFF  }
0xc2: {  	_ =	task.clear_ibuf [dreg:s7], $0x2FFFF;
	_ =	strace $0x9FFFFFFF  }
0xc3: {  	(tm) =	ssettm $0x7FFFFFFF  }
tec
execute0_lowered:
.L_overlay_start_1:
0x0: {  	(tag) =	ssettag $0x1  }
0x1: {  	s6 =	rddreg [dreg:$0x0]  }
0x2: {  	s11 =	rddreg [dreg:$0x1]  }
0x3: {  	s1 =	rddreg [dreg:$0x2];
	s2 =	srdreg.scid  }
0x4: {  	s0 =	rddreg [dreg:$0x3];
	s3 =	simm.s32 $0x0;
	s17 =	simm.s32 $0x3  }
0x5: {  	s18 =	simm.s32 $0x1400;
	s19 =	simm.s32 $0x80;
	s20 =	simm.s32 $0x2800  }
0x6: {  	s21 =	simm.s32 $0x6800;
	s22 =	simm.s32 $0x1;
	s23 =	simm.s32 $0x2  }
0x7: {  	s24 =	simm.s32 $0x2700;
	s15 =	sand.u32 $0x1, s2;
	s2 =	stileid.u32  }
0x8: {  	[smem:$0x7FF] =	sst s3;
	s4 =	sadd.s32 $0xEA00, s6;
	s5 =	smul.u32 $0x140000, s15  }
0x9: {  	s12 =	sadd.s32 $0x4A00, s6;
	s7 =	smul.u32 $0x14000, s2;
	_ =	strace $0x8000004D  }
0xa: {  	s25 =	smul.u32 $0x50000, s2;
	s9 =	ssub.s32 $0x2, s15;
	s26 =	sshll.u32 s15, $0x4  }
0xb: {  	s13 =	smul.u32 $0x2800, s2;
	p0 =	sne.s32 s15, $0x0;
	s31 =	sshll.u32 s2, $0x6  }
0xc: {  	s10 =	sor.u32 s2, s26;
	s29 =	sshrl.u32 s9, $0x1;
	s15 =	sor.u32 $0x1C03, s31  }
0xd: {  	s26 =	simm.s32 $0x0;
	s5 =	sadd.s32 s7, s5;
	s28 =	sshrl.u32 s25, $0x2  }
0xe: {  	s10 =	smul.u32 $0x2800, s10;
	s16 =	ssub.s32 s9, s29;
	s8 =	sshrl.u32 s5, $0x3  }
0xf: {  	s25 =	simm.s32 $0x2780;
	s5 =	sadd.s32 s28, s1;
	s14 =	sadd.s32 s8, s6  }
0x10: {  	s6 =	sadd.s32 $0x8000, s5;
	s7 =	sadd.s32 $0x10000, s5;
	s30 =	sshrl.u32 s10, $0x3  }
0x11: {  	s8 =	sadd.s32 s4, s13;
	s9 =	sadd.s32 s11, s30;
	s13 =	sadd.s32 $0x280, s30  }
0x12: {  	s10 =	sadd.s32 s12, s30;
	s11 =	sadd.s32 s11, s13;
	s12 =	sadd.s32 s12, s13  }
0x13: {  	v0 =	vimm.f32 $0.0e+00;
	s13 =	sadd.s32 $0x36A00, s14;
	s14 =	smax.u32 s16, $0x1;
	s16 =	sshrl.u32 s5, $0x3  }
.LBB2_1:
.Ltmp0:
0x14: {  	(pc) =	sbr.rel @p0 .LBB2_3-.Ltmp0, $1  }
0x15: {  	_ =	sdelay $0x3  }
.Ltmp1:
0x16: {  	(pc) =	sbr.rel .LBB2_6-.Ltmp1, $4  }
0x17: {  	[spmem:s16], [sflag:s15] =	dma.local [hbm:s8], $0x2800  }
0x18: {  	_ =	swait.ge [sflag:s17], $0x2800  }
0x19: {  	[sflag:s17] =	ssyncset.done $0x0  }
0x1a: {  	[sflag:s17] =	ssyncadd.s32 $0xFFFFD800  }
.LBB2_3:
0x1b: {  	s28 =	sshra.s32 s3, $0x2;
	s29 =	sadd.s32 $0x200, s3  }
.LBB2_4:
0x1c: {  	p1 =	sne.s32 s29, $0x1FE00;
	[tilespmem:s28+$0x2870] =	vst v0  }
0x1d: {  	[tilespmem:s28+$0x2800] =	vst v0  }
0x1e: {  	[tilespmem:s28+$0x2810] =	vst v0  }
.Ltmp2:
0x1f: {  	[tilespmem:s28+$0x2820] =	vst v0;
	(pc) =	sbr.rel @p1 .LBB2_4-.Ltmp2, $4  }
0x20: {  	[tilespmem:s28+$0x2830] =	vst v0  }
0x21: {  	[tilespmem:s28+$0x2840] =	vst v0  }
0x22: {  	[tilespmem:s28+$0x2850] =	vst v0  }
0x23: {  	[tilespmem:s28+$0x2860] =	vst v0;
	s28 =	sshra.s32 s29, $0x2;
	s29 =	sadd.s32 $0x200, s29  }
0x24: {  	[tilespmem:s28+$0x2870] =	vst v0  }
0x25: {  	[tilespmem:s28+$0x2800] =	vst v0  }
0x26: {  	[tilespmem:s28+$0x2810] =	vst v0  }
0x27: {  	[tilespmem:s28+$0x2820] =	vst v0  }
0x28: {  	[tilespmem:s28+$0x2830] =	vst v0  }
0x29: {  	[tilespmem:s28+$0x2840] =	vst v0  }
0x2a: {  	[tilespmem:s28+$0x2850] =	vst v0  }
0x2b: {  	[tilespmem:s28+$0x2860] =	vst v0  }
0x2c: {  	[spmem:s5] =	stream.linear.scatter [tilespmem:s20], [sflag:$0x3], $0x8000, $0x38;
	[tilespmem:$0x1E800] =	vst v63  }
0x2d: {  	_ =	swait.ge [sflag:s17], $0x8000  }
0x2e: {  	[sflag:s17] =	ssyncset.done $0x0  }
0x2f: {  	[sflag:s17] =	ssyncadd.s32 $0xFFFF8000  }
0x30: {  	[spmem:s6] =	stream.linear.scatter [tilespmem:s20], [sflag:$0x3], $0x8000, $0x38;
	[tilespmem:$0x1E800] =	vst v63  }
0x31: {  	_ =	swait.ge [sflag:s17], $0x8000  }
0x32: {  	[sflag:s17] =	ssyncset.done $0x0  }
0x33: {  	[sflag:s17] =	ssyncadd.s32 $0xFFFF8000  }
0x34: {  	[spmem:s7] =	stream.linear.scatter [tilespmem:s20], [sflag:$0x3], $0x4000, $0x38;
	[tilespmem:$0x1E800] =	vst v63  }
0x35: {  	_ =	swait.ge [sflag:s17], $0x4000  }
0x36: {  	[sflag:s17] =	ssyncset.done $0x0  }
0x37: {  	[sflag:s17] =	ssyncadd.s32 $0xFFFFC000  }
.LBB2_6:
0x38: {  	[bflag:$0x0] =	sbarrier.arrive $0xFFFF;
	s28 =	simm.s32 $0x0  }
0x39: {  	[tilespmem:s28], [sflag:$0x3] =	stream.linear.gather [hbm4b:s9+s28], $0x1400, $0x38;
	[tilespmem:$0x1E800] =	vst v63  }
0x3a: {  	_ =	swait.ge [sflag:s17], $0x1400  }
0x3b: {  	[sflag:s17] =	ssyncset.done $0x0  }
0x3c: {  	[sflag:s17] =	ssyncadd.s32 $0xFFFFEC00  }
0x3d: {  	[tilespmem:s18], [sflag:$0x3] =	stream.linear.gather [hbm4b:s10+s28], $0x1400, $0x38;
	[tilespmem:$0x1E800] =	vst v63  }
0x3e: {  	_ =	swait.ge [sflag:s17], $0x1400  }
0x3f: {  	[sflag:s17] =	ssyncset.done $0x0  }
0x40: {  	[sflag:s17] =	ssyncadd.s32 $0xFFFFEC00  }
0x41: {  	[tilespmem:s20], [sflag:$0x1] =	stream.indirect.gather [hbm4b:s4+s19], $0x80, s28, s19, $0xb8;
	[tilespmem:$0x1E800] =	vst v63  }
0x42: {  	_ = 	snop  }
0x43: {  	[tilespmem:s21], [sflag:$0x2] =	stream.indirect.gather [hbm4b:s4+s19], $0x80, s19, s19, $0xb8;
	[tilespmem:$0x1E800] =	vst v63  }
0x44: {  	_ =	swait.ge [sflag:s22], $0x4000  }
0x45: {  	[sflag:s22] =	ssyncset.done $0x0  }
0x46: {  	s28 =	simm.s32 $0x1400;
	[sflag:s22] =	ssyncadd.s32 $0xFFFFC000  }
0x47: {  	[spmem:s1] =	stream.indirect.scatter.add.f32 [tilespmem:s20], [sflag:$0x3], $0x80, s28, s19, $0xb8;
	[tilespmem:$0x1E800] =	vst v63  }
0x48: {  	_ =	swait.ge [sflag:s17], $0x4000  }
0x49: {  	[sflag:s17] =	ssyncset.done $0x0  }
0x4a: {  	s28 =	simm.s32 $0x100;
	[sflag:s17] =	ssyncadd.s32 $0xFFFFC000  }
0x4b: {  	[tilespmem:s20], [sflag:$0x1] =	stream.indirect.gather [hbm4b:s4+s19], $0x80, s28, s19, $0xb8;
	[tilespmem:$0x1E800] =	vst v63  }
0x4c: {  	_ =	swait.ge [sflag:s23], $0x4000  }
0x4d: {  	[sflag:s23] =	ssyncset.done $0x0  }
0x4e: {  	s28 =	simm.s32 $0x1480;
	[sflag:s23] =	ssyncadd.s32 $0xFFFFC000  }
0x4f: {  	[spmem:s1] =	stream.indirect.scatter.add.f32 [tilespmem:s21], [sflag:$0x3], $0x80, s28, s19, $0xb8;
	[tilespmem:$0x1E800] =	vst v63  }
0x50: {  	_ =	swait.ge [sflag:s17], $0x4000  }
0x51: {  	[sflag:s17] =	ssyncset.done $0x0  }
0x52: {  	s29 =	simm.s32 $0x180;
	s28 =	simm.s32 $0x400;
	[sflag:s17] =	ssyncadd.s32 $0xFFFFC000  }
.LBB2_7:
0x53: {  	[tilespmem:s21], [sflag:$0x2] =	stream.indirect.gather [hbm4b:s4+s19], $0x80, s29, s19, $0xb8;
	[tilespmem:$0x1E800] =	vst v63  }
0x54: {  	s29 =	smov.u32 s28  }
0x55: {  	p1 =	sne.s32 s28, $0x4800;
	s28 =	sadd.s32 $0x400, s28;
	_ =	swait.ge [sflag:s22], $0x4000  }
0x56: {  	s29 =	sshra.s32 s29, $0x2;
	[sflag:s22] =	ssyncset.done $0x0  }
0x57: {  	s30 =	sadd.s32 $0x1400, s29;
	[sflag:s22] =	ssyncadd.s32 $0xFFFFC000  }
0x58: {  	[spmem:s1] =	stream.indirect.scatter.add.f32 [tilespmem:s20], [sflag:$0x3], $0x80, s30, s19, $0xb8;
	[tilespmem:$0x1E800] =	vst v63  }
0x59: {  	_ =	swait.ge [sflag:s17], $0x4000  }
0x5a: {  	[sflag:s17] =	ssyncset.done $0x0  }
0x5b: {  	s30 =	sadd.s32 $0x100, s29;
	[sflag:s17] =	ssyncadd.s32 $0xFFFFC000  }
0x5c: {  	[tilespmem:s20], [sflag:$0x1] =	stream.indirect.gather [hbm4b:s4+s19], $0x80, s30, s19, $0xb8;
	[tilespmem:$0x1E800] =	vst v63  }
0x5d: {  	_ =	swait.ge [sflag:s23], $0x4000  }
0x5e: {  	[sflag:s23] =	ssyncset.done $0x0  }
.Ltmp3:
0x5f: {  	s30 =	sadd.s32 $0x1480, s29;
	[sflag:s23] =	ssyncadd.s32 $0xFFFFC000;
	(pc) =	sbr.rel @p1 .LBB2_7-.Ltmp3, $4  }
0x60: {  	[spmem:s1] =	stream.indirect.scatter.add.f32 [tilespmem:s21], [sflag:$0x3], $0x80, s30, s19, $0xb8;
	[tilespmem:$0x1E800] =	vst v63  }
0x61: {  	_ =	swait.ge [sflag:s17], $0x4000  }
0x62: {  	[sflag:s17] =	ssyncset.done $0x0  }
0x63: {  	s29 =	sadd.s32 $0x180, s29;
	[sflag:s17] =	ssyncadd.s32 $0xFFFFC000  }
0x64: {  	[tilespmem:s21], [sflag:$0x2] =	stream.indirect.gather [hbm4b:s4+s19], $0x80, s29, s19, $0xb8;
	[tilespmem:$0x1E800] =	vst v63  }
0x65: {  	_ =	swait.ge [sflag:s22], $0x4000  }
0x66: {  	[sflag:s22] =	ssyncset.done $0x0  }
0x67: {  	[sflag:s22] =	ssyncadd.s32 $0xFFFFC000  }
0x68: {  	[spmem:s1] =	stream.indirect.scatter.add.f32 [tilespmem:s20], [sflag:$0x3], $0x80, s24, s19, $0xb8;
	[tilespmem:$0x1E800] =	vst v63  }
0x69: {  	_ =	swait.ge [sflag:s17], $0x4000  }
0x6a: {  	[sflag:s17] =	ssyncset.done $0x0  }
0x6b: {  	[sflag:s17] =	ssyncadd.s32 $0xFFFFC000  }
0x6c: {  	_ =	swait.ge [sflag:s23], $0x4000  }
0x6d: {  	[sflag:s23] =	ssyncset.done $0x0  }
0x6e: {  	[sflag:s23] =	ssyncadd.s32 $0xFFFFC000  }
0x6f: {  	[spmem:s1] =	stream.indirect.scatter.add.f32 [tilespmem:s21], [sflag:$0x3], $0x80, s25, s19, $0xb8;
	[tilespmem:$0x1E800] =	vst v63  }
0x70: {  	_ =	swait.ge [sflag:s17], $0x4000  }
0x71: {  	[sflag:s17] =	ssyncset.done $0x0  }
0x72: {  	s28 =	simm.s32 $0x0;
	[sflag:s17] =	ssyncadd.s32 $0xFFFFC000  }
0x73: {  	[tilespmem:s28], [sflag:$0x3] =	stream.linear.gather [hbm4b:s11+s28], $0x1400, $0x38;
	[tilespmem:$0x1E800] =	vst v63  }
0x74: {  	_ =	swait.ge [sflag:s17], $0x1400  }
0x75: {  	[sflag:s17] =	ssyncset.done $0x0  }
0x76: {  	[sflag:s17] =	ssyncadd.s32 $0xFFFFEC00  }
0x77: {  	[tilespmem:s18], [sflag:$0x3] =	stream.linear.gather [hbm4b:s12+s28], $0x1400, $0x38;
	[tilespmem:$0x1E800] =	vst v63  }
0x78: {  	_ =	swait.ge [sflag:s17], $0x1400  }
0x79: {  	[sflag:s17] =	ssyncset.done $0x0  }
0x7a: {  	[sflag:s17] =	ssyncadd.s32 $0xFFFFEC00  }
0x7b: {  	[tilespmem:s20], [sflag:$0x1] =	stream.indirect.gather [hbm4b:s4+s19], $0x80, s28, s19, $0xb8;
	[tilespmem:$0x1E800] =	vst v63  }
0x7c: {  	_ = 	snop  }
0x7d: {  	[tilespmem:s21], [sflag:$0x2] =	stream.indirect.gather [hbm4b:s4+s19], $0x80, s19, s19, $0xb8;
	[tilespmem:$0x1E800] =	vst v63  }
0x7e: {  	_ =	swait.ge [sflag:s22], $0x4000  }
0x7f: {  	[sflag:s22] =	ssyncset.done $0x0  }
0x80: {  	s28 =	simm.s32 $0x1400;
	[sflag:s22] =	ssyncadd.s32 $0xFFFFC000  }
0x81: {  	[spmem:s1] =	stream.indirect.scatter.add.f32 [tilespmem:s20], [sflag:$0x3], $0x80, s28, s19, $0xb8;
	[tilespmem:$0x1E800] =	vst v63  }
0x82: {  	_ =	swait.ge [sflag:s17], $0x4000  }
0x83: {  	[sflag:s17] =	ssyncset.done $0x0  }
0x84: {  	s28 =	simm.s32 $0x100;
	[sflag:s17] =	ssyncadd.s32 $0xFFFFC000  }
0x85: {  	[tilespmem:s20], [sflag:$0x1] =	stream.indirect.gather [hbm4b:s4+s19], $0x80, s28, s19, $0xb8;
	[tilespmem:$0x1E800] =	vst v63  }
0x86: {  	_ =	swait.ge [sflag:s23], $0x4000  }
0x87: {  	[sflag:s23] =	ssyncset.done $0x0  }
0x88: {  	s28 =	simm.s32 $0x1480;
	[sflag:s23] =	ssyncadd.s32 $0xFFFFC000  }
0x89: {  	[spmem:s1] =	stream.indirect.scatter.add.f32 [tilespmem:s21], [sflag:$0x3], $0x80, s28, s19, $0xb8;
	[tilespmem:$0x1E800] =	vst v63  }
0x8a: {  	_ =	swait.ge [sflag:s17], $0x4000  }
0x8b: {  	[sflag:s17] =	ssyncset.done $0x0  }
0x8c: {  	s29 =	simm.s32 $0x180;
	s28 =	simm.s32 $0x400;
	[sflag:s17] =	ssyncadd.s32 $0xFFFFC000  }
.LBB2_9:
0x8d: {  	[tilespmem:s21], [sflag:$0x2] =	stream.indirect.gather [hbm4b:s4+s19], $0x80, s29, s19, $0xb8;
	[tilespmem:$0x1E800] =	vst v63  }
0x8e: {  	s29 =	smov.u32 s28  }
0x8f: {  	p1 =	sne.s32 s28, $0x4800;
	s28 =	sadd.s32 $0x400, s28;
	_ =	swait.ge [sflag:s22], $0x4000  }
0x90: {  	s29 =	sshra.s32 s29, $0x2;
	[sflag:s22] =	ssyncset.done $0x0  }
0x91: {  	s30 =	sadd.s32 $0x1400, s29;
	[sflag:s22] =	ssyncadd.s32 $0xFFFFC000  }
0x92: {  	[spmem:s1] =	stream.indirect.scatter.add.f32 [tilespmem:s20], [sflag:$0x3], $0x80, s30, s19, $0xb8;
	[tilespmem:$0x1E800] =	vst v63  }
0x93: {  	_ =	swait.ge [sflag:s17], $0x4000  }
0x94: {  	[sflag:s17] =	ssyncset.done $0x0  }
0x95: {  	s30 =	sadd.s32 $0x100, s29;
	[sflag:s17] =	ssyncadd.s32 $0xFFFFC000  }
0x96: {  	[tilespmem:s20], [sflag:$0x1] =	stream.indirect.gather [hbm4b:s4+s19], $0x80, s30, s19, $0xb8;
	[tilespmem:$0x1E800] =	vst v63  }
0x97: {  	_ =	swait.ge [sflag:s23], $0x4000  }
0x98: {  	[sflag:s23] =	ssyncset.done $0x0  }
.Ltmp4:
0x99: {  	s30 =	sadd.s32 $0x1480, s29;
	[sflag:s23] =	ssyncadd.s32 $0xFFFFC000;
	(pc) =	sbr.rel @p1 .LBB2_9-.Ltmp4, $4  }
0x9a: {  	[spmem:s1] =	stream.indirect.scatter.add.f32 [tilespmem:s21], [sflag:$0x3], $0x80, s30, s19, $0xb8;
	[tilespmem:$0x1E800] =	vst v63  }
0x9b: {  	_ =	swait.ge [sflag:s17], $0x4000  }
0x9c: {  	[sflag:s17] =	ssyncset.done $0x0  }
0x9d: {  	s29 =	sadd.s32 $0x180, s29;
	[sflag:s17] =	ssyncadd.s32 $0xFFFFC000  }
0x9e: {  	[tilespmem:s21], [sflag:$0x2] =	stream.indirect.gather [hbm4b:s4+s19], $0x80, s29, s19, $0xb8;
	[tilespmem:$0x1E800] =	vst v63  }
0x9f: {  	_ =	swait.ge [sflag:s22], $0x4000  }
0xa0: {  	[sflag:s22] =	ssyncset.done $0x0  }
0xa1: {  	[sflag:s22] =	ssyncadd.s32 $0xFFFFC000  }
0xa2: {  	[spmem:s1] =	stream.indirect.scatter.add.f32 [tilespmem:s20], [sflag:$0x3], $0x80, s24, s19, $0xb8;
	[tilespmem:$0x1E800] =	vst v63  }
0xa3: {  	_ =	swait.ge [sflag:s17], $0x4000  }
0xa4: {  	[sflag:s17] =	ssyncset.done $0x0  }
0xa5: {  	[sflag:s17] =	ssyncadd.s32 $0xFFFFC000  }
0xa6: {  	_ =	swait.ge [sflag:s23], $0x4000  }
0xa7: {  	[sflag:s23] =	ssyncset.done $0x0  }
0xa8: {  	[sflag:s23] =	ssyncadd.s32 $0xFFFFC000  }
0xa9: {  	[spmem:s1] =	stream.indirect.scatter.add.f32 [tilespmem:s21], [sflag:$0x3], $0x80, s25, s19, $0xb8;
	[tilespmem:$0x1E800] =	vst v63  }
0xaa: {  	_ =	swait.ge [sflag:s17], $0x4000  }
0xab: {  	s26 =	sadd.s32 $0x1, s26;
	[sflag:s17] =	ssyncset.done $0x0  }
0xac: {  	p1 =	sne.s32 s26, s14;
	[sflag:s17] =	ssyncadd.s32 $0xFFFFC000  }
.Ltmp5:
0xad: {  	[bflag:$0x0] =	sbarrier.arrive $0xFFFF;
	(pc) =	sbr.rel @p1 .LBB2_1-.Ltmp5, $4  }
0xae: {  	[hbm:s13], [sflag:s15] =	dma.local [spmem:s16], $0x2800  }
0xaf: {  	_ =	swait.ge [sflag:s17], $0x2800  }
0xb0: {  	[sflag:s17] =	ssyncset.done $0x0  }
0xb1: {  	[sflag:s17] =	ssyncadd.s32 $0xFFFFD800  }
0xb2: {  	_ =	sfence.sel $0x180000  }
0xb3: {  	[bflag:$0x0] =	sbarrier.arrive $0xFFFF  }
0xb4: {  	p0 =	sne.s32 s2, $0x0;
	_ =	strace $0x9000004D  }
0xb5: {  	s0 =	sadd.s32 @!p0 $0x100000, s0;
	[bflag:$0x2] =	sbarrier.arrive $0xFFFF  }
0xb6: {  	[sflag:s0] =	ssyncadd.tile.s32 @!p0 $0x1;
	_ =	shalt  }
.Lfunc_end2:
_tile_overlayer_lowered:
.L_overlay_start_2:
0xb7: {  	(tag) =	ssettag $0x2  }
0xb8: {  	s0 =	rddreg [dreg:$0x0];
	s2 =	stileid.u32  }
0xb9: {  	s1 =	rddreg [dreg:$0x1];
	p0 =	sne.s32 s2, $0x0  }
0xba: {  	s3 =	rddreg [dreg:$0x2];
	[bflag:$0x3] =	sbarrier.arrive $0xFFFF;
	s2 =	simm.s32 @!p0 $0x1C03  }
0xbb: {  	[timem:s3], [sflag:s2] =	dma.local @!p0 [hbm:s0], s1  }
0xbc: {  	s0 =	simm.s32 @!p0 $0x3  }
0xbd: {  	_ =	swait.ge @!p0 [sflag:s0], s1  }
0xbe: {  	s1 =	ssub.s32 @!p0 $0x0, s1;
	[sflag:s0] =	ssyncset.done @!p0 $0x0  }
0xbf: {  	[sflag:s0] =	ssyncadd.s32 @!p0 s1  }
0xc0: {  	[bflag:$0x3] =	sbarrier.arrive $0xFFFF  }
0xc1: {  	_ =	shalt  }

// kernel: kernel.20.cloned.1.call-start
scs
__scs_entry_jumppad:
0x0: {  	(pc) =	sbr.rel $0x88, $3  }
0x1: {  	(tag) =	ssettag $0x0;
	lr =	simm.s32 $0x1  }
0x2: {  	[smem:$0x3F8F] =	sst lr;
	_ =	strace $0xD0000000  }
0x3: {  	_ = 	snop  }
0x4: {  	_ = 	snop  }
0x5: {  	_ = 	snop  }
0x6: {  	_ = 	snop  }
0x7: {  	_ = 	snop  }
__scs_overlays_trampoline_lowered:
0x8: {  	[smem:$0x3F9E] =	sst s0  }
0x9: {  	[smem:$0x3F9F] =	sst s1  }
0xa: {  	[smem:$0x3FA0] =	sst s2  }
0xb: {  	[smem:$0x3FA1] =	sst s3  }
0xc: {  	[smem:$0x3FA2] =	sst s4  }
0xd: {  	[smem:$0x3FA3] =	sst s5  }
0xe: {  	[smem:$0x3FA4] =	sst s6  }
0xf: {  	[smem:$0x3FA5] =	sst s7  }
0x10: {  	[smem:$0x3FA6] =	sst s8  }
0x11: {  	[smem:$0x3FA7] =	sst s9;
	s0 =	simm.s32 @!p0 $0x0  }
0x12: {  	s1 =	sld [smem:$0x3F8D];
	s0 =	simm.s32 @p0 $0x1  }
0x13: {  	[smem:$0x3FA8] =	sst s0;
	s0 =	simm.s32 @!p1 $0x0  }
0x14: {  	s2 =	sld [smem:$0x3F8C];
	s0 =	simm.s32 @p1 $0x1  }
0x15: {  	[smem:$0x3FA9] =	sst s0;
	s0 =	simm.s32 @!p2 $0x0  }
0x16: {  	s3 =	sld [smem:$0x3FDB];
	s0 =	simm.s32 @p2 $0x1  }
0x17: {  	s4 =	simm.s32 $0x1BF5;
	[smem:$0x3FAB] =	sst s0  }
0x18: {  	s0 =	sld [smem:$0x3F8E];
	_ =	swait.ge [sflag:s4], $0x0  }
0x19: {  	s7 =	sld [smem:$0x3F8F]  }
0x1a: {  	s8 =	sadd.s32 $0xFFFFE003, lr  }
0x1b: {  	s9 =	sadd.s32 $0xFFFFFEF7, lr;
	s5 =	simm.s32 $0xFFFFFFFF;
	p2 =	slt.u32 s8, $0xFFFFF086  }
0x1c: {  	p1 =	slt.u32 s9, $0xF7A;
	s5 =	simm.s32 @!p2 $0x0  }
0x1d: {  	s5 =	simm.s32 @p1 $0x1;
	p0 =	seq.s32 s7, s2  }
0x1e: {  	s7 =	smul.u32 @!p0 $0xF7A, s2;
	p2 =	seq.s32 @!p0 s5, $0x0  }
0x1f: {  	s9 =	smul.u32 $0xF7A, s1;
	s8 =	simm.s32 @!p0 $0x1BF5;
	p2 =	por !p2, p0  }
0x20: {  	[sflag:s8] =	ssyncset.s32 @!p0 $0xFFFFF086;
	s6 =	sadd.s32 @!p0 s3, s7;
	s7 =	simm.s32 @!p0 $0x108  }
0x21: {  	s3 =	sadd.s32 s3, s9;
	s6 =	sadd.s32 @!p0 $0x88, s6;
	s7 =	simm.s32 @p2 $0x1082  }
0x22: {  	[simem:s7], [sflag:s8] =	dma.local @!p0 [hbm:s6], $0xF7A  }
0x23: {  	s9 =	sor.u32 $0xD0000000, s2;
	s6 =	simm.s32 $0x108;
	_ =	swait.ge @!p0 [sflag:s8], $0x0  }
0x24: {  	s3 =	sadd.s32 $0x88, s3;
	s6 =	simm.s32 @!p1 $0x1082;
	[sflag:s4] =	ssyncset.s32 $0xFFFFF086  }
0x25: {  	[simem:s6], [sflag:s4] =	dma.local [hbm:s3], $0xF7A  }
0x26: {  	[smem:$0x3F8F] =	sst s1;
	(tag) =	ssettag s2;
	_ =	strace s9  }
0x27: {  	s1 =	sld [smem:$0x3F9F]  }
0x28: {  	s2 =	sld [smem:$0x3FA0]  }
0x29: {  	s4 =	sld [smem:$0x3FA2]  }
0x2a: {  	p0 =	seq.s32 s5, $0x0;
	s5 =	sld [smem:$0x3FA3]  }
0x2b: {  	s6 =	sld [smem:$0x3FA4]  }
0x2c: {  	s7 =	sld [smem:$0x3FA5]  }
0x2d: {  	s3 =	simm.s32 $0x108;
	s8 =	sld [smem:$0x3FA6]  }
0x2e: {  	s3 =	simm.s32 @!p0 $0x1082;
	s9 =	sld [smem:$0x3FA7]  }
0x2f: {  	lr =	sadd.s32 s0, s3;
	s0 =	sld [smem:$0x3F9E]  }
0x30: {  	s3 =	sld [smem:$0x3FA1]  }
0x31: {  	[smem:$0x3FAA] =	sst s10  }
0x32: {  	s10 =	sld [smem:$0x3FA8];
	_ =	sdelay $0x3  }
0x33: {  	p0 =	seq.s32 s10, $0x1;
	s10 =	sld [smem:$0x3FAA];
	_ =	sdelay $0x3  }
0x34: {  	[smem:$0x3FAA] =	sst s10  }
0x35: {  	s10 =	sld [smem:$0x3FA9];
	_ =	sdelay $0x3  }
0x36: {  	p1 =	seq.s32 s10, $0x1;
	s10 =	sld [smem:$0x3FAA];
	_ =	sdelay $0x3  }
0x37: {  	[smem:$0x3FAA] =	sst s10  }
0x38: {  	s10 =	sld [smem:$0x3FAB]  }
0x39: {  	_ = 	snop;
	(pc) =	sbr.ind lr, $3  }
0x3a: {  	_ = 	snop  }
0x3b: {  	_ = 	snop  }
0x3c: {  	p2 =	seq.s32 s10, $0x1;
	s10 =	sld [smem:$0x3FAA]  }
0x3d: {  	_ =	shalt  }
0x3e: {  	_ =	shalt  }
0x3f: {  	_ =	shalt  }
0x40: {  	_ =	shalt  }
0x41: {  	_ =	shalt  }
0x42: {  	_ =	shalt  }
0x43: {  	_ =	shalt  }
0x44: {  	_ =	shalt  }
0x45: {  	_ =	shalt  }
0x46: {  	_ =	shalt  }
0x47: {  	_ =	shalt  }
0x48: {  	_ =	shalt  }
0x49: {  	_ =	shalt  }
0x4a: {  	_ =	shalt  }
0x4b: {  	_ =	shalt  }
0x4c: {  	_ =	shalt  }
0x4d: {  	_ =	shalt  }
0x4e: {  	_ =	shalt  }
0x4f: {  	_ =	shalt  }
0x50: {  	_ =	shalt  }
0x51: {  	_ =	shalt  }
0x52: {  	_ =	shalt  }
0x53: {  	_ =	shalt  }
0x54: {  	_ =	shalt  }
0x55: {  	_ =	shalt  }
0x56: {  	_ =	shalt  }
0x57: {  	_ =	shalt  }
0x58: {  	_ =	shalt  }
0x59: {  	_ =	shalt  }
0x5a: {  	_ =	shalt  }
0x5b: {  	_ =	shalt  }
0x5c: {  	_ =	shalt  }
0x5d: {  	_ =	shalt  }
0x5e: {  	_ =	shalt  }
0x5f: {  	_ =	shalt  }
0x60: {  	_ =	shalt  }
0x61: {  	_ =	shalt  }
0x62: {  	_ =	shalt  }
0x63: {  	_ =	shalt  }
0x64: {  	_ =	shalt  }
0x65: {  	_ =	shalt  }
0x66: {  	_ =	shalt  }
0x67: {  	_ =	shalt  }
0x68: {  	_ =	shalt  }
0x69: {  	_ =	shalt  }
0x6a: {  	_ =	shalt  }
0x6b: {  	_ =	shalt  }
0x6c: {  	_ =	shalt  }
0x6d: {  	_ =	shalt  }
0x6e: {  	_ =	shalt  }
0x6f: {  	_ =	shalt  }
0x70: {  	_ =	shalt  }
0x71: {  	_ =	shalt  }
0x72: {  	_ =	shalt  }
0x73: {  	_ =	shalt  }
0x74: {  	_ =	shalt  }
0x75: {  	_ =	shalt  }
0x76: {  	_ =	shalt  }
0x77: {  	_ =	shalt  }
0x78: {  	_ =	shalt  }
0x79: {  	_ =	shalt  }
0x7a: {  	_ =	shalt  }
0x7b: {  	_ =	shalt  }
0x7c: {  	_ =	shalt  }
0x7d: {  	_ =	shalt  }
0x7e: {  	_ =	shalt  }
0x7f: {  	_ =	shalt  }
0x80: {  	_ =	shalt  }
0x81: {  	_ =	shalt  }
0x82: {  	_ =	shalt  }
0x83: {  	_ =	shalt  }
0x84: {  	_ =	shalt  }
0x85: {  	_ =	shalt  }
0x86: {  	_ =	shalt  }
0x87: {  	_ =	shalt  }
.Lfunc_end0:
.L_simem_size_0:
called_computation.3_lowered:
.L_overlay_start_0:
0x88: {  	s2 =	sld [smem:$0x3FD9]  }
0x89: {  	s3 =	sld [smem:$0x3FFE];
	_ =	sdelay $0x1  }
0x8a: {  	s1 =	srdreg.scid  }
0x8b: {  	s0 =	sand.u32 $0x1, s1  }
0x8c: {  	s17 =	sshll.u32 s0, $0xA;
	s2 =	sadd.s32 s3, s2  }
0x8d: {  	s2 =	sadd.s32 s2, s17  }
0x8e: {  	[smem:$0x3FB6] =	sst s2  }
0x8f: {  	_ = 	snop  }
0x90: {  	s2 =	sld [smem:$0x3FD0];
	(tm) =	ssettm $0x1  }
0x91: {  	s18 =	sld [smem:$0x3FFB];
	_ =	sdelay $0x3  }
0x92: {  	_ =	strace s18  }
0x93: {  	s3 =	sld [smem:$0x3FFC];
	_ =	sdelay $0x3  }
0x94: {  	_ =	strace s3  }
0x95: {  	s3 =	sld [smem:$0x3FFD];
	_ =	sdelay $0x3  }
0x96: {  	_ =	strace s3  }
0x97: {  	_ =	strace $0x8FFFFFFF  }
0x98: {  	s19 =	sld [smem:$0x3FDB];
	_ =	sdelay $0x1  }
0x99: {  	s4 =	simm.s32 $_scs_section_size  }
0x9a: {  	s5 =	simm.s32 $_size__tile_overlayer_lowered;
	s6 =	simm.s32 $_tile_overlayer_lowered  }
0x9b: {  	s22 =	simm.s32 $0x1BFF;
	s21 =	sshll.u32 s6, $0x1;
	s3 =	sadd.s32 s4, s19  }
0x9c: {  	s7 =	simm.s32 $0x0;
	s20 =	sshll.u32 s5, $0x1;
	s5 =	sadd.s32 s21, s3  }
0x9d: {  	[timem:s7], [sflag:s22] =	dma.local [hbm:s5], s20  }
0x9e: {  	_ =	swait.ge [sflag:s22], s20  }
0x9f: {  	s4 =	ssub.s32 $0x0, s20;
	[sflag:s22] =	ssyncset.done $0x0  }
0xa0: {  	[sflag:s22] =	ssyncadd.s32 s4;
	_ =	sdelay $0x1  }
0xa1: {  	s23 =	simm.s32 $0x1B8B  }
0xa2: {  	_ =	swait.ge [sflag:s23], $0x1  }
0xa3: {  	[sflag:s23] =	ssyncset.done $0x0  }
0xa4: {  	s25 =	simm.s32 $0x1B8E;
	s24 =	sld [smem:$0x3FFE];
	[sflag:s23] =	ssyncadd.s32 $0xFFFFFFFF  }
0xa5: {  	s26 =	simm.s32 $execute0_lowered;
	[smem:$0x3FD2] =	sst s25  }
0xa6: {  	s5 =	sshll.u32 s26, $0x1;
	_ =	strace $0x8000004F;
	[dreg:$0x1] =	wrdreg $0xFFFFFFFF  }
0xa7: {  	s28 =	simm.s32 $_size_execute0_lowered;
	s3 =	sadd.s32 s3, s5;
	[dreg:$0x0] =	wrdreg $0x0  }
0xa8: {  	s5 =	sshll.u32 s28, $0x1;
	[dreg:$0x2] =	wrdreg s3  }
0xa9: {  	[dreg:$0x3] =	wrdreg s5  }
0xaa: {  	[dreg:$0x4] =	wrdreg $0xC0  }
0xab: {  	_ =	task [dreg:s7], $0x5FFFF  }
0xac: {  	[dreg:$0x1] =	wrdreg $0xFFFFFFFF  }
0xad: {  	[dreg:$0x0] =	wrdreg $0x60  }
0xae: {  	[dreg:$0x2] =	wrdreg s24  }
0xaf: {  	[dreg:$0x3] =	wrdreg s2  }
0xb0: {  	[dreg:$0x4] =	wrdreg $0xA8000  }
0xb1: {  	[dreg:$0x5] =	wrdreg $0x9  }
0xb2: {  	_ =	task.clear_ibuf [dreg:s7], $0x6FFFF;
	_ =	strace $0x9000004F  }
0xb3: {  	s29 =	simm.s32 $0x9;
	_ =	strace $0x80000051  }
0xb4: {  	_ =	swait.ge [sflag:s29], $0x1  }
0xb5: {  	[sflag:s29] =	ssyncadd.s32 $0xFFFFFFFF  }
0xb6: {  	_ =	strace $0x90000051  }
0xb7: {  	_ =	sfence  }
0xb8: {  	s30 =	sld [smem:$0x0];
	_ =	sdelay $0x2  }
0xb9: {  	s31 =	sshll.u32 s1, $0xD;
	s1 =	sshrl.u32 s1, $0x2  }
0xba: {  	s3 =	sand.u32 $0x4000, s31;
	s1 =	sadd.s32 s1, s30  }
0xbb: {  	s0 =	sor.u32 s3, s0;
	s1 =	sshll.u32 s1, $0x11  }
0xbc: {  	s0 =	sor.u32 s1, s0  }
0xbd: {  	s0 =	sadd.s32 $0x8F2B, s0  }
0xbe: {  	[sflag:s0] =	ssyncadd.remote.s32 $0x1  }
0xbf: {  	_ =	sfence.sel $0xFFFF  }
0xc0: {  	[dreg:$0x0] =	wrdreg $0xFFFFFFFF;
	(pc) =	sbr.abs _section_cstart, $3  }
0xc1: {  	[dreg:$0x1] =	wrdreg $0xFFFFFFFF  }
0xc2: {  	_ =	task.clear_ibuf [dreg:s7], $0x2FFFF;
	_ =	strace $0x9FFFFFFF  }
0xc3: {  	(tm) =	ssettm $0x7FFFFFFF  }
tec
execute0_lowered:
.L_overlay_start_1:
0x0: {  	(tag) =	ssettag $0x1  }
0x1: {  	s6 =	rddreg [dreg:$0x0]  }
0x2: {  	s11 =	rddreg [dreg:$0x1]  }
0x3: {  	s1 =	rddreg [dreg:$0x2];
	s2 =	srdreg.scid  }
0x4: {  	s0 =	rddreg [dreg:$0x3];
	s3 =	simm.s32 $0x0;
	s17 =	simm.s32 $0x3  }
0x5: {  	s18 =	simm.s32 $0x1400;
	s19 =	simm.s32 $0x80;
	s20 =	simm.s32 $0x2800  }
0x6: {  	s21 =	simm.s32 $0x6800;
	s22 =	simm.s32 $0x1;
	s23 =	simm.s32 $0x2  }
0x7: {  	s24 =	simm.s32 $0x2700;
	s15 =	sand.u32 $0x1, s2;
	s2 =	stileid.u32  }
0x8: {  	[smem:$0x7FF] =	sst s3;
	s4 =	sadd.s32 $0xEA00, s6;
	s5 =	smul.u32 $0x140000, s15  }
0x9: {  	s12 =	sadd.s32 $0x4A00, s6;
	s7 =	smul.u32 $0x14000, s2;
	_ =	strace $0x80000050  }
0xa: {  	s25 =	smul.u32 $0x50000, s2;
	s9 =	ssub.s32 $0x2, s15;
	s26 =	sshll.u32 s15, $0x4  }
0xb: {  	s13 =	smul.u32 $0x2800, s2;
	p0 =	sne.s32 s15, $0x0;
	s31 =	sshll.u32 s2, $0x6  }
0xc: {  	s10 =	sor.u32 s2, s26;
	s29 =	sshrl.u32 s9, $0x1;
	s15 =	sor.u32 $0x1C03, s31  }
0xd: {  	s26 =	simm.s32 $0x0;
	s5 =	sadd.s32 s7, s5;
	s28 =	sshrl.u32 s25, $0x2  }
0xe: {  	s10 =	smul.u32 $0x2800, s10;
	s16 =	ssub.s32 s9, s29;
	s8 =	sshrl.u32 s5, $0x3  }
0xf: {  	s25 =	simm.s32 $0x2780;
	s5 =	sadd.s32 s28, s1;
	s14 =	sadd.s32 s8, s6  }
0x10: {  	s6 =	sadd.s32 $0x8000, s5;
	s7 =	sadd.s32 $0x10000, s5;
	s30 =	sshrl.u32 s10, $0x3  }
0x11: {  	s8 =	sadd.s32 s4, s13;
	s9 =	sadd.s32 s11, s30;
	s13 =	sadd.s32 $0x280, s30  }
0x12: {  	s10 =	sadd.s32 s12, s30;
	s11 =	sadd.s32 s11, s13;
	s12 =	sadd.s32 s12, s13  }
0x13: {  	v0 =	vimm.f32 $0.0e+00;
	s13 =	sadd.s32 $0x36A00, s14;
	s14 =	smax.u32 s16, $0x1;
	s16 =	sshrl.u32 s5, $0x3  }
.LBB2_1:
.Ltmp0:
0x14: {  	(pc) =	sbr.rel @p0 .LBB2_3-.Ltmp0, $1  }
0x15: {  	_ =	sdelay $0x3  }
.Ltmp1:
0x16: {  	(pc) =	sbr.rel .LBB2_6-.Ltmp1, $4  }
0x17: {  	[spmem:s16], [sflag:s15] =	dma.local [hbm:s8], $0x2800  }
0x18: {  	_ =	swait.ge [sflag:s17], $0x2800  }
0x19: {  	[sflag:s17] =	ssyncset.done $0x0  }
0x1a: {  	[sflag:s17] =	ssyncadd.s32 $0xFFFFD800  }
.LBB2_3:
0x1b: {  	s28 =	sshra.s32 s3, $0x2;
	s29 =	sadd.s32 $0x200, s3  }
.LBB2_4:
0x1c: {  	p1 =	sne.s32 s29, $0x1FE00;
	[tilespmem:s28+$0x2870] =	vst v0  }
0x1d: {  	[tilespmem:s28+$0x2800] =	vst v0  }
0x1e: {  	[tilespmem:s28+$0x2810] =	vst v0  }
.Ltmp2:
0x1f: {  	[tilespmem:s28+$0x2820] =	vst v0;
	(pc) =	sbr.rel @p1 .LBB2_4-.Ltmp2, $4  }
0x20: {  	[tilespmem:s28+$0x2830] =	vst v0  }
0x21: {  	[tilespmem:s28+$0x2840] =	vst v0  }
0x22: {  	[tilespmem:s28+$0x2850] =	vst v0  }
0x23: {  	[tilespmem:s28+$0x2860] =	vst v0;
	s28 =	sshra.s32 s29, $0x2;
	s29 =	sadd.s32 $0x200, s29  }
0x24: {  	[tilespmem:s28+$0x2870] =	vst v0  }
0x25: {  	[tilespmem:s28+$0x2800] =	vst v0  }
0x26: {  	[tilespmem:s28+$0x2810] =	vst v0  }
0x27: {  	[tilespmem:s28+$0x2820] =	vst v0  }
0x28: {  	[tilespmem:s28+$0x2830] =	vst v0  }
0x29: {  	[tilespmem:s28+$0x2840] =	vst v0  }
0x2a: {  	[tilespmem:s28+$0x2850] =	vst v0  }
0x2b: {  	[tilespmem:s28+$0x2860] =	vst v0  }
0x2c: {  	[spmem:s5] =	stream.linear.scatter [tilespmem:s20], [sflag:$0x3], $0x8000, $0x38;
	[tilespmem:$0x1E800] =	vst v63  }
0x2d: {  	_ =	swait.ge [sflag:s17], $0x8000  }
0x2e: {  	[sflag:s17] =	ssyncset.done $0x0  }
0x2f: {  	[sflag:s17] =	ssyncadd.s32 $0xFFFF8000  }
0x30: {  	[spmem:s6] =	stream.linear.scatter [tilespmem:s20], [sflag:$0x3], $0x8000, $0x38;
	[tilespmem:$0x1E800] =	vst v63  }
0x31: {  	_ =	swait.ge [sflag:s17], $0x8000  }
0x32: {  	[sflag:s17] =	ssyncset.done $0x0  }
0x33: {  	[sflag:s17] =	ssyncadd.s32 $0xFFFF8000  }
0x34: {  	[spmem:s7] =	stream.linear.scatter [tilespmem:s20], [sflag:$0x3], $0x4000, $0x38;
	[tilespmem:$0x1E800] =	vst v63  }
0x35: {  	_ =	swait.ge [sflag:s17], $0x4000  }
0x36: {  	[sflag:s17] =	ssyncset.done $0x0  }
0x37: {  	[sflag:s17] =	ssyncadd.s32 $0xFFFFC000  }
.LBB2_6:
0x38: {  	[bflag:$0x0] =	sbarrier.arrive $0xFFFF;
	s28 =	simm.s32 $0x0  }
0x39: {  	[tilespmem:s28], [sflag:$0x3] =	stream.linear.gather [hbm4b:s9+s28], $0x1400, $0x38;
	[tilespmem:$0x1E800] =	vst v63  }
0x3a: {  	_ =	swait.ge [sflag:s17], $0x1400  }
0x3b: {  	[sflag:s17] =	ssyncset.done $0x0  }
0x3c: {  	[sflag:s17] =	ssyncadd.s32 $0xFFFFEC00  }
0x3d: {  	[tilespmem:s18], [sflag:$0x3] =	stream.linear.gather [hbm4b:s10+s28], $0x1400, $0x38;
	[tilespmem:$0x1E800] =	vst v63  }
0x3e: {  	_ =	swait.ge [sflag:s17], $0x1400  }
0x3f: {  	[sflag:s17] =	ssyncset.done $0x0  }
0x40: {  	[sflag:s17] =	ssyncadd.s32 $0xFFFFEC00  }
0x41: {  	[tilespmem:s20], [sflag:$0x1] =	stream.indirect.gather [hbm4b:s4+s19], $0x80, s28, s19, $0xb8;
	[tilespmem:$0x1E800] =	vst v63  }
0x42: {  	_ = 	snop  }
0x43: {  	[tilespmem:s21], [sflag:$0x2] =	stream.indirect.gather [hbm4b:s4+s19], $0x80, s19, s19, $0xb8;
	[tilespmem:$0x1E800] =	vst v63  }
0x44: {  	_ =	swait.ge [sflag:s22], $0x4000  }
0x45: {  	[sflag:s22] =	ssyncset.done $0x0  }
0x46: {  	s28 =	simm.s32 $0x1400;
	[sflag:s22] =	ssyncadd.s32 $0xFFFFC000  }
0x47: {  	[spmem:s1] =	stream.indirect.scatter.add.f32 [tilespmem:s20], [sflag:$0x3], $0x80, s28, s19, $0xb8;
	[tilespmem:$0x1E800] =	vst v63  }
0x48: {  	_ =	swait.ge [sflag:s17], $0x4000  }
0x49: {  	[sflag:s17] =	ssyncset.done $0x0  }
0x4a: {  	s28 =	simm.s32 $0x100;
	[sflag:s17] =	ssyncadd.s32 $0xFFFFC000  }
0x4b: {  	[tilespmem:s20], [sflag:$0x1] =	stream.indirect.gather [hbm4b:s4+s19], $0x80, s28, s19, $0xb8;
	[tilespmem:$0x1E800] =	vst v63  }
0x4c: {  	_ =	swait.ge [sflag:s23], $0x4000  }
0x4d: {  	[sflag:s23] =	ssyncset.done $0x0  }
0x4e: {  	s28 =	simm.s32 $0x1480;
	[sflag:s23] =	ssyncadd.s32 $0xFFFFC000  }
0x4f: {  	[spmem:s1] =	stream.indirect.scatter.add.f32 [tilespmem:s21], [sflag:$0x3], $0x80, s28, s19, $0xb8;
	[tilespmem:$0x1E800] =	vst v63  }
0x50: {  	_ =	swait.ge [sflag:s17], $0x4000  }
0x51: {  	[sflag:s17] =	ssyncset.done $0x0  }
0x52: {  	s29 =	simm.s32 $0x180;
	s28 =	simm.s32 $0x400;
	[sflag:s17] =	ssyncadd.s32 $0xFFFFC000  }
.LBB2_7:
0x53: {  	[tilespmem:s21], [sflag:$0x2] =	stream.indirect.gather [hbm4b:s4+s19], $0x80, s29, s19, $0xb8;
	[tilespmem:$0x1E800] =	vst v63  }
0x54: {  	s29 =	smov.u32 s28  }
0x55: {  	p1 =	sne.s32 s28, $0x4800;
	s28 =	sadd.s32 $0x400, s28;
	_ =	swait.ge [sflag:s22], $0x4000  }
0x56: {  	s29 =	sshra.s32 s29, $0x2;
	[sflag:s22] =	ssyncset.done $0x0  }
0x57: {  	s30 =	sadd.s32 $0x1400, s29;
	[sflag:s22] =	ssyncadd.s32 $0xFFFFC000  }
0x58: {  	[spmem:s1] =	stream.indirect.scatter.add.f32 [tilespmem:s20], [sflag:$0x3], $0x80, s30, s19, $0xb8;
	[tilespmem:$0x1E800] =	vst v63  }
0x59: {  	_ =	swait.ge [sflag:s17], $0x4000  }
0x5a: {  	[sflag:s17] =	ssyncset.done $0x0  }
0x5b: {  	s30 =	sadd.s32 $0x100, s29;
	[sflag:s17] =	ssyncadd.s32 $0xFFFFC000  }
0x5c: {  	[tilespmem:s20], [sflag:$0x1] =	stream.indirect.gather [hbm4b:s4+s19], $0x80, s30, s19, $0xb8;
	[tilespmem:$0x1E800] =	vst v63  }
0x5d: {  	_ =	swait.ge [sflag:s23], $0x4000  }
0x5e: {  	[sflag:s23] =	ssyncset.done $0x0  }
.Ltmp3:
0x5f: {  	s30 =	sadd.s32 $0x1480, s29;
	[sflag:s23] =	ssyncadd.s32 $0xFFFFC000;
	(pc) =	sbr.rel @p1 .LBB2_7-.Ltmp3, $4  }
0x60: {  	[spmem:s1] =	stream.indirect.scatter.add.f32 [tilespmem:s21], [sflag:$0x3], $0x80, s30, s19, $0xb8;
	[tilespmem:$0x1E800] =	vst v63  }
0x61: {  	_ =	swait.ge [sflag:s17], $0x4000  }
0x62: {  	[sflag:s17] =	ssyncset.done $0x0  }
0x63: {  	s29 =	sadd.s32 $0x180, s29;
	[sflag:s17] =	ssyncadd.s32 $0xFFFFC000  }
0x64: {  	[tilespmem:s21], [sflag:$0x2] =	stream.indirect.gather [hbm4b:s4+s19], $0x80, s29, s19, $0xb8;
	[tilespmem:$0x1E800] =	vst v63  }
0x65: {  	_ =	swait.ge [sflag:s22], $0x4000  }
0x66: {  	[sflag:s22] =	ssyncset.done $0x0  }
0x67: {  	[sflag:s22] =	ssyncadd.s32 $0xFFFFC000  }
0x68: {  	[spmem:s1] =	stream.indirect.scatter.add.f32 [tilespmem:s20], [sflag:$0x3], $0x80, s24, s19, $0xb8;
	[tilespmem:$0x1E800] =	vst v63  }
0x69: {  	_ =	swait.ge [sflag:s17], $0x4000  }
0x6a: {  	[sflag:s17] =	ssyncset.done $0x0  }
0x6b: {  	[sflag:s17] =	ssyncadd.s32 $0xFFFFC000  }
0x6c: {  	_ =	swait.ge [sflag:s23], $0x4000  }
0x6d: {  	[sflag:s23] =	ssyncset.done $0x0  }
0x6e: {  	[sflag:s23] =	ssyncadd.s32 $0xFFFFC000  }
0x6f: {  	[spmem:s1] =	stream.indirect.scatter.add.f32 [tilespmem:s21], [sflag:$0x3], $0x80, s25, s19, $0xb8;
	[tilespmem:$0x1E800] =	vst v63  }
0x70: {  	_ =	swait.ge [sflag:s17], $0x4000  }
0x71: {  	[sflag:s17] =	ssyncset.done $0x0  }
0x72: {  	s28 =	simm.s32 $0x0;
	[sflag:s17] =	ssyncadd.s32 $0xFFFFC000  }
0x73: {  	[tilespmem:s28], [sflag:$0x3] =	stream.linear.gather [hbm4b:s11+s28], $0x1400, $0x38;
	[tilespmem:$0x1E800] =	vst v63  }
0x74: {  	_ =	swait.ge [sflag:s17], $0x1400  }
0x75: {  	[sflag:s17] =	ssyncset.done $0x0  }
0x76: {  	[sflag:s17] =	ssyncadd.s32 $0xFFFFEC00  }
0x77: {  	[tilespmem:s18], [sflag:$0x3] =	stream.linear.gather [hbm4b:s12+s28], $0x1400, $0x38;
	[tilespmem:$0x1E800] =	vst v63  }
0x78: {  	_ =	swait.ge [sflag:s17], $0x1400  }
0x79: {  	[sflag:s17] =	ssyncset.done $0x0  }
0x7a: {  	[sflag:s17] =	ssyncadd.s32 $0xFFFFEC00  }
0x7b: {  	[tilespmem:s20], [sflag:$0x1] =	stream.indirect.gather [hbm4b:s4+s19], $0x80, s28, s19, $0xb8;
	[tilespmem:$0x1E800] =	vst v63  }
0x7c: {  	_ = 	snop  }
0x7d: {  	[tilespmem:s21], [sflag:$0x2] =	stream.indirect.gather [hbm4b:s4+s19], $0x80, s19, s19, $0xb8;
	[tilespmem:$0x1E800] =	vst v63  }
0x7e: {  	_ =	swait.ge [sflag:s22], $0x4000  }
0x7f: {  	[sflag:s22] =	ssyncset.done $0x0  }
0x80: {  	s28 =	simm.s32 $0x1400;
	[sflag:s22] =	ssyncadd.s32 $0xFFFFC000  }
0x81: {  	[spmem:s1] =	stream.indirect.scatter.add.f32 [tilespmem:s20], [sflag:$0x3], $0x80, s28, s19, $0xb8;
	[tilespmem:$0x1E800] =	vst v63  }
0x82: {  	_ =	swait.ge [sflag:s17], $0x4000  }
0x83: {  	[sflag:s17] =	ssyncset.done $0x0  }
0x84: {  	s28 =	simm.s32 $0x100;
	[sflag:s17] =	ssyncadd.s32 $0xFFFFC000  }
0x85: {  	[tilespmem:s20], [sflag:$0x1] =	stream.indirect.gather [hbm4b:s4+s19], $0x80, s28, s19, $0xb8;
	[tilespmem:$0x1E800] =	vst v63  }
0x86: {  	_ =	swait.ge [sflag:s23], $0x4000  }
0x87: {  	[sflag:s23] =	ssyncset.done $0x0  }
0x88: {  	s28 =	simm.s32 $0x1480;
	[sflag:s23] =	ssyncadd.s32 $0xFFFFC000  }
0x89: {  	[spmem:s1] =	stream.indirect.scatter.add.f32 [tilespmem:s21], [sflag:$0x3], $0x80, s28, s19, $0xb8;
	[tilespmem:$0x1E800] =	vst v63  }
0x8a: {  	_ =	swait.ge [sflag:s17], $0x4000  }
0x8b: {  	[sflag:s17] =	ssyncset.done $0x0  }
0x8c: {  	s29 =	simm.s32 $0x180;
	s28 =	simm.s32 $0x400;
	[sflag:s17] =	ssyncadd.s32 $0xFFFFC000  }
.LBB2_9:
0x8d: {  	[tilespmem:s21], [sflag:$0x2] =	stream.indirect.gather [hbm4b:s4+s19], $0x80, s29, s19, $0xb8;
	[tilespmem:$0x1E800] =	vst v63  }
0x8e: {  	s29 =	smov.u32 s28  }
0x8f: {  	p1 =	sne.s32 s28, $0x4800;
	s28 =	sadd.s32 $0x400, s28;
	_ =	swait.ge [sflag:s22], $0x4000  }
0x90: {  	s29 =	sshra.s32 s29, $0x2;
	[sflag:s22] =	ssyncset.done $0x0  }
0x91: {  	s30 =	sadd.s32 $0x1400, s29;
	[sflag:s22] =	ssyncadd.s32 $0xFFFFC000  }
0x92: {  	[spmem:s1] =	stream.indirect.scatter.add.f32 [tilespmem:s20], [sflag:$0x3], $0x80, s30, s19, $0xb8;
	[tilespmem:$0x1E800] =	vst v63  }
0x93: {  	_ =	swait.ge [sflag:s17], $0x4000  }
0x94: {  	[sflag:s17] =	ssyncset.done $0x0  }
0x95: {  	s30 =	sadd.s32 $0x100, s29;
	[sflag:s17] =	ssyncadd.s32 $0xFFFFC000  }
0x96: {  	[tilespmem:s20], [sflag:$0x1] =	stream.indirect.gather [hbm4b:s4+s19], $0x80, s30, s19, $0xb8;
	[tilespmem:$0x1E800] =	vst v63  }
0x97: {  	_ =	swait.ge [sflag:s23], $0x4000  }
0x98: {  	[sflag:s23] =	ssyncset.done $0x0  }
.Ltmp4:
0x99: {  	s30 =	sadd.s32 $0x1480, s29;
	[sflag:s23] =	ssyncadd.s32 $0xFFFFC000;
	(pc) =	sbr.rel @p1 .LBB2_9-.Ltmp4, $4  }
0x9a: {  	[spmem:s1] =	stream.indirect.scatter.add.f32 [tilespmem:s21], [sflag:$0x3], $0x80, s30, s19, $0xb8;
	[tilespmem:$0x1E800] =	vst v63  }
0x9b: {  	_ =	swait.ge [sflag:s17], $0x4000  }
0x9c: {  	[sflag:s17] =	ssyncset.done $0x0  }
0x9d: {  	s29 =	sadd.s32 $0x180, s29;
	[sflag:s17] =	ssyncadd.s32 $0xFFFFC000  }
0x9e: {  	[tilespmem:s21], [sflag:$0x2] =	stream.indirect.gather [hbm4b:s4+s19], $0x80, s29, s19, $0xb8;
	[tilespmem:$0x1E800] =	vst v63  }
0x9f: {  	_ =	swait.ge [sflag:s22], $0x4000  }
0xa0: {  	[sflag:s22] =	ssyncset.done $0x0  }
0xa1: {  	[sflag:s22] =	ssyncadd.s32 $0xFFFFC000  }
0xa2: {  	[spmem:s1] =	stream.indirect.scatter.add.f32 [tilespmem:s20], [sflag:$0x3], $0x80, s24, s19, $0xb8;
	[tilespmem:$0x1E800] =	vst v63  }
0xa3: {  	_ =	swait.ge [sflag:s17], $0x4000  }
0xa4: {  	[sflag:s17] =	ssyncset.done $0x0  }
0xa5: {  	[sflag:s17] =	ssyncadd.s32 $0xFFFFC000  }
0xa6: {  	_ =	swait.ge [sflag:s23], $0x4000  }
0xa7: {  	[sflag:s23] =	ssyncset.done $0x0  }
0xa8: {  	[sflag:s23] =	ssyncadd.s32 $0xFFFFC000  }
0xa9: {  	[spmem:s1] =	stream.indirect.scatter.add.f32 [tilespmem:s21], [sflag:$0x3], $0x80, s25, s19, $0xb8;
	[tilespmem:$0x1E800] =	vst v63  }
0xaa: {  	_ =	swait.ge [sflag:s17], $0x4000  }
0xab: {  	s26 =	sadd.s32 $0x1, s26;
	[sflag:s17] =	ssyncset.done $0x0  }
0xac: {  	p1 =	sne.s32 s26, s14;
	[sflag:s17] =	ssyncadd.s32 $0xFFFFC000  }
.Ltmp5:
0xad: {  	[bflag:$0x0] =	sbarrier.arrive $0xFFFF;
	(pc) =	sbr.rel @p1 .LBB2_1-.Ltmp5, $4  }
0xae: {  	[hbm:s13], [sflag:s15] =	dma.local [spmem:s16], $0x2800  }
0xaf: {  	_ =	swait.ge [sflag:s17], $0x2800  }
0xb0: {  	[sflag:s17] =	ssyncset.done $0x0  }
0xb1: {  	[sflag:s17] =	ssyncadd.s32 $0xFFFFD800  }
0xb2: {  	_ =	sfence.sel $0x180000  }
0xb3: {  	[bflag:$0x0] =	sbarrier.arrive $0xFFFF  }
0xb4: {  	p0 =	sne.s32 s2, $0x0;
	_ =	strace $0x90000050  }
0xb5: {  	s0 =	sadd.s32 @!p0 $0x100000, s0;
	[bflag:$0x2] =	sbarrier.arrive $0xFFFF  }
0xb6: {  	[sflag:s0] =	ssyncadd.tile.s32 @!p0 $0x1;
	_ =	shalt  }
.Lfunc_end2:
_tile_overlayer_lowered:
.L_overlay_start_2:
0xb7: {  	(tag) =	ssettag $0x2  }
0xb8: {  	s0 =	rddreg [dreg:$0x0];
	s2 =	stileid.u32  }
0xb9: {  	s1 =	rddreg [dreg:$0x1];
	p0 =	sne.s32 s2, $0x0  }
0xba: {  	s3 =	rddreg [dreg:$0x2];
	[bflag:$0x3] =	sbarrier.arrive $0xFFFF;
	s2 =	simm.s32 @!p0 $0x1C03  }
0xbb: {  	[timem:s3], [sflag:s2] =	dma.local @!p0 [hbm:s0], s1  }
0xbc: {  	s0 =	simm.s32 @!p0 $0x3  }
0xbd: {  	_ =	swait.ge @!p0 [sflag:s0], s1  }
0xbe: {  	s1 =	ssub.s32 @!p0 $0x0, s1;
	[sflag:s0] =	ssyncset.done @!p0 $0x0  }
0xbf: {  	[sflag:s0] =	ssyncadd.s32 @!p0 s1  }
0xc0: {  	[bflag:$0x3] =	sbarrier.arrive $0xFFFF  }
0xc1: {  	_ =	shalt  }

</sc_bundles>
